<compile_context>
chip_gen: v7x
topology: tpu7x:2x2x1
jax: 0.10.2.dev20260603
libtpu: 0.0.44.dev20260713+nightly
codegen_flags: <defaults>
</compile_context>

<pallas_src>
import functools

import jax
import jax.numpy as jnp
from jax import lax
from jax.experimental import pallas as pl
from jax.experimental.pallas import tpu as pltpu
from jax.experimental.pallas import tpu_sc as plsc

N_NODES = 10000
N_EDGES = 320000
D = 128
N_GRAPHS = 64

NC = 2
NS = 16
NW = NC * NS
CHUNK = 128

F32 = jnp.float32



def _span_copy(src, dst, s, nbins):
    rpt = (nbins // NS) & ~7
    if rpt == 0:
        @pl.when(s == 0)
        def _():
            pltpu.sync_copy(src.at[pl.ds(0, nbins)], dst.at[pl.ds(0, nbins)])
        return
    tail = nbins - NS * rpt
    base = pl.multiple_of(s * rpt, 8)
    pltpu.sync_copy(src.at[pl.ds(base, rpt)], dst.at[pl.ds(base, rpt)])
    if tail:
        @pl.when(s == NS - 1)
        def _():
            pltpu.sync_copy(src.at[pl.ds(NS * rpt, tail)],
                            dst.at[pl.ds(NS * rpt, tail)])

def _sc_hist(dst_rs, ones_e0, zeros, nbins, nalloc, k):
    mesh = plsc.VectorSubcoreMesh(core_axis_name="c", subcore_axis_name="s",
                                  num_cores=NC, num_subcores=NS)
    HBUF = 4

    @functools.partial(
        pl.kernel,
        out_type=jax.ShapeDtypeStruct((NC, nbins, D), F32),
        mesh=mesh,
        scratch_types=[
            pltpu.VMEM((k, CHUNK), jnp.int32),
            pltpu.VMEM((CHUNK, D), F32),
            pltpu.SemaphoreType.DMA((HBUF,)),
            pltpu.VMEM_SHARED((nalloc, D), F32),
        ],
    )
    def hist(dst_hbm, ones_hbm, zeros_hbm, out_hbm, idx_v, ones_v, semh, acc):
        c = lax.axis_index("c")
        s = lax.axis_index("s")
        wid = c * NS + s
        pltpu.sync_copy(dst_hbm.at[wid], idx_v)
        pltpu.sync_copy(ones_hbm, ones_v)
        _span_copy(zeros_hbm, acc, s, nbins)
        plsc.subcore_barrier()

        def wait_h(j, b):
            pltpu.make_async_copy(ones_v, acc.at[idx_v.at[j]],
                                  semh.at[b]).wait()

        def body(g, carry):
            for b in range(HBUF):
                pltpu.async_copy(ones_v, acc.at[idx_v.at[g * HBUF + b]],
                                 semh.at[b], add=True)
            for b in range(HBUF):
                wait_h(g * HBUF + b, b)
            return carry
        if k // HBUF:
            lax.fori_loop(0, k // HBUF, body, 0)
        for j in range(k - k % HBUF, k):
            pltpu.sync_copy(ones_v, acc.at[idx_v.at[j]], add=True)
        plsc.subcore_barrier()
        _span_copy(acc, out_hbm.at[c], s, nbins)

    return hist(dst_rs, ones_e0, zeros)


def _sc_agg(table, src_rs, dst_rs, zeros, nbins, nalloc, k):
    mesh = plsc.VectorSubcoreMesh(core_axis_name="c", subcore_axis_name="s",
                                  num_cores=NC, num_subcores=NS)

    NBUF = 2
    PH = 40
    phases = [(p0, min(PH, k - p0)) for p0 in range(0, k, PH)]
    kmax = max(kp for _, kp in phases)
    assert min(kp for _, kp in phases) >= NBUF

    @functools.partial(
        pl.kernel,
        out_type=jax.ShapeDtypeStruct((NC, nbins, D), F32),
        mesh=mesh,
        scratch_types=[
            pltpu.VMEM((kmax, CHUNK), jnp.int32),
            pltpu.VMEM((kmax, CHUNK), jnp.int32),
            pltpu.VMEM((NBUF, CHUNK, D), F32),
            pltpu.SemaphoreType.DMA((NBUF,)),
            pltpu.SemaphoreType.DMA((NBUF,)),
            pltpu.VMEM_SHARED((nalloc, D), F32),
        ],
    )
    def agg(table_hbm, src_hbm, dst_hbm, zeros_hbm, out_hbm,
            src_v, dst_v, rows_v, semg, sems, acc):
        c = lax.axis_index("c")
        s = lax.axis_index("s")
        wid = c * NS + s

        def wait_g(j, b):
            pltpu.make_async_copy(table_hbm.at[src_v.at[j]],
                                  rows_v.at[b], semg.at[b]).wait()

        def wait_s(j, b):
            pltpu.make_async_copy(rows_v.at[b],
                                  acc.at[dst_v.at[j]], sems.at[b]).wait()

        first = True
        for p0, kp in phases:
            pltpu.sync_copy(src_hbm.at[wid, pl.ds(p0, kp)],
                            src_v.at[pl.ds(0, kp)])
            pltpu.sync_copy(dst_hbm.at[wid, pl.ds(p0, kp)],
                            dst_v.at[pl.ds(0, kp)])
            for b in range(NBUF):
                pltpu.async_copy(table_hbm.at[src_v.at[b]], rows_v.at[b],
                                 semg.at[b])
            if first:
                _span_copy(zeros_hbm, acc, s, nbins)
                plsc.subcore_barrier()
                first = False

            n_main = (kp - NBUF) // NBUF
            base = n_main * NBUF

            def body(g, carry):
                for b in range(NBUF):
                    j = g * NBUF + b
                    wait_g(j, b)
                    pltpu.async_copy(rows_v.at[b], acc.at[dst_v.at[j]],
                                     sems.at[b], add=True)
                    wait_s(j, b)
                    pltpu.async_copy(table_hbm.at[src_v.at[j + NBUF]],
                                     rows_v.at[b], semg.at[b])
                return carry
            if n_main:
                lax.fori_loop(0, n_main, body, 0)

            for b in range(NBUF):
                wait_g(base + b, b)
                pltpu.async_copy(rows_v.at[b], acc.at[dst_v.at[base + b]],
                                 sems.at[b], add=True)
            for j in range(base + NBUF, kp):
                b = j % NBUF
                wait_s(j - NBUF, b)
                pltpu.sync_copy(table_hbm.at[src_v.at[j]], rows_v.at[b])
                pltpu.async_copy(rows_v.at[b], acc.at[dst_v.at[j]],
                                 sems.at[b], add=True)
            for b in range(NBUF):
                wait_s(kp - 1, b)
        plsc.subcore_barrier()
        _span_copy(acc, out_hbm.at[c], s, nbins)

    return agg(table, src_rs, dst_rs, zeros)



R = 400
GRID = N_NODES // R


def _tc_mm1(x, W1):
    def body(x_ref, w_ref, h_ref):
        h_ref[...] = jnp.dot(x_ref[...], w_ref[...], preferred_element_type=F32)

    return pl.pallas_call(
        body,
        grid=(GRID,),
        in_specs=[
            pl.BlockSpec((R, D), lambda i: (i, 0)),
            pl.BlockSpec((D, D), lambda i: (0, 0)),
        ],
        out_specs=pl.BlockSpec((R, D), lambda i: (i, 0)),
        out_shape=jax.ShapeDtypeStruct((N_NODES, D), F32),
    )(x, W1)


def _tc_scale(H1, degp):
    def body(h_ref, degp_ref, hs_ref, dis_ref, inv_ref):
        p = degp_ref[...]
        d = p[0, :, 0:1] + p[1, :, 0:1] + 1.0
        dis = lax.rsqrt(d)
        inv = 1.0 / d
        hs_ref[...] = h_ref[...] * dis
        dis_ref[...] = dis
        inv_ref[...] = inv

    return pl.pallas_call(
        body,
        grid=(GRID,),
        in_specs=[
            pl.BlockSpec((R, D), lambda i: (i, 0)),
            pl.BlockSpec((NC, R, D), lambda i: (0, i, 0)),
        ],
        out_specs=[
            pl.BlockSpec((R, D), lambda i: (i, 0)),
            pl.BlockSpec((R, 1), lambda i: (i, 0)),
            pl.BlockSpec((R, 1), lambda i: (i, 0)),
        ],
        out_shape=[
            jax.ShapeDtypeStruct((N_NODES, D), F32),
            jax.ShapeDtypeStruct((N_NODES, 1), F32),
            jax.ShapeDtypeStruct((N_NODES, 1), F32),
        ],
    )(H1, degp)


def _tc_combine(P, H, dis, inv, b, Wn):
    def body(p_ref, h_ref, dis_ref, inv_ref, b_ref, w_ref, hn_ref, hsn_ref):
        p = p_ref[...]
        dis = dis_ref[...]
        xv = jnp.maximum(dis * (p[0] + p[1]) + inv_ref[...] * h_ref[...]
                         + b_ref[...], 0.0)
        hn = jnp.dot(xv, w_ref[...], preferred_element_type=F32)
        hn_ref[...] = hn
        hsn_ref[...] = hn * dis

    return pl.pallas_call(
        body,
        grid=(GRID,),
        in_specs=[
            pl.BlockSpec((NC, R, D), lambda i: (0, i, 0)),
            pl.BlockSpec((R, D), lambda i: (i, 0)),
            pl.BlockSpec((R, 1), lambda i: (i, 0)),
            pl.BlockSpec((R, 1), lambda i: (i, 0)),
            pl.BlockSpec((1, D), lambda i: (0, 0)),
            pl.BlockSpec((D, D), lambda i: (0, 0)),
        ],
        out_specs=[
            pl.BlockSpec((R, D), lambda i: (i, 0)),
            pl.BlockSpec((R, D), lambda i: (i, 0)),
        ],
        out_shape=[
            jax.ShapeDtypeStruct((N_NODES, D), F32),
            jax.ShapeDtypeStruct((N_NODES, D), F32),
        ],
    )(P, H, dis, inv, b, Wn)


def _tc_combine3_pool(P, H, dis, inv, b, batch2d):
    def body(p_ref, h_ref, dis_ref, inv_ref, b_ref, bat_ref, o_ref,
             sum_acc, cnt_acc):
        i = pl.program_id(0)
        p = p_ref[...]
        xv = jnp.maximum(dis_ref[...] * (p[0] + p[1])
                         + inv_ref[...] * h_ref[...] + b_ref[...], 0.0)
        onehot = (lax.broadcasted_iota(jnp.int32, (R, N_GRAPHS), 1)
                  == bat_ref[...]).astype(F32)
        dn = (((0,), (0,)), ((), ()))
        contrib = lax.dot_general(onehot, xv, dn, preferred_element_type=F32)
        ccontrib = lax.dot_general(onehot, jnp.ones((R, 1), F32), dn,
                                   preferred_element_type=F32)

        @pl.when(i == 0)
        def _():
            sum_acc[...] = jnp.zeros_like(sum_acc)
            cnt_acc[...] = jnp.zeros_like(cnt_acc)

        sum_acc[...] += contrib
        cnt_acc[...] += ccontrib

        @pl.when(i == GRID - 1)
        def _():
            o_ref[...] = sum_acc[...] / jnp.maximum(cnt_acc[...], 1.0)

    return pl.pallas_call(
        body,
        grid=(GRID,),
        in_specs=[
            pl.BlockSpec((NC, R, D), lambda i: (0, i, 0)),
            pl.BlockSpec((R, D), lambda i: (i, 0)),
            pl.BlockSpec((R, 1), lambda i: (i, 0)),
            pl.BlockSpec((R, 1), lambda i: (i, 0)),
            pl.BlockSpec((1, D), lambda i: (0, 0)),
            pl.BlockSpec((R, 1), lambda i: (i, 0)),
        ],
        out_specs=pl.BlockSpec((N_GRAPHS, D), lambda i: (0, 0)),
        out_shape=jax.ShapeDtypeStruct((N_GRAPHS, D), F32),
        scratch_shapes=[
            pltpu.VMEM((N_GRAPHS, D), F32),
            pltpu.VMEM((N_GRAPHS, 1), F32),
        ],
    )(P, H, dis, inv, b, batch2d)



def kernel(x, edge_index, batch, W1, b1, W2, b2, W3, b3):
    k_e = -(-N_EDGES // (NW * CHUNK))
    e_pad = k_e * NW * CHUNK - N_EDGES
    src = jnp.concatenate(
        [edge_index[0].astype(jnp.int32),
         jnp.arange(e_pad, dtype=jnp.int32) % N_NODES]
    ).reshape(NW, k_e, CHUNK)
    dst = jnp.concatenate(
        [edge_index[1].astype(jnp.int32),
         N_NODES + jnp.arange(e_pad, dtype=jnp.int32) % 128]
    ).reshape(NW, k_e, CHUNK)
    batch2d = batch.astype(jnp.int32).reshape(N_NODES, 1)
    NALLOC = N_NODES + 128

    ones_e0 = jnp.zeros((CHUNK, D), F32).at[:, 0].set(1.0)
    z_nodes = jnp.zeros((N_NODES, D), F32)

    degp = _sc_hist(dst, ones_e0, z_nodes, N_NODES, NALLOC, k_e)
    H1 = _tc_mm1(x, W1)
    Hs1, dis, inv = _tc_scale(H1, degp)

    b1r, b2r, b3r = (b.reshape(1, D) for b in (b1, b2, b3))

    P1 = _sc_agg(Hs1, src, dst, z_nodes, N_NODES, NALLOC, k_e)
    H2, Hs2 = _tc_combine(P1, H1, dis, inv, b1r, W2)
    P2 = _sc_agg(Hs2, src, dst, z_nodes, N_NODES, NALLOC, k_e)
    H3, Hs3 = _tc_combine(P2, H2, dis, inv, b2r, W3)
    P3 = _sc_agg(Hs3, src, dst, z_nodes, N_NODES, NALLOC, k_e)
    return _tc_combine3_pool(P3, H3, dis, inv, b3r, batch2d)

# --- scband reference (transcript-rebuilt; emitter-appended) ---
"""Pipeline reference for scband-drug-gnn-300647710826 (READ-ONLY COPY).

The authoritative reference and input builder live on the scoring server;
editing this copy changes nothing except your own understanding.
"""

import jax, jax.numpy as jnp
import numpy as np

NUM_NODES = 10000
NUM_EDGES = 320000
D_IN = 128
D_H = 128
NUM_GRAPHS = 64


def gcn_conv(x, W, b, src, dst, num_nodes):
    # PyG GCNConv semantics: add self-loops, symmetric normalization, linear, scatter-add, bias
    loop = jnp.arange(num_nodes, dtype=src.dtype)
    s = jnp.concatenate([src, loop])
    d = jnp.concatenate([dst, loop])
    deg = jnp.zeros((num_nodes,), jnp.float32).at[d].add(1.0)
    dis = jnp.where(deg > 0, deg ** -0.5, 0.0)
    norm = dis[s] * dis[d]
    h = x @ W
    msg = h[s] * norm[:, None]
    out = jnp.zeros((num_nodes, h.shape[1]), h.dtype).at[d].add(msg)
    return out + b


def setup_inputs(seed: int = 0) -> dict:
    key = jax.random.key(seed)
    ks = [jax.random.fold_in(key, i) for i in range(10)]
    x = jax.random.normal(ks[0], (NUM_NODES, D_IN), dtype=jnp.float32)
    edge_index = jax.random.randint(ks[1], (2, NUM_EDGES), 0, NUM_NODES, dtype=jnp.int64)
    batch = jnp.sort(jax.random.randint(ks[2], (NUM_NODES,), 0, NUM_GRAPHS, dtype=jnp.int64))
    s1 = 1.0 / np.sqrt(D_IN)
    s2 = 1.0 / np.sqrt(D_H)
    W1 = jax.random.uniform(ks[3], (D_IN, D_H), jnp.float32, -s1, s1)
    b1 = jnp.zeros((D_H,), jnp.float32)
    W2 = jax.random.uniform(ks[4], (D_H, D_H), jnp.float32, -s2, s2)
    b2 = jnp.zeros((D_H,), jnp.float32)
    W3 = jax.random.uniform(ks[5], (D_H, D_H), jnp.float32, -s2, s2)
    b3 = jnp.zeros((D_H,), jnp.float32)
    return {"x": x, "edge_index": edge_index, "batch": batch, "W1": W1, "b1": b1, "W2": W2, "b2": b2, "W3": W3, "b3": b3}


def reference(x, edge_index, batch, W1, b1, W2, b2, W3, b3):
    num_nodes = x.shape[0]
    src, dst = edge_index[0], edge_index[1]
    h = gcn_conv(x, W1, b1, src, dst, num_nodes)
    h = jax.nn.relu(h)
    # dropout is identity in eval / deterministic reference
    h = gcn_conv(h, W2, b2, src, dst, num_nodes)
    h = jax.nn.relu(h)
    h = gcn_conv(h, W3, b3, src, dst, num_nodes)
    h = jax.nn.relu(h)
    sums = jax.ops.segment_sum(h, batch, num_segments=NUM_GRAPHS)
    cnt = jax.ops.segment_sum(jnp.ones((num_nodes,), jnp.float32), batch, num_segments=NUM_GRAPHS)
    out = sums / jnp.maximum(cnt, 1.0)[:, None]
    return out

if __name__ == "__main__":
    import jax
    _d = setup_inputs()
    print(jax.jit(kernel)(*tuple(_d.values())))

</pallas_src>

<mosaic_0001>
#map = affine_map<(d0, d1) -> (0, 0)>
#map1 = affine_map<(d0, d1) -> (0, 0, 0)>
module attributes {stable_mosaic.version = 14 : i64} {
  func.func @agg(%arg0: i32, %arg1: i32, %arg2: memref<10000x128xf32, #tpu.memory_space<hbm>>, %arg3: memref<32x79x128xi32, #tpu.memory_space<hbm>>, %arg4: memref<32x79x128xi32, #tpu.memory_space<hbm>>, %arg5: memref<10000x128xf32, #tpu.memory_space<hbm>>, %arg6: memref<2x10000x128xf32, #tpu.memory_space<hbm>>, %arg7: memref<40x128xi32, #tpu.memory_space<vmem>>, %arg8: memref<40x128xi32, #tpu.memory_space<vmem>>, %arg9: memref<2x128x128xf32, #tpu.memory_space<vmem>>, %arg10: memref<2x!tpu.dma_semaphore, #tpu.memory_space<semaphore_mem>>, %arg11: memref<2x!tpu.dma_semaphore, #tpu.memory_space<semaphore_mem>>, %arg12: memref<10128x128xf32, #tpu.memory_space<vmem_shared>>) attributes {dimension_semantics = [#tpu.dimension_semantics<core_parallel>, #tpu.dimension_semantics<subcore_parallel>], iteration_bounds = array<i64: 2, 16>, scalar_prefetch = 0 : i64, scratch_operands = 6 : i64, tpu.core_type = #tpu.core_type<sc_vector_subcore>, window_params = [{transform_indices = #map}, {transform_indices = #map1}, {transform_indices = #map1}, {transform_indices = #map}, {transform_indices = #map1}]} {
    %mul3A = arith.constant 16 : i32
    %mul3A_0 = arith.muli %arg0, %mul3A : i32
    %add3A = arith.addi %mul3A_0, %arg1 : i32
    "tpu.region"() ({
      %run_scoped3A_294 = tpu.sem_alloc : memref<!tpu.dma_semaphore, #tpu.memory_space<semaphore_mem>>
      %dma_start3A_295 = arith.constant 0 : i32
      %dma_start3A_296 = arith.constant 0 : i32
      %dma_start3A_297 = tpu.memref_slice %arg7[%dma_start3A_295, %dma_start3A_296] : memref<40x128xi32, #tpu.memory_space<vmem>> -> memref<40x128xi32, #tpu.memory_space<vmem>>
      %dma_start3A_298 = arith.constant 0 : i32
      %dma_start3A_299 = arith.constant 0 : i32
      %dma_start3A_300 = tpu.memref_slice %arg3[%add3A, %dma_start3A_298, %dma_start3A_299] : memref<32x79x128xi32, #tpu.memory_space<hbm>> -> memref<1x40x128xi32, #tpu.memory_space<hbm>>
      %dma_start3A_301 = tpu.memref_squeeze %dma_start3A_300 : memref<1x40x128xi32, #tpu.memory_space<hbm>> -> memref<40x128xi32, #tpu.memory_space<hbm>>
      %dma_start3A_302 = arith.constant 0 : i32
      %dma_start3A_303 = arith.constant 0 : i32
      %dma_start3A_304 = tpu.memref_slice %arg7[%dma_start3A_302, %dma_start3A_303] : memref<40x128xi32, #tpu.memory_space<vmem>> -> memref<40x128xi32, #tpu.memory_space<vmem>>
      %dma_start3A_305 = arith.constant 0 : i32
      %dma_start3A_306 = arith.constant 0 : i32
      %dma_start3A_307 = tpu.memref_slice %arg3[%add3A, %dma_start3A_305, %dma_start3A_306] : memref<32x79x128xi32, #tpu.memory_space<hbm>> -> memref<1x40x128xi32, #tpu.memory_space<hbm>>
      %dma_start3A_308 = tpu.memref_squeeze %dma_start3A_307 : memref<1x40x128xi32, #tpu.memory_space<hbm>> -> memref<40x128xi32, #tpu.memory_space<hbm>>
      tpu.enqueue_dma source(%dma_start3A_308 : memref<40x128xi32, #tpu.memory_space<hbm>>) target(%dma_start3A_304 : memref<40x128xi32, #tpu.memory_space<vmem>>) target_semaphore(%run_scoped3A_294 : memref<!tpu.dma_semaphore, #tpu.memory_space<semaphore_mem>>)
      %dma_wait3A_309 = arith.constant 0 : i32
      %dma_wait3A_310 = arith.constant 0 : i32
      %dma_wait3A_311 = tpu.memref_slice %arg7[%dma_wait3A_309, %dma_wait3A_310] : memref<40x128xi32, #tpu.memory_space<vmem>> -> memref<40x128xi32, #tpu.memory_space<vmem>>
      %dma_wait3A_312 = arith.constant 0 : i32
      %dma_wait3A_313 = arith.constant 0 : i32
      %dma_wait3A_314 = tpu.memref_slice %arg3[%add3A, %dma_wait3A_312, %dma_wait3A_313] : memref<32x79x128xi32, #tpu.memory_space<hbm>> -> memref<1x40x128xi32, #tpu.memory_space<hbm>>
      %dma_wait3A_315 = tpu.memref_squeeze %dma_wait3A_314 : memref<1x40x128xi32, #tpu.memory_space<hbm>> -> memref<40x128xi32, #tpu.memory_space<hbm>>
      %dma_wait3A_316 = arith.constant 0 : i32
      %dma_wait3A_317 = arith.constant 0 : i32
      %dma_wait3A_318 = tpu.memref_slice %arg7[%dma_wait3A_316, %dma_wait3A_317] : memref<40x128xi32, #tpu.memory_space<vmem>> -> memref<40x128xi32, #tpu.memory_space<vmem>>
      %dma_wait3A_319 = arith.constant 0 : i32
      %dma_wait3A_320 = arith.constant 0 : i32
      %dma_wait3A_321 = tpu.memref_slice %arg3[%add3A, %dma_wait3A_319, %dma_wait3A_320] : memref<32x79x128xi32, #tpu.memory_space<hbm>> -> memref<1x40x128xi32, #tpu.memory_space<hbm>>
      %dma_wait3A_322 = tpu.memref_squeeze %dma_wait3A_321 : memref<1x40x128xi32, #tpu.memory_space<hbm>> -> memref<40x128xi32, #tpu.memory_space<hbm>>
      tpu.wait_dma2 semaphore(%run_scoped3A_294 : memref<!tpu.dma_semaphore, #tpu.memory_space<semaphore_mem>>) src(%dma_wait3A_322 : memref<40x128xi32, #tpu.memory_space<hbm>>) dst(%dma_wait3A_318 : memref<40x128xi32, #tpu.memory_space<vmem>>)
      tpu.yield
    }) : () -> ()
    "tpu.region"() ({
      %run_scoped3A_294 = tpu.sem_alloc : memref<!tpu.dma_semaphore, #tpu.memory_space<semaphore_mem>>
      %dma_start3A_295 = arith.constant 0 : i32
      %dma_start3A_296 = arith.constant 0 : i32
      %dma_start3A_297 = tpu.memref_slice %arg8[%dma_start3A_295, %dma_start3A_296] : memref<40x128xi32, #tpu.memory_space<vmem>> -> memref<40x128xi32, #tpu.memory_space<vmem>>
      %dma_start3A_298 = arith.constant 0 : i32
      %dma_start3A_299 = arith.constant 0 : i32
      %dma_start3A_300 = tpu.memref_slice %arg4[%add3A, %dma_start3A_298, %dma_start3A_299] : memref<32x79x128xi32, #tpu.memory_space<hbm>> -> memref<1x40x128xi32, #tpu.memory_space<hbm>>
      %dma_start3A_301 = tpu.memref_squeeze %dma_start3A_300 : memref<1x40x128xi32, #tpu.memory_space<hbm>> -> memref<40x128xi32, #tpu.memory_space<hbm>>
      %dma_start3A_302 = arith.constant 0 : i32
      %dma_start3A_303 = arith.constant 0 : i32
      %dma_start3A_304 = tpu.memref_slice %arg8[%dma_start3A_302, %dma_start3A_303] : memref<40x128xi32, #tpu.memory_space<vmem>> -> memref<40x128xi32, #tpu.memory_space<vmem>>
      %dma_start3A_305 = arith.constant 0 : i32
      %dma_start3A_306 = arith.constant 0 : i32
      %dma_start3A_307 = tpu.memref_slice %arg4[%add3A, %dma_start3A_305, %dma_start3A_306] : memref<32x79x128xi32, #tpu.memory_space<hbm>> -> memref<1x40x128xi32, #tpu.memory_space<hbm>>
      %dma_start3A_308 = tpu.memref_squeeze %dma_start3A_307 : memref<1x40x128xi32, #tpu.memory_space<hbm>> -> memref<40x128xi32, #tpu.memory_space<hbm>>
      tpu.enqueue_dma source(%dma_start3A_308 : memref<40x128xi32, #tpu.memory_space<hbm>>) target(%dma_start3A_304 : memref<40x128xi32, #tpu.memory_space<vmem>>) target_semaphore(%run_scoped3A_294 : memref<!tpu.dma_semaphore, #tpu.memory_space<semaphore_mem>>)
      %dma_wait3A_309 = arith.constant 0 : i32
      %dma_wait3A_310 = arith.constant 0 : i32
      %dma_wait3A_311 = tpu.memref_slice %arg8[%dma_wait3A_309, %dma_wait3A_310] : memref<40x128xi32, #tpu.memory_space<vmem>> -> memref<40x128xi32, #tpu.memory_space<vmem>>
      %dma_wait3A_312 = arith.constant 0 : i32
      %dma_wait3A_313 = arith.constant 0 : i32
      %dma_wait3A_314 = tpu.memref_slice %arg4[%add3A, %dma_wait3A_312, %dma_wait3A_313] : memref<32x79x128xi32, #tpu.memory_space<hbm>> -> memref<1x40x128xi32, #tpu.memory_space<hbm>>
      %dma_wait3A_315 = tpu.memref_squeeze %dma_wait3A_314 : memref<1x40x128xi32, #tpu.memory_space<hbm>> -> memref<40x128xi32, #tpu.memory_space<hbm>>
      %dma_wait3A_316 = arith.constant 0 : i32
      %dma_wait3A_317 = arith.constant 0 : i32
      %dma_wait3A_318 = tpu.memref_slice %arg8[%dma_wait3A_316, %dma_wait3A_317] : memref<40x128xi32, #tpu.memory_space<vmem>> -> memref<40x128xi32, #tpu.memory_space<vmem>>
      %dma_wait3A_319 = arith.constant 0 : i32
      %dma_wait3A_320 = arith.constant 0 : i32
      %dma_wait3A_321 = tpu.memref_slice %arg4[%add3A, %dma_wait3A_319, %dma_wait3A_320] : memref<32x79x128xi32, #tpu.memory_space<hbm>> -> memref<1x40x128xi32, #tpu.memory_space<hbm>>
      %dma_wait3A_322 = tpu.memref_squeeze %dma_wait3A_321 : memref<1x40x128xi32, #tpu.memory_space<hbm>> -> memref<40x128xi32, #tpu.memory_space<hbm>>
      tpu.wait_dma2 semaphore(%run_scoped3A_294 : memref<!tpu.dma_semaphore, #tpu.memory_space<semaphore_mem>>) src(%dma_wait3A_322 : memref<40x128xi32, #tpu.memory_space<hbm>>) dst(%dma_wait3A_318 : memref<40x128xi32, #tpu.memory_space<vmem>>)
      tpu.yield
    }) : () -> ()
    %dma_start3A = arith.constant 0 : i32
    %dma_start3A_1 = arith.constant 0 : i32
    %dma_start3A_2 = arith.constant 0 : i32
    %dma_start3A_3 = arith.constant 0 : i32
    %dma_start3A_4 = arith.constant 0 : i32
    %dma_start3A_5 = tpu.memref_slice %arg9[%dma_start3A_1, %dma_start3A_3, %dma_start3A_4] : memref<2x128x128xf32, #tpu.memory_space<vmem>> -> memref<1x128x128xf32, #tpu.memory_space<vmem>>
    %dma_start3A_6 = tpu.memref_squeeze %dma_start3A_5 : memref<1x128x128xf32, #tpu.memory_space<vmem>> -> memref<128x128xf32, #tpu.memory_space<vmem>>
    %dma_start3A_7 = arith.constant 0 : i32
    %dma_start3A_8 = tpu.memref_slice %arg7[%dma_start3A, %dma_start3A_7] : memref<40x128xi32, #tpu.memory_space<vmem>> -> memref<1x128xi32, #tpu.memory_space<vmem>>
    %dma_start3A_9 = tpu.memref_squeeze %dma_start3A_8 : memref<1x128xi32, #tpu.memory_space<vmem>> -> memref<128xi32, #tpu.memory_space<vmem>>
    %dma_start3A_10 = arith.constant 0 : i32
    %dma_start3A_11 = arith.constant 0 : i32
    %dma_start3A_12 = tpu.memref_slice %arg2[%dma_start3A_10, %dma_start3A_11] : memref<10000x128xf32, #tpu.memory_space<hbm>> -> memref<10000x128xf32, #tpu.memory_space<hbm>>
    %dma_start3A_13 = tpu.memref_slice %arg10[%dma_start3A_2] : memref<2x!tpu.dma_semaphore, #tpu.memory_space<semaphore_mem>> -> memref<1x!tpu.dma_semaphore, #tpu.memory_space<semaphore_mem>>
    %dma_start3A_14 = tpu.memref_squeeze %dma_start3A_13 : memref<1x!tpu.dma_semaphore, #tpu.memory_space<semaphore_mem>> -> memref<!tpu.dma_semaphore, #tpu.memory_space<semaphore_mem>>
    tpu.enqueue_indirect_dma source(%dma_start3A_12 : memref<10000x128xf32, #tpu.memory_space<hbm>>) target(%dma_start3A_6 : memref<128x128xf32, #tpu.memory_space<vmem>>) offsets(%dma_start3A_9 : memref<128xi32, #tpu.memory_space<vmem>>) semaphore(%dma_start3A_14 : memref<!tpu.dma_semaphore, #tpu.memory_space<semaphore_mem>>)
    %dma_start3A_15 = arith.constant 1 : i32
    %dma_start3A_16 = arith.constant 1 : i32
    %dma_start3A_17 = arith.constant 1 : i32
    %dma_start3A_18 = arith.constant 0 : i32
    %dma_start3A_19 = arith.constant 0 : i32
    %dma_start3A_20 = tpu.memref_slice %arg9[%dma_start3A_16, %dma_start3A_18, %dma_start3A_19] : memref<2x128x128xf32, #tpu.memory_space<vmem>> -> memref<1x128x128xf32, #tpu.memory_space<vmem>>
    %dma_start3A_21 = tpu.memref_squeeze %dma_start3A_20 : memref<1x128x128xf32, #tpu.memory_space<vmem>> -> memref<128x128xf32, #tpu.memory_space<vmem>>
    %dma_start3A_22 = arith.constant 0 : i32
    %dma_start3A_23 = tpu.memref_slice %arg7[%dma_start3A_15, %dma_start3A_22] : memref<40x128xi32, #tpu.memory_space<vmem>> -> memref<1x128xi32, #tpu.memory_space<vmem>>
    %dma_start3A_24 = tpu.memref_squeeze %dma_start3A_23 : memref<1x128xi32, #tpu.memory_space<vmem>> -> memref<128xi32, #tpu.memory_space<vmem>>
    %dma_start3A_25 = arith.constant 0 : i32
    %dma_start3A_26 = arith.constant 0 : i32
    %dma_start3A_27 = tpu.memref_slice %arg2[%dma_start3A_25, %dma_start3A_26] : memref<10000x128xf32, #tpu.memory_space<hbm>> -> memref<10000x128xf32, #tpu.memory_space<hbm>>
    %dma_start3A_28 = tpu.memref_slice %arg10[%dma_start3A_17] : memref<2x!tpu.dma_semaphore, #tpu.memory_space<semaphore_mem>> -> memref<1x!tpu.dma_semaphore, #tpu.memory_space<semaphore_mem>>
    %dma_start3A_29 = tpu.memref_squeeze %dma_start3A_28 : memref<1x!tpu.dma_semaphore, #tpu.memory_space<semaphore_mem>> -> memref<!tpu.dma_semaphore, #tpu.memory_space<semaphore_mem>>
    tpu.enqueue_indirect_dma source(%dma_start3A_27 : memref<10000x128xf32, #tpu.memory_space<hbm>>) target(%dma_start3A_21 : memref<128x128xf32, #tpu.memory_space<vmem>>) offsets(%dma_start3A_24 : memref<128xi32, #tpu.memory_space<vmem>>) semaphore(%dma_start3A_29 : memref<!tpu.dma_semaphore, #tpu.memory_space<semaphore_mem>>)
    %mul3A_30 = arith.constant 624 : i32
    %mul3A_31 = arith.muli %arg1, %mul3A_30 : i32
    %multiple_of3A = tpu.assume_multiple %mul3A_31, 8 : i32
    "tpu.region"() ({
      %run_scoped3A_294 = tpu.sem_alloc : memref<!tpu.dma_semaphore, #tpu.memory_space<semaphore_mem>>
      %dma_start3A_295 = arith.constant 0 : i32
      %dma_start3A_296 = tpu.memref_slice %arg12[%multiple_of3A, %dma_start3A_295] : memref<10128x128xf32, #tpu.memory_space<vmem_shared>> -> memref<624x128xf32, #tpu.memory_space<vmem_shared>>
      %dma_start3A_297 = arith.constant 0 : i32
      %dma_start3A_298 = tpu.memref_slice %arg5[%multiple_of3A, %dma_start3A_297] : memref<10000x128xf32, #tpu.memory_space<hbm>> -> memref<624x128xf32, #tpu.memory_space<hbm>>
      tpu.enqueue_dma source(%dma_start3A_298 : memref<624x128xf32, #tpu.memory_space<hbm>>) target(%dma_start3A_296 : memref<624x128xf32, #tpu.memory_space<vmem_shared>>) target_semaphore(%run_scoped3A_294 : memref<!tpu.dma_semaphore, #tpu.memory_space<semaphore_mem>>)
      %dma_wait3A_299 = arith.constant 0 : i32
      %dma_wait3A_300 = tpu.memref_slice %arg12[%multiple_of3A, %dma_wait3A_299] : memref<10128x128xf32, #tpu.memory_space<vmem_shared>> -> memref<624x128xf32, #tpu.memory_space<vmem_shared>>
      %dma_wait3A_301 = arith.constant 0 : i32
      %dma_wait3A_302 = tpu.memref_slice %arg5[%multiple_of3A, %dma_wait3A_301] : memref<10000x128xf32, #tpu.memory_space<hbm>> -> memref<624x128xf32, #tpu.memory_space<hbm>>
      tpu.wait_dma2 semaphore(%run_scoped3A_294 : memref<!tpu.dma_semaphore, #tpu.memory_space<semaphore_mem>>) src(%dma_wait3A_302 : memref<624x128xf32, #tpu.memory_space<hbm>>) dst(%dma_wait3A_300 : memref<624x128xf32, #tpu.memory_space<vmem_shared>>)
      tpu.yield
    }) : () -> ()
    %eq3A = arith.constant 15 : i32
    %eq3A_32 = arith.cmpi eq, %arg1, %eq3A : i32
    %convert_element_type3A = arith.extui %eq3A_32 : i1 to i32
    %cond3A = arith.constant 0 : i32
    %cond3A_33 = arith.cmpi ne, %convert_element_type3A, %cond3A : i32
    scf.if %cond3A_33 {
      "tpu.region"() ({
        %run_scoped3A_294 = tpu.sem_alloc : memref<!tpu.dma_semaphore, #tpu.memory_space<semaphore_mem>>
        %dma_start3A_295 = arith.constant 9984 : i32
        %dma_start3A_296 = arith.constant 0 : i32
        %dma_start3A_297 = tpu.memref_slice %arg12[%dma_start3A_295, %dma_start3A_296] : memref<10128x128xf32, #tpu.memory_space<vmem_shared>> -> memref<16x128xf32, #tpu.memory_space<vmem_shared>>
        %dma_start3A_298 = arith.constant 9984 : i32
        %dma_start3A_299 = arith.constant 0 : i32
        %dma_start3A_300 = tpu.memref_slice %arg5[%dma_start3A_298, %dma_start3A_299] : memref<10000x128xf32, #tpu.memory_space<hbm>> -> memref<16x128xf32, #tpu.memory_space<hbm>>
        tpu.enqueue_dma source(%dma_start3A_300 : memref<16x128xf32, #tpu.memory_space<hbm>>) target(%dma_start3A_297 : memref<16x128xf32, #tpu.memory_space<vmem_shared>>) target_semaphore(%run_scoped3A_294 : memref<!tpu.dma_semaphore, #tpu.memory_space<semaphore_mem>>)
        %dma_wait3A_301 = arith.constant 9984 : i32
        %dma_wait3A_302 = arith.constant 0 : i32
        %dma_wait3A_303 = tpu.memref_slice %arg12[%dma_wait3A_301, %dma_wait3A_302] : memref<10128x128xf32, #tpu.memory_space<vmem_shared>> -> memref<16x128xf32, #tpu.memory_space<vmem_shared>>
        %dma_wait3A_304 = arith.constant 9984 : i32
        %dma_wait3A_305 = arith.constant 0 : i32
        %dma_wait3A_306 = tpu.memref_slice %arg5[%dma_wait3A_304, %dma_wait3A_305] : memref<10000x128xf32, #tpu.memory_space<hbm>> -> memref<16x128xf32, #tpu.memory_space<hbm>>
        tpu.wait_dma2 semaphore(%run_scoped3A_294 : memref<!tpu.dma_semaphore, #tpu.memory_space<semaphore_mem>>) src(%dma_wait3A_306 : memref<16x128xf32, #tpu.memory_space<hbm>>) dst(%dma_wait3A_303 : memref<16x128xf32, #tpu.memory_space<vmem_shared>>)
        tpu.yield
      }) : () -> ()
    } else {
    }
    %barrier3A = arith.constant 0 : index
    tpu.barrier barrier_id(%barrier3A)
    %scan3A = arith.constant 0 : i32
    %scan3A_34 = arith.constant 0 : i32
    %scan3A_35 = arith.constant 19 : i32
    %scan3A_36 = arith.addi %scan3A_34, %scan3A_35 : i32
    %scan3A_37 = arith.constant 1 : i32
    scf.for %scan3A_294 = %scan3A_34 to %scan3A_36 step %scan3A_37  : i32 {
      %mul3A_295 = arith.constant 2 : i32
      %mul3A_296 = arith.muli %scan3A_294, %mul3A_295 : i32
      %add3A_297 = arith.constant 0 : i32
      %add3A_298 = arith.addi %mul3A_296, %add3A_297 : i32
      %dma_wait3A_299 = arith.constant 0 : i32
      %dma_wait3A_300 = arith.constant 0 : i32
      %dma_wait3A_301 = arith.constant 0 : i32
      %dma_wait3A_302 = arith.constant 0 : i32
      %dma_wait3A_303 = tpu.memref_slice %arg9[%dma_wait3A_299, %dma_wait3A_301, %dma_wait3A_302] : memref<2x128x128xf32, #tpu.memory_space<vmem>> -> memref<1x128x128xf32, #tpu.memory_space<vmem>>
      %dma_wait3A_304 = tpu.memref_squeeze %dma_wait3A_303 : memref<1x128x128xf32, #tpu.memory_space<vmem>> -> memref<128x128xf32, #tpu.memory_space<vmem>>
      %dma_wait3A_305 = arith.constant 0 : i32
      %dma_wait3A_306 = tpu.memref_slice %arg7[%add3A_298, %dma_wait3A_305] : memref<40x128xi32, #tpu.memory_space<vmem>> -> memref<1x128xi32, #tpu.memory_space<vmem>>
      %dma_wait3A_307 = tpu.memref_squeeze %dma_wait3A_306 : memref<1x128xi32, #tpu.memory_space<vmem>> -> memref<128xi32, #tpu.memory_space<vmem>>
      %dma_wait3A_308 = arith.constant 0 : i32
      %dma_wait3A_309 = arith.constant 0 : i32
      %dma_wait3A_310 = tpu.memref_slice %arg2[%dma_wait3A_308, %dma_wait3A_309] : memref<10000x128xf32, #tpu.memory_space<hbm>> -> memref<10000x128xf32, #tpu.memory_space<hbm>>
      %dma_wait3A_311 = tpu.memref_slice %arg10[%dma_wait3A_300] : memref<2x!tpu.dma_semaphore, #tpu.memory_space<semaphore_mem>> -> memref<1x!tpu.dma_semaphore, #tpu.memory_space<semaphore_mem>>
      %dma_wait3A_312 = tpu.memref_squeeze %dma_wait3A_311 : memref<1x!tpu.dma_semaphore, #tpu.memory_space<semaphore_mem>> -> memref<!tpu.dma_semaphore, #tpu.memory_space<semaphore_mem>>
      tpu.wait_indirect_dma semaphore(%dma_wait3A_312 : memref<!tpu.dma_semaphore, #tpu.memory_space<semaphore_mem>>) src(%dma_wait3A_310 : memref<10000x128xf32, #tpu.memory_space<hbm>>) dst(%dma_wait3A_304 : memref<128x128xf32, #tpu.memory_space<vmem>>)
      %dma_start3A_313 = arith.constant 0 : i32
      %dma_start3A_314 = arith.constant 0 : i32
      %dma_start3A_315 = arith.constant 0 : i32
      %dma_start3A_316 = arith.constant 0 : i32
      %dma_start3A_317 = tpu.memref_slice %arg9[%dma_start3A_313, %dma_start3A_315, %dma_start3A_316] : memref<2x128x128xf32, #tpu.memory_space<vmem>> -> memref<1x128x128xf32, #tpu.memory_space<vmem>>
      %dma_start3A_318 = tpu.memref_squeeze %dma_start3A_317 : memref<1x128x128xf32, #tpu.memory_space<vmem>> -> memref<128x128xf32, #tpu.memory_space<vmem>>
      %dma_start3A_319 = arith.constant 0 : i32
      %dma_start3A_320 = tpu.memref_slice %arg8[%add3A_298, %dma_start3A_319] : memref<40x128xi32, #tpu.memory_space<vmem>> -> memref<1x128xi32, #tpu.memory_space<vmem>>
      %dma_start3A_321 = tpu.memref_squeeze %dma_start3A_320 : memref<1x128xi32, #tpu.memory_space<vmem>> -> memref<128xi32, #tpu.memory_space<vmem>>
      %dma_start3A_322 = arith.constant 0 : i32
      %dma_start3A_323 = arith.constant 0 : i32
      %dma_start3A_324 = tpu.memref_slice %arg12[%dma_start3A_322, %dma_start3A_323] : memref<10128x128xf32, #tpu.memory_space<vmem_shared>> -> memref<10128x128xf32, #tpu.memory_space<vmem_shared>>
      %dma_start3A_325 = tpu.memref_slice %arg11[%dma_start3A_314] : memref<2x!tpu.dma_semaphore, #tpu.memory_space<semaphore_mem>> -> memref<1x!tpu.dma_semaphore, #tpu.memory_space<semaphore_mem>>
      %dma_start3A_326 = tpu.memref_squeeze %dma_start3A_325 : memref<1x!tpu.dma_semaphore, #tpu.memory_space<semaphore_mem>> -> memref<!tpu.dma_semaphore, #tpu.memory_space<semaphore_mem>>
      tpu.enqueue_indirect_dma source(%dma_start3A_318 : memref<128x128xf32, #tpu.memory_space<vmem>>) target(%dma_start3A_324 : memref<10128x128xf32, #tpu.memory_space<vmem_shared>>) offsets(%dma_start3A_321 : memref<128xi32, #tpu.memory_space<vmem>>) semaphore(%dma_start3A_326 : memref<!tpu.dma_semaphore, #tpu.memory_space<semaphore_mem>>) {add = true}
      %dma_wait3A_327 = arith.constant 0 : i32
      %dma_wait3A_328 = arith.constant 0 : i32
      %dma_wait3A_329 = arith.constant 0 : i32
      %dma_wait3A_330 = arith.constant 0 : i32
      %dma_wait3A_331 = tpu.memref_slice %arg9[%dma_wait3A_327, %dma_wait3A_329, %dma_wait3A_330] : memref<2x128x128xf32, #tpu.memory_space<vmem>> -> memref<1x128x128xf32, #tpu.memory_space<vmem>>
      %dma_wait3A_332 = tpu.memref_squeeze %dma_wait3A_331 : memref<1x128x128xf32, #tpu.memory_space<vmem>> -> memref<128x128xf32, #tpu.memory_space<vmem>>
      %dma_wait3A_333 = arith.constant 0 : i32
      %dma_wait3A_334 = tpu.memref_slice %arg8[%add3A_298, %dma_wait3A_333] : memref<40x128xi32, #tpu.memory_space<vmem>> -> memref<1x128xi32, #tpu.memory_space<vmem>>
      %dma_wait3A_335 = tpu.memref_squeeze %dma_wait3A_334 : memref<1x128xi32, #tpu.memory_space<vmem>> -> memref<128xi32, #tpu.memory_space<vmem>>
      %dma_wait3A_336 = arith.constant 0 : i32
      %dma_wait3A_337 = arith.constant 0 : i32
      %dma_wait3A_338 = tpu.memref_slice %arg12[%dma_wait3A_336, %dma_wait3A_337] : memref<10128x128xf32, #tpu.memory_space<vmem_shared>> -> memref<10128x128xf32, #tpu.memory_space<vmem_shared>>
      %dma_wait3A_339 = tpu.memref_slice %arg11[%dma_wait3A_328] : memref<2x!tpu.dma_semaphore, #tpu.memory_space<semaphore_mem>> -> memref<1x!tpu.dma_semaphore, #tpu.memory_space<semaphore_mem>>
      %dma_wait3A_340 = tpu.memref_squeeze %dma_wait3A_339 : memref<1x!tpu.dma_semaphore, #tpu.memory_space<semaphore_mem>> -> memref<!tpu.dma_semaphore, #tpu.memory_space<semaphore_mem>>
      tpu.wait_indirect_dma semaphore(%dma_wait3A_340 : memref<!tpu.dma_semaphore, #tpu.memory_space<semaphore_mem>>) src(%dma_wait3A_332 : memref<128x128xf32, #tpu.memory_space<vmem>>) dst(%dma_wait3A_338 : memref<10128x128xf32, #tpu.memory_space<vmem_shared>>)
      %add3A_341 = arith.constant 2 : i32
      %add3A_342 = arith.addi %add3A_298, %add3A_341 : i32
      %dma_start3A_343 = arith.constant 0 : i32
      %dma_start3A_344 = arith.constant 0 : i32
      %dma_start3A_345 = arith.constant 0 : i32
      %dma_start3A_346 = arith.constant 0 : i32
      %dma_start3A_347 = tpu.memref_slice %arg9[%dma_start3A_343, %dma_start3A_345, %dma_start3A_346] : memref<2x128x128xf32, #tpu.memory_space<vmem>> -> memref<1x128x128xf32, #tpu.memory_space<vmem>>
      %dma_start3A_348 = tpu.memref_squeeze %dma_start3A_347 : memref<1x128x128xf32, #tpu.memory_space<vmem>> -> memref<128x128xf32, #tpu.memory_space<vmem>>
      %dma_start3A_349 = arith.constant 0 : i32
      %dma_start3A_350 = tpu.memref_slice %arg7[%add3A_342, %dma_start3A_349] : memref<40x128xi32, #tpu.memory_space<vmem>> -> memref<1x128xi32, #tpu.memory_space<vmem>>
      %dma_start3A_351 = tpu.memref_squeeze %dma_start3A_350 : memref<1x128xi32, #tpu.memory_space<vmem>> -> memref<128xi32, #tpu.memory_space<vmem>>
      %dma_start3A_352 = arith.constant 0 : i32
      %dma_start3A_353 = arith.constant 0 : i32
      %dma_start3A_354 = tpu.memref_slice %arg2[%dma_start3A_352, %dma_start3A_353] : memref<10000x128xf32, #tpu.memory_space<hbm>> -> memref<10000x128xf32, #tpu.memory_space<hbm>>
      %dma_start3A_355 = tpu.memref_slice %arg10[%dma_start3A_344] : memref<2x!tpu.dma_semaphore, #tpu.memory_space<semaphore_mem>> -> memref<1x!tpu.dma_semaphore, #tpu.memory_space<semaphore_mem>>
      %dma_start3A_356 = tpu.memref_squeeze %dma_start3A_355 : memref<1x!tpu.dma_semaphore, #tpu.memory_space<semaphore_mem>> -> memref<!tpu.dma_semaphore, #tpu.memory_space<semaphore_mem>>
      tpu.enqueue_indirect_dma source(%dma_start3A_354 : memref<10000x128xf32, #tpu.memory_space<hbm>>) target(%dma_start3A_348 : memref<128x128xf32, #tpu.memory_space<vmem>>) offsets(%dma_start3A_351 : memref<128xi32, #tpu.memory_space<vmem>>) semaphore(%dma_start3A_356 : memref<!tpu.dma_semaphore, #tpu.memory_space<semaphore_mem>>)
      %mul3A_357 = arith.constant 2 : i32
      %mul3A_358 = arith.muli %scan3A_294, %mul3A_357 : i32
      %add3A_359 = arith.constant 1 : i32
      %add3A_360 = arith.addi %mul3A_358, %add3A_359 : i32
      %dma_wait3A_361 = arith.constant 1 : i32
      %dma_wait3A_362 = arith.constant 1 : i32
      %dma_wait3A_363 = arith.constant 0 : i32
      %dma_wait3A_364 = arith.constant 0 : i32
      %dma_wait3A_365 = tpu.memref_slice %arg9[%dma_wait3A_361, %dma_wait3A_363, %dma_wait3A_364] : memref<2x128x128xf32, #tpu.memory_space<vmem>> -> memref<1x128x128xf32, #tpu.memory_space<vmem>>
      %dma_wait3A_366 = tpu.memref_squeeze %dma_wait3A_365 : memref<1x128x128xf32, #tpu.memory_space<vmem>> -> memref<128x128xf32, #tpu.memory_space<vmem>>
      %dma_wait3A_367 = arith.constant 0 : i32
      %dma_wait3A_368 = tpu.memref_slice %arg7[%add3A_360, %dma_wait3A_367] : memref<40x128xi32, #tpu.memory_space<vmem>> -> memref<1x128xi32, #tpu.memory_space<vmem>>
      %dma_wait3A_369 = tpu.memref_squeeze %dma_wait3A_368 : memref<1x128xi32, #tpu.memory_space<vmem>> -> memref<128xi32, #tpu.memory_space<vmem>>
      %dma_wait3A_370 = arith.constant 0 : i32
      %dma_wait3A_371 = arith.constant 0 : i32
      %dma_wait3A_372 = tpu.memref_slice %arg2[%dma_wait3A_370, %dma_wait3A_371] : memref<10000x128xf32, #tpu.memory_space<hbm>> -> memref<10000x128xf32, #tpu.memory_space<hbm>>
      %dma_wait3A_373 = tpu.memref_slice %arg10[%dma_wait3A_362] : memref<2x!tpu.dma_semaphore, #tpu.memory_space<semaphore_mem>> -> memref<1x!tpu.dma_semaphore, #tpu.memory_space<semaphore_mem>>
      %dma_wait3A_374 = tpu.memref_squeeze %dma_wait3A_373 : memref<1x!tpu.dma_semaphore, #tpu.memory_space<semaphore_mem>> -> memref<!tpu.dma_semaphore, #tpu.memory_space<semaphore_mem>>
      tpu.wait_indirect_dma semaphore(%dma_wait3A_374 : memref<!tpu.dma_semaphore, #tpu.memory_space<semaphore_mem>>) src(%dma_wait3A_372 : memref<10000x128xf32, #tpu.memory_space<hbm>>) dst(%dma_wait3A_366 : memref<128x128xf32, #tpu.memory_space<vmem>>)
      %dma_start3A_375 = arith.constant 1 : i32
      %dma_start3A_376 = arith.constant 1 : i32
      %dma_start3A_377 = arith.constant 0 : i32
      %dma_start3A_378 = arith.constant 0 : i32
      %dma_start3A_379 = tpu.memref_slice %arg9[%dma_start3A_375, %dma_start3A_377, %dma_start3A_378] : memref<2x128x128xf32, #tpu.memory_space<vmem>> -> memref<1x128x128xf32, #tpu.memory_space<vmem>>
      %dma_start3A_380 = tpu.memref_squeeze %dma_start3A_379 : memref<1x128x128xf32, #tpu.memory_space<vmem>> -> memref<128x128xf32, #tpu.memory_space<vmem>>
      %dma_start3A_381 = arith.constant 0 : i32
      %dma_start3A_382 = tpu.memref_slice %arg8[%add3A_360, %dma_start3A_381] : memref<40x128xi32, #tpu.memory_space<vmem>> -> memref<1x128xi32, #tpu.memory_space<vmem>>
      %dma_start3A_383 = tpu.memref_squeeze %dma_start3A_382 : memref<1x128xi32, #tpu.memory_space<vmem>> -> memref<128xi32, #tpu.memory_space<vmem>>
      %dma_start3A_384 = arith.constant 0 : i32
      %dma_start3A_385 = arith.constant 0 : i32
      %dma_start3A_386 = tpu.memref_slice %arg12[%dma_start3A_384, %dma_start3A_385] : memref<10128x128xf32, #tpu.memory_space<vmem_shared>> -> memref<10128x128xf32, #tpu.memory_space<vmem_shared>>
      %dma_start3A_387 = tpu.memref_slice %arg11[%dma_start3A_376] : memref<2x!tpu.dma_semaphore, #tpu.memory_space<semaphore_mem>> -> memref<1x!tpu.dma_semaphore, #tpu.memory_space<semaphore_mem>>
      %dma_start3A_388 = tpu.memref_squeeze %dma_start3A_387 : memref<1x!tpu.dma_semaphore, #tpu.memory_space<semaphore_mem>> -> memref<!tpu.dma_semaphore, #tpu.memory_space<semaphore_mem>>
      tpu.enqueue_indirect_dma source(%dma_start3A_380 : memref<128x128xf32, #tpu.memory_space<vmem>>) target(%dma_start3A_386 : memref<10128x128xf32, #tpu.memory_space<vmem_shared>>) offsets(%dma_start3A_383 : memref<128xi32, #tpu.memory_space<vmem>>) semaphore(%dma_start3A_388 : memref<!tpu.dma_semaphore, #tpu.memory_space<semaphore_mem>>) {add = true}
      %dma_wait3A_389 = arith.constant 1 : i32
      %dma_wait3A_390 = arith.constant 1 : i32
      %dma_wait3A_391 = arith.constant 0 : i32
      %dma_wait3A_392 = arith.constant 0 : i32
      %dma_wait3A_393 = tpu.memref_slice %arg9[%dma_wait3A_389, %dma_wait3A_391, %dma_wait3A_392] : memref<2x128x128xf32, #tpu.memory_space<vmem>> -> memref<1x128x128xf32, #tpu.memory_space<vmem>>
      %dma_wait3A_394 = tpu.memref_squeeze %dma_wait3A_393 : memref<1x128x128xf32, #tpu.memory_space<vmem>> -> memref<128x128xf32, #tpu.memory_space<vmem>>
      %dma_wait3A_395 = arith.constant 0 : i32
      %dma_wait3A_396 = tpu.memref_slice %arg8[%add3A_360, %dma_wait3A_395] : memref<40x128xi32, #tpu.memory_space<vmem>> -> memref<1x128xi32, #tpu.memory_space<vmem>>
      %dma_wait3A_397 = tpu.memref_squeeze %dma_wait3A_396 : memref<1x128xi32, #tpu.memory_space<vmem>> -> memref<128xi32, #tpu.memory_space<vmem>>
      %dma_wait3A_398 = arith.constant 0 : i32
      %dma_wait3A_399 = arith.constant 0 : i32
      %dma_wait3A_400 = tpu.memref_slice %arg12[%dma_wait3A_398, %dma_wait3A_399] : memref<10128x128xf32, #tpu.memory_space<vmem_shared>> -> memref<10128x128xf32, #tpu.memory_space<vmem_shared>>
      %dma_wait3A_401 = tpu.memref_slice %arg11[%dma_wait3A_390] : memref<2x!tpu.dma_semaphore, #tpu.memory_space<semaphore_mem>> -> memref<1x!tpu.dma_semaphore, #tpu.memory_space<semaphore_mem>>
      %dma_wait3A_402 = tpu.memref_squeeze %dma_wait3A_401 : memref<1x!tpu.dma_semaphore, #tpu.memory_space<semaphore_mem>> -> memref<!tpu.dma_semaphore, #tpu.memory_space<semaphore_mem>>
      tpu.wait_indirect_dma semaphore(%dma_wait3A_402 : memref<!tpu.dma_semaphore, #tpu.memory_space<semaphore_mem>>) src(%dma_wait3A_394 : memref<128x128xf32, #tpu.memory_space<vmem>>) dst(%dma_wait3A_400 : memref<10128x128xf32, #tpu.memory_space<vmem_shared>>)
      %add3A_403 = arith.constant 2 : i32
      %add3A_404 = arith.addi %add3A_360, %add3A_403 : i32
      %dma_start3A_405 = arith.constant 1 : i32
      %dma_start3A_406 = arith.constant 1 : i32
      %dma_start3A_407 = arith.constant 0 : i32
      %dma_start3A_408 = arith.constant 0 : i32
      %dma_start3A_409 = tpu.memref_slice %arg9[%dma_start3A_405, %dma_start3A_407, %dma_start3A_408] : memref<2x128x128xf32, #tpu.memory_space<vmem>> -> memref<1x128x128xf32, #tpu.memory_space<vmem>>
      %dma_start3A_410 = tpu.memref_squeeze %dma_start3A_409 : memref<1x128x128xf32, #tpu.memory_space<vmem>> -> memref<128x128xf32, #tpu.memory_space<vmem>>
      %dma_start3A_411 = arith.constant 0 : i32
      %dma_start3A_412 = tpu.memref_slice %arg7[%add3A_404, %dma_start3A_411] : memref<40x128xi32, #tpu.memory_space<vmem>> -> memref<1x128xi32, #tpu.memory_space<vmem>>
      %dma_start3A_413 = tpu.memref_squeeze %dma_start3A_412 : memref<1x128xi32, #tpu.memory_space<vmem>> -> memref<128xi32, #tpu.memory_space<vmem>>
      %dma_start3A_414 = arith.constant 0 : i32
      %dma_start3A_415 = arith.constant 0 : i32
      %dma_start3A_416 = tpu.memref_slice %arg2[%dma_start3A_414, %dma_start3A_415] : memref<10000x128xf32, #tpu.memory_space<hbm>> -> memref<10000x128xf32, #tpu.memory_space<hbm>>
      %dma_start3A_417 = tpu.memref_slice %arg10[%dma_start3A_406] : memref<2x!tpu.dma_semaphore, #tpu.memory_space<semaphore_mem>> -> memref<1x!tpu.dma_semaphore, #tpu.memory_space<semaphore_mem>>
      %dma_start3A_418 = tpu.memref_squeeze %dma_start3A_417 : memref<1x!tpu.dma_semaphore, #tpu.memory_space<semaphore_mem>> -> memref<!tpu.dma_semaphore, #tpu.memory_space<semaphore_mem>>
      tpu.enqueue_indirect_dma source(%dma_start3A_416 : memref<10000x128xf32, #tpu.memory_space<hbm>>) target(%dma_start3A_410 : memref<128x128xf32, #tpu.memory_space<vmem>>) offsets(%dma_start3A_413 : memref<128xi32, #tpu.memory_space<vmem>>) semaphore(%dma_start3A_418 : memref<!tpu.dma_semaphore, #tpu.memory_space<semaphore_mem>>)
    }
    %scan3A_38 = arith.constant 19 : i32
    %dma_wait3A = arith.constant 38 : i32
    %dma_wait3A_39 = arith.constant 0 : i32
    %dma_wait3A_40 = arith.constant 0 : i32
    %dma_wait3A_41 = arith.constant 0 : i32
    %dma_wait3A_42 = arith.constant 0 : i32
    %dma_wait3A_43 = tpu.memref_slice %arg9[%dma_wait3A_39, %dma_wait3A_41, %dma_wait3A_42] : memref<2x128x128xf32, #tpu.memory_space<vmem>> -> memref<1x128x128xf32, #tpu.memory_space<vmem>>
    %dma_wait3A_44 = tpu.memref_squeeze %dma_wait3A_43 : memref<1x128x128xf32, #tpu.memory_space<vmem>> -> memref<128x128xf32, #tpu.memory_space<vmem>>
    %dma_wait3A_45 = arith.constant 0 : i32
    %dma_wait3A_46 = tpu.memref_slice %arg7[%dma_wait3A, %dma_wait3A_45] : memref<40x128xi32, #tpu.memory_space<vmem>> -> memref<1x128xi32, #tpu.memory_space<vmem>>
    %dma_wait3A_47 = tpu.memref_squeeze %dma_wait3A_46 : memref<1x128xi32, #tpu.memory_space<vmem>> -> memref<128xi32, #tpu.memory_space<vmem>>
    %dma_wait3A_48 = arith.constant 0 : i32
    %dma_wait3A_49 = arith.constant 0 : i32
    %dma_wait3A_50 = tpu.memref_slice %arg2[%dma_wait3A_48, %dma_wait3A_49] : memref<10000x128xf32, #tpu.memory_space<hbm>> -> memref<10000x128xf32, #tpu.memory_space<hbm>>
    %dma_wait3A_51 = tpu.memref_slice %arg10[%dma_wait3A_40] : memref<2x!tpu.dma_semaphore, #tpu.memory_space<semaphore_mem>> -> memref<1x!tpu.dma_semaphore, #tpu.memory_space<semaphore_mem>>
    %dma_wait3A_52 = tpu.memref_squeeze %dma_wait3A_51 : memref<1x!tpu.dma_semaphore, #tpu.memory_space<semaphore_mem>> -> memref<!tpu.dma_semaphore, #tpu.memory_space<semaphore_mem>>
    tpu.wait_indirect_dma semaphore(%dma_wait3A_52 : memref<!tpu.dma_semaphore, #tpu.memory_space<semaphore_mem>>) src(%dma_wait3A_50 : memref<10000x128xf32, #tpu.memory_space<hbm>>) dst(%dma_wait3A_44 : memref<128x128xf32, #tpu.memory_space<vmem>>)
    %dma_start3A_53 = arith.constant 0 : i32
    %dma_start3A_54 = arith.constant 38 : i32
    %dma_start3A_55 = arith.constant 0 : i32
    %dma_start3A_56 = arith.constant 0 : i32
    %dma_start3A_57 = arith.constant 0 : i32
    %dma_start3A_58 = tpu.memref_slice %arg9[%dma_start3A_53, %dma_start3A_56, %dma_start3A_57] : memref<2x128x128xf32, #tpu.memory_space<vmem>> -> memref<1x128x128xf32, #tpu.memory_space<vmem>>
    %dma_start3A_59 = tpu.memref_squeeze %dma_start3A_58 : memref<1x128x128xf32, #tpu.memory_space<vmem>> -> memref<128x128xf32, #tpu.memory_space<vmem>>
    %dma_start3A_60 = arith.constant 0 : i32
    %dma_start3A_61 = tpu.memref_slice %arg8[%dma_start3A_54, %dma_start3A_60] : memref<40x128xi32, #tpu.memory_space<vmem>> -> memref<1x128xi32, #tpu.memory_space<vmem>>
    %dma_start3A_62 = tpu.memref_squeeze %dma_start3A_61 : memref<1x128xi32, #tpu.memory_space<vmem>> -> memref<128xi32, #tpu.memory_space<vmem>>
    %dma_start3A_63 = arith.constant 0 : i32
    %dma_start3A_64 = arith.constant 0 : i32
    %dma_start3A_65 = tpu.memref_slice %arg12[%dma_start3A_63, %dma_start3A_64] : memref<10128x128xf32, #tpu.memory_space<vmem_shared>> -> memref<10128x128xf32, #tpu.memory_space<vmem_shared>>
    %dma_start3A_66 = tpu.memref_slice %arg11[%dma_start3A_55] : memref<2x!tpu.dma_semaphore, #tpu.memory_space<semaphore_mem>> -> memref<1x!tpu.dma_semaphore, #tpu.memory_space<semaphore_mem>>
    %dma_start3A_67 = tpu.memref_squeeze %dma_start3A_66 : memref<1x!tpu.dma_semaphore, #tpu.memory_space<semaphore_mem>> -> memref<!tpu.dma_semaphore, #tpu.memory_space<semaphore_mem>>
    tpu.enqueue_indirect_dma source(%dma_start3A_59 : memref<128x128xf32, #tpu.memory_space<vmem>>) target(%dma_start3A_65 : memref<10128x128xf32, #tpu.memory_space<vmem_shared>>) offsets(%dma_start3A_62 : memref<128xi32, #tpu.memory_space<vmem>>) semaphore(%dma_start3A_67 : memref<!tpu.dma_semaphore, #tpu.memory_space<semaphore_mem>>) {add = true}
    %dma_wait3A_68 = arith.constant 39 : i32
    %dma_wait3A_69 = arith.constant 1 : i32
    %dma_wait3A_70 = arith.constant 1 : i32
    %dma_wait3A_71 = arith.constant 0 : i32
    %dma_wait3A_72 = arith.constant 0 : i32
    %dma_wait3A_73 = tpu.memref_slice %arg9[%dma_wait3A_69, %dma_wait3A_71, %dma_wait3A_72] : memref<2x128x128xf32, #tpu.memory_space<vmem>> -> memref<1x128x128xf32, #tpu.memory_space<vmem>>
    %dma_wait3A_74 = tpu.memref_squeeze %dma_wait3A_73 : memref<1x128x128xf32, #tpu.memory_space<vmem>> -> memref<128x128xf32, #tpu.memory_space<vmem>>
    %dma_wait3A_75 = arith.constant 0 : i32
    %dma_wait3A_76 = tpu.memref_slice %arg7[%dma_wait3A_68, %dma_wait3A_75] : memref<40x128xi32, #tpu.memory_space<vmem>> -> memref<1x128xi32, #tpu.memory_space<vmem>>
    %dma_wait3A_77 = tpu.memref_squeeze %dma_wait3A_76 : memref<1x128xi32, #tpu.memory_space<vmem>> -> memref<128xi32, #tpu.memory_space<vmem>>
    %dma_wait3A_78 = arith.constant 0 : i32
    %dma_wait3A_79 = arith.constant 0 : i32
    %dma_wait3A_80 = tpu.memref_slice %arg2[%dma_wait3A_78, %dma_wait3A_79] : memref<10000x128xf32, #tpu.memory_space<hbm>> -> memref<10000x128xf32, #tpu.memory_space<hbm>>
    %dma_wait3A_81 = tpu.memref_slice %arg10[%dma_wait3A_70] : memref<2x!tpu.dma_semaphore, #tpu.memory_space<semaphore_mem>> -> memref<1x!tpu.dma_semaphore, #tpu.memory_space<semaphore_mem>>
    %dma_wait3A_82 = tpu.memref_squeeze %dma_wait3A_81 : memref<1x!tpu.dma_semaphore, #tpu.memory_space<semaphore_mem>> -> memref<!tpu.dma_semaphore, #tpu.memory_space<semaphore_mem>>
    tpu.wait_indirect_dma semaphore(%dma_wait3A_82 : memref<!tpu.dma_semaphore, #tpu.memory_space<semaphore_mem>>) src(%dma_wait3A_80 : memref<10000x128xf32, #tpu.memory_space<hbm>>) dst(%dma_wait3A_74 : memref<128x128xf32, #tpu.memory_space<vmem>>)
    %dma_start3A_83 = arith.constant 1 : i32
    %dma_start3A_84 = arith.constant 39 : i32
    %dma_start3A_85 = arith.constant 1 : i32
    %dma_start3A_86 = arith.constant 0 : i32
    %dma_start3A_87 = arith.constant 0 : i32
    %dma_start3A_88 = tpu.memref_slice %arg9[%dma_start3A_83, %dma_start3A_86, %dma_start3A_87] : memref<2x128x128xf32, #tpu.memory_space<vmem>> -> memref<1x128x128xf32, #tpu.memory_space<vmem>>
    %dma_start3A_89 = tpu.memref_squeeze %dma_start3A_88 : memref<1x128x128xf32, #tpu.memory_space<vmem>> -> memref<128x128xf32, #tpu.memory_space<vmem>>
    %dma_start3A_90 = arith.constant 0 : i32
    %dma_start3A_91 = tpu.memref_slice %arg8[%dma_start3A_84, %dma_start3A_90] : memref<40x128xi32, #tpu.memory_space<vmem>> -> memref<1x128xi32, #tpu.memory_space<vmem>>
    %dma_start3A_92 = tpu.memref_squeeze %dma_start3A_91 : memref<1x128xi32, #tpu.memory_space<vmem>> -> memref<128xi32, #tpu.memory_space<vmem>>
    %dma_start3A_93 = arith.constant 0 : i32
    %dma_start3A_94 = arith.constant 0 : i32
    %dma_start3A_95 = tpu.memref_slice %arg12[%dma_start3A_93, %dma_start3A_94] : memref<10128x128xf32, #tpu.memory_space<vmem_shared>> -> memref<10128x128xf32, #tpu.memory_space<vmem_shared>>
    %dma_start3A_96 = tpu.memref_slice %arg11[%dma_start3A_85] : memref<2x!tpu.dma_semaphore, #tpu.memory_space<semaphore_mem>> -> memref<1x!tpu.dma_semaphore, #tpu.memory_space<semaphore_mem>>
    %dma_start3A_97 = tpu.memref_squeeze %dma_start3A_96 : memref<1x!tpu.dma_semaphore, #tpu.memory_space<semaphore_mem>> -> memref<!tpu.dma_semaphore, #tpu.memory_space<semaphore_mem>>
    tpu.enqueue_indirect_dma source(%dma_start3A_89 : memref<128x128xf32, #tpu.memory_space<vmem>>) target(%dma_start3A_95 : memref<10128x128xf32, #tpu.memory_space<vmem_shared>>) offsets(%dma_start3A_92 : memref<128xi32, #tpu.memory_space<vmem>>) semaphore(%dma_start3A_97 : memref<!tpu.dma_semaphore, #tpu.memory_space<semaphore_mem>>) {add = true}
    %dma_wait3A_98 = arith.constant 0 : i32
    %dma_wait3A_99 = arith.constant 39 : i32
    %dma_wait3A_100 = arith.constant 0 : i32
    %dma_wait3A_101 = arith.constant 0 : i32
    %dma_wait3A_102 = arith.constant 0 : i32
    %dma_wait3A_103 = tpu.memref_slice %arg9[%dma_wait3A_98, %dma_wait3A_101, %dma_wait3A_102] : memref<2x128x128xf32, #tpu.memory_space<vmem>> -> memref<1x128x128xf32, #tpu.memory_space<vmem>>
    %dma_wait3A_104 = tpu.memref_squeeze %dma_wait3A_103 : memref<1x128x128xf32, #tpu.memory_space<vmem>> -> memref<128x128xf32, #tpu.memory_space<vmem>>
    %dma_wait3A_105 = arith.constant 0 : i32
    %dma_wait3A_106 = tpu.memref_slice %arg8[%dma_wait3A_99, %dma_wait3A_105] : memref<40x128xi32, #tpu.memory_space<vmem>> -> memref<1x128xi32, #tpu.memory_space<vmem>>
    %dma_wait3A_107 = tpu.memref_squeeze %dma_wait3A_106 : memref<1x128xi32, #tpu.memory_space<vmem>> -> memref<128xi32, #tpu.memory_space<vmem>>
    %dma_wait3A_108 = arith.constant 0 : i32
    %dma_wait3A_109 = arith.constant 0 : i32
    %dma_wait3A_110 = tpu.memref_slice %arg12[%dma_wait3A_108, %dma_wait3A_109] : memref<10128x128xf32, #tpu.memory_space<vmem_shared>> -> memref<10128x128xf32, #tpu.memory_space<vmem_shared>>
    %dma_wait3A_111 = tpu.memref_slice %arg11[%dma_wait3A_100] : memref<2x!tpu.dma_semaphore, #tpu.memory_space<semaphore_mem>> -> memref<1x!tpu.dma_semaphore, #tpu.memory_space<semaphore_mem>>
    %dma_wait3A_112 = tpu.memref_squeeze %dma_wait3A_111 : memref<1x!tpu.dma_semaphore, #tpu.memory_space<semaphore_mem>> -> memref<!tpu.dma_semaphore, #tpu.memory_space<semaphore_mem>>
    tpu.wait_indirect_dma semaphore(%dma_wait3A_112 : memref<!tpu.dma_semaphore, #tpu.memory_space<semaphore_mem>>) src(%dma_wait3A_104 : memref<128x128xf32, #tpu.memory_space<vmem>>) dst(%dma_wait3A_110 : memref<10128x128xf32, #tpu.memory_space<vmem_shared>>)
    %dma_wait3A_113 = arith.constant 1 : i32
    %dma_wait3A_114 = arith.constant 39 : i32
    %dma_wait3A_115 = arith.constant 1 : i32
    %dma_wait3A_116 = arith.constant 0 : i32
    %dma_wait3A_117 = arith.constant 0 : i32
    %dma_wait3A_118 = tpu.memref_slice %arg9[%dma_wait3A_113, %dma_wait3A_116, %dma_wait3A_117] : memref<2x128x128xf32, #tpu.memory_space<vmem>> -> memref<1x128x128xf32, #tpu.memory_space<vmem>>
    %dma_wait3A_119 = tpu.memref_squeeze %dma_wait3A_118 : memref<1x128x128xf32, #tpu.memory_space<vmem>> -> memref<128x128xf32, #tpu.memory_space<vmem>>
    %dma_wait3A_120 = arith.constant 0 : i32
    %dma_wait3A_121 = tpu.memref_slice %arg8[%dma_wait3A_114, %dma_wait3A_120] : memref<40x128xi32, #tpu.memory_space<vmem>> -> memref<1x128xi32, #tpu.memory_space<vmem>>
    %dma_wait3A_122 = tpu.memref_squeeze %dma_wait3A_121 : memref<1x128xi32, #tpu.memory_space<vmem>> -> memref<128xi32, #tpu.memory_space<vmem>>
    %dma_wait3A_123 = arith.constant 0 : i32
    %dma_wait3A_124 = arith.constant 0 : i32
    %dma_wait3A_125 = tpu.memref_slice %arg12[%dma_wait3A_123, %dma_wait3A_124] : memref<10128x128xf32, #tpu.memory_space<vmem_shared>> -> memref<10128x128xf32, #tpu.memory_space<vmem_shared>>
    %dma_wait3A_126 = tpu.memref_slice %arg11[%dma_wait3A_115] : memref<2x!tpu.dma_semaphore, #tpu.memory_space<semaphore_mem>> -> memref<1x!tpu.dma_semaphore, #tpu.memory_space<semaphore_mem>>
    %dma_wait3A_127 = tpu.memref_squeeze %dma_wait3A_126 : memref<1x!tpu.dma_semaphore, #tpu.memory_space<semaphore_mem>> -> memref<!tpu.dma_semaphore, #tpu.memory_space<semaphore_mem>>
    tpu.wait_indirect_dma semaphore(%dma_wait3A_127 : memref<!tpu.dma_semaphore, #tpu.memory_space<semaphore_mem>>) src(%dma_wait3A_119 : memref<128x128xf32, #tpu.memory_space<vmem>>) dst(%dma_wait3A_125 : memref<10128x128xf32, #tpu.memory_space<vmem_shared>>)
    "tpu.region"() ({
      %run_scoped3A_294 = tpu.sem_alloc : memref<!tpu.dma_semaphore, #tpu.memory_space<semaphore_mem>>
      %dma_start3A_295 = arith.constant 0 : i32
      %dma_start3A_296 = arith.constant 0 : i32
      %dma_start3A_297 = tpu.memref_slice %arg7[%dma_start3A_295, %dma_start3A_296] : memref<40x128xi32, #tpu.memory_space<vmem>> -> memref<39x128xi32, #tpu.memory_space<vmem>>
      %dma_start3A_298 = arith.constant 40 : i32
      %dma_start3A_299 = arith.constant 0 : i32
      %dma_start3A_300 = tpu.memref_slice %arg3[%add3A, %dma_start3A_298, %dma_start3A_299] : memref<32x79x128xi32, #tpu.memory_space<hbm>> -> memref<1x39x128xi32, #tpu.memory_space<hbm>>
      %dma_start3A_301 = tpu.memref_squeeze %dma_start3A_300 : memref<1x39x128xi32, #tpu.memory_space<hbm>> -> memref<39x128xi32, #tpu.memory_space<hbm>>
      %dma_start3A_302 = arith.constant 0 : i32
      %dma_start3A_303 = arith.constant 0 : i32
      %dma_start3A_304 = tpu.memref_slice %arg7[%dma_start3A_302, %dma_start3A_303] : memref<40x128xi32, #tpu.memory_space<vmem>> -> memref<39x128xi32, #tpu.memory_space<vmem>>
      %dma_start3A_305 = arith.constant 40 : i32
      %dma_start3A_306 = arith.constant 0 : i32
      %dma_start3A_307 = tpu.memref_slice %arg3[%add3A, %dma_start3A_305, %dma_start3A_306] : memref<32x79x128xi32, #tpu.memory_space<hbm>> -> memref<1x39x128xi32, #tpu.memory_space<hbm>>
      %dma_start3A_308 = tpu.memref_squeeze %dma_start3A_307 : memref<1x39x128xi32, #tpu.memory_space<hbm>> -> memref<39x128xi32, #tpu.memory_space<hbm>>
      tpu.enqueue_dma source(%dma_start3A_308 : memref<39x128xi32, #tpu.memory_space<hbm>>) target(%dma_start3A_304 : memref<39x128xi32, #tpu.memory_space<vmem>>) target_semaphore(%run_scoped3A_294 : memref<!tpu.dma_semaphore, #tpu.memory_space<semaphore_mem>>)
      %dma_wait3A_309 = arith.constant 0 : i32
      %dma_wait3A_310 = arith.constant 0 : i32
      %dma_wait3A_311 = tpu.memref_slice %arg7[%dma_wait3A_309, %dma_wait3A_310] : memref<40x128xi32, #tpu.memory_space<vmem>> -> memref<39x128xi32, #tpu.memory_space<vmem>>
      %dma_wait3A_312 = arith.constant 40 : i32
      %dma_wait3A_313 = arith.constant 0 : i32
      %dma_wait3A_314 = tpu.memref_slice %arg3[%add3A, %dma_wait3A_312, %dma_wait3A_313] : memref<32x79x128xi32, #tpu.memory_space<hbm>> -> memref<1x39x128xi32, #tpu.memory_space<hbm>>
      %dma_wait3A_315 = tpu.memref_squeeze %dma_wait3A_314 : memref<1x39x128xi32, #tpu.memory_space<hbm>> -> memref<39x128xi32, #tpu.memory_space<hbm>>
      %dma_wait3A_316 = arith.constant 0 : i32
      %dma_wait3A_317 = arith.constant 0 : i32
      %dma_wait3A_318 = tpu.memref_slice %arg7[%dma_wait3A_316, %dma_wait3A_317] : memref<40x128xi32, #tpu.memory_space<vmem>> -> memref<39x128xi32, #tpu.memory_space<vmem>>
      %dma_wait3A_319 = arith.constant 40 : i32
      %dma_wait3A_320 = arith.constant 0 : i32
      %dma_wait3A_321 = tpu.memref_slice %arg3[%add3A, %dma_wait3A_319, %dma_wait3A_320] : memref<32x79x128xi32, #tpu.memory_space<hbm>> -> memref<1x39x128xi32, #tpu.memory_space<hbm>>
      %dma_wait3A_322 = tpu.memref_squeeze %dma_wait3A_321 : memref<1x39x128xi32, #tpu.memory_space<hbm>> -> memref<39x128xi32, #tpu.memory_space<hbm>>
      tpu.wait_dma2 semaphore(%run_scoped3A_294 : memref<!tpu.dma_semaphore, #tpu.memory_space<semaphore_mem>>) src(%dma_wait3A_322 : memref<39x128xi32, #tpu.memory_space<hbm>>) dst(%dma_wait3A_318 : memref<39x128xi32, #tpu.memory_space<vmem>>)
      tpu.yield
    }) : () -> ()
    "tpu.region"() ({
      %run_scoped3A_294 = tpu.sem_alloc : memref<!tpu.dma_semaphore, #tpu.memory_space<semaphore_mem>>
      %dma_start3A_295 = arith.constant 0 : i32
      %dma_start3A_296 = arith.constant 0 : i32
      %dma_start3A_297 = tpu.memref_slice %arg8[%dma_start3A_295, %dma_start3A_296] : memref<40x128xi32, #tpu.memory_space<vmem>> -> memref<39x128xi32, #tpu.memory_space<vmem>>
      %dma_start3A_298 = arith.constant 40 : i32
      %dma_start3A_299 = arith.constant 0 : i32
      %dma_start3A_300 = tpu.memref_slice %arg4[%add3A, %dma_start3A_298, %dma_start3A_299] : memref<32x79x128xi32, #tpu.memory_space<hbm>> -> memref<1x39x128xi32, #tpu.memory_space<hbm>>
      %dma_start3A_301 = tpu.memref_squeeze %dma_start3A_300 : memref<1x39x128xi32, #tpu.memory_space<hbm>> -> memref<39x128xi32, #tpu.memory_space<hbm>>
      %dma_start3A_302 = arith.constant 0 : i32
      %dma_start3A_303 = arith.constant 0 : i32
      %dma_start3A_304 = tpu.memref_slice %arg8[%dma_start3A_302, %dma_start3A_303] : memref<40x128xi32, #tpu.memory_space<vmem>> -> memref<39x128xi32, #tpu.memory_space<vmem>>
      %dma_start3A_305 = arith.constant 40 : i32
      %dma_start3A_306 = arith.constant 0 : i32
      %dma_start3A_307 = tpu.memref_slice %arg4[%add3A, %dma_start3A_305, %dma_start3A_306] : memref<32x79x128xi32, #tpu.memory_space<hbm>> -> memref<1x39x128xi32, #tpu.memory_space<hbm>>
      %dma_start3A_308 = tpu.memref_squeeze %dma_start3A_307 : memref<1x39x128xi32, #tpu.memory_space<hbm>> -> memref<39x128xi32, #tpu.memory_space<hbm>>
      tpu.enqueue_dma source(%dma_start3A_308 : memref<39x128xi32, #tpu.memory_space<hbm>>) target(%dma_start3A_304 : memref<39x128xi32, #tpu.memory_space<vmem>>) target_semaphore(%run_scoped3A_294 : memref<!tpu.dma_semaphore, #tpu.memory_space<semaphore_mem>>)
      %dma_wait3A_309 = arith.constant 0 : i32
      %dma_wait3A_310 = arith.constant 0 : i32
      %dma_wait3A_311 = tpu.memref_slice %arg8[%dma_wait3A_309, %dma_wait3A_310] : memref<40x128xi32, #tpu.memory_space<vmem>> -> memref<39x128xi32, #tpu.memory_space<vmem>>
      %dma_wait3A_312 = arith.constant 40 : i32
      %dma_wait3A_313 = arith.constant 0 : i32
      %dma_wait3A_314 = tpu.memref_slice %arg4[%add3A, %dma_wait3A_312, %dma_wait3A_313] : memref<32x79x128xi32, #tpu.memory_space<hbm>> -> memref<1x39x128xi32, #tpu.memory_space<hbm>>
      %dma_wait3A_315 = tpu.memref_squeeze %dma_wait3A_314 : memref<1x39x128xi32, #tpu.memory_space<hbm>> -> memref<39x128xi32, #tpu.memory_space<hbm>>
      %dma_wait3A_316 = arith.constant 0 : i32
      %dma_wait3A_317 = arith.constant 0 : i32
      %dma_wait3A_318 = tpu.memref_slice %arg8[%dma_wait3A_316, %dma_wait3A_317] : memref<40x128xi32, #tpu.memory_space<vmem>> -> memref<39x128xi32, #tpu.memory_space<vmem>>
      %dma_wait3A_319 = arith.constant 40 : i32
      %dma_wait3A_320 = arith.constant 0 : i32
      %dma_wait3A_321 = tpu.memref_slice %arg4[%add3A, %dma_wait3A_319, %dma_wait3A_320] : memref<32x79x128xi32, #tpu.memory_space<hbm>> -> memref<1x39x128xi32, #tpu.memory_space<hbm>>
      %dma_wait3A_322 = tpu.memref_squeeze %dma_wait3A_321 : memref<1x39x128xi32, #tpu.memory_space<hbm>> -> memref<39x128xi32, #tpu.memory_space<hbm>>
      tpu.wait_dma2 semaphore(%run_scoped3A_294 : memref<!tpu.dma_semaphore, #tpu.memory_space<semaphore_mem>>) src(%dma_wait3A_322 : memref<39x128xi32, #tpu.memory_space<hbm>>) dst(%dma_wait3A_318 : memref<39x128xi32, #tpu.memory_space<vmem>>)
      tpu.yield
    }) : () -> ()
    %dma_start3A_128 = arith.constant 0 : i32
    %dma_start3A_129 = arith.constant 0 : i32
    %dma_start3A_130 = arith.constant 0 : i32
    %dma_start3A_131 = arith.constant 0 : i32
    %dma_start3A_132 = arith.constant 0 : i32
    %dma_start3A_133 = tpu.memref_slice %arg9[%dma_start3A_129, %dma_start3A_131, %dma_start3A_132] : memref<2x128x128xf32, #tpu.memory_space<vmem>> -> memref<1x128x128xf32, #tpu.memory_space<vmem>>
    %dma_start3A_134 = tpu.memref_squeeze %dma_start3A_133 : memref<1x128x128xf32, #tpu.memory_space<vmem>> -> memref<128x128xf32, #tpu.memory_space<vmem>>
    %dma_start3A_135 = arith.constant 0 : i32
    %dma_start3A_136 = tpu.memref_slice %arg7[%dma_start3A_128, %dma_start3A_135] : memref<40x128xi32, #tpu.memory_space<vmem>> -> memref<1x128xi32, #tpu.memory_space<vmem>>
    %dma_start3A_137 = tpu.memref_squeeze %dma_start3A_136 : memref<1x128xi32, #tpu.memory_space<vmem>> -> memref<128xi32, #tpu.memory_space<vmem>>
    %dma_start3A_138 = arith.constant 0 : i32
    %dma_start3A_139 = arith.constant 0 : i32
    %dma_start3A_140 = tpu.memref_slice %arg2[%dma_start3A_138, %dma_start3A_139] : memref<10000x128xf32, #tpu.memory_space<hbm>> -> memref<10000x128xf32, #tpu.memory_space<hbm>>
    %dma_start3A_141 = tpu.memref_slice %arg10[%dma_start3A_130] : memref<2x!tpu.dma_semaphore, #tpu.memory_space<semaphore_mem>> -> memref<1x!tpu.dma_semaphore, #tpu.memory_space<semaphore_mem>>
    %dma_start3A_142 = tpu.memref_squeeze %dma_start3A_141 : memref<1x!tpu.dma_semaphore, #tpu.memory_space<semaphore_mem>> -> memref<!tpu.dma_semaphore, #tpu.memory_space<semaphore_mem>>
    tpu.enqueue_indirect_dma source(%dma_start3A_140 : memref<10000x128xf32, #tpu.memory_space<hbm>>) target(%dma_start3A_134 : memref<128x128xf32, #tpu.memory_space<vmem>>) offsets(%dma_start3A_137 : memref<128xi32, #tpu.memory_space<vmem>>) semaphore(%dma_start3A_142 : memref<!tpu.dma_semaphore, #tpu.memory_space<semaphore_mem>>)
    %dma_start3A_143 = arith.constant 1 : i32
    %dma_start3A_144 = arith.constant 1 : i32
    %dma_start3A_145 = arith.constant 1 : i32
    %dma_start3A_146 = arith.constant 0 : i32
    %dma_start3A_147 = arith.constant 0 : i32
    %dma_start3A_148 = tpu.memref_slice %arg9[%dma_start3A_144, %dma_start3A_146, %dma_start3A_147] : memref<2x128x128xf32, #tpu.memory_space<vmem>> -> memref<1x128x128xf32, #tpu.memory_space<vmem>>
    %dma_start3A_149 = tpu.memref_squeeze %dma_start3A_148 : memref<1x128x128xf32, #tpu.memory_space<vmem>> -> memref<128x128xf32, #tpu.memory_space<vmem>>
    %dma_start3A_150 = arith.constant 0 : i32
    %dma_start3A_151 = tpu.memref_slice %arg7[%dma_start3A_143, %dma_start3A_150] : memref<40x128xi32, #tpu.memory_space<vmem>> -> memref<1x128xi32, #tpu.memory_space<vmem>>
    %dma_start3A_152 = tpu.memref_squeeze %dma_start3A_151 : memref<1x128xi32, #tpu.memory_space<vmem>> -> memref<128xi32, #tpu.memory_space<vmem>>
    %dma_start3A_153 = arith.constant 0 : i32
    %dma_start3A_154 = arith.constant 0 : i32
    %dma_start3A_155 = tpu.memref_slice %arg2[%dma_start3A_153, %dma_start3A_154] : memref<10000x128xf32, #tpu.memory_space<hbm>> -> memref<10000x128xf32, #tpu.memory_space<hbm>>
    %dma_start3A_156 = tpu.memref_slice %arg10[%dma_start3A_145] : memref<2x!tpu.dma_semaphore, #tpu.memory_space<semaphore_mem>> -> memref<1x!tpu.dma_semaphore, #tpu.memory_space<semaphore_mem>>
    %dma_start3A_157 = tpu.memref_squeeze %dma_start3A_156 : memref<1x!tpu.dma_semaphore, #tpu.memory_space<semaphore_mem>> -> memref<!tpu.dma_semaphore, #tpu.memory_space<semaphore_mem>>
    tpu.enqueue_indirect_dma source(%dma_start3A_155 : memref<10000x128xf32, #tpu.memory_space<hbm>>) target(%dma_start3A_149 : memref<128x128xf32, #tpu.memory_space<vmem>>) offsets(%dma_start3A_152 : memref<128xi32, #tpu.memory_space<vmem>>) semaphore(%dma_start3A_157 : memref<!tpu.dma_semaphore, #tpu.memory_space<semaphore_mem>>)
    %scan3A_158 = arith.constant 0 : i32
    %scan3A_159 = arith.constant 0 : i32
    %scan3A_160 = arith.constant 18 : i32
    %scan3A_161 = arith.addi %scan3A_159, %scan3A_160 : i32
    %scan3A_162 = arith.constant 1 : i32
    scf.for %scan3A_294 = %scan3A_159 to %scan3A_161 step %scan3A_162  : i32 {
      %mul3A_295 = arith.constant 2 : i32
      %mul3A_296 = arith.muli %scan3A_294, %mul3A_295 : i32
      %add3A_297 = arith.constant 0 : i32
      %add3A_298 = arith.addi %mul3A_296, %add3A_297 : i32
      %dma_wait3A_299 = arith.constant 0 : i32
      %dma_wait3A_300 = arith.constant 0 : i32
      %dma_wait3A_301 = arith.constant 0 : i32
      %dma_wait3A_302 = arith.constant 0 : i32
      %dma_wait3A_303 = tpu.memref_slice %arg9[%dma_wait3A_299, %dma_wait3A_301, %dma_wait3A_302] : memref<2x128x128xf32, #tpu.memory_space<vmem>> -> memref<1x128x128xf32, #tpu.memory_space<vmem>>
      %dma_wait3A_304 = tpu.memref_squeeze %dma_wait3A_303 : memref<1x128x128xf32, #tpu.memory_space<vmem>> -> memref<128x128xf32, #tpu.memory_space<vmem>>
      %dma_wait3A_305 = arith.constant 0 : i32
      %dma_wait3A_306 = tpu.memref_slice %arg7[%add3A_298, %dma_wait3A_305] : memref<40x128xi32, #tpu.memory_space<vmem>> -> memref<1x128xi32, #tpu.memory_space<vmem>>
      %dma_wait3A_307 = tpu.memref_squeeze %dma_wait3A_306 : memref<1x128xi32, #tpu.memory_space<vmem>> -> memref<128xi32, #tpu.memory_space<vmem>>
      %dma_wait3A_308 = arith.constant 0 : i32
      %dma_wait3A_309 = arith.constant 0 : i32
      %dma_wait3A_310 = tpu.memref_slice %arg2[%dma_wait3A_308, %dma_wait3A_309] : memref<10000x128xf32, #tpu.memory_space<hbm>> -> memref<10000x128xf32, #tpu.memory_space<hbm>>
      %dma_wait3A_311 = tpu.memref_slice %arg10[%dma_wait3A_300] : memref<2x!tpu.dma_semaphore, #tpu.memory_space<semaphore_mem>> -> memref<1x!tpu.dma_semaphore, #tpu.memory_space<semaphore_mem>>
      %dma_wait3A_312 = tpu.memref_squeeze %dma_wait3A_311 : memref<1x!tpu.dma_semaphore, #tpu.memory_space<semaphore_mem>> -> memref<!tpu.dma_semaphore, #tpu.memory_space<semaphore_mem>>
      tpu.wait_indirect_dma semaphore(%dma_wait3A_312 : memref<!tpu.dma_semaphore, #tpu.memory_space<semaphore_mem>>) src(%dma_wait3A_310 : memref<10000x128xf32, #tpu.memory_space<hbm>>) dst(%dma_wait3A_304 : memref<128x128xf32, #tpu.memory_space<vmem>>)
      %dma_start3A_313 = arith.constant 0 : i32
      %dma_start3A_314 = arith.constant 0 : i32
      %dma_start3A_315 = arith.constant 0 : i32
      %dma_start3A_316 = arith.constant 0 : i32
      %dma_start3A_317 = tpu.memref_slice %arg9[%dma_start3A_313, %dma_start3A_315, %dma_start3A_316] : memref<2x128x128xf32, #tpu.memory_space<vmem>> -> memref<1x128x128xf32, #tpu.memory_space<vmem>>
      %dma_start3A_318 = tpu.memref_squeeze %dma_start3A_317 : memref<1x128x128xf32, #tpu.memory_space<vmem>> -> memref<128x128xf32, #tpu.memory_space<vmem>>
      %dma_start3A_319 = arith.constant 0 : i32
      %dma_start3A_320 = tpu.memref_slice %arg8[%add3A_298, %dma_start3A_319] : memref<40x128xi32, #tpu.memory_space<vmem>> -> memref<1x128xi32, #tpu.memory_space<vmem>>
      %dma_start3A_321 = tpu.memref_squeeze %dma_start3A_320 : memref<1x128xi32, #tpu.memory_space<vmem>> -> memref<128xi32, #tpu.memory_space<vmem>>
      %dma_start3A_322 = arith.constant 0 : i32
      %dma_start3A_323 = arith.constant 0 : i32
      %dma_start3A_324 = tpu.memref_slice %arg12[%dma_start3A_322, %dma_start3A_323] : memref<10128x128xf32, #tpu.memory_space<vmem_shared>> -> memref<10128x128xf32, #tpu.memory_space<vmem_shared>>
      %dma_start3A_325 = tpu.memref_slice %arg11[%dma_start3A_314] : memref<2x!tpu.dma_semaphore, #tpu.memory_space<semaphore_mem>> -> memref<1x!tpu.dma_semaphore, #tpu.memory_space<semaphore_mem>>
      %dma_start3A_326 = tpu.memref_squeeze %dma_start3A_325 : memref<1x!tpu.dma_semaphore, #tpu.memory_space<semaphore_mem>> -> memref<!tpu.dma_semaphore, #tpu.memory_space<semaphore_mem>>
      tpu.enqueue_indirect_dma source(%dma_start3A_318 : memref<128x128xf32, #tpu.memory_space<vmem>>) target(%dma_start3A_324 : memref<10128x128xf32, #tpu.memory_space<vmem_shared>>) offsets(%dma_start3A_321 : memref<128xi32, #tpu.memory_space<vmem>>) semaphore(%dma_start3A_326 : memref<!tpu.dma_semaphore, #tpu.memory_space<semaphore_mem>>) {add = true}
      %dma_wait3A_327 = arith.constant 0 : i32
      %dma_wait3A_328 = arith.constant 0 : i32
      %dma_wait3A_329 = arith.constant 0 : i32
      %dma_wait3A_330 = arith.constant 0 : i32
      %dma_wait3A_331 = tpu.memref_slice %arg9[%dma_wait3A_327, %dma_wait3A_329, %dma_wait3A_330] : memref<2x128x128xf32, #tpu.memory_space<vmem>> -> memref<1x128x128xf32, #tpu.memory_space<vmem>>
      %dma_wait3A_332 = tpu.memref_squeeze %dma_wait3A_331 : memref<1x128x128xf32, #tpu.memory_space<vmem>> -> memref<128x128xf32, #tpu.memory_space<vmem>>
      %dma_wait3A_333 = arith.constant 0 : i32
      %dma_wait3A_334 = tpu.memref_slice %arg8[%add3A_298, %dma_wait3A_333] : memref<40x128xi32, #tpu.memory_space<vmem>> -> memref<1x128xi32, #tpu.memory_space<vmem>>
      %dma_wait3A_335 = tpu.memref_squeeze %dma_wait3A_334 : memref<1x128xi32, #tpu.memory_space<vmem>> -> memref<128xi32, #tpu.memory_space<vmem>>
      %dma_wait3A_336 = arith.constant 0 : i32
      %dma_wait3A_337 = arith.constant 0 : i32
      %dma_wait3A_338 = tpu.memref_slice %arg12[%dma_wait3A_336, %dma_wait3A_337] : memref<10128x128xf32, #tpu.memory_space<vmem_shared>> -> memref<10128x128xf32, #tpu.memory_space<vmem_shared>>
      %dma_wait3A_339 = tpu.memref_slice %arg11[%dma_wait3A_328] : memref<2x!tpu.dma_semaphore, #tpu.memory_space<semaphore_mem>> -> memref<1x!tpu.dma_semaphore, #tpu.memory_space<semaphore_mem>>
      %dma_wait3A_340 = tpu.memref_squeeze %dma_wait3A_339 : memref<1x!tpu.dma_semaphore, #tpu.memory_space<semaphore_mem>> -> memref<!tpu.dma_semaphore, #tpu.memory_space<semaphore_mem>>
      tpu.wait_indirect_dma semaphore(%dma_wait3A_340 : memref<!tpu.dma_semaphore, #tpu.memory_space<semaphore_mem>>) src(%dma_wait3A_332 : memref<128x128xf32, #tpu.memory_space<vmem>>) dst(%dma_wait3A_338 : memref<10128x128xf32, #tpu.memory_space<vmem_shared>>)
      %add3A_341 = arith.constant 2 : i32
      %add3A_342 = arith.addi %add3A_298, %add3A_341 : i32
      %dma_start3A_343 = arith.constant 0 : i32
      %dma_start3A_344 = arith.constant 0 : i32
      %dma_start3A_345 = arith.constant 0 : i32
      %dma_start3A_346 = arith.constant 0 : i32
      %dma_start3A_347 = tpu.memref_slice %arg9[%dma_start3A_343, %dma_start3A_345, %dma_start3A_346] : memref<2x128x128xf32, #tpu.memory_space<vmem>> -> memref<1x128x128xf32, #tpu.memory_space<vmem>>
      %dma_start3A_348 = tpu.memref_squeeze %dma_start3A_347 : memref<1x128x128xf32, #tpu.memory_space<vmem>> -> memref<128x128xf32, #tpu.memory_space<vmem>>
      %dma_start3A_349 = arith.constant 0 : i32
      %dma_start3A_350 = tpu.memref_slice %arg7[%add3A_342, %dma_start3A_349] : memref<40x128xi32, #tpu.memory_space<vmem>> -> memref<1x128xi32, #tpu.memory_space<vmem>>
      %dma_start3A_351 = tpu.memref_squeeze %dma_start3A_350 : memref<1x128xi32, #tpu.memory_space<vmem>> -> memref<128xi32, #tpu.memory_space<vmem>>
      %dma_start3A_352 = arith.constant 0 : i32
      %dma_start3A_353 = arith.constant 0 : i32
      %dma_start3A_354 = tpu.memref_slice %arg2[%dma_start3A_352, %dma_start3A_353] : memref<10000x128xf32, #tpu.memory_space<hbm>> -> memref<10000x128xf32, #tpu.memory_space<hbm>>
      %dma_start3A_355 = tpu.memref_slice %arg10[%dma_start3A_344] : memref<2x!tpu.dma_semaphore, #tpu.memory_space<semaphore_mem>> -> memref<1x!tpu.dma_semaphore, #tpu.memory_space<semaphore_mem>>
      %dma_start3A_356 = tpu.memref_squeeze %dma_start3A_355 : memref<1x!tpu.dma_semaphore, #tpu.memory_space<semaphore_mem>> -> memref<!tpu.dma_semaphore, #tpu.memory_space<semaphore_mem>>
      tpu.enqueue_indirect_dma source(%dma_start3A_354 : memref<10000x128xf32, #tpu.memory_space<hbm>>) target(%dma_start3A_348 : memref<128x128xf32, #tpu.memory_space<vmem>>) offsets(%dma_start3A_351 : memref<128xi32, #tpu.memory_space<vmem>>) semaphore(%dma_start3A_356 : memref<!tpu.dma_semaphore, #tpu.memory_space<semaphore_mem>>)
      %mul3A_357 = arith.constant 2 : i32
      %mul3A_358 = arith.muli %scan3A_294, %mul3A_357 : i32
      %add3A_359 = arith.constant 1 : i32
      %add3A_360 = arith.addi %mul3A_358, %add3A_359 : i32
      %dma_wait3A_361 = arith.constant 1 : i32
      %dma_wait3A_362 = arith.constant 1 : i32
      %dma_wait3A_363 = arith.constant 0 : i32
      %dma_wait3A_364 = arith.constant 0 : i32
      %dma_wait3A_365 = tpu.memref_slice %arg9[%dma_wait3A_361, %dma_wait3A_363, %dma_wait3A_364] : memref<2x128x128xf32, #tpu.memory_space<vmem>> -> memref<1x128x128xf32, #tpu.memory_space<vmem>>
      %dma_wait3A_366 = tpu.memref_squeeze %dma_wait3A_365 : memref<1x128x128xf32, #tpu.memory_space<vmem>> -> memref<128x128xf32, #tpu.memory_space<vmem>>
      %dma_wait3A_367 = arith.constant 0 : i32
      %dma_wait3A_368 = tpu.memref_slice %arg7[%add3A_360, %dma_wait3A_367] : memref<40x128xi32, #tpu.memory_space<vmem>> -> memref<1x128xi32, #tpu.memory_space<vmem>>
      %dma_wait3A_369 = tpu.memref_squeeze %dma_wait3A_368 : memref<1x128xi32, #tpu.memory_space<vmem>> -> memref<128xi32, #tpu.memory_space<vmem>>
      %dma_wait3A_370 = arith.constant 0 : i32
      %dma_wait3A_371 = arith.constant 0 : i32
      %dma_wait3A_372 = tpu.memref_slice %arg2[%dma_wait3A_370, %dma_wait3A_371] : memref<10000x128xf32, #tpu.memory_space<hbm>> -> memref<10000x128xf32, #tpu.memory_space<hbm>>
      %dma_wait3A_373 = tpu.memref_slice %arg10[%dma_wait3A_362] : memref<2x!tpu.dma_semaphore, #tpu.memory_space<semaphore_mem>> -> memref<1x!tpu.dma_semaphore, #tpu.memory_space<semaphore_mem>>
      %dma_wait3A_374 = tpu.memref_squeeze %dma_wait3A_373 : memref<1x!tpu.dma_semaphore, #tpu.memory_space<semaphore_mem>> -> memref<!tpu.dma_semaphore, #tpu.memory_space<semaphore_mem>>
      tpu.wait_indirect_dma semaphore(%dma_wait3A_374 : memref<!tpu.dma_semaphore, #tpu.memory_space<semaphore_mem>>) src(%dma_wait3A_372 : memref<10000x128xf32, #tpu.memory_space<hbm>>) dst(%dma_wait3A_366 : memref<128x128xf32, #tpu.memory_space<vmem>>)
      %dma_start3A_375 = arith.constant 1 : i32
      %dma_start3A_376 = arith.constant 1 : i32
      %dma_start3A_377 = arith.constant 0 : i32
      %dma_start3A_378 = arith.constant 0 : i32
      %dma_start3A_379 = tpu.memref_slice %arg9[%dma_start3A_375, %dma_start3A_377, %dma_start3A_378] : memref<2x128x128xf32, #tpu.memory_space<vmem>> -> memref<1x128x128xf32, #tpu.memory_space<vmem>>
      %dma_start3A_380 = tpu.memref_squeeze %dma_start3A_379 : memref<1x128x128xf32, #tpu.memory_space<vmem>> -> memref<128x128xf32, #tpu.memory_space<vmem>>
      %dma_start3A_381 = arith.constant 0 : i32
      %dma_start3A_382 = tpu.memref_slice %arg8[%add3A_360, %dma_start3A_381] : memref<40x128xi32, #tpu.memory_space<vmem>> -> memref<1x128xi32, #tpu.memory_space<vmem>>
      %dma_start3A_383 = tpu.memref_squeeze %dma_start3A_382 : memref<1x128xi32, #tpu.memory_space<vmem>> -> memref<128xi32, #tpu.memory_space<vmem>>
      %dma_start3A_384 = arith.constant 0 : i32
      %dma_start3A_385 = arith.constant 0 : i32
      %dma_start3A_386 = tpu.memref_slice %arg12[%dma_start3A_384, %dma_start3A_385] : memref<10128x128xf32, #tpu.memory_space<vmem_shared>> -> memref<10128x128xf32, #tpu.memory_space<vmem_shared>>
      %dma_start3A_387 = tpu.memref_slice %arg11[%dma_start3A_376] : memref<2x!tpu.dma_semaphore, #tpu.memory_space<semaphore_mem>> -> memref<1x!tpu.dma_semaphore, #tpu.memory_space<semaphore_mem>>
      %dma_start3A_388 = tpu.memref_squeeze %dma_start3A_387 : memref<1x!tpu.dma_semaphore, #tpu.memory_space<semaphore_mem>> -> memref<!tpu.dma_semaphore, #tpu.memory_space<semaphore_mem>>
      tpu.enqueue_indirect_dma source(%dma_start3A_380 : memref<128x128xf32, #tpu.memory_space<vmem>>) target(%dma_start3A_386 : memref<10128x128xf32, #tpu.memory_space<vmem_shared>>) offsets(%dma_start3A_383 : memref<128xi32, #tpu.memory_space<vmem>>) semaphore(%dma_start3A_388 : memref<!tpu.dma_semaphore, #tpu.memory_space<semaphore_mem>>) {add = true}
      %dma_wait3A_389 = arith.constant 1 : i32
      %dma_wait3A_390 = arith.constant 1 : i32
      %dma_wait3A_391 = arith.constant 0 : i32
      %dma_wait3A_392 = arith.constant 0 : i32
      %dma_wait3A_393 = tpu.memref_slice %arg9[%dma_wait3A_389, %dma_wait3A_391, %dma_wait3A_392] : memref<2x128x128xf32, #tpu.memory_space<vmem>> -> memref<1x128x128xf32, #tpu.memory_space<vmem>>
      %dma_wait3A_394 = tpu.memref_squeeze %dma_wait3A_393 : memref<1x128x128xf32, #tpu.memory_space<vmem>> -> memref<128x128xf32, #tpu.memory_space<vmem>>
      %dma_wait3A_395 = arith.constant 0 : i32
      %dma_wait3A_396 = tpu.memref_slice %arg8[%add3A_360, %dma_wait3A_395] : memref<40x128xi32, #tpu.memory_space<vmem>> -> memref<1x128xi32, #tpu.memory_space<vmem>>
      %dma_wait3A_397 = tpu.memref_squeeze %dma_wait3A_396 : memref<1x128xi32, #tpu.memory_space<vmem>> -> memref<128xi32, #tpu.memory_space<vmem>>
      %dma_wait3A_398 = arith.constant 0 : i32
      %dma_wait3A_399 = arith.constant 0 : i32
      %dma_wait3A_400 = tpu.memref_slice %arg12[%dma_wait3A_398, %dma_wait3A_399] : memref<10128x128xf32, #tpu.memory_space<vmem_shared>> -> memref<10128x128xf32, #tpu.memory_space<vmem_shared>>
      %dma_wait3A_401 = tpu.memref_slice %arg11[%dma_wait3A_390] : memref<2x!tpu.dma_semaphore, #tpu.memory_space<semaphore_mem>> -> memref<1x!tpu.dma_semaphore, #tpu.memory_space<semaphore_mem>>
      %dma_wait3A_402 = tpu.memref_squeeze %dma_wait3A_401 : memref<1x!tpu.dma_semaphore, #tpu.memory_space<semaphore_mem>> -> memref<!tpu.dma_semaphore, #tpu.memory_space<semaphore_mem>>
      tpu.wait_indirect_dma semaphore(%dma_wait3A_402 : memref<!tpu.dma_semaphore, #tpu.memory_space<semaphore_mem>>) src(%dma_wait3A_394 : memref<128x128xf32, #tpu.memory_space<vmem>>) dst(%dma_wait3A_400 : memref<10128x128xf32, #tpu.memory_space<vmem_shared>>)
      %add3A_403 = arith.constant 2 : i32
      %add3A_404 = arith.addi %add3A_360, %add3A_403 : i32
      %dma_start3A_405 = arith.constant 1 : i32
      %dma_start3A_406 = arith.constant 1 : i32
      %dma_start3A_407 = arith.constant 0 : i32
      %dma_start3A_408 = arith.constant 0 : i32
      %dma_start3A_409 = tpu.memref_slice %arg9[%dma_start3A_405, %dma_start3A_407, %dma_start3A_408] : memref<2x128x128xf32, #tpu.memory_space<vmem>> -> memref<1x128x128xf32, #tpu.memory_space<vmem>>
      %dma_start3A_410 = tpu.memref_squeeze %dma_start3A_409 : memref<1x128x128xf32, #tpu.memory_space<vmem>> -> memref<128x128xf32, #tpu.memory_space<vmem>>
      %dma_start3A_411 = arith.constant 0 : i32
      %dma_start3A_412 = tpu.memref_slice %arg7[%add3A_404, %dma_start3A_411] : memref<40x128xi32, #tpu.memory_space<vmem>> -> memref<1x128xi32, #tpu.memory_space<vmem>>
      %dma_start3A_413 = tpu.memref_squeeze %dma_start3A_412 : memref<1x128xi32, #tpu.memory_space<vmem>> -> memref<128xi32, #tpu.memory_space<vmem>>
      %dma_start3A_414 = arith.constant 0 : i32
      %dma_start3A_415 = arith.constant 0 : i32
      %dma_start3A_416 = tpu.memref_slice %arg2[%dma_start3A_414, %dma_start3A_415] : memref<10000x128xf32, #tpu.memory_space<hbm>> -> memref<10000x128xf32, #tpu.memory_space<hbm>>
      %dma_start3A_417 = tpu.memref_slice %arg10[%dma_start3A_406] : memref<2x!tpu.dma_semaphore, #tpu.memory_space<semaphore_mem>> -> memref<1x!tpu.dma_semaphore, #tpu.memory_space<semaphore_mem>>
      %dma_start3A_418 = tpu.memref_squeeze %dma_start3A_417 : memref<1x!tpu.dma_semaphore, #tpu.memory_space<semaphore_mem>> -> memref<!tpu.dma_semaphore, #tpu.memory_space<semaphore_mem>>
      tpu.enqueue_indirect_dma source(%dma_start3A_416 : memref<10000x128xf32, #tpu.memory_space<hbm>>) target(%dma_start3A_410 : memref<128x128xf32, #tpu.memory_space<vmem>>) offsets(%dma_start3A_413 : memref<128xi32, #tpu.memory_space<vmem>>) semaphore(%dma_start3A_418 : memref<!tpu.dma_semaphore, #tpu.memory_space<semaphore_mem>>)
    }
    %scan3A_163 = arith.constant 18 : i32
    %dma_wait3A_164 = arith.constant 36 : i32
    %dma_wait3A_165 = arith.constant 0 : i32
    %dma_wait3A_166 = arith.constant 0 : i32
    %dma_wait3A_167 = arith.constant 0 : i32
    %dma_wait3A_168 = arith.constant 0 : i32
    %dma_wait3A_169 = tpu.memref_slice %arg9[%dma_wait3A_165, %dma_wait3A_167, %dma_wait3A_168] : memref<2x128x128xf32, #tpu.memory_space<vmem>> -> memref<1x128x128xf32, #tpu.memory_space<vmem>>
    %dma_wait3A_170 = tpu.memref_squeeze %dma_wait3A_169 : memref<1x128x128xf32, #tpu.memory_space<vmem>> -> memref<128x128xf32, #tpu.memory_space<vmem>>
    %dma_wait3A_171 = arith.constant 0 : i32
    %dma_wait3A_172 = tpu.memref_slice %arg7[%dma_wait3A_164, %dma_wait3A_171] : memref<40x128xi32, #tpu.memory_space<vmem>> -> memref<1x128xi32, #tpu.memory_space<vmem>>
    %dma_wait3A_173 = tpu.memref_squeeze %dma_wait3A_172 : memref<1x128xi32, #tpu.memory_space<vmem>> -> memref<128xi32, #tpu.memory_space<vmem>>
    %dma_wait3A_174 = arith.constant 0 : i32
    %dma_wait3A_175 = arith.constant 0 : i32
    %dma_wait3A_176 = tpu.memref_slice %arg2[%dma_wait3A_174, %dma_wait3A_175] : memref<10000x128xf32, #tpu.memory_space<hbm>> -> memref<10000x128xf32, #tpu.memory_space<hbm>>
    %dma_wait3A_177 = tpu.memref_slice %arg10[%dma_wait3A_166] : memref<2x!tpu.dma_semaphore, #tpu.memory_space<semaphore_mem>> -> memref<1x!tpu.dma_semaphore, #tpu.memory_space<semaphore_mem>>
    %dma_wait3A_178 = tpu.memref_squeeze %dma_wait3A_177 : memref<1x!tpu.dma_semaphore, #tpu.memory_space<semaphore_mem>> -> memref<!tpu.dma_semaphore, #tpu.memory_space<semaphore_mem>>
    tpu.wait_indirect_dma semaphore(%dma_wait3A_178 : memref<!tpu.dma_semaphore, #tpu.memory_space<semaphore_mem>>) src(%dma_wait3A_176 : memref<10000x128xf32, #tpu.memory_space<hbm>>) dst(%dma_wait3A_170 : memref<128x128xf32, #tpu.memory_space<vmem>>)
    %dma_start3A_179 = arith.constant 0 : i32
    %dma_start3A_180 = arith.constant 36 : i32
    %dma_start3A_181 = arith.constant 0 : i32
    %dma_start3A_182 = arith.constant 0 : i32
    %dma_start3A_183 = arith.constant 0 : i32
    %dma_start3A_184 = tpu.memref_slice %arg9[%dma_start3A_179, %dma_start3A_182, %dma_start3A_183] : memref<2x128x128xf32, #tpu.memory_space<vmem>> -> memref<1x128x128xf32, #tpu.memory_space<vmem>>
    %dma_start3A_185 = tpu.memref_squeeze %dma_start3A_184 : memref<1x128x128xf32, #tpu.memory_space<vmem>> -> memref<128x128xf32, #tpu.memory_space<vmem>>
    %dma_start3A_186 = arith.constant 0 : i32
    %dma_start3A_187 = tpu.memref_slice %arg8[%dma_start3A_180, %dma_start3A_186] : memref<40x128xi32, #tpu.memory_space<vmem>> -> memref<1x128xi32, #tpu.memory_space<vmem>>
    %dma_start3A_188 = tpu.memref_squeeze %dma_start3A_187 : memref<1x128xi32, #tpu.memory_space<vmem>> -> memref<128xi32, #tpu.memory_space<vmem>>
    %dma_start3A_189 = arith.constant 0 : i32
    %dma_start3A_190 = arith.constant 0 : i32
    %dma_start3A_191 = tpu.memref_slice %arg12[%dma_start3A_189, %dma_start3A_190] : memref<10128x128xf32, #tpu.memory_space<vmem_shared>> -> memref<10128x128xf32, #tpu.memory_space<vmem_shared>>
    %dma_start3A_192 = tpu.memref_slice %arg11[%dma_start3A_181] : memref<2x!tpu.dma_semaphore, #tpu.memory_space<semaphore_mem>> -> memref<1x!tpu.dma_semaphore, #tpu.memory_space<semaphore_mem>>
    %dma_start3A_193 = tpu.memref_squeeze %dma_start3A_192 : memref<1x!tpu.dma_semaphore, #tpu.memory_space<semaphore_mem>> -> memref<!tpu.dma_semaphore, #tpu.memory_space<semaphore_mem>>
    tpu.enqueue_indirect_dma source(%dma_start3A_185 : memref<128x128xf32, #tpu.memory_space<vmem>>) target(%dma_start3A_191 : memref<10128x128xf32, #tpu.memory_space<vmem_shared>>) offsets(%dma_start3A_188 : memref<128xi32, #tpu.memory_space<vmem>>) semaphore(%dma_start3A_193 : memref<!tpu.dma_semaphore, #tpu.memory_space<semaphore_mem>>) {add = true}
    %dma_wait3A_194 = arith.constant 37 : i32
    %dma_wait3A_195 = arith.constant 1 : i32
    %dma_wait3A_196 = arith.constant 1 : i32
    %dma_wait3A_197 = arith.constant 0 : i32
    %dma_wait3A_198 = arith.constant 0 : i32
    %dma_wait3A_199 = tpu.memref_slice %arg9[%dma_wait3A_195, %dma_wait3A_197, %dma_wait3A_198] : memref<2x128x128xf32, #tpu.memory_space<vmem>> -> memref<1x128x128xf32, #tpu.memory_space<vmem>>
    %dma_wait3A_200 = tpu.memref_squeeze %dma_wait3A_199 : memref<1x128x128xf32, #tpu.memory_space<vmem>> -> memref<128x128xf32, #tpu.memory_space<vmem>>
    %dma_wait3A_201 = arith.constant 0 : i32
    %dma_wait3A_202 = tpu.memref_slice %arg7[%dma_wait3A_194, %dma_wait3A_201] : memref<40x128xi32, #tpu.memory_space<vmem>> -> memref<1x128xi32, #tpu.memory_space<vmem>>
    %dma_wait3A_203 = tpu.memref_squeeze %dma_wait3A_202 : memref<1x128xi32, #tpu.memory_space<vmem>> -> memref<128xi32, #tpu.memory_space<vmem>>
    %dma_wait3A_204 = arith.constant 0 : i32
    %dma_wait3A_205 = arith.constant 0 : i32
    %dma_wait3A_206 = tpu.memref_slice %arg2[%dma_wait3A_204, %dma_wait3A_205] : memref<10000x128xf32, #tpu.memory_space<hbm>> -> memref<10000x128xf32, #tpu.memory_space<hbm>>
    %dma_wait3A_207 = tpu.memref_slice %arg10[%dma_wait3A_196] : memref<2x!tpu.dma_semaphore, #tpu.memory_space<semaphore_mem>> -> memref<1x!tpu.dma_semaphore, #tpu.memory_space<semaphore_mem>>
    %dma_wait3A_208 = tpu.memref_squeeze %dma_wait3A_207 : memref<1x!tpu.dma_semaphore, #tpu.memory_space<semaphore_mem>> -> memref<!tpu.dma_semaphore, #tpu.memory_space<semaphore_mem>>
    tpu.wait_indirect_dma semaphore(%dma_wait3A_208 : memref<!tpu.dma_semaphore, #tpu.memory_space<semaphore_mem>>) src(%dma_wait3A_206 : memref<10000x128xf32, #tpu.memory_space<hbm>>) dst(%dma_wait3A_200 : memref<128x128xf32, #tpu.memory_space<vmem>>)
    %dma_start3A_209 = arith.constant 1 : i32
    %dma_start3A_210 = arith.constant 37 : i32
    %dma_start3A_211 = arith.constant 1 : i32
    %dma_start3A_212 = arith.constant 0 : i32
    %dma_start3A_213 = arith.constant 0 : i32
    %dma_start3A_214 = tpu.memref_slice %arg9[%dma_start3A_209, %dma_start3A_212, %dma_start3A_213] : memref<2x128x128xf32, #tpu.memory_space<vmem>> -> memref<1x128x128xf32, #tpu.memory_space<vmem>>
    %dma_start3A_215 = tpu.memref_squeeze %dma_start3A_214 : memref<1x128x128xf32, #tpu.memory_space<vmem>> -> memref<128x128xf32, #tpu.memory_space<vmem>>
    %dma_start3A_216 = arith.constant 0 : i32
    %dma_start3A_217 = tpu.memref_slice %arg8[%dma_start3A_210, %dma_start3A_216] : memref<40x128xi32, #tpu.memory_space<vmem>> -> memref<1x128xi32, #tpu.memory_space<vmem>>
    %dma_start3A_218 = tpu.memref_squeeze %dma_start3A_217 : memref<1x128xi32, #tpu.memory_space<vmem>> -> memref<128xi32, #tpu.memory_space<vmem>>
    %dma_start3A_219 = arith.constant 0 : i32
    %dma_start3A_220 = arith.constant 0 : i32
    %dma_start3A_221 = tpu.memref_slice %arg12[%dma_start3A_219, %dma_start3A_220] : memref<10128x128xf32, #tpu.memory_space<vmem_shared>> -> memref<10128x128xf32, #tpu.memory_space<vmem_shared>>
    %dma_start3A_222 = tpu.memref_slice %arg11[%dma_start3A_211] : memref<2x!tpu.dma_semaphore, #tpu.memory_space<semaphore_mem>> -> memref<1x!tpu.dma_semaphore, #tpu.memory_space<semaphore_mem>>
    %dma_start3A_223 = tpu.memref_squeeze %dma_start3A_222 : memref<1x!tpu.dma_semaphore, #tpu.memory_space<semaphore_mem>> -> memref<!tpu.dma_semaphore, #tpu.memory_space<semaphore_mem>>
    tpu.enqueue_indirect_dma source(%dma_start3A_215 : memref<128x128xf32, #tpu.memory_space<vmem>>) target(%dma_start3A_221 : memref<10128x128xf32, #tpu.memory_space<vmem_shared>>) offsets(%dma_start3A_218 : memref<128xi32, #tpu.memory_space<vmem>>) semaphore(%dma_start3A_223 : memref<!tpu.dma_semaphore, #tpu.memory_space<semaphore_mem>>) {add = true}
    %dma_wait3A_224 = arith.constant 0 : i32
    %dma_wait3A_225 = arith.constant 36 : i32
    %dma_wait3A_226 = arith.constant 0 : i32
    %dma_wait3A_227 = arith.constant 0 : i32
    %dma_wait3A_228 = arith.constant 0 : i32
    %dma_wait3A_229 = tpu.memref_slice %arg9[%dma_wait3A_224, %dma_wait3A_227, %dma_wait3A_228] : memref<2x128x128xf32, #tpu.memory_space<vmem>> -> memref<1x128x128xf32, #tpu.memory_space<vmem>>
    %dma_wait3A_230 = tpu.memref_squeeze %dma_wait3A_229 : memref<1x128x128xf32, #tpu.memory_space<vmem>> -> memref<128x128xf32, #tpu.memory_space<vmem>>
    %dma_wait3A_231 = arith.constant 0 : i32
    %dma_wait3A_232 = tpu.memref_slice %arg8[%dma_wait3A_225, %dma_wait3A_231] : memref<40x128xi32, #tpu.memory_space<vmem>> -> memref<1x128xi32, #tpu.memory_space<vmem>>
    %dma_wait3A_233 = tpu.memref_squeeze %dma_wait3A_232 : memref<1x128xi32, #tpu.memory_space<vmem>> -> memref<128xi32, #tpu.memory_space<vmem>>
    %dma_wait3A_234 = arith.constant 0 : i32
    %dma_wait3A_235 = arith.constant 0 : i32
    %dma_wait3A_236 = tpu.memref_slice %arg12[%dma_wait3A_234, %dma_wait3A_235] : memref<10128x128xf32, #tpu.memory_space<vmem_shared>> -> memref<10128x128xf32, #tpu.memory_space<vmem_shared>>
    %dma_wait3A_237 = tpu.memref_slice %arg11[%dma_wait3A_226] : memref<2x!tpu.dma_semaphore, #tpu.memory_space<semaphore_mem>> -> memref<1x!tpu.dma_semaphore, #tpu.memory_space<semaphore_mem>>
    %dma_wait3A_238 = tpu.memref_squeeze %dma_wait3A_237 : memref<1x!tpu.dma_semaphore, #tpu.memory_space<semaphore_mem>> -> memref<!tpu.dma_semaphore, #tpu.memory_space<semaphore_mem>>
    tpu.wait_indirect_dma semaphore(%dma_wait3A_238 : memref<!tpu.dma_semaphore, #tpu.memory_space<semaphore_mem>>) src(%dma_wait3A_230 : memref<128x128xf32, #tpu.memory_space<vmem>>) dst(%dma_wait3A_236 : memref<10128x128xf32, #tpu.memory_space<vmem_shared>>)
    %run_scoped3A = arith.constant 38 : i32
    %run_scoped3A_239 = arith.constant 0 : i32
    "tpu.region"() ({
      %run_scoped3A_294 = tpu.sem_alloc : memref<!tpu.dma_semaphore, #tpu.memory_space<semaphore_mem>>
      %dma_start3A_295 = arith.constant 0 : i32
      %dma_start3A_296 = arith.constant 0 : i32
      %dma_start3A_297 = tpu.memref_slice %arg9[%run_scoped3A_239, %dma_start3A_295, %dma_start3A_296] : memref<2x128x128xf32, #tpu.memory_space<vmem>> -> memref<1x128x128xf32, #tpu.memory_space<vmem>>
      %dma_start3A_298 = tpu.memref_squeeze %dma_start3A_297 : memref<1x128x128xf32, #tpu.memory_space<vmem>> -> memref<128x128xf32, #tpu.memory_space<vmem>>
      %dma_start3A_299 = arith.constant 0 : i32
      %dma_start3A_300 = tpu.memref_slice %arg7[%run_scoped3A, %dma_start3A_299] : memref<40x128xi32, #tpu.memory_space<vmem>> -> memref<1x128xi32, #tpu.memory_space<vmem>>
      %dma_start3A_301 = tpu.memref_squeeze %dma_start3A_300 : memref<1x128xi32, #tpu.memory_space<vmem>> -> memref<128xi32, #tpu.memory_space<vmem>>
      %dma_start3A_302 = arith.constant 0 : i32
      %dma_start3A_303 = arith.constant 0 : i32
      %dma_start3A_304 = tpu.memref_slice %arg2[%dma_start3A_302, %dma_start3A_303] : memref<10000x128xf32, #tpu.memory_space<hbm>> -> memref<10000x128xf32, #tpu.memory_space<hbm>>
      tpu.enqueue_indirect_dma source(%dma_start3A_304 : memref<10000x128xf32, #tpu.memory_space<hbm>>) target(%dma_start3A_298 : memref<128x128xf32, #tpu.memory_space<vmem>>) offsets(%dma_start3A_301 : memref<128xi32, #tpu.memory_space<vmem>>) semaphore(%run_scoped3A_294 : memref<!tpu.dma_semaphore, #tpu.memory_space<semaphore_mem>>)
      %dma_wait3A_305 = arith.constant 0 : i32
      %dma_wait3A_306 = arith.constant 0 : i32
      %dma_wait3A_307 = tpu.memref_slice %arg9[%run_scoped3A_239, %dma_wait3A_305, %dma_wait3A_306] : memref<2x128x128xf32, #tpu.memory_space<vmem>> -> memref<1x128x128xf32, #tpu.memory_space<vmem>>
      %dma_wait3A_308 = tpu.memref_squeeze %dma_wait3A_307 : memref<1x128x128xf32, #tpu.memory_space<vmem>> -> memref<128x128xf32, #tpu.memory_space<vmem>>
      %dma_wait3A_309 = arith.constant 0 : i32
      %dma_wait3A_310 = tpu.memref_slice %arg7[%run_scoped3A, %dma_wait3A_309] : memref<40x128xi32, #tpu.memory_space<vmem>> -> memref<1x128xi32, #tpu.memory_space<vmem>>
      %dma_wait3A_311 = tpu.memref_squeeze %dma_wait3A_310 : memref<1x128xi32, #tpu.memory_space<vmem>> -> memref<128xi32, #tpu.memory_space<vmem>>
      %dma_wait3A_312 = arith.constant 0 : i32
      %dma_wait3A_313 = arith.constant 0 : i32
      %dma_wait3A_314 = tpu.memref_slice %arg2[%dma_wait3A_312, %dma_wait3A_313] : memref<10000x128xf32, #tpu.memory_space<hbm>> -> memref<10000x128xf32, #tpu.memory_space<hbm>>
      tpu.wait_indirect_dma semaphore(%run_scoped3A_294 : memref<!tpu.dma_semaphore, #tpu.memory_space<semaphore_mem>>) src(%dma_wait3A_314 : memref<10000x128xf32, #tpu.memory_space<hbm>>) dst(%dma_wait3A_308 : memref<128x128xf32, #tpu.memory_space<vmem>>)
      tpu.yield
    }) : () -> ()
    %dma_start3A_240 = arith.constant 0 : i32
    %dma_start3A_241 = arith.constant 38 : i32
    %dma_start3A_242 = arith.constant 0 : i32
    %dma_start3A_243 = arith.constant 0 : i32
    %dma_start3A_244 = arith.constant 0 : i32
    %dma_start3A_245 = tpu.memref_slice %arg9[%dma_start3A_240, %dma_start3A_243, %dma_start3A_244] : memref<2x128x128xf32, #tpu.memory_space<vmem>> -> memref<1x128x128xf32, #tpu.memory_space<vmem>>
    %dma_start3A_246 = tpu.memref_squeeze %dma_start3A_245 : memref<1x128x128xf32, #tpu.memory_space<vmem>> -> memref<128x128xf32, #tpu.memory_space<vmem>>
    %dma_start3A_247 = arith.constant 0 : i32
    %dma_start3A_248 = tpu.memref_slice %arg8[%dma_start3A_241, %dma_start3A_247] : memref<40x128xi32, #tpu.memory_space<vmem>> -> memref<1x128xi32, #tpu.memory_space<vmem>>
    %dma_start3A_249 = tpu.memref_squeeze %dma_start3A_248 : memref<1x128xi32, #tpu.memory_space<vmem>> -> memref<128xi32, #tpu.memory_space<vmem>>
    %dma_start3A_250 = arith.constant 0 : i32
    %dma_start3A_251 = arith.constant 0 : i32
    %dma_start3A_252 = tpu.memref_slice %arg12[%dma_start3A_250, %dma_start3A_251] : memref<10128x128xf32, #tpu.memory_space<vmem_shared>> -> memref<10128x128xf32, #tpu.memory_space<vmem_shared>>
    %dma_start3A_253 = tpu.memref_slice %arg11[%dma_start3A_242] : memref<2x!tpu.dma_semaphore, #tpu.memory_space<semaphore_mem>> -> memref<1x!tpu.dma_semaphore, #tpu.memory_space<semaphore_mem>>
    %dma_start3A_254 = tpu.memref_squeeze %dma_start3A_253 : memref<1x!tpu.dma_semaphore, #tpu.memory_space<semaphore_mem>> -> memref<!tpu.dma_semaphore, #tpu.memory_space<semaphore_mem>>
    tpu.enqueue_indirect_dma source(%dma_start3A_246 : memref<128x128xf32, #tpu.memory_space<vmem>>) target(%dma_start3A_252 : memref<10128x128xf32, #tpu.memory_space<vmem_shared>>) offsets(%dma_start3A_249 : memref<128xi32, #tpu.memory_space<vmem>>) semaphore(%dma_start3A_254 : memref<!tpu.dma_semaphore, #tpu.memory_space<semaphore_mem>>) {add = true}
    %dma_wait3A_255 = arith.constant 0 : i32
    %dma_wait3A_256 = arith.constant 38 : i32
    %dma_wait3A_257 = arith.constant 0 : i32
    %dma_wait3A_258 = arith.constant 0 : i32
    %dma_wait3A_259 = arith.constant 0 : i32
    %dma_wait3A_260 = tpu.memref_slice %arg9[%dma_wait3A_255, %dma_wait3A_258, %dma_wait3A_259] : memref<2x128x128xf32, #tpu.memory_space<vmem>> -> memref<1x128x128xf32, #tpu.memory_space<vmem>>
    %dma_wait3A_261 = tpu.memref_squeeze %dma_wait3A_260 : memref<1x128x128xf32, #tpu.memory_space<vmem>> -> memref<128x128xf32, #tpu.memory_space<vmem>>
    %dma_wait3A_262 = arith.constant 0 : i32
    %dma_wait3A_263 = tpu.memref_slice %arg8[%dma_wait3A_256, %dma_wait3A_262] : memref<40x128xi32, #tpu.memory_space<vmem>> -> memref<1x128xi32, #tpu.memory_space<vmem>>
    %dma_wait3A_264 = tpu.memref_squeeze %dma_wait3A_263 : memref<1x128xi32, #tpu.memory_space<vmem>> -> memref<128xi32, #tpu.memory_space<vmem>>
    %dma_wait3A_265 = arith.constant 0 : i32
    %dma_wait3A_266 = arith.constant 0 : i32
    %dma_wait3A_267 = tpu.memref_slice %arg12[%dma_wait3A_265, %dma_wait3A_266] : memref<10128x128xf32, #tpu.memory_space<vmem_shared>> -> memref<10128x128xf32, #tpu.memory_space<vmem_shared>>
    %dma_wait3A_268 = tpu.memref_slice %arg11[%dma_wait3A_257] : memref<2x!tpu.dma_semaphore, #tpu.memory_space<semaphore_mem>> -> memref<1x!tpu.dma_semaphore, #tpu.memory_space<semaphore_mem>>
    %dma_wait3A_269 = tpu.memref_squeeze %dma_wait3A_268 : memref<1x!tpu.dma_semaphore, #tpu.memory_space<semaphore_mem>> -> memref<!tpu.dma_semaphore, #tpu.memory_space<semaphore_mem>>
    tpu.wait_indirect_dma semaphore(%dma_wait3A_269 : memref<!tpu.dma_semaphore, #tpu.memory_space<semaphore_mem>>) src(%dma_wait3A_261 : memref<128x128xf32, #tpu.memory_space<vmem>>) dst(%dma_wait3A_267 : memref<10128x128xf32, #tpu.memory_space<vmem_shared>>)
    %dma_wait3A_270 = arith.constant 1 : i32
    %dma_wait3A_271 = arith.constant 38 : i32
    %dma_wait3A_272 = arith.constant 1 : i32
    %dma_wait3A_273 = arith.constant 0 : i32
    %dma_wait3A_274 = arith.constant 0 : i32
    %dma_wait3A_275 = tpu.memref_slice %arg9[%dma_wait3A_270, %dma_wait3A_273, %dma_wait3A_274] : memref<2x128x128xf32, #tpu.memory_space<vmem>> -> memref<1x128x128xf32, #tpu.memory_space<vmem>>
    %dma_wait3A_276 = tpu.memref_squeeze %dma_wait3A_275 : memref<1x128x128xf32, #tpu.memory_space<vmem>> -> memref<128x128xf32, #tpu.memory_space<vmem>>
    %dma_wait3A_277 = arith.constant 0 : i32
    %dma_wait3A_278 = tpu.memref_slice %arg8[%dma_wait3A_271, %dma_wait3A_277] : memref<40x128xi32, #tpu.memory_space<vmem>> -> memref<1x128xi32, #tpu.memory_space<vmem>>
    %dma_wait3A_279 = tpu.memref_squeeze %dma_wait3A_278 : memref<1x128xi32, #tpu.memory_space<vmem>> -> memref<128xi32, #tpu.memory_space<vmem>>
    %dma_wait3A_280 = arith.constant 0 : i32
    %dma_wait3A_281 = arith.constant 0 : i32
    %dma_wait3A_282 = tpu.memref_slice %arg12[%dma_wait3A_280, %dma_wait3A_281] : memref<10128x128xf32, #tpu.memory_space<vmem_shared>> -> memref<10128x128xf32, #tpu.memory_space<vmem_shared>>
    %dma_wait3A_283 = tpu.memref_slice %arg11[%dma_wait3A_272] : memref<2x!tpu.dma_semaphore, #tpu.memory_space<semaphore_mem>> -> memref<1x!tpu.dma_semaphore, #tpu.memory_space<semaphore_mem>>
    %dma_wait3A_284 = tpu.memref_squeeze %dma_wait3A_283 : memref<1x!tpu.dma_semaphore, #tpu.memory_space<semaphore_mem>> -> memref<!tpu.dma_semaphore, #tpu.memory_space<semaphore_mem>>
    tpu.wait_indirect_dma semaphore(%dma_wait3A_284 : memref<!tpu.dma_semaphore, #tpu.memory_space<semaphore_mem>>) src(%dma_wait3A_276 : memref<128x128xf32, #tpu.memory_space<vmem>>) dst(%dma_wait3A_282 : memref<10128x128xf32, #tpu.memory_space<vmem_shared>>)
    %barrier3A_285 = arith.constant 0 : index
    tpu.barrier barrier_id(%barrier3A_285)
    %mul3A_286 = arith.constant 624 : i32
    %mul3A_287 = arith.muli %arg1, %mul3A_286 : i32
    %multiple_of3A_288 = tpu.assume_multiple %mul3A_287, 8 : i32
    "tpu.region"() ({
      %run_scoped3A_294 = tpu.sem_alloc : memref<!tpu.dma_semaphore, #tpu.memory_space<semaphore_mem>>
      %dma_start3A_295 = arith.constant 0 : i32
      %dma_start3A_296 = arith.constant 0 : i32
      %dma_start3A_297 = tpu.memref_slice %arg6[%arg0, %dma_start3A_295, %dma_start3A_296] : memref<2x10000x128xf32, #tpu.memory_space<hbm>> -> memref<1x10000x128xf32, #tpu.memory_space<hbm>>
      %dma_start3A_298 = tpu.memref_squeeze %dma_start3A_297 : memref<1x10000x128xf32, #tpu.memory_space<hbm>> -> memref<10000x128xf32, #tpu.memory_space<hbm>>
      %dma_start3A_299 = arith.constant 0 : i32
      %dma_start3A_300 = tpu.memref_slice %dma_start3A_298[%multiple_of3A_288, %dma_start3A_299] : memref<10000x128xf32, #tpu.memory_space<hbm>> -> memref<624x128xf32, #tpu.memory_space<hbm>>
      %dma_start3A_301 = arith.constant 0 : i32
      %dma_start3A_302 = tpu.memref_slice %arg12[%multiple_of3A_288, %dma_start3A_301] : memref<10128x128xf32, #tpu.memory_space<vmem_shared>> -> memref<624x128xf32, #tpu.memory_space<vmem_shared>>
      tpu.enqueue_dma source(%dma_start3A_302 : memref<624x128xf32, #tpu.memory_space<vmem_shared>>) target(%dma_start3A_300 : memref<624x128xf32, #tpu.memory_space<hbm>>) target_semaphore(%run_scoped3A_294 : memref<!tpu.dma_semaphore, #tpu.memory_space<semaphore_mem>>)
      %dma_wait3A_303 = arith.constant 0 : i32
      %dma_wait3A_304 = arith.constant 0 : i32
      %dma_wait3A_305 = tpu.memref_slice %arg6[%arg0, %dma_wait3A_303, %dma_wait3A_304] : memref<2x10000x128xf32, #tpu.memory_space<hbm>> -> memref<1x10000x128xf32, #tpu.memory_space<hbm>>
      %dma_wait3A_306 = tpu.memref_squeeze %dma_wait3A_305 : memref<1x10000x128xf32, #tpu.memory_space<hbm>> -> memref<10000x128xf32, #tpu.memory_space<hbm>>
      %dma_wait3A_307 = arith.constant 0 : i32
      %dma_wait3A_308 = tpu.memref_slice %dma_wait3A_306[%multiple_of3A_288, %dma_wait3A_307] : memref<10000x128xf32, #tpu.memory_space<hbm>> -> memref<624x128xf32, #tpu.memory_space<hbm>>
      %dma_wait3A_309 = arith.constant 0 : i32
      %dma_wait3A_310 = tpu.memref_slice %arg12[%multiple_of3A_288, %dma_wait3A_309] : memref<10128x128xf32, #tpu.memory_space<vmem_shared>> -> memref<624x128xf32, #tpu.memory_space<vmem_shared>>
      tpu.wait_dma2 semaphore(%run_scoped3A_294 : memref<!tpu.dma_semaphore, #tpu.memory_space<semaphore_mem>>) src(%dma_wait3A_310 : memref<624x128xf32, #tpu.memory_space<vmem_shared>>) dst(%dma_wait3A_308 : memref<624x128xf32, #tpu.memory_space<hbm>>)
      tpu.yield
    }) : () -> ()
    %eq3A_289 = arith.constant 15 : i32
    %eq3A_290 = arith.cmpi eq, %arg1, %eq3A_289 : i32
    %convert_element_type3A_291 = arith.extui %eq3A_290 : i1 to i32
    %cond3A_292 = arith.constant 0 : i32
    %cond3A_293 = arith.cmpi ne, %convert_element_type3A_291, %cond3A_292 : i32
    scf.if %cond3A_293 {
      "tpu.region"() ({
        %run_scoped3A_294 = tpu.sem_alloc : memref<!tpu.dma_semaphore, #tpu.memory_space<semaphore_mem>>
        %dma_start3A_295 = arith.constant 0 : i32
        %dma_start3A_296 = arith.constant 0 : i32
        %dma_start3A_297 = tpu.memref_slice %arg6[%arg0, %dma_start3A_295, %dma_start3A_296] : memref<2x10000x128xf32, #tpu.memory_space<hbm>> -> memref<1x10000x128xf32, #tpu.memory_space<hbm>>
        %dma_start3A_298 = tpu.memref_squeeze %dma_start3A_297 : memref<1x10000x128xf32, #tpu.memory_space<hbm>> -> memref<10000x128xf32, #tpu.memory_space<hbm>>
        %dma_start3A_299 = arith.constant 9984 : i32
        %dma_start3A_300 = arith.constant 0 : i32
        %dma_start3A_301 = tpu.memref_slice %dma_start3A_298[%dma_start3A_299, %dma_start3A_300] : memref<10000x128xf32, #tpu.memory_space<hbm>> -> memref<16x128xf32, #tpu.memory_space<hbm>>
        %dma_start3A_302 = arith.constant 9984 : i32
        %dma_start3A_303 = arith.constant 0 : i32
        %dma_start3A_304 = tpu.memref_slice %arg12[%dma_start3A_302, %dma_start3A_303] : memref<10128x128xf32, #tpu.memory_space<vmem_shared>> -> memref<16x128xf32, #tpu.memory_space<vmem_shared>>
        tpu.enqueue_dma source(%dma_start3A_304 : memref<16x128xf32, #tpu.memory_space<vmem_shared>>) target(%dma_start3A_301 : memref<16x128xf32, #tpu.memory_space<hbm>>) target_semaphore(%run_scoped3A_294 : memref<!tpu.dma_semaphore, #tpu.memory_space<semaphore_mem>>)
        %dma_wait3A_305 = arith.constant 0 : i32
        %dma_wait3A_306 = arith.constant 0 : i32
        %dma_wait3A_307 = tpu.memref_slice %arg6[%arg0, %dma_wait3A_305, %dma_wait3A_306] : memref<2x10000x128xf32, #tpu.memory_space<hbm>> -> memref<1x10000x128xf32, #tpu.memory_space<hbm>>
        %dma_wait3A_308 = tpu.memref_squeeze %dma_wait3A_307 : memref<1x10000x128xf32, #tpu.memory_space<hbm>> -> memref<10000x128xf32, #tpu.memory_space<hbm>>
        %dma_wait3A_309 = arith.constant 9984 : i32
        %dma_wait3A_310 = arith.constant 0 : i32
        %dma_wait3A_311 = tpu.memref_slice %dma_wait3A_308[%dma_wait3A_309, %dma_wait3A_310] : memref<10000x128xf32, #tpu.memory_space<hbm>> -> memref<16x128xf32, #tpu.memory_space<hbm>>
        %dma_wait3A_312 = arith.constant 9984 : i32
        %dma_wait3A_313 = arith.constant 0 : i32
        %dma_wait3A_314 = tpu.memref_slice %arg12[%dma_wait3A_312, %dma_wait3A_313] : memref<10128x128xf32, #tpu.memory_space<vmem_shared>> -> memref<16x128xf32, #tpu.memory_space<vmem_shared>>
        tpu.wait_dma2 semaphore(%run_scoped3A_294 : memref<!tpu.dma_semaphore, #tpu.memory_space<semaphore_mem>>) src(%dma_wait3A_314 : memref<16x128xf32, #tpu.memory_space<vmem_shared>>) dst(%dma_wait3A_311 : memref<16x128xf32, #tpu.memory_space<hbm>>)
        tpu.yield
      }) : () -> ()
    } else {
    }
    return
  }
}

#map = affine_map<(d0, d1) -> (0, 0, 0)>
#map1 = affine_map<(d0, d1) -> (0, 0)>
module attributes {stable_mosaic.version = 14 : i64} {
  func.func @hist(%arg0: i32, %arg1: i32, %arg2: memref<32x79x128xi32, #tpu.memory_space<hbm>>, %arg3: memref<128x128xf32, #tpu.memory_space<hbm>>, %arg4: memref<10000x128xf32, #tpu.memory_space<hbm>>, %arg5: memref<2x10000x128xf32, #tpu.memory_space<hbm>>, %arg6: memref<79x128xi32, #tpu.memory_space<vmem>>, %arg7: memref<128x128xf32, #tpu.memory_space<vmem>>, %arg8: memref<4x!tpu.dma_semaphore, #tpu.memory_space<semaphore_mem>>, %arg9: memref<10128x128xf32, #tpu.memory_space<vmem_shared>>) attributes {dimension_semantics = [#tpu.dimension_semantics<core_parallel>, #tpu.dimension_semantics<subcore_parallel>], iteration_bounds = array<i64: 2, 16>, scalar_prefetch = 0 : i64, scratch_operands = 4 : i64, tpu.core_type = #tpu.core_type<sc_vector_subcore>, window_params = [{transform_indices = #map}, {transform_indices = #map1}, {transform_indices = #map1}, {transform_indices = #map}]} {
    %mul3A = arith.constant 16 : i32
    %mul3A_0 = arith.muli %arg0, %mul3A : i32
    %add3A = arith.addi %mul3A_0, %arg1 : i32
    "tpu.region"() ({
      %run_scoped3A_21 = tpu.sem_alloc : memref<!tpu.dma_semaphore, #tpu.memory_space<semaphore_mem>>
      %dma_start3A = arith.constant 0 : i32
      %dma_start3A_22 = arith.constant 0 : i32
      %dma_start3A_23 = tpu.memref_slice %arg2[%add3A, %dma_start3A, %dma_start3A_22] : memref<32x79x128xi32, #tpu.memory_space<hbm>> -> memref<1x79x128xi32, #tpu.memory_space<hbm>>
      %dma_start3A_24 = tpu.memref_squeeze %dma_start3A_23 : memref<1x79x128xi32, #tpu.memory_space<hbm>> -> memref<79x128xi32, #tpu.memory_space<hbm>>
      %dma_start3A_25 = arith.constant 0 : i32
      %dma_start3A_26 = arith.constant 0 : i32
      %dma_start3A_27 = tpu.memref_slice %arg2[%add3A, %dma_start3A_25, %dma_start3A_26] : memref<32x79x128xi32, #tpu.memory_space<hbm>> -> memref<1x79x128xi32, #tpu.memory_space<hbm>>
      %dma_start3A_28 = tpu.memref_squeeze %dma_start3A_27 : memref<1x79x128xi32, #tpu.memory_space<hbm>> -> memref<79x128xi32, #tpu.memory_space<hbm>>
      tpu.enqueue_dma source(%dma_start3A_28 : memref<79x128xi32, #tpu.memory_space<hbm>>) target(%arg6 : memref<79x128xi32, #tpu.memory_space<vmem>>) target_semaphore(%run_scoped3A_21 : memref<!tpu.dma_semaphore, #tpu.memory_space<semaphore_mem>>)
      %dma_wait3A = arith.constant 0 : i32
      %dma_wait3A_29 = arith.constant 0 : i32
      %dma_wait3A_30 = tpu.memref_slice %arg2[%add3A, %dma_wait3A, %dma_wait3A_29] : memref<32x79x128xi32, #tpu.memory_space<hbm>> -> memref<1x79x128xi32, #tpu.memory_space<hbm>>
      %dma_wait3A_31 = tpu.memref_squeeze %dma_wait3A_30 : memref<1x79x128xi32, #tpu.memory_space<hbm>> -> memref<79x128xi32, #tpu.memory_space<hbm>>
      %dma_wait3A_32 = arith.constant 0 : i32
      %dma_wait3A_33 = arith.constant 0 : i32
      %dma_wait3A_34 = tpu.memref_slice %arg2[%add3A, %dma_wait3A_32, %dma_wait3A_33] : memref<32x79x128xi32, #tpu.memory_space<hbm>> -> memref<1x79x128xi32, #tpu.memory_space<hbm>>
      %dma_wait3A_35 = tpu.memref_squeeze %dma_wait3A_34 : memref<1x79x128xi32, #tpu.memory_space<hbm>> -> memref<79x128xi32, #tpu.memory_space<hbm>>
      tpu.wait_dma2 semaphore(%run_scoped3A_21 : memref<!tpu.dma_semaphore, #tpu.memory_space<semaphore_mem>>) src(%dma_wait3A_35 : memref<79x128xi32, #tpu.memory_space<hbm>>) dst(%arg6 : memref<79x128xi32, #tpu.memory_space<vmem>>)
      tpu.yield
    }) : () -> ()
    "tpu.region"() ({
      %run_scoped3A_21 = tpu.sem_alloc : memref<!tpu.dma_semaphore, #tpu.memory_space<semaphore_mem>>
      tpu.enqueue_dma source(%arg3 : memref<128x128xf32, #tpu.memory_space<hbm>>) target(%arg7 : memref<128x128xf32, #tpu.memory_space<vmem>>) target_semaphore(%run_scoped3A_21 : memref<!tpu.dma_semaphore, #tpu.memory_space<semaphore_mem>>)
      tpu.wait_dma2 semaphore(%run_scoped3A_21 : memref<!tpu.dma_semaphore, #tpu.memory_space<semaphore_mem>>) src(%arg3 : memref<128x128xf32, #tpu.memory_space<hbm>>) dst(%arg7 : memref<128x128xf32, #tpu.memory_space<vmem>>)
      tpu.yield
    }) : () -> ()
    %mul3A_1 = arith.constant 624 : i32
    %mul3A_2 = arith.muli %arg1, %mul3A_1 : i32
    %multiple_of3A = tpu.assume_multiple %mul3A_2, 8 : i32
    "tpu.region"() ({
      %run_scoped3A_21 = tpu.sem_alloc : memref<!tpu.dma_semaphore, #tpu.memory_space<semaphore_mem>>
      %dma_start3A = arith.constant 0 : i32
      %dma_start3A_22 = tpu.memref_slice %arg9[%multiple_of3A, %dma_start3A] : memref<10128x128xf32, #tpu.memory_space<vmem_shared>> -> memref<624x128xf32, #tpu.memory_space<vmem_shared>>
      %dma_start3A_23 = arith.constant 0 : i32
      %dma_start3A_24 = tpu.memref_slice %arg4[%multiple_of3A, %dma_start3A_23] : memref<10000x128xf32, #tpu.memory_space<hbm>> -> memref<624x128xf32, #tpu.memory_space<hbm>>
      tpu.enqueue_dma source(%dma_start3A_24 : memref<624x128xf32, #tpu.memory_space<hbm>>) target(%dma_start3A_22 : memref<624x128xf32, #tpu.memory_space<vmem_shared>>) target_semaphore(%run_scoped3A_21 : memref<!tpu.dma_semaphore, #tpu.memory_space<semaphore_mem>>)
      %dma_wait3A = arith.constant 0 : i32
      %dma_wait3A_25 = tpu.memref_slice %arg9[%multiple_of3A, %dma_wait3A] : memref<10128x128xf32, #tpu.memory_space<vmem_shared>> -> memref<624x128xf32, #tpu.memory_space<vmem_shared>>
      %dma_wait3A_26 = arith.constant 0 : i32
      %dma_wait3A_27 = tpu.memref_slice %arg4[%multiple_of3A, %dma_wait3A_26] : memref<10000x128xf32, #tpu.memory_space<hbm>> -> memref<624x128xf32, #tpu.memory_space<hbm>>
      tpu.wait_dma2 semaphore(%run_scoped3A_21 : memref<!tpu.dma_semaphore, #tpu.memory_space<semaphore_mem>>) src(%dma_wait3A_27 : memref<624x128xf32, #tpu.memory_space<hbm>>) dst(%dma_wait3A_25 : memref<624x128xf32, #tpu.memory_space<vmem_shared>>)
      tpu.yield
    }) : () -> ()
    %eq3A = arith.constant 15 : i32
    %eq3A_3 = arith.cmpi eq, %arg1, %eq3A : i32
    %convert_element_type3A = arith.extui %eq3A_3 : i1 to i32
    %cond3A = arith.constant 0 : i32
    %cond3A_4 = arith.cmpi ne, %convert_element_type3A, %cond3A : i32
    scf.if %cond3A_4 {
      "tpu.region"() ({
        %run_scoped3A_21 = tpu.sem_alloc : memref<!tpu.dma_semaphore, #tpu.memory_space<semaphore_mem>>
        %dma_start3A = arith.constant 9984 : i32
        %dma_start3A_22 = arith.constant 0 : i32
        %dma_start3A_23 = tpu.memref_slice %arg9[%dma_start3A, %dma_start3A_22] : memref<10128x128xf32, #tpu.memory_space<vmem_shared>> -> memref<16x128xf32, #tpu.memory_space<vmem_shared>>
        %dma_start3A_24 = arith.constant 9984 : i32
        %dma_start3A_25 = arith.constant 0 : i32
        %dma_start3A_26 = tpu.memref_slice %arg4[%dma_start3A_24, %dma_start3A_25] : memref<10000x128xf32, #tpu.memory_space<hbm>> -> memref<16x128xf32, #tpu.memory_space<hbm>>
        tpu.enqueue_dma source(%dma_start3A_26 : memref<16x128xf32, #tpu.memory_space<hbm>>) target(%dma_start3A_23 : memref<16x128xf32, #tpu.memory_space<vmem_shared>>) target_semaphore(%run_scoped3A_21 : memref<!tpu.dma_semaphore, #tpu.memory_space<semaphore_mem>>)
        %dma_wait3A = arith.constant 9984 : i32
        %dma_wait3A_27 = arith.constant 0 : i32
        %dma_wait3A_28 = tpu.memref_slice %arg9[%dma_wait3A, %dma_wait3A_27] : memref<10128x128xf32, #tpu.memory_space<vmem_shared>> -> memref<16x128xf32, #tpu.memory_space<vmem_shared>>
        %dma_wait3A_29 = arith.constant 9984 : i32
        %dma_wait3A_30 = arith.constant 0 : i32
        %dma_wait3A_31 = tpu.memref_slice %arg4[%dma_wait3A_29, %dma_wait3A_30] : memref<10000x128xf32, #tpu.memory_space<hbm>> -> memref<16x128xf32, #tpu.memory_space<hbm>>
        tpu.wait_dma2 semaphore(%run_scoped3A_21 : memref<!tpu.dma_semaphore, #tpu.memory_space<semaphore_mem>>) src(%dma_wait3A_31 : memref<16x128xf32, #tpu.memory_space<hbm>>) dst(%dma_wait3A_28 : memref<16x128xf32, #tpu.memory_space<vmem_shared>>)
        tpu.yield
      }) : () -> ()
    } else {
    }
    %barrier3A = arith.constant 0 : index
    tpu.barrier barrier_id(%barrier3A)
    %scan3A = arith.constant 0 : i32
    %scan3A_5 = arith.constant 0 : i32
    %scan3A_6 = arith.constant 19 : i32
    %scan3A_7 = arith.addi %scan3A_5, %scan3A_6 : i32
    %scan3A_8 = arith.constant 1 : i32
    scf.for %scan3A_21 = %scan3A_5 to %scan3A_7 step %scan3A_8  : i32 {
      %mul3A_22 = arith.constant 4 : i32
      %mul3A_23 = arith.muli %scan3A_21, %mul3A_22 : i32
      %add3A_24 = arith.constant 0 : i32
      %add3A_25 = arith.addi %mul3A_23, %add3A_24 : i32
      %dma_start3A = arith.constant 0 : i32
      %dma_start3A_26 = arith.constant 0 : i32
      %dma_start3A_27 = tpu.memref_slice %arg6[%add3A_25, %dma_start3A_26] : memref<79x128xi32, #tpu.memory_space<vmem>> -> memref<1x128xi32, #tpu.memory_space<vmem>>
      %dma_start3A_28 = tpu.memref_squeeze %dma_start3A_27 : memref<1x128xi32, #tpu.memory_space<vmem>> -> memref<128xi32, #tpu.memory_space<vmem>>
      %dma_start3A_29 = arith.constant 0 : i32
      %dma_start3A_30 = arith.constant 0 : i32
      %dma_start3A_31 = tpu.memref_slice %arg9[%dma_start3A_29, %dma_start3A_30] : memref<10128x128xf32, #tpu.memory_space<vmem_shared>> -> memref<10128x128xf32, #tpu.memory_space<vmem_shared>>
      %dma_start3A_32 = tpu.memref_slice %arg8[%dma_start3A] : memref<4x!tpu.dma_semaphore, #tpu.memory_space<semaphore_mem>> -> memref<1x!tpu.dma_semaphore, #tpu.memory_space<semaphore_mem>>
      %dma_start3A_33 = tpu.memref_squeeze %dma_start3A_32 : memref<1x!tpu.dma_semaphore, #tpu.memory_space<semaphore_mem>> -> memref<!tpu.dma_semaphore, #tpu.memory_space<semaphore_mem>>
      tpu.enqueue_indirect_dma source(%arg7 : memref<128x128xf32, #tpu.memory_space<vmem>>) target(%dma_start3A_31 : memref<10128x128xf32, #tpu.memory_space<vmem_shared>>) offsets(%dma_start3A_28 : memref<128xi32, #tpu.memory_space<vmem>>) semaphore(%dma_start3A_33 : memref<!tpu.dma_semaphore, #tpu.memory_space<semaphore_mem>>) {add = true}
      %mul3A_34 = arith.constant 4 : i32
      %mul3A_35 = arith.muli %scan3A_21, %mul3A_34 : i32
      %add3A_36 = arith.constant 1 : i32
      %add3A_37 = arith.addi %mul3A_35, %add3A_36 : i32
      %dma_start3A_38 = arith.constant 1 : i32
      %dma_start3A_39 = arith.constant 0 : i32
      %dma_start3A_40 = tpu.memref_slice %arg6[%add3A_37, %dma_start3A_39] : memref<79x128xi32, #tpu.memory_space<vmem>> -> memref<1x128xi32, #tpu.memory_space<vmem>>
      %dma_start3A_41 = tpu.memref_squeeze %dma_start3A_40 : memref<1x128xi32, #tpu.memory_space<vmem>> -> memref<128xi32, #tpu.memory_space<vmem>>
      %dma_start3A_42 = arith.constant 0 : i32
      %dma_start3A_43 = arith.constant 0 : i32
      %dma_start3A_44 = tpu.memref_slice %arg9[%dma_start3A_42, %dma_start3A_43] : memref<10128x128xf32, #tpu.memory_space<vmem_shared>> -> memref<10128x128xf32, #tpu.memory_space<vmem_shared>>
      %dma_start3A_45 = tpu.memref_slice %arg8[%dma_start3A_38] : memref<4x!tpu.dma_semaphore, #tpu.memory_space<semaphore_mem>> -> memref<1x!tpu.dma_semaphore, #tpu.memory_space<semaphore_mem>>
      %dma_start3A_46 = tpu.memref_squeeze %dma_start3A_45 : memref<1x!tpu.dma_semaphore, #tpu.memory_space<semaphore_mem>> -> memref<!tpu.dma_semaphore, #tpu.memory_space<semaphore_mem>>
      tpu.enqueue_indirect_dma source(%arg7 : memref<128x128xf32, #tpu.memory_space<vmem>>) target(%dma_start3A_44 : memref<10128x128xf32, #tpu.memory_space<vmem_shared>>) offsets(%dma_start3A_41 : memref<128xi32, #tpu.memory_space<vmem>>) semaphore(%dma_start3A_46 : memref<!tpu.dma_semaphore, #tpu.memory_space<semaphore_mem>>) {add = true}
      %mul3A_47 = arith.constant 4 : i32
      %mul3A_48 = arith.muli %scan3A_21, %mul3A_47 : i32
      %add3A_49 = arith.constant 2 : i32
      %add3A_50 = arith.addi %mul3A_48, %add3A_49 : i32
      %dma_start3A_51 = arith.constant 2 : i32
      %dma_start3A_52 = arith.constant 0 : i32
      %dma_start3A_53 = tpu.memref_slice %arg6[%add3A_50, %dma_start3A_52] : memref<79x128xi32, #tpu.memory_space<vmem>> -> memref<1x128xi32, #tpu.memory_space<vmem>>
      %dma_start3A_54 = tpu.memref_squeeze %dma_start3A_53 : memref<1x128xi32, #tpu.memory_space<vmem>> -> memref<128xi32, #tpu.memory_space<vmem>>
      %dma_start3A_55 = arith.constant 0 : i32
      %dma_start3A_56 = arith.constant 0 : i32
      %dma_start3A_57 = tpu.memref_slice %arg9[%dma_start3A_55, %dma_start3A_56] : memref<10128x128xf32, #tpu.memory_space<vmem_shared>> -> memref<10128x128xf32, #tpu.memory_space<vmem_shared>>
      %dma_start3A_58 = tpu.memref_slice %arg8[%dma_start3A_51] : memref<4x!tpu.dma_semaphore, #tpu.memory_space<semaphore_mem>> -> memref<1x!tpu.dma_semaphore, #tpu.memory_space<semaphore_mem>>
      %dma_start3A_59 = tpu.memref_squeeze %dma_start3A_58 : memref<1x!tpu.dma_semaphore, #tpu.memory_space<semaphore_mem>> -> memref<!tpu.dma_semaphore, #tpu.memory_space<semaphore_mem>>
      tpu.enqueue_indirect_dma source(%arg7 : memref<128x128xf32, #tpu.memory_space<vmem>>) target(%dma_start3A_57 : memref<10128x128xf32, #tpu.memory_space<vmem_shared>>) offsets(%dma_start3A_54 : memref<128xi32, #tpu.memory_space<vmem>>) semaphore(%dma_start3A_59 : memref<!tpu.dma_semaphore, #tpu.memory_space<semaphore_mem>>) {add = true}
      %mul3A_60 = arith.constant 4 : i32
      %mul3A_61 = arith.muli %scan3A_21, %mul3A_60 : i32
      %add3A_62 = arith.constant 3 : i32
      %add3A_63 = arith.addi %mul3A_61, %add3A_62 : i32
      %dma_start3A_64 = arith.constant 3 : i32
      %dma_start3A_65 = arith.constant 0 : i32
      %dma_start3A_66 = tpu.memref_slice %arg6[%add3A_63, %dma_start3A_65] : memref<79x128xi32, #tpu.memory_space<vmem>> -> memref<1x128xi32, #tpu.memory_space<vmem>>
      %dma_start3A_67 = tpu.memref_squeeze %dma_start3A_66 : memref<1x128xi32, #tpu.memory_space<vmem>> -> memref<128xi32, #tpu.memory_space<vmem>>
      %dma_start3A_68 = arith.constant 0 : i32
      %dma_start3A_69 = arith.constant 0 : i32
      %dma_start3A_70 = tpu.memref_slice %arg9[%dma_start3A_68, %dma_start3A_69] : memref<10128x128xf32, #tpu.memory_space<vmem_shared>> -> memref<10128x128xf32, #tpu.memory_space<vmem_shared>>
      %dma_start3A_71 = tpu.memref_slice %arg8[%dma_start3A_64] : memref<4x!tpu.dma_semaphore, #tpu.memory_space<semaphore_mem>> -> memref<1x!tpu.dma_semaphore, #tpu.memory_space<semaphore_mem>>
      %dma_start3A_72 = tpu.memref_squeeze %dma_start3A_71 : memref<1x!tpu.dma_semaphore, #tpu.memory_space<semaphore_mem>> -> memref<!tpu.dma_semaphore, #tpu.memory_space<semaphore_mem>>
      tpu.enqueue_indirect_dma source(%arg7 : memref<128x128xf32, #tpu.memory_space<vmem>>) target(%dma_start3A_70 : memref<10128x128xf32, #tpu.memory_space<vmem_shared>>) offsets(%dma_start3A_67 : memref<128xi32, #tpu.memory_space<vmem>>) semaphore(%dma_start3A_72 : memref<!tpu.dma_semaphore, #tpu.memory_space<semaphore_mem>>) {add = true}
      %mul3A_73 = arith.constant 4 : i32
      %mul3A_74 = arith.muli %scan3A_21, %mul3A_73 : i32
      %add3A_75 = arith.constant 0 : i32
      %add3A_76 = arith.addi %mul3A_74, %add3A_75 : i32
      %dma_wait3A = arith.constant 0 : i32
      %dma_wait3A_77 = arith.constant 0 : i32
      %dma_wait3A_78 = tpu.memref_slice %arg6[%add3A_76, %dma_wait3A_77] : memref<79x128xi32, #tpu.memory_space<vmem>> -> memref<1x128xi32, #tpu.memory_space<vmem>>
      %dma_wait3A_79 = tpu.memref_squeeze %dma_wait3A_78 : memref<1x128xi32, #tpu.memory_space<vmem>> -> memref<128xi32, #tpu.memory_space<vmem>>
      %dma_wait3A_80 = arith.constant 0 : i32
      %dma_wait3A_81 = arith.constant 0 : i32
      %dma_wait3A_82 = tpu.memref_slice %arg9[%dma_wait3A_80, %dma_wait3A_81] : memref<10128x128xf32, #tpu.memory_space<vmem_shared>> -> memref<10128x128xf32, #tpu.memory_space<vmem_shared>>
      %dma_wait3A_83 = tpu.memref_slice %arg8[%dma_wait3A] : memref<4x!tpu.dma_semaphore, #tpu.memory_space<semaphore_mem>> -> memref<1x!tpu.dma_semaphore, #tpu.memory_space<semaphore_mem>>
      %dma_wait3A_84 = tpu.memref_squeeze %dma_wait3A_83 : memref<1x!tpu.dma_semaphore, #tpu.memory_space<semaphore_mem>> -> memref<!tpu.dma_semaphore, #tpu.memory_space<semaphore_mem>>
      tpu.wait_indirect_dma semaphore(%dma_wait3A_84 : memref<!tpu.dma_semaphore, #tpu.memory_space<semaphore_mem>>) src(%arg7 : memref<128x128xf32, #tpu.memory_space<vmem>>) dst(%dma_wait3A_82 : memref<10128x128xf32, #tpu.memory_space<vmem_shared>>)
      %mul3A_85 = arith.constant 4 : i32
      %mul3A_86 = arith.muli %scan3A_21, %mul3A_85 : i32
      %add3A_87 = arith.constant 1 : i32
      %add3A_88 = arith.addi %mul3A_86, %add3A_87 : i32
      %dma_wait3A_89 = arith.constant 1 : i32
      %dma_wait3A_90 = arith.constant 0 : i32
      %dma_wait3A_91 = tpu.memref_slice %arg6[%add3A_88, %dma_wait3A_90] : memref<79x128xi32, #tpu.memory_space<vmem>> -> memref<1x128xi32, #tpu.memory_space<vmem>>
      %dma_wait3A_92 = tpu.memref_squeeze %dma_wait3A_91 : memref<1x128xi32, #tpu.memory_space<vmem>> -> memref<128xi32, #tpu.memory_space<vmem>>
      %dma_wait3A_93 = arith.constant 0 : i32
      %dma_wait3A_94 = arith.constant 0 : i32
      %dma_wait3A_95 = tpu.memref_slice %arg9[%dma_wait3A_93, %dma_wait3A_94] : memref<10128x128xf32, #tpu.memory_space<vmem_shared>> -> memref<10128x128xf32, #tpu.memory_space<vmem_shared>>
      %dma_wait3A_96 = tpu.memref_slice %arg8[%dma_wait3A_89] : memref<4x!tpu.dma_semaphore, #tpu.memory_space<semaphore_mem>> -> memref<1x!tpu.dma_semaphore, #tpu.memory_space<semaphore_mem>>
      %dma_wait3A_97 = tpu.memref_squeeze %dma_wait3A_96 : memref<1x!tpu.dma_semaphore, #tpu.memory_space<semaphore_mem>> -> memref<!tpu.dma_semaphore, #tpu.memory_space<semaphore_mem>>
      tpu.wait_indirect_dma semaphore(%dma_wait3A_97 : memref<!tpu.dma_semaphore, #tpu.memory_space<semaphore_mem>>) src(%arg7 : memref<128x128xf32, #tpu.memory_space<vmem>>) dst(%dma_wait3A_95 : memref<10128x128xf32, #tpu.memory_space<vmem_shared>>)
      %mul3A_98 = arith.constant 4 : i32
      %mul3A_99 = arith.muli %scan3A_21, %mul3A_98 : i32
      %add3A_100 = arith.constant 2 : i32
      %add3A_101 = arith.addi %mul3A_99, %add3A_100 : i32
      %dma_wait3A_102 = arith.constant 2 : i32
      %dma_wait3A_103 = arith.constant 0 : i32
      %dma_wait3A_104 = tpu.memref_slice %arg6[%add3A_101, %dma_wait3A_103] : memref<79x128xi32, #tpu.memory_space<vmem>> -> memref<1x128xi32, #tpu.memory_space<vmem>>
      %dma_wait3A_105 = tpu.memref_squeeze %dma_wait3A_104 : memref<1x128xi32, #tpu.memory_space<vmem>> -> memref<128xi32, #tpu.memory_space<vmem>>
      %dma_wait3A_106 = arith.constant 0 : i32
      %dma_wait3A_107 = arith.constant 0 : i32
      %dma_wait3A_108 = tpu.memref_slice %arg9[%dma_wait3A_106, %dma_wait3A_107] : memref<10128x128xf32, #tpu.memory_space<vmem_shared>> -> memref<10128x128xf32, #tpu.memory_space<vmem_shared>>
      %dma_wait3A_109 = tpu.memref_slice %arg8[%dma_wait3A_102] : memref<4x!tpu.dma_semaphore, #tpu.memory_space<semaphore_mem>> -> memref<1x!tpu.dma_semaphore, #tpu.memory_space<semaphore_mem>>
      %dma_wait3A_110 = tpu.memref_squeeze %dma_wait3A_109 : memref<1x!tpu.dma_semaphore, #tpu.memory_space<semaphore_mem>> -> memref<!tpu.dma_semaphore, #tpu.memory_space<semaphore_mem>>
      tpu.wait_indirect_dma semaphore(%dma_wait3A_110 : memref<!tpu.dma_semaphore, #tpu.memory_space<semaphore_mem>>) src(%arg7 : memref<128x128xf32, #tpu.memory_space<vmem>>) dst(%dma_wait3A_108 : memref<10128x128xf32, #tpu.memory_space<vmem_shared>>)
      %mul3A_111 = arith.constant 4 : i32
      %mul3A_112 = arith.muli %scan3A_21, %mul3A_111 : i32
      %add3A_113 = arith.constant 3 : i32
      %add3A_114 = arith.addi %mul3A_112, %add3A_113 : i32
      %dma_wait3A_115 = arith.constant 3 : i32
      %dma_wait3A_116 = arith.constant 0 : i32
      %dma_wait3A_117 = tpu.memref_slice %arg6[%add3A_114, %dma_wait3A_116] : memref<79x128xi32, #tpu.memory_space<vmem>> -> memref<1x128xi32, #tpu.memory_space<vmem>>
      %dma_wait3A_118 = tpu.memref_squeeze %dma_wait3A_117 : memref<1x128xi32, #tpu.memory_space<vmem>> -> memref<128xi32, #tpu.memory_space<vmem>>
      %dma_wait3A_119 = arith.constant 0 : i32
      %dma_wait3A_120 = arith.constant 0 : i32
      %dma_wait3A_121 = tpu.memref_slice %arg9[%dma_wait3A_119, %dma_wait3A_120] : memref<10128x128xf32, #tpu.memory_space<vmem_shared>> -> memref<10128x128xf32, #tpu.memory_space<vmem_shared>>
      %dma_wait3A_122 = tpu.memref_slice %arg8[%dma_wait3A_115] : memref<4x!tpu.dma_semaphore, #tpu.memory_space<semaphore_mem>> -> memref<1x!tpu.dma_semaphore, #tpu.memory_space<semaphore_mem>>
      %dma_wait3A_123 = tpu.memref_squeeze %dma_wait3A_122 : memref<1x!tpu.dma_semaphore, #tpu.memory_space<semaphore_mem>> -> memref<!tpu.dma_semaphore, #tpu.memory_space<semaphore_mem>>
      tpu.wait_indirect_dma semaphore(%dma_wait3A_123 : memref<!tpu.dma_semaphore, #tpu.memory_space<semaphore_mem>>) src(%arg7 : memref<128x128xf32, #tpu.memory_space<vmem>>) dst(%dma_wait3A_121 : memref<10128x128xf32, #tpu.memory_space<vmem_shared>>)
    }
    %scan3A_9 = arith.constant 19 : i32
    %run_scoped3A = arith.constant 76 : i32
    "tpu.region"() ({
      %run_scoped3A_21 = tpu.sem_alloc : memref<!tpu.dma_semaphore, #tpu.memory_space<semaphore_mem>>
      %dma_start3A = arith.constant 0 : i32
      %dma_start3A_22 = tpu.memref_slice %arg6[%run_scoped3A, %dma_start3A] : memref<79x128xi32, #tpu.memory_space<vmem>> -> memref<1x128xi32, #tpu.memory_space<vmem>>
      %dma_start3A_23 = tpu.memref_squeeze %dma_start3A_22 : memref<1x128xi32, #tpu.memory_space<vmem>> -> memref<128xi32, #tpu.memory_space<vmem>>
      %dma_start3A_24 = arith.constant 0 : i32
      %dma_start3A_25 = arith.constant 0 : i32
      %dma_start3A_26 = tpu.memref_slice %arg9[%dma_start3A_24, %dma_start3A_25] : memref<10128x128xf32, #tpu.memory_space<vmem_shared>> -> memref<10128x128xf32, #tpu.memory_space<vmem_shared>>
      tpu.enqueue_indirect_dma source(%arg7 : memref<128x128xf32, #tpu.memory_space<vmem>>) target(%dma_start3A_26 : memref<10128x128xf32, #tpu.memory_space<vmem_shared>>) offsets(%dma_start3A_23 : memref<128xi32, #tpu.memory_space<vmem>>) semaphore(%run_scoped3A_21 : memref<!tpu.dma_semaphore, #tpu.memory_space<semaphore_mem>>) {add = true}
      %dma_wait3A = arith.constant 0 : i32
      %dma_wait3A_27 = tpu.memref_slice %arg6[%run_scoped3A, %dma_wait3A] : memref<79x128xi32, #tpu.memory_space<vmem>> -> memref<1x128xi32, #tpu.memory_space<vmem>>
      %dma_wait3A_28 = tpu.memref_squeeze %dma_wait3A_27 : memref<1x128xi32, #tpu.memory_space<vmem>> -> memref<128xi32, #tpu.memory_space<vmem>>
      %dma_wait3A_29 = arith.constant 0 : i32
      %dma_wait3A_30 = arith.constant 0 : i32
      %dma_wait3A_31 = tpu.memref_slice %arg9[%dma_wait3A_29, %dma_wait3A_30] : memref<10128x128xf32, #tpu.memory_space<vmem_shared>> -> memref<10128x128xf32, #tpu.memory_space<vmem_shared>>
      tpu.wait_indirect_dma semaphore(%run_scoped3A_21 : memref<!tpu.dma_semaphore, #tpu.memory_space<semaphore_mem>>) src(%arg7 : memref<128x128xf32, #tpu.memory_space<vmem>>) dst(%dma_wait3A_31 : memref<10128x128xf32, #tpu.memory_space<vmem_shared>>)
      tpu.yield
    }) : () -> ()
    %run_scoped3A_10 = arith.constant 77 : i32
    "tpu.region"() ({
      %run_scoped3A_21 = tpu.sem_alloc : memref<!tpu.dma_semaphore, #tpu.memory_space<semaphore_mem>>
      %dma_start3A = arith.constant 0 : i32
      %dma_start3A_22 = tpu.memref_slice %arg6[%run_scoped3A_10, %dma_start3A] : memref<79x128xi32, #tpu.memory_space<vmem>> -> memref<1x128xi32, #tpu.memory_space<vmem>>
      %dma_start3A_23 = tpu.memref_squeeze %dma_start3A_22 : memref<1x128xi32, #tpu.memory_space<vmem>> -> memref<128xi32, #tpu.memory_space<vmem>>
      %dma_start3A_24 = arith.constant 0 : i32
      %dma_start3A_25 = arith.constant 0 : i32
      %dma_start3A_26 = tpu.memref_slice %arg9[%dma_start3A_24, %dma_start3A_25] : memref<10128x128xf32, #tpu.memory_space<vmem_shared>> -> memref<10128x128xf32, #tpu.memory_space<vmem_shared>>
      tpu.enqueue_indirect_dma source(%arg7 : memref<128x128xf32, #tpu.memory_space<vmem>>) target(%dma_start3A_26 : memref<10128x128xf32, #tpu.memory_space<vmem_shared>>) offsets(%dma_start3A_23 : memref<128xi32, #tpu.memory_space<vmem>>) semaphore(%run_scoped3A_21 : memref<!tpu.dma_semaphore, #tpu.memory_space<semaphore_mem>>) {add = true}
      %dma_wait3A = arith.constant 0 : i32
      %dma_wait3A_27 = tpu.memref_slice %arg6[%run_scoped3A_10, %dma_wait3A] : memref<79x128xi32, #tpu.memory_space<vmem>> -> memref<1x128xi32, #tpu.memory_space<vmem>>
      %dma_wait3A_28 = tpu.memref_squeeze %dma_wait3A_27 : memref<1x128xi32, #tpu.memory_space<vmem>> -> memref<128xi32, #tpu.memory_space<vmem>>
      %dma_wait3A_29 = arith.constant 0 : i32
      %dma_wait3A_30 = arith.constant 0 : i32
      %dma_wait3A_31 = tpu.memref_slice %arg9[%dma_wait3A_29, %dma_wait3A_30] : memref<10128x128xf32, #tpu.memory_space<vmem_shared>> -> memref<10128x128xf32, #tpu.memory_space<vmem_shared>>
      tpu.wait_indirect_dma semaphore(%run_scoped3A_21 : memref<!tpu.dma_semaphore, #tpu.memory_space<semaphore_mem>>) src(%arg7 : memref<128x128xf32, #tpu.memory_space<vmem>>) dst(%dma_wait3A_31 : memref<10128x128xf32, #tpu.memory_space<vmem_shared>>)
      tpu.yield
    }) : () -> ()
    %run_scoped3A_11 = arith.constant 78 : i32
    "tpu.region"() ({
      %run_scoped3A_21 = tpu.sem_alloc : memref<!tpu.dma_semaphore, #tpu.memory_space<semaphore_mem>>
      %dma_start3A = arith.constant 0 : i32
      %dma_start3A_22 = tpu.memref_slice %arg6[%run_scoped3A_11, %dma_start3A] : memref<79x128xi32, #tpu.memory_space<vmem>> -> memref<1x128xi32, #tpu.memory_space<vmem>>
      %dma_start3A_23 = tpu.memref_squeeze %dma_start3A_22 : memref<1x128xi32, #tpu.memory_space<vmem>> -> memref<128xi32, #tpu.memory_space<vmem>>
      %dma_start3A_24 = arith.constant 0 : i32
      %dma_start3A_25 = arith.constant 0 : i32
      %dma_start3A_26 = tpu.memref_slice %arg9[%dma_start3A_24, %dma_start3A_25] : memref<10128x128xf32, #tpu.memory_space<vmem_shared>> -> memref<10128x128xf32, #tpu.memory_space<vmem_shared>>
      tpu.enqueue_indirect_dma source(%arg7 : memref<128x128xf32, #tpu.memory_space<vmem>>) target(%dma_start3A_26 : memref<10128x128xf32, #tpu.memory_space<vmem_shared>>) offsets(%dma_start3A_23 : memref<128xi32, #tpu.memory_space<vmem>>) semaphore(%run_scoped3A_21 : memref<!tpu.dma_semaphore, #tpu.memory_space<semaphore_mem>>) {add = true}
      %dma_wait3A = arith.constant 0 : i32
      %dma_wait3A_27 = tpu.memref_slice %arg6[%run_scoped3A_11, %dma_wait3A] : memref<79x128xi32, #tpu.memory_space<vmem>> -> memref<1x128xi32, #tpu.memory_space<vmem>>
      %dma_wait3A_28 = tpu.memref_squeeze %dma_wait3A_27 : memref<1x128xi32, #tpu.memory_space<vmem>> -> memref<128xi32, #tpu.memory_space<vmem>>
      %dma_wait3A_29 = arith.constant 0 : i32
      %dma_wait3A_30 = arith.constant 0 : i32
      %dma_wait3A_31 = tpu.memref_slice %arg9[%dma_wait3A_29, %dma_wait3A_30] : memref<10128x128xf32, #tpu.memory_space<vmem_shared>> -> memref<10128x128xf32, #tpu.memory_space<vmem_shared>>
      tpu.wait_indirect_dma semaphore(%run_scoped3A_21 : memref<!tpu.dma_semaphore, #tpu.memory_space<semaphore_mem>>) src(%arg7 : memref<128x128xf32, #tpu.memory_space<vmem>>) dst(%dma_wait3A_31 : memref<10128x128xf32, #tpu.memory_space<vmem_shared>>)
      tpu.yield
    }) : () -> ()
    %barrier3A_12 = arith.constant 0 : index
    tpu.barrier barrier_id(%barrier3A_12)
    %mul3A_13 = arith.constant 624 : i32
    %mul3A_14 = arith.muli %arg1, %mul3A_13 : i32
    %multiple_of3A_15 = tpu.assume_multiple %mul3A_14, 8 : i32
    "tpu.region"() ({
      %run_scoped3A_21 = tpu.sem_alloc : memref<!tpu.dma_semaphore, #tpu.memory_space<semaphore_mem>>
      %dma_start3A = arith.constant 0 : i32
      %dma_start3A_22 = arith.constant 0 : i32
      %dma_start3A_23 = tpu.memref_slice %arg5[%arg0, %dma_start3A, %dma_start3A_22] : memref<2x10000x128xf32, #tpu.memory_space<hbm>> -> memref<1x10000x128xf32, #tpu.memory_space<hbm>>
      %dma_start3A_24 = tpu.memref_squeeze %dma_start3A_23 : memref<1x10000x128xf32, #tpu.memory_space<hbm>> -> memref<10000x128xf32, #tpu.memory_space<hbm>>
      %dma_start3A_25 = arith.constant 0 : i32
      %dma_start3A_26 = tpu.memref_slice %dma_start3A_24[%multiple_of3A_15, %dma_start3A_25] : memref<10000x128xf32, #tpu.memory_space<hbm>> -> memref<624x128xf32, #tpu.memory_space<hbm>>
      %dma_start3A_27 = arith.constant 0 : i32
      %dma_start3A_28 = tpu.memref_slice %arg9[%multiple_of3A_15, %dma_start3A_27] : memref<10128x128xf32, #tpu.memory_space<vmem_shared>> -> memref<624x128xf32, #tpu.memory_space<vmem_shared>>
      tpu.enqueue_dma source(%dma_start3A_28 : memref<624x128xf32, #tpu.memory_space<vmem_shared>>) target(%dma_start3A_26 : memref<624x128xf32, #tpu.memory_space<hbm>>) target_semaphore(%run_scoped3A_21 : memref<!tpu.dma_semaphore, #tpu.memory_space<semaphore_mem>>)
      %dma_wait3A = arith.constant 0 : i32
      %dma_wait3A_29 = arith.constant 0 : i32
      %dma_wait3A_30 = tpu.memref_slice %arg5[%arg0, %dma_wait3A, %dma_wait3A_29] : memref<2x10000x128xf32, #tpu.memory_space<hbm>> -> memref<1x10000x128xf32, #tpu.memory_space<hbm>>
      %dma_wait3A_31 = tpu.memref_squeeze %dma_wait3A_30 : memref<1x10000x128xf32, #tpu.memory_space<hbm>> -> memref<10000x128xf32, #tpu.memory_space<hbm>>
      %dma_wait3A_32 = arith.constant 0 : i32
      %dma_wait3A_33 = tpu.memref_slice %dma_wait3A_31[%multiple_of3A_15, %dma_wait3A_32] : memref<10000x128xf32, #tpu.memory_space<hbm>> -> memref<624x128xf32, #tpu.memory_space<hbm>>
      %dma_wait3A_34 = arith.constant 0 : i32
      %dma_wait3A_35 = tpu.memref_slice %arg9[%multiple_of3A_15, %dma_wait3A_34] : memref<10128x128xf32, #tpu.memory_space<vmem_shared>> -> memref<624x128xf32, #tpu.memory_space<vmem_shared>>
      tpu.wait_dma2 semaphore(%run_scoped3A_21 : memref<!tpu.dma_semaphore, #tpu.memory_space<semaphore_mem>>) src(%dma_wait3A_35 : memref<624x128xf32, #tpu.memory_space<vmem_shared>>) dst(%dma_wait3A_33 : memref<624x128xf32, #tpu.memory_space<hbm>>)
      tpu.yield
    }) : () -> ()
    %eq3A_16 = arith.constant 15 : i32
    %eq3A_17 = arith.cmpi eq, %arg1, %eq3A_16 : i32
    %convert_element_type3A_18 = arith.extui %eq3A_17 : i1 to i32
    %cond3A_19 = arith.constant 0 : i32
    %cond3A_20 = arith.cmpi ne, %convert_element_type3A_18, %cond3A_19 : i32
    scf.if %cond3A_20 {
      "tpu.region"() ({
        %run_scoped3A_21 = tpu.sem_alloc : memref<!tpu.dma_semaphore, #tpu.memory_space<semaphore_mem>>
        %dma_start3A = arith.constant 0 : i32
        %dma_start3A_22 = arith.constant 0 : i32
        %dma_start3A_23 = tpu.memref_slice %arg5[%arg0, %dma_start3A, %dma_start3A_22] : memref<2x10000x128xf32, #tpu.memory_space<hbm>> -> memref<1x10000x128xf32, #tpu.memory_space<hbm>>
        %dma_start3A_24 = tpu.memref_squeeze %dma_start3A_23 : memref<1x10000x128xf32, #tpu.memory_space<hbm>> -> memref<10000x128xf32, #tpu.memory_space<hbm>>
        %dma_start3A_25 = arith.constant 9984 : i32
        %dma_start3A_26 = arith.constant 0 : i32
        %dma_start3A_27 = tpu.memref_slice %dma_start3A_24[%dma_start3A_25, %dma_start3A_26] : memref<10000x128xf32, #tpu.memory_space<hbm>> -> memref<16x128xf32, #tpu.memory_space<hbm>>
        %dma_start3A_28 = arith.constant 9984 : i32
        %dma_start3A_29 = arith.constant 0 : i32
        %dma_start3A_30 = tpu.memref_slice %arg9[%dma_start3A_28, %dma_start3A_29] : memref<10128x128xf32, #tpu.memory_space<vmem_shared>> -> memref<16x128xf32, #tpu.memory_space<vmem_shared>>
        tpu.enqueue_dma source(%dma_start3A_30 : memref<16x128xf32, #tpu.memory_space<vmem_shared>>) target(%dma_start3A_27 : memref<16x128xf32, #tpu.memory_space<hbm>>) target_semaphore(%run_scoped3A_21 : memref<!tpu.dma_semaphore, #tpu.memory_space<semaphore_mem>>)
        %dma_wait3A = arith.constant 0 : i32
        %dma_wait3A_31 = arith.constant 0 : i32
        %dma_wait3A_32 = tpu.memref_slice %arg5[%arg0, %dma_wait3A, %dma_wait3A_31] : memref<2x10000x128xf32, #tpu.memory_space<hbm>> -> memref<1x10000x128xf32, #tpu.memory_space<hbm>>
        %dma_wait3A_33 = tpu.memref_squeeze %dma_wait3A_32 : memref<1x10000x128xf32, #tpu.memory_space<hbm>> -> memref<10000x128xf32, #tpu.memory_space<hbm>>
        %dma_wait3A_34 = arith.constant 9984 : i32
        %dma_wait3A_35 = arith.constant 0 : i32
        %dma_wait3A_36 = tpu.memref_slice %dma_wait3A_33[%dma_wait3A_34, %dma_wait3A_35] : memref<10000x128xf32, #tpu.memory_space<hbm>> -> memref<16x128xf32, #tpu.memory_space<hbm>>
        %dma_wait3A_37 = arith.constant 9984 : i32
        %dma_wait3A_38 = arith.constant 0 : i32
        %dma_wait3A_39 = tpu.memref_slice %arg9[%dma_wait3A_37, %dma_wait3A_38] : memref<10128x128xf32, #tpu.memory_space<vmem_shared>> -> memref<16x128xf32, #tpu.memory_space<vmem_shared>>
        tpu.wait_dma2 semaphore(%run_scoped3A_21 : memref<!tpu.dma_semaphore, #tpu.memory_space<semaphore_mem>>) src(%dma_wait3A_39 : memref<16x128xf32, #tpu.memory_space<vmem_shared>>) dst(%dma_wait3A_36 : memref<16x128xf32, #tpu.memory_space<hbm>>)
        tpu.yield
      }) : () -> ()
    } else {
    }
    return
  }
}

#map = affine_map<(d0, d1) -> (0, 0)>
#map1 = affine_map<(d0, d1) -> (0, 0, 0)>
module attributes {stable_mosaic.version = 14 : i64} {
  func.func @agg(%arg0: i32, %arg1: i32, %arg2: memref<10000x128xf32, #tpu.memory_space<hbm>>, %arg3: memref<32x79x128xi32, #tpu.memory_space<hbm>>, %arg4: memref<32x79x128xi32, #tpu.memory_space<hbm>>, %arg5: memref<10000x128xf32, #tpu.memory_space<hbm>>, %arg6: memref<2x10000x128xf32, #tpu.memory_space<hbm>>, %arg7: memref<40x128xi32, #tpu.memory_space<vmem>>, %arg8: memref<40x128xi32, #tpu.memory_space<vmem>>, %arg9: memref<2x128x128xf32, #tpu.memory_space<vmem>>, %arg10: memref<2x!tpu.dma_semaphore, #tpu.memory_space<semaphore_mem>>, %arg11: memref<2x!tpu.dma_semaphore, #tpu.memory_space<semaphore_mem>>, %arg12: memref<10128x128xf32, #tpu.memory_space<vmem_shared>>) attributes {dimension_semantics = [#tpu.dimension_semantics<core_parallel>, #tpu.dimension_semantics<subcore_parallel>], iteration_bounds = array<i64: 2, 16>, scalar_prefetch = 0 : i64, scratch_operands = 6 : i64, tpu.core_type = #tpu.core_type<sc_vector_subcore>, window_params = [{transform_indices = #map}, {transform_indices = #map1}, {transform_indices = #map1}, {transform_indices = #map}, {transform_indices = #map1}]} {
    %mul3A = arith.constant 16 : i32
    %mul3A_0 = arith.muli %arg0, %mul3A : i32
    %add3A = arith.addi %mul3A_0, %arg1 : i32
    "tpu.region"() ({
      %run_scoped3A_294 = tpu.sem_alloc : memref<!tpu.dma_semaphore, #tpu.memory_space<semaphore_mem>>
      %dma_start3A_295 = arith.constant 0 : i32
      %dma_start3A_296 = arith.constant 0 : i32
      %dma_start3A_297 = tpu.memref_slice %arg7[%dma_start3A_295, %dma_start3A_296] : memref<40x128xi32, #tpu.memory_space<vmem>> -> memref<40x128xi32, #tpu.memory_space<vmem>>
      %dma_start3A_298 = arith.constant 0 : i32
      %dma_start3A_299 = arith.constant 0 : i32
      %dma_start3A_300 = tpu.memref_slice %arg3[%add3A, %dma_start3A_298, %dma_start3A_299] : memref<32x79x128xi32, #tpu.memory_space<hbm>> -> memref<1x40x128xi32, #tpu.memory_space<hbm>>
      %dma_start3A_301 = tpu.memref_squeeze %dma_start3A_300 : memref<1x40x128xi32, #tpu.memory_space<hbm>> -> memref<40x128xi32, #tpu.memory_space<hbm>>
      %dma_start3A_302 = arith.constant 0 : i32
      %dma_start3A_303 = arith.constant 0 : i32
      %dma_start3A_304 = tpu.memref_slice %arg7[%dma_start3A_302, %dma_start3A_303] : memref<40x128xi32, #tpu.memory_space<vmem>> -> memref<40x128xi32, #tpu.memory_space<vmem>>
      %dma_start3A_305 = arith.constant 0 : i32
      %dma_start3A_306 = arith.constant 0 : i32
      %dma_start3A_307 = tpu.memref_slice %arg3[%add3A, %dma_start3A_305, %dma_start3A_306] : memref<32x79x128xi32, #tpu.memory_space<hbm>> -> memref<1x40x128xi32, #tpu.memory_space<hbm>>
      %dma_start3A_308 = tpu.memref_squeeze %dma_start3A_307 : memref<1x40x128xi32, #tpu.memory_space<hbm>> -> memref<40x128xi32, #tpu.memory_space<hbm>>
      tpu.enqueue_dma source(%dma_start3A_308 : memref<40x128xi32, #tpu.memory_space<hbm>>) target(%dma_start3A_304 : memref<40x128xi32, #tpu.memory_space<vmem>>) target_semaphore(%run_scoped3A_294 : memref<!tpu.dma_semaphore, #tpu.memory_space<semaphore_mem>>)
      %dma_wait3A_309 = arith.constant 0 : i32
      %dma_wait3A_310 = arith.constant 0 : i32
      %dma_wait3A_311 = tpu.memref_slice %arg7[%dma_wait3A_309, %dma_wait3A_310] : memref<40x128xi32, #tpu.memory_space<vmem>> -> memref<40x128xi32, #tpu.memory_space<vmem>>
      %dma_wait3A_312 = arith.constant 0 : i32
      %dma_wait3A_313 = arith.constant 0 : i32
      %dma_wait3A_314 = tpu.memref_slice %arg3[%add3A, %dma_wait3A_312, %dma_wait3A_313] : memref<32x79x128xi32, #tpu.memory_space<hbm>> -> memref<1x40x128xi32, #tpu.memory_space<hbm>>
      %dma_wait3A_315 = tpu.memref_squeeze %dma_wait3A_314 : memref<1x40x128xi32, #tpu.memory_space<hbm>> -> memref<40x128xi32, #tpu.memory_space<hbm>>
      %dma_wait3A_316 = arith.constant 0 : i32
      %dma_wait3A_317 = arith.constant 0 : i32
      %dma_wait3A_318 = tpu.memref_slice %arg7[%dma_wait3A_316, %dma_wait3A_317] : memref<40x128xi32, #tpu.memory_space<vmem>> -> memref<40x128xi32, #tpu.memory_space<vmem>>
      %dma_wait3A_319 = arith.constant 0 : i32
      %dma_wait3A_320 = arith.constant 0 : i32
      %dma_wait3A_321 = tpu.memref_slice %arg3[%add3A, %dma_wait3A_319, %dma_wait3A_320] : memref<32x79x128xi32, #tpu.memory_space<hbm>> -> memref<1x40x128xi32, #tpu.memory_space<hbm>>
      %dma_wait3A_322 = tpu.memref_squeeze %dma_wait3A_321 : memref<1x40x128xi32, #tpu.memory_space<hbm>> -> memref<40x128xi32, #tpu.memory_space<hbm>>
      tpu.wait_dma2 semaphore(%run_scoped3A_294 : memref<!tpu.dma_semaphore, #tpu.memory_space<semaphore_mem>>) src(%dma_wait3A_322 : memref<40x128xi32, #tpu.memory_space<hbm>>) dst(%dma_wait3A_318 : memref<40x128xi32, #tpu.memory_space<vmem>>)
      tpu.yield
    }) : () -> ()
    "tpu.region"() ({
      %run_scoped3A_294 = tpu.sem_alloc : memref<!tpu.dma_semaphore, #tpu.memory_space<semaphore_mem>>
      %dma_start3A_295 = arith.constant 0 : i32
      %dma_start3A_296 = arith.constant 0 : i32
      %dma_start3A_297 = tpu.memref_slice %arg8[%dma_start3A_295, %dma_start3A_296] : memref<40x128xi32, #tpu.memory_space<vmem>> -> memref<40x128xi32, #tpu.memory_space<vmem>>
      %dma_start3A_298 = arith.constant 0 : i32
      %dma_start3A_299 = arith.constant 0 : i32
      %dma_start3A_300 = tpu.memref_slice %arg4[%add3A, %dma_start3A_298, %dma_start3A_299] : memref<32x79x128xi32, #tpu.memory_space<hbm>> -> memref<1x40x128xi32, #tpu.memory_space<hbm>>
      %dma_start3A_301 = tpu.memref_squeeze %dma_start3A_300 : memref<1x40x128xi32, #tpu.memory_space<hbm>> -> memref<40x128xi32, #tpu.memory_space<hbm>>
      %dma_start3A_302 = arith.constant 0 : i32
      %dma_start3A_303 = arith.constant 0 : i32
      %dma_start3A_304 = tpu.memref_slice %arg8[%dma_start3A_302, %dma_start3A_303] : memref<40x128xi32, #tpu.memory_space<vmem>> -> memref<40x128xi32, #tpu.memory_space<vmem>>
      %dma_start3A_305 = arith.constant 0 : i32
      %dma_start3A_306 = arith.constant 0 : i32
      %dma_start3A_307 = tpu.memref_slice %arg4[%add3A, %dma_start3A_305, %dma_start3A_306] : memref<32x79x128xi32, #tpu.memory_space<hbm>> -> memref<1x40x128xi32, #tpu.memory_space<hbm>>
      %dma_start3A_308 = tpu.memref_squeeze %dma_start3A_307 : memref<1x40x128xi32, #tpu.memory_space<hbm>> -> memref<40x128xi32, #tpu.memory_space<hbm>>
      tpu.enqueue_dma source(%dma_start3A_308 : memref<40x128xi32, #tpu.memory_space<hbm>>) target(%dma_start3A_304 : memref<40x128xi32, #tpu.memory_space<vmem>>) target_semaphore(%run_scoped3A_294 : memref<!tpu.dma_semaphore, #tpu.memory_space<semaphore_mem>>)
      %dma_wait3A_309 = arith.constant 0 : i32
      %dma_wait3A_310 = arith.constant 0 : i32
      %dma_wait3A_311 = tpu.memref_slice %arg8[%dma_wait3A_309, %dma_wait3A_310] : memref<40x128xi32, #tpu.memory_space<vmem>> -> memref<40x128xi32, #tpu.memory_space<vmem>>
      %dma_wait3A_312 = arith.constant 0 : i32
      %dma_wait3A_313 = arith.constant 0 : i32
      %dma_wait3A_314 = tpu.memref_slice %arg4[%add3A, %dma_wait3A_312, %dma_wait3A_313] : memref<32x79x128xi32, #tpu.memory_space<hbm>> -> memref<1x40x128xi32, #tpu.memory_space<hbm>>
      %dma_wait3A_315 = tpu.memref_squeeze %dma_wait3A_314 : memref<1x40x128xi32, #tpu.memory_space<hbm>> -> memref<40x128xi32, #tpu.memory_space<hbm>>
      %dma_wait3A_316 = arith.constant 0 : i32
      %dma_wait3A_317 = arith.constant 0 : i32
      %dma_wait3A_318 = tpu.memref_slice %arg8[%dma_wait3A_316, %dma_wait3A_317] : memref<40x128xi32, #tpu.memory_space<vmem>> -> memref<40x128xi32, #tpu.memory_space<vmem>>
      %dma_wait3A_319 = arith.constant 0 : i32
      %dma_wait3A_320 = arith.constant 0 : i32
      %dma_wait3A_321 = tpu.memref_slice %arg4[%add3A, %dma_wait3A_319, %dma_wait3A_320] : memref<32x79x128xi32, #tpu.memory_space<hbm>> -> memref<1x40x128xi32, #tpu.memory_space<hbm>>
      %dma_wait3A_322 = tpu.memref_squeeze %dma_wait3A_321 : memref<1x40x128xi32, #tpu.memory_space<hbm>> -> memref<40x128xi32, #tpu.memory_space<hbm>>
      tpu.wait_dma2 semaphore(%run_scoped3A_294 : memref<!tpu.dma_semaphore, #tpu.memory_space<semaphore_mem>>) src(%dma_wait3A_322 : memref<40x128xi32, #tpu.memory_space<hbm>>) dst(%dma_wait3A_318 : memref<40x128xi32, #tpu.memory_space<vmem>>)
      tpu.yield
    }) : () -> ()
    %dma_start3A = arith.constant 0 : i32
    %dma_start3A_1 = arith.constant 0 : i32
    %dma_start3A_2 = arith.constant 0 : i32
    %dma_start3A_3 = arith.constant 0 : i32
    %dma_start3A_4 = arith.constant 0 : i32
    %dma_start3A_5 = tpu.memref_slice %arg9[%dma_start3A_1, %dma_start3A_3, %dma_start3A_4] : memref<2x128x128xf32, #tpu.memory_space<vmem>> -> memref<1x128x128xf32, #tpu.memory_space<vmem>>
    %dma_start3A_6 = tpu.memref_squeeze %dma_start3A_5 : memref<1x128x128xf32, #tpu.memory_space<vmem>> -> memref<128x128xf32, #tpu.memory_space<vmem>>
    %dma_start3A_7 = arith.constant 0 : i32
    %dma_start3A_8 = tpu.memref_slice %arg7[%dma_start3A, %dma_start3A_7] : memref<40x128xi32, #tpu.memory_space<vmem>> -> memref<1x128xi32, #tpu.memory_space<vmem>>
    %dma_start3A_9 = tpu.memref_squeeze %dma_start3A_8 : memref<1x128xi32, #tpu.memory_space<vmem>> -> memref<128xi32, #tpu.memory_space<vmem>>
    %dma_start3A_10 = arith.constant 0 : i32
    %dma_start3A_11 = arith.constant 0 : i32
    %dma_start3A_12 = tpu.memref_slice %arg2[%dma_start3A_10, %dma_start3A_11] : memref<10000x128xf32, #tpu.memory_space<hbm>> -> memref<10000x128xf32, #tpu.memory_space<hbm>>
    %dma_start3A_13 = tpu.memref_slice %arg10[%dma_start3A_2] : memref<2x!tpu.dma_semaphore, #tpu.memory_space<semaphore_mem>> -> memref<1x!tpu.dma_semaphore, #tpu.memory_space<semaphore_mem>>
    %dma_start3A_14 = tpu.memref_squeeze %dma_start3A_13 : memref<1x!tpu.dma_semaphore, #tpu.memory_space<semaphore_mem>> -> memref<!tpu.dma_semaphore, #tpu.memory_space<semaphore_mem>>
    tpu.enqueue_indirect_dma source(%dma_start3A_12 : memref<10000x128xf32, #tpu.memory_space<hbm>>) target(%dma_start3A_6 : memref<128x128xf32, #tpu.memory_space<vmem>>) offsets(%dma_start3A_9 : memref<128xi32, #tpu.memory_space<vmem>>) semaphore(%dma_start3A_14 : memref<!tpu.dma_semaphore, #tpu.memory_space<semaphore_mem>>)
    %dma_start3A_15 = arith.constant 1 : i32
    %dma_start3A_16 = arith.constant 1 : i32
    %dma_start3A_17 = arith.constant 1 : i32
    %dma_start3A_18 = arith.constant 0 : i32
    %dma_start3A_19 = arith.constant 0 : i32
    %dma_start3A_20 = tpu.memref_slice %arg9[%dma_start3A_16, %dma_start3A_18, %dma_start3A_19] : memref<2x128x128xf32, #tpu.memory_space<vmem>> -> memref<1x128x128xf32, #tpu.memory_space<vmem>>
    %dma_start3A_21 = tpu.memref_squeeze %dma_start3A_20 : memref<1x128x128xf32, #tpu.memory_space<vmem>> -> memref<128x128xf32, #tpu.memory_space<vmem>>
    %dma_start3A_22 = arith.constant 0 : i32
    %dma_start3A_23 = tpu.memref_slice %arg7[%dma_start3A_15, %dma_start3A_22] : memref<40x128xi32, #tpu.memory_space<vmem>> -> memref<1x128xi32, #tpu.memory_space<vmem>>
    %dma_start3A_24 = tpu.memref_squeeze %dma_start3A_23 : memref<1x128xi32, #tpu.memory_space<vmem>> -> memref<128xi32, #tpu.memory_space<vmem>>
    %dma_start3A_25 = arith.constant 0 : i32
    %dma_start3A_26 = arith.constant 0 : i32
    %dma_start3A_27 = tpu.memref_slice %arg2[%dma_start3A_25, %dma_start3A_26] : memref<10000x128xf32, #tpu.memory_space<hbm>> -> memref<10000x128xf32, #tpu.memory_space<hbm>>
    %dma_start3A_28 = tpu.memref_slice %arg10[%dma_start3A_17] : memref<2x!tpu.dma_semaphore, #tpu.memory_space<semaphore_mem>> -> memref<1x!tpu.dma_semaphore, #tpu.memory_space<semaphore_mem>>
    %dma_start3A_29 = tpu.memref_squeeze %dma_start3A_28 : memref<1x!tpu.dma_semaphore, #tpu.memory_space<semaphore_mem>> -> memref<!tpu.dma_semaphore, #tpu.memory_space<semaphore_mem>>
    tpu.enqueue_indirect_dma source(%dma_start3A_27 : memref<10000x128xf32, #tpu.memory_space<hbm>>) target(%dma_start3A_21 : memref<128x128xf32, #tpu.memory_space<vmem>>) offsets(%dma_start3A_24 : memref<128xi32, #tpu.memory_space<vmem>>) semaphore(%dma_start3A_29 : memref<!tpu.dma_semaphore, #tpu.memory_space<semaphore_mem>>)
    %mul3A_30 = arith.constant 624 : i32
    %mul3A_31 = arith.muli %arg1, %mul3A_30 : i32
    %multiple_of3A = tpu.assume_multiple %mul3A_31, 8 : i32
    "tpu.region"() ({
      %run_scoped3A_294 = tpu.sem_alloc : memref<!tpu.dma_semaphore, #tpu.memory_space<semaphore_mem>>
      %dma_start3A_295 = arith.constant 0 : i32
      %dma_start3A_296 = tpu.memref_slice %arg12[%multiple_of3A, %dma_start3A_295] : memref<10128x128xf32, #tpu.memory_space<vmem_shared>> -> memref<624x128xf32, #tpu.memory_space<vmem_shared>>
      %dma_start3A_297 = arith.constant 0 : i32
      %dma_start3A_298 = tpu.memref_slice %arg5[%multiple_of3A, %dma_start3A_297] : memref<10000x128xf32, #tpu.memory_space<hbm>> -> memref<624x128xf32, #tpu.memory_space<hbm>>
      tpu.enqueue_dma source(%dma_start3A_298 : memref<624x128xf32, #tpu.memory_space<hbm>>) target(%dma_start3A_296 : memref<624x128xf32, #tpu.memory_space<vmem_shared>>) target_semaphore(%run_scoped3A_294 : memref<!tpu.dma_semaphore, #tpu.memory_space<semaphore_mem>>)
      %dma_wait3A_299 = arith.constant 0 : i32
      %dma_wait3A_300 = tpu.memref_slice %arg12[%multiple_of3A, %dma_wait3A_299] : memref<10128x128xf32, #tpu.memory_space<vmem_shared>> -> memref<624x128xf32, #tpu.memory_space<vmem_shared>>
      %dma_wait3A_301 = arith.constant 0 : i32
      %dma_wait3A_302 = tpu.memref_slice %arg5[%multiple_of3A, %dma_wait3A_301] : memref<10000x128xf32, #tpu.memory_space<hbm>> -> memref<624x128xf32, #tpu.memory_space<hbm>>
      tpu.wait_dma2 semaphore(%run_scoped3A_294 : memref<!tpu.dma_semaphore, #tpu.memory_space<semaphore_mem>>) src(%dma_wait3A_302 : memref<624x128xf32, #tpu.memory_space<hbm>>) dst(%dma_wait3A_300 : memref<624x128xf32, #tpu.memory_space<vmem_shared>>)
      tpu.yield
    }) : () -> ()
    %eq3A = arith.constant 15 : i32
    %eq3A_32 = arith.cmpi eq, %arg1, %eq3A : i32
    %convert_element_type3A = arith.extui %eq3A_32 : i1 to i32
    %cond3A = arith.constant 0 : i32
    %cond3A_33 = arith.cmpi ne, %convert_element_type3A, %cond3A : i32
    scf.if %cond3A_33 {
      "tpu.region"() ({
        %run_scoped3A_294 = tpu.sem_alloc : memref<!tpu.dma_semaphore, #tpu.memory_space<semaphore_mem>>
        %dma_start3A_295 = arith.constant 9984 : i32
        %dma_start3A_296 = arith.constant 0 : i32
        %dma_start3A_297 = tpu.memref_slice %arg12[%dma_start3A_295, %dma_start3A_296] : memref<10128x128xf32, #tpu.memory_space<vmem_shared>> -> memref<16x128xf32, #tpu.memory_space<vmem_shared>>
        %dma_start3A_298 = arith.constant 9984 : i32
        %dma_start3A_299 = arith.constant 0 : i32
        %dma_start3A_300 = tpu.memref_slice %arg5[%dma_start3A_298, %dma_start3A_299] : memref<10000x128xf32, #tpu.memory_space<hbm>> -> memref<16x128xf32, #tpu.memory_space<hbm>>
        tpu.enqueue_dma source(%dma_start3A_300 : memref<16x128xf32, #tpu.memory_space<hbm>>) target(%dma_start3A_297 : memref<16x128xf32, #tpu.memory_space<vmem_shared>>) target_semaphore(%run_scoped3A_294 : memref<!tpu.dma_semaphore, #tpu.memory_space<semaphore_mem>>)
        %dma_wait3A_301 = arith.constant 9984 : i32
        %dma_wait3A_302 = arith.constant 0 : i32
        %dma_wait3A_303 = tpu.memref_slice %arg12[%dma_wait3A_301, %dma_wait3A_302] : memref<10128x128xf32, #tpu.memory_space<vmem_shared>> -> memref<16x128xf32, #tpu.memory_space<vmem_shared>>
        %dma_wait3A_304 = arith.constant 9984 : i32
        %dma_wait3A_305 = arith.constant 0 : i32
        %dma_wait3A_306 = tpu.memref_slice %arg5[%dma_wait3A_304, %dma_wait3A_305] : memref<10000x128xf32, #tpu.memory_space<hbm>> -> memref<16x128xf32, #tpu.memory_space<hbm>>
        tpu.wait_dma2 semaphore(%run_scoped3A_294 : memref<!tpu.dma_semaphore, #tpu.memory_space<semaphore_mem>>) src(%dma_wait3A_306 : memref<16x128xf32, #tpu.memory_space<hbm>>) dst(%dma_wait3A_303 : memref<16x128xf32, #tpu.memory_space<vmem_shared>>)
        tpu.yield
      }) : () -> ()
    } else {
    }
    %barrier3A = arith.constant 0 : index
    tpu.barrier barrier_id(%barrier3A)
    %scan3A = arith.constant 0 : i32
    %scan3A_34 = arith.constant 0 : i32
    %scan3A_35 = arith.constant 19 : i32
    %scan3A_36 = arith.addi %scan3A_34, %scan3A_35 : i32
    %scan3A_37 = arith.constant 1 : i32
    scf.for %scan3A_294 = %scan3A_34 to %scan3A_36 step %scan3A_37  : i32 {
      %mul3A_295 = arith.constant 2 : i32
      %mul3A_296 = arith.muli %scan3A_294, %mul3A_295 : i32
      %add3A_297 = arith.constant 0 : i32
      %add3A_298 = arith.addi %mul3A_296, %add3A_297 : i32
      %dma_wait3A_299 = arith.constant 0 : i32
      %dma_wait3A_300 = arith.constant 0 : i32
      %dma_wait3A_301 = arith.constant 0 : i32
      %dma_wait3A_302 = arith.constant 0 : i32
      %dma_wait3A_303 = tpu.memref_slice %arg9[%dma_wait3A_299, %dma_wait3A_301, %dma_wait3A_302] : memref<2x128x128xf32, #tpu.memory_space<vmem>> -> memref<1x128x128xf32, #tpu.memory_space<vmem>>
      %dma_wait3A_304 = tpu.memref_squeeze %dma_wait3A_303 : memref<1x128x128xf32, #tpu.memory_space<vmem>> -> memref<128x128xf32, #tpu.memory_space<vmem>>
      %dma_wait3A_305 = arith.constant 0 : i32
      %dma_wait3A_306 = tpu.memref_slice %arg7[%add3A_298, %dma_wait3A_305] : memref<40x128xi32, #tpu.memory_space<vmem>> -> memref<1x128xi32, #tpu.memory_space<vmem>>
      %dma_wait3A_307 = tpu.memref_squeeze %dma_wait3A_306 : memref<1x128xi32, #tpu.memory_space<vmem>> -> memref<128xi32, #tpu.memory_space<vmem>>
      %dma_wait3A_308 = arith.constant 0 : i32
      %dma_wait3A_309 = arith.constant 0 : i32
      %dma_wait3A_310 = tpu.memref_slice %arg2[%dma_wait3A_308, %dma_wait3A_309] : memref<10000x128xf32, #tpu.memory_space<hbm>> -> memref<10000x128xf32, #tpu.memory_space<hbm>>
      %dma_wait3A_311 = tpu.memref_slice %arg10[%dma_wait3A_300] : memref<2x!tpu.dma_semaphore, #tpu.memory_space<semaphore_mem>> -> memref<1x!tpu.dma_semaphore, #tpu.memory_space<semaphore_mem>>
      %dma_wait3A_312 = tpu.memref_squeeze %dma_wait3A_311 : memref<1x!tpu.dma_semaphore, #tpu.memory_space<semaphore_mem>> -> memref<!tpu.dma_semaphore, #tpu.memory_space<semaphore_mem>>
      tpu.wait_indirect_dma semaphore(%dma_wait3A_312 : memref<!tpu.dma_semaphore, #tpu.memory_space<semaphore_mem>>) src(%dma_wait3A_310 : memref<10000x128xf32, #tpu.memory_space<hbm>>) dst(%dma_wait3A_304 : memref<128x128xf32, #tpu.memory_space<vmem>>)
      %dma_start3A_313 = arith.constant 0 : i32
      %dma_start3A_314 = arith.constant 0 : i32
      %dma_start3A_315 = arith.constant 0 : i32
      %dma_start3A_316 = arith.constant 0 : i32
      %dma_start3A_317 = tpu.memref_slice %arg9[%dma_start3A_313, %dma_start3A_315, %dma_start3A_316] : memref<2x128x128xf32, #tpu.memory_space<vmem>> -> memref<1x128x128xf32, #tpu.memory_space<vmem>>
      %dma_start3A_318 = tpu.memref_squeeze %dma_start3A_317 : memref<1x128x128xf32, #tpu.memory_space<vmem>> -> memref<128x128xf32, #tpu.memory_space<vmem>>
      %dma_start3A_319 = arith.constant 0 : i32
      %dma_start3A_320 = tpu.memref_slice %arg8[%add3A_298, %dma_start3A_319] : memref<40x128xi32, #tpu.memory_space<vmem>> -> memref<1x128xi32, #tpu.memory_space<vmem>>
      %dma_start3A_321 = tpu.memref_squeeze %dma_start3A_320 : memref<1x128xi32, #tpu.memory_space<vmem>> -> memref<128xi32, #tpu.memory_space<vmem>>
      %dma_start3A_322 = arith.constant 0 : i32
      %dma_start3A_323 = arith.constant 0 : i32
      %dma_start3A_324 = tpu.memref_slice %arg12[%dma_start3A_322, %dma_start3A_323] : memref<10128x128xf32, #tpu.memory_space<vmem_shared>> -> memref<10128x128xf32, #tpu.memory_space<vmem_shared>>
      %dma_start3A_325 = tpu.memref_slice %arg11[%dma_start3A_314] : memref<2x!tpu.dma_semaphore, #tpu.memory_space<semaphore_mem>> -> memref<1x!tpu.dma_semaphore, #tpu.memory_space<semaphore_mem>>
      %dma_start3A_326 = tpu.memref_squeeze %dma_start3A_325 : memref<1x!tpu.dma_semaphore, #tpu.memory_space<semaphore_mem>> -> memref<!tpu.dma_semaphore, #tpu.memory_space<semaphore_mem>>
      tpu.enqueue_indirect_dma source(%dma_start3A_318 : memref<128x128xf32, #tpu.memory_space<vmem>>) target(%dma_start3A_324 : memref<10128x128xf32, #tpu.memory_space<vmem_shared>>) offsets(%dma_start3A_321 : memref<128xi32, #tpu.memory_space<vmem>>) semaphore(%dma_start3A_326 : memref<!tpu.dma_semaphore, #tpu.memory_space<semaphore_mem>>) {add = true}
      %dma_wait3A_327 = arith.constant 0 : i32
      %dma_wait3A_328 = arith.constant 0 : i32
      %dma_wait3A_329 = arith.constant 0 : i32
      %dma_wait3A_330 = arith.constant 0 : i32
      %dma_wait3A_331 = tpu.memref_slice %arg9[%dma_wait3A_327, %dma_wait3A_329, %dma_wait3A_330] : memref<2x128x128xf32, #tpu.memory_space<vmem>> -> memref<1x128x128xf32, #tpu.memory_space<vmem>>
      %dma_wait3A_332 = tpu.memref_squeeze %dma_wait3A_331 : memref<1x128x128xf32, #tpu.memory_space<vmem>> -> memref<128x128xf32, #tpu.memory_space<vmem>>
      %dma_wait3A_333 = arith.constant 0 : i32
      %dma_wait3A_334 = tpu.memref_slice %arg8[%add3A_298, %dma_wait3A_333] : memref<40x128xi32, #tpu.memory_space<vmem>> -> memref<1x128xi32, #tpu.memory_space<vmem>>
      %dma_wait3A_335 = tpu.memref_squeeze %dma_wait3A_334 : memref<1x128xi32, #tpu.memory_space<vmem>> -> memref<128xi32, #tpu.memory_space<vmem>>
      %dma_wait3A_336 = arith.constant 0 : i32
      %dma_wait3A_337 = arith.constant 0 : i32
      %dma_wait3A_338 = tpu.memref_slice %arg12[%dma_wait3A_336, %dma_wait3A_337] : memref<10128x128xf32, #tpu.memory_space<vmem_shared>> -> memref<10128x128xf32, #tpu.memory_space<vmem_shared>>
      %dma_wait3A_339 = tpu.memref_slice %arg11[%dma_wait3A_328] : memref<2x!tpu.dma_semaphore, #tpu.memory_space<semaphore_mem>> -> memref<1x!tpu.dma_semaphore, #tpu.memory_space<semaphore_mem>>
      %dma_wait3A_340 = tpu.memref_squeeze %dma_wait3A_339 : memref<1x!tpu.dma_semaphore, #tpu.memory_space<semaphore_mem>> -> memref<!tpu.dma_semaphore, #tpu.memory_space<semaphore_mem>>
      tpu.wait_indirect_dma semaphore(%dma_wait3A_340 : memref<!tpu.dma_semaphore, #tpu.memory_space<semaphore_mem>>) src(%dma_wait3A_332 : memref<128x128xf32, #tpu.memory_space<vmem>>) dst(%dma_wait3A_338 : memref<10128x128xf32, #tpu.memory_space<vmem_shared>>)
      %add3A_341 = arith.constant 2 : i32
      %add3A_342 = arith.addi %add3A_298, %add3A_341 : i32
      %dma_start3A_343 = arith.constant 0 : i32
      %dma_start3A_344 = arith.constant 0 : i32
      %dma_start3A_345 = arith.constant 0 : i32
      %dma_start3A_346 = arith.constant 0 : i32
      %dma_start3A_347 = tpu.memref_slice %arg9[%dma_start3A_343, %dma_start3A_345, %dma_start3A_346] : memref<2x128x128xf32, #tpu.memory_space<vmem>> -> memref<1x128x128xf32, #tpu.memory_space<vmem>>
      %dma_start3A_348 = tpu.memref_squeeze %dma_start3A_347 : memref<1x128x128xf32, #tpu.memory_space<vmem>> -> memref<128x128xf32, #tpu.memory_space<vmem>>
      %dma_start3A_349 = arith.constant 0 : i32
      %dma_start3A_350 = tpu.memref_slice %arg7[%add3A_342, %dma_start3A_349] : memref<40x128xi32, #tpu.memory_space<vmem>> -> memref<1x128xi32, #tpu.memory_space<vmem>>
      %dma_start3A_351 = tpu.memref_squeeze %dma_start3A_350 : memref<1x128xi32, #tpu.memory_space<vmem>> -> memref<128xi32, #tpu.memory_space<vmem>>
      %dma_start3A_352 = arith.constant 0 : i32
      %dma_start3A_353 = arith.constant 0 : i32
      %dma_start3A_354 = tpu.memref_slice %arg2[%dma_start3A_352, %dma_start3A_353] : memref<10000x128xf32, #tpu.memory_space<hbm>> -> memref<10000x128xf32, #tpu.memory_space<hbm>>
      %dma_start3A_355 = tpu.memref_slice %arg10[%dma_start3A_344] : memref<2x!tpu.dma_semaphore, #tpu.memory_space<semaphore_mem>> -> memref<1x!tpu.dma_semaphore, #tpu.memory_space<semaphore_mem>>
      %dma_start3A_356 = tpu.memref_squeeze %dma_start3A_355 : memref<1x!tpu.dma_semaphore, #tpu.memory_space<semaphore_mem>> -> memref<!tpu.dma_semaphore, #tpu.memory_space<semaphore_mem>>
      tpu.enqueue_indirect_dma source(%dma_start3A_354 : memref<10000x128xf32, #tpu.memory_space<hbm>>) target(%dma_start3A_348 : memref<128x128xf32, #tpu.memory_space<vmem>>) offsets(%dma_start3A_351 : memref<128xi32, #tpu.memory_space<vmem>>) semaphore(%dma_start3A_356 : memref<!tpu.dma_semaphore, #tpu.memory_space<semaphore_mem>>)
      %mul3A_357 = arith.constant 2 : i32
      %mul3A_358 = arith.muli %scan3A_294, %mul3A_357 : i32
      %add3A_359 = arith.constant 1 : i32
      %add3A_360 = arith.addi %mul3A_358, %add3A_359 : i32
      %dma_wait3A_361 = arith.constant 1 : i32
      %dma_wait3A_362 = arith.constant 1 : i32
      %dma_wait3A_363 = arith.constant 0 : i32
      %dma_wait3A_364 = arith.constant 0 : i32
      %dma_wait3A_365 = tpu.memref_slice %arg9[%dma_wait3A_361, %dma_wait3A_363, %dma_wait3A_364] : memref<2x128x128xf32, #tpu.memory_space<vmem>> -> memref<1x128x128xf32, #tpu.memory_space<vmem>>
      %dma_wait3A_366 = tpu.memref_squeeze %dma_wait3A_365 : memref<1x128x128xf32, #tpu.memory_space<vmem>> -> memref<128x128xf32, #tpu.memory_space<vmem>>
      %dma_wait3A_367 = arith.constant 0 : i32
      %dma_wait3A_368 = tpu.memref_slice %arg7[%add3A_360, %dma_wait3A_367] : memref<40x128xi32, #tpu.memory_space<vmem>> -> memref<1x128xi32, #tpu.memory_space<vmem>>
      %dma_wait3A_369 = tpu.memref_squeeze %dma_wait3A_368 : memref<1x128xi32, #tpu.memory_space<vmem>> -> memref<128xi32, #tpu.memory_space<vmem>>
      %dma_wait3A_370 = arith.constant 0 : i32
      %dma_wait3A_371 = arith.constant 0 : i32
      %dma_wait3A_372 = tpu.memref_slice %arg2[%dma_wait3A_370, %dma_wait3A_371] : memref<10000x128xf32, #tpu.memory_space<hbm>> -> memref<10000x128xf32, #tpu.memory_space<hbm>>
      %dma_wait3A_373 = tpu.memref_slice %arg10[%dma_wait3A_362] : memref<2x!tpu.dma_semaphore, #tpu.memory_space<semaphore_mem>> -> memref<1x!tpu.dma_semaphore, #tpu.memory_space<semaphore_mem>>
      %dma_wait3A_374 = tpu.memref_squeeze %dma_wait3A_373 : memref<1x!tpu.dma_semaphore, #tpu.memory_space<semaphore_mem>> -> memref<!tpu.dma_semaphore, #tpu.memory_space<semaphore_mem>>
      tpu.wait_indirect_dma semaphore(%dma_wait3A_374 : memref<!tpu.dma_semaphore, #tpu.memory_space<semaphore_mem>>) src(%dma_wait3A_372 : memref<10000x128xf32, #tpu.memory_space<hbm>>) dst(%dma_wait3A_366 : memref<128x128xf32, #tpu.memory_space<vmem>>)
      %dma_start3A_375 = arith.constant 1 : i32
      %dma_start3A_376 = arith.constant 1 : i32
      %dma_start3A_377 = arith.constant 0 : i32
      %dma_start3A_378 = arith.constant 0 : i32
      %dma_start3A_379 = tpu.memref_slice %arg9[%dma_start3A_375, %dma_start3A_377, %dma_start3A_378] : memref<2x128x128xf32, #tpu.memory_space<vmem>> -> memref<1x128x128xf32, #tpu.memory_space<vmem>>
      %dma_start3A_380 = tpu.memref_squeeze %dma_start3A_379 : memref<1x128x128xf32, #tpu.memory_space<vmem>> -> memref<128x128xf32, #tpu.memory_space<vmem>>
      %dma_start3A_381 = arith.constant 0 : i32
      %dma_start3A_382 = tpu.memref_slice %arg8[%add3A_360, %dma_start3A_381] : memref<40x128xi32, #tpu.memory_space<vmem>> -> memref<1x128xi32, #tpu.memory_space<vmem>>
      %dma_start3A_383 = tpu.memref_squeeze %dma_start3A_382 : memref<1x128xi32, #tpu.memory_space<vmem>> -> memref<128xi32, #tpu.memory_space<vmem>>
      %dma_start3A_384 = arith.constant 0 : i32
      %dma_start3A_385 = arith.constant 0 : i32
      %dma_start3A_386 = tpu.memref_slice %arg12[%dma_start3A_384, %dma_start3A_385] : memref<10128x128xf32, #tpu.memory_space<vmem_shared>> -> memref<10128x128xf32, #tpu.memory_space<vmem_shared>>
      %dma_start3A_387 = tpu.memref_slice %arg11[%dma_start3A_376] : memref<2x!tpu.dma_semaphore, #tpu.memory_space<semaphore_mem>> -> memref<1x!tpu.dma_semaphore, #tpu.memory_space<semaphore_mem>>
      %dma_start3A_388 = tpu.memref_squeeze %dma_start3A_387 : memref<1x!tpu.dma_semaphore, #tpu.memory_space<semaphore_mem>> -> memref<!tpu.dma_semaphore, #tpu.memory_space<semaphore_mem>>
      tpu.enqueue_indirect_dma source(%dma_start3A_380 : memref<128x128xf32, #tpu.memory_space<vmem>>) target(%dma_start3A_386 : memref<10128x128xf32, #tpu.memory_space<vmem_shared>>) offsets(%dma_start3A_383 : memref<128xi32, #tpu.memory_space<vmem>>) semaphore(%dma_start3A_388 : memref<!tpu.dma_semaphore, #tpu.memory_space<semaphore_mem>>) {add = true}
      %dma_wait3A_389 = arith.constant 1 : i32
      %dma_wait3A_390 = arith.constant 1 : i32
      %dma_wait3A_391 = arith.constant 0 : i32
      %dma_wait3A_392 = arith.constant 0 : i32
      %dma_wait3A_393 = tpu.memref_slice %arg9[%dma_wait3A_389, %dma_wait3A_391, %dma_wait3A_392] : memref<2x128x128xf32, #tpu.memory_space<vmem>> -> memref<1x128x128xf32, #tpu.memory_space<vmem>>
      %dma_wait3A_394 = tpu.memref_squeeze %dma_wait3A_393 : memref<1x128x128xf32, #tpu.memory_space<vmem>> -> memref<128x128xf32, #tpu.memory_space<vmem>>
      %dma_wait3A_395 = arith.constant 0 : i32
      %dma_wait3A_396 = tpu.memref_slice %arg8[%add3A_360, %dma_wait3A_395] : memref<40x128xi32, #tpu.memory_space<vmem>> -> memref<1x128xi32, #tpu.memory_space<vmem>>
      %dma_wait3A_397 = tpu.memref_squeeze %dma_wait3A_396 : memref<1x128xi32, #tpu.memory_space<vmem>> -> memref<128xi32, #tpu.memory_space<vmem>>
      %dma_wait3A_398 = arith.constant 0 : i32
      %dma_wait3A_399 = arith.constant 0 : i32
      %dma_wait3A_400 = tpu.memref_slice %arg12[%dma_wait3A_398, %dma_wait3A_399] : memref<10128x128xf32, #tpu.memory_space<vmem_shared>> -> memref<10128x128xf32, #tpu.memory_space<vmem_shared>>
      %dma_wait3A_401 = tpu.memref_slice %arg11[%dma_wait3A_390] : memref<2x!tpu.dma_semaphore, #tpu.memory_space<semaphore_mem>> -> memref<1x!tpu.dma_semaphore, #tpu.memory_space<semaphore_mem>>
      %dma_wait3A_402 = tpu.memref_squeeze %dma_wait3A_401 : memref<1x!tpu.dma_semaphore, #tpu.memory_space<semaphore_mem>> -> memref<!tpu.dma_semaphore, #tpu.memory_space<semaphore_mem>>
      tpu.wait_indirect_dma semaphore(%dma_wait3A_402 : memref<!tpu.dma_semaphore, #tpu.memory_space<semaphore_mem>>) src(%dma_wait3A_394 : memref<128x128xf32, #tpu.memory_space<vmem>>) dst(%dma_wait3A_400 : memref<10128x128xf32, #tpu.memory_space<vmem_shared>>)
      %add3A_403 = arith.constant 2 : i32
      %add3A_404 = arith.addi %add3A_360, %add3A_403 : i32
      %dma_start3A_405 = arith.constant 1 : i32
      %dma_start3A_406 = arith.constant 1 : i32
      %dma_start3A_407 = arith.constant 0 : i32
      %dma_start3A_408 = arith.constant 0 : i32
      %dma_start3A_409 = tpu.memref_slice %arg9[%dma_start3A_405, %dma_start3A_407, %dma_start3A_408] : memref<2x128x128xf32, #tpu.memory_space<vmem>> -> memref<1x128x128xf32, #tpu.memory_space<vmem>>
      %dma_start3A_410 = tpu.memref_squeeze %dma_start3A_409 : memref<1x128x128xf32, #tpu.memory_space<vmem>> -> memref<128x128xf32, #tpu.memory_space<vmem>>
      %dma_start3A_411 = arith.constant 0 : i32
      %dma_start3A_412 = tpu.memref_slice %arg7[%add3A_404, %dma_start3A_411] : memref<40x128xi32, #tpu.memory_space<vmem>> -> memref<1x128xi32, #tpu.memory_space<vmem>>
      %dma_start3A_413 = tpu.memref_squeeze %dma_start3A_412 : memref<1x128xi32, #tpu.memory_space<vmem>> -> memref<128xi32, #tpu.memory_space<vmem>>
      %dma_start3A_414 = arith.constant 0 : i32
      %dma_start3A_415 = arith.constant 0 : i32
      %dma_start3A_416 = tpu.memref_slice %arg2[%dma_start3A_414, %dma_start3A_415] : memref<10000x128xf32, #tpu.memory_space<hbm>> -> memref<10000x128xf32, #tpu.memory_space<hbm>>
      %dma_start3A_417 = tpu.memref_slice %arg10[%dma_start3A_406] : memref<2x!tpu.dma_semaphore, #tpu.memory_space<semaphore_mem>> -> memref<1x!tpu.dma_semaphore, #tpu.memory_space<semaphore_mem>>
      %dma_start3A_418 = tpu.memref_squeeze %dma_start3A_417 : memref<1x!tpu.dma_semaphore, #tpu.memory_space<semaphore_mem>> -> memref<!tpu.dma_semaphore, #tpu.memory_space<semaphore_mem>>
      tpu.enqueue_indirect_dma source(%dma_start3A_416 : memref<10000x128xf32, #tpu.memory_space<hbm>>) target(%dma_start3A_410 : memref<128x128xf32, #tpu.memory_space<vmem>>) offsets(%dma_start3A_413 : memref<128xi32, #tpu.memory_space<vmem>>) semaphore(%dma_start3A_418 : memref<!tpu.dma_semaphore, #tpu.memory_space<semaphore_mem>>)
    }
    %scan3A_38 = arith.constant 19 : i32
    %dma_wait3A = arith.constant 38 : i32
    %dma_wait3A_39 = arith.constant 0 : i32
    %dma_wait3A_40 = arith.constant 0 : i32
    %dma_wait3A_41 = arith.constant 0 : i32
    %dma_wait3A_42 = arith.constant 0 : i32
    %dma_wait3A_43 = tpu.memref_slice %arg9[%dma_wait3A_39, %dma_wait3A_41, %dma_wait3A_42] : memref<2x128x128xf32, #tpu.memory_space<vmem>> -> memref<1x128x128xf32, #tpu.memory_space<vmem>>
    %dma_wait3A_44 = tpu.memref_squeeze %dma_wait3A_43 : memref<1x128x128xf32, #tpu.memory_space<vmem>> -> memref<128x128xf32, #tpu.memory_space<vmem>>
    %dma_wait3A_45 = arith.constant 0 : i32
    %dma_wait3A_46 = tpu.memref_slice %arg7[%dma_wait3A, %dma_wait3A_45] : memref<40x128xi32, #tpu.memory_space<vmem>> -> memref<1x128xi32, #tpu.memory_space<vmem>>
    %dma_wait3A_47 = tpu.memref_squeeze %dma_wait3A_46 : memref<1x128xi32, #tpu.memory_space<vmem>> -> memref<128xi32, #tpu.memory_space<vmem>>
    %dma_wait3A_48 = arith.constant 0 : i32
    %dma_wait3A_49 = arith.constant 0 : i32
    %dma_wait3A_50 = tpu.memref_slice %arg2[%dma_wait3A_48, %dma_wait3A_49] : memref<10000x128xf32, #tpu.memory_space<hbm>> -> memref<10000x128xf32, #tpu.memory_space<hbm>>
    %dma_wait3A_51 = tpu.memref_slice %arg10[%dma_wait3A_40] : memref<2x!tpu.dma_semaphore, #tpu.memory_space<semaphore_mem>> -> memref<1x!tpu.dma_semaphore, #tpu.memory_space<semaphore_mem>>
    %dma_wait3A_52 = tpu.memref_squeeze %dma_wait3A_51 : memref<1x!tpu.dma_semaphore, #tpu.memory_space<semaphore_mem>> -> memref<!tpu.dma_semaphore, #tpu.memory_space<semaphore_mem>>
    tpu.wait_indirect_dma semaphore(%dma_wait3A_52 : memref<!tpu.dma_semaphore, #tpu.memory_space<semaphore_mem>>) src(%dma_wait3A_50 : memref<10000x128xf32, #tpu.memory_space<hbm>>) dst(%dma_wait3A_44 : memref<128x128xf32, #tpu.memory_space<vmem>>)
    %dma_start3A_53 = arith.constant 0 : i32
    %dma_start3A_54 = arith.constant 38 : i32
    %dma_start3A_55 = arith.constant 0 : i32
    %dma_start3A_56 = arith.constant 0 : i32
    %dma_start3A_57 = arith.constant 0 : i32
    %dma_start3A_58 = tpu.memref_slice %arg9[%dma_start3A_53, %dma_start3A_56, %dma_start3A_57] : memref<2x128x128xf32, #tpu.memory_space<vmem>> -> memref<1x128x128xf32, #tpu.memory_space<vmem>>
    %dma_start3A_59 = tpu.memref_squeeze %dma_start3A_58 : memref<1x128x128xf32, #tpu.memory_space<vmem>> -> memref<128x128xf32, #tpu.memory_space<vmem>>
    %dma_start3A_60 = arith.constant 0 : i32
    %dma_start3A_61 = tpu.memref_slice %arg8[%dma_start3A_54, %dma_start3A_60] : memref<40x128xi32, #tpu.memory_space<vmem>> -> memref<1x128xi32, #tpu.memory_space<vmem>>
    %dma_start3A_62 = tpu.memref_squeeze %dma_start3A_61 : memref<1x128xi32, #tpu.memory_space<vmem>> -> memref<128xi32, #tpu.memory_space<vmem>>
    %dma_start3A_63 = arith.constant 0 : i32
    %dma_start3A_64 = arith.constant 0 : i32
    %dma_start3A_65 = tpu.memref_slice %arg12[%dma_start3A_63, %dma_start3A_64] : memref<10128x128xf32, #tpu.memory_space<vmem_shared>> -> memref<10128x128xf32, #tpu.memory_space<vmem_shared>>
    %dma_start3A_66 = tpu.memref_slice %arg11[%dma_start3A_55] : memref<2x!tpu.dma_semaphore, #tpu.memory_space<semaphore_mem>> -> memref<1x!tpu.dma_semaphore, #tpu.memory_space<semaphore_mem>>
    %dma_start3A_67 = tpu.memref_squeeze %dma_start3A_66 : memref<1x!tpu.dma_semaphore, #tpu.memory_space<semaphore_mem>> -> memref<!tpu.dma_semaphore, #tpu.memory_space<semaphore_mem>>
    tpu.enqueue_indirect_dma source(%dma_start3A_59 : memref<128x128xf32, #tpu.memory_space<vmem>>) target(%dma_start3A_65 : memref<10128x128xf32, #tpu.memory_space<vmem_shared>>) offsets(%dma_start3A_62 : memref<128xi32, #tpu.memory_space<vmem>>) semaphore(%dma_start3A_67 : memref<!tpu.dma_semaphore, #tpu.memory_space<semaphore_mem>>) {add = true}
    %dma_wait3A_68 = arith.constant 39 : i32
    %dma_wait3A_69 = arith.constant 1 : i32
    %dma_wait3A_70 = arith.constant 1 : i32
    %dma_wait3A_71 = arith.constant 0 : i32
    %dma_wait3A_72 = arith.constant 0 : i32
    %dma_wait3A_73 = tpu.memref_slice %arg9[%dma_wait3A_69, %dma_wait3A_71, %dma_wait3A_72] : memref<2x128x128xf32, #tpu.memory_space<vmem>> -> memref<1x128x128xf32, #tpu.memory_space<vmem>>
    %dma_wait3A_74 = tpu.memref_squeeze %dma_wait3A_73 : memref<1x128x128xf32, #tpu.memory_space<vmem>> -> memref<128x128xf32, #tpu.memory_space<vmem>>
    %dma_wait3A_75 = arith.constant 0 : i32
    %dma_wait3A_76 = tpu.memref_slice %arg7[%dma_wait3A_68, %dma_wait3A_75] : memref<40x128xi32, #tpu.memory_space<vmem>> -> memref<1x128xi32, #tpu.memory_space<vmem>>
    %dma_wait3A_77 = tpu.memref_squeeze %dma_wait3A_76 : memref<1x128xi32, #tpu.memory_space<vmem>> -> memref<128xi32, #tpu.memory_space<vmem>>
    %dma_wait3A_78 = arith.constant 0 : i32
    %dma_wait3A_79 = arith.constant 0 : i32
    %dma_wait3A_80 = tpu.memref_slice %arg2[%dma_wait3A_78, %dma_wait3A_79] : memref<10000x128xf32, #tpu.memory_space<hbm>> -> memref<10000x128xf32, #tpu.memory_space<hbm>>
    %dma_wait3A_81 = tpu.memref_slice %arg10[%dma_wait3A_70] : memref<2x!tpu.dma_semaphore, #tpu.memory_space<semaphore_mem>> -> memref<1x!tpu.dma_semaphore, #tpu.memory_space<semaphore_mem>>
    %dma_wait3A_82 = tpu.memref_squeeze %dma_wait3A_81 : memref<1x!tpu.dma_semaphore, #tpu.memory_space<semaphore_mem>> -> memref<!tpu.dma_semaphore, #tpu.memory_space<semaphore_mem>>
    tpu.wait_indirect_dma semaphore(%dma_wait3A_82 : memref<!tpu.dma_semaphore, #tpu.memory_space<semaphore_mem>>) src(%dma_wait3A_80 : memref<10000x128xf32, #tpu.memory_space<hbm>>) dst(%dma_wait3A_74 : memref<128x128xf32, #tpu.memory_space<vmem>>)
    %dma_start3A_83 = arith.constant 1 : i32
    %dma_start3A_84 = arith.constant 39 : i32
    %dma_start3A_85 = arith.constant 1 : i32
    %dma_start3A_86 = arith.constant 0 : i32
    %dma_start3A_87 = arith.constant 0 : i32
    %dma_start3A_88 = tpu.memref_slice %arg9[%dma_start3A_83, %dma_start3A_86, %dma_start3A_87] : memref<2x128x128xf32, #tpu.memory_space<vmem>> -> memref<1x128x128xf32, #tpu.memory_space<vmem>>
    %dma_start3A_89 = tpu.memref_squeeze %dma_start3A_88 : memref<1x128x128xf32, #tpu.memory_space<vmem>> -> memref<128x128xf32, #tpu.memory_space<vmem>>
    %dma_start3A_90 = arith.constant 0 : i32
    %dma_start3A_91 = tpu.memref_slice %arg8[%dma_start3A_84, %dma_start3A_90] : memref<40x128xi32, #tpu.memory_space<vmem>> -> memref<1x128xi32, #tpu.memory_space<vmem>>
    %dma_start3A_92 = tpu.memref_squeeze %dma_start3A_91 : memref<1x128xi32, #tpu.memory_space<vmem>> -> memref<128xi32, #tpu.memory_space<vmem>>
    %dma_start3A_93 = arith.constant 0 : i32
    %dma_start3A_94 = arith.constant 0 : i32
    %dma_start3A_95 = tpu.memref_slice %arg12[%dma_start3A_93, %dma_start3A_94] : memref<10128x128xf32, #tpu.memory_space<vmem_shared>> -> memref<10128x128xf32, #tpu.memory_space<vmem_shared>>
    %dma_start3A_96 = tpu.memref_slice %arg11[%dma_start3A_85] : memref<2x!tpu.dma_semaphore, #tpu.memory_space<semaphore_mem>> -> memref<1x!tpu.dma_semaphore, #tpu.memory_space<semaphore_mem>>
    %dma_start3A_97 = tpu.memref_squeeze %dma_start3A_96 : memref<1x!tpu.dma_semaphore, #tpu.memory_space<semaphore_mem>> -> memref<!tpu.dma_semaphore, #tpu.memory_space<semaphore_mem>>
    tpu.enqueue_indirect_dma source(%dma_start3A_89 : memref<128x128xf32, #tpu.memory_space<vmem>>) target(%dma_start3A_95 : memref<10128x128xf32, #tpu.memory_space<vmem_shared>>) offsets(%dma_start3A_92 : memref<128xi32, #tpu.memory_space<vmem>>) semaphore(%dma_start3A_97 : memref<!tpu.dma_semaphore, #tpu.memory_space<semaphore_mem>>) {add = true}
    %dma_wait3A_98 = arith.constant 0 : i32
    %dma_wait3A_99 = arith.constant 39 : i32
    %dma_wait3A_100 = arith.constant 0 : i32
    %dma_wait3A_101 = arith.constant 0 : i32
    %dma_wait3A_102 = arith.constant 0 : i32
    %dma_wait3A_103 = tpu.memref_slice %arg9[%dma_wait3A_98, %dma_wait3A_101, %dma_wait3A_102] : memref<2x128x128xf32, #tpu.memory_space<vmem>> -> memref<1x128x128xf32, #tpu.memory_space<vmem>>
    %dma_wait3A_104 = tpu.memref_squeeze %dma_wait3A_103 : memref<1x128x128xf32, #tpu.memory_space<vmem>> -> memref<128x128xf32, #tpu.memory_space<vmem>>
    %dma_wait3A_105 = arith.constant 0 : i32
    %dma_wait3A_106 = tpu.memref_slice %arg8[%dma_wait3A_99, %dma_wait3A_105] : memref<40x128xi32, #tpu.memory_space<vmem>> -> memref<1x128xi32, #tpu.memory_space<vmem>>
    %dma_wait3A_107 = tpu.memref_squeeze %dma_wait3A_106 : memref<1x128xi32, #tpu.memory_space<vmem>> -> memref<128xi32, #tpu.memory_space<vmem>>
    %dma_wait3A_108 = arith.constant 0 : i32
    %dma_wait3A_109 = arith.constant 0 : i32
    %dma_wait3A_110 = tpu.memref_slice %arg12[%dma_wait3A_108, %dma_wait3A_109] : memref<10128x128xf32, #tpu.memory_space<vmem_shared>> -> memref<10128x128xf32, #tpu.memory_space<vmem_shared>>
    %dma_wait3A_111 = tpu.memref_slice %arg11[%dma_wait3A_100] : memref<2x!tpu.dma_semaphore, #tpu.memory_space<semaphore_mem>> -> memref<1x!tpu.dma_semaphore, #tpu.memory_space<semaphore_mem>>
    %dma_wait3A_112 = tpu.memref_squeeze %dma_wait3A_111 : memref<1x!tpu.dma_semaphore, #tpu.memory_space<semaphore_mem>> -> memref<!tpu.dma_semaphore, #tpu.memory_space<semaphore_mem>>
    tpu.wait_indirect_dma semaphore(%dma_wait3A_112 : memref<!tpu.dma_semaphore, #tpu.memory_space<semaphore_mem>>) src(%dma_wait3A_104 : memref<128x128xf32, #tpu.memory_space<vmem>>) dst(%dma_wait3A_110 : memref<10128x128xf32, #tpu.memory_space<vmem_shared>>)
    %dma_wait3A_113 = arith.constant 1 : i32
    %dma_wait3A_114 = arith.constant 39 : i32
    %dma_wait3A_115 = arith.constant 1 : i32
    %dma_wait3A_116 = arith.constant 0 : i32
    %dma_wait3A_117 = arith.constant 0 : i32
    %dma_wait3A_118 = tpu.memref_slice %arg9[%dma_wait3A_113, %dma_wait3A_116, %dma_wait3A_117] : memref<2x128x128xf32, #tpu.memory_space<vmem>> -> memref<1x128x128xf32, #tpu.memory_space<vmem>>
    %dma_wait3A_119 = tpu.memref_squeeze %dma_wait3A_118 : memref<1x128x128xf32, #tpu.memory_space<vmem>> -> memref<128x128xf32, #tpu.memory_space<vmem>>
    %dma_wait3A_120 = arith.constant 0 : i32
    %dma_wait3A_121 = tpu.memref_slice %arg8[%dma_wait3A_114, %dma_wait3A_120] : memref<40x128xi32, #tpu.memory_space<vmem>> -> memref<1x128xi32, #tpu.memory_space<vmem>>
    %dma_wait3A_122 = tpu.memref_squeeze %dma_wait3A_121 : memref<1x128xi32, #tpu.memory_space<vmem>> -> memref<128xi32, #tpu.memory_space<vmem>>
    %dma_wait3A_123 = arith.constant 0 : i32
    %dma_wait3A_124 = arith.constant 0 : i32
    %dma_wait3A_125 = tpu.memref_slice %arg12[%dma_wait3A_123, %dma_wait3A_124] : memref<10128x128xf32, #tpu.memory_space<vmem_shared>> -> memref<10128x128xf32, #tpu.memory_space<vmem_shared>>
    %dma_wait3A_126 = tpu.memref_slice %arg11[%dma_wait3A_115] : memref<2x!tpu.dma_semaphore, #tpu.memory_space<semaphore_mem>> -> memref<1x!tpu.dma_semaphore, #tpu.memory_space<semaphore_mem>>
    %dma_wait3A_127 = tpu.memref_squeeze %dma_wait3A_126 : memref<1x!tpu.dma_semaphore, #tpu.memory_space<semaphore_mem>> -> memref<!tpu.dma_semaphore, #tpu.memory_space<semaphore_mem>>
    tpu.wait_indirect_dma semaphore(%dma_wait3A_127 : memref<!tpu.dma_semaphore, #tpu.memory_space<semaphore_mem>>) src(%dma_wait3A_119 : memref<128x128xf32, #tpu.memory_space<vmem>>) dst(%dma_wait3A_125 : memref<10128x128xf32, #tpu.memory_space<vmem_shared>>)
    "tpu.region"() ({
      %run_scoped3A_294 = tpu.sem_alloc : memref<!tpu.dma_semaphore, #tpu.memory_space<semaphore_mem>>
      %dma_start3A_295 = arith.constant 0 : i32
      %dma_start3A_296 = arith.constant 0 : i32
      %dma_start3A_297 = tpu.memref_slice %arg7[%dma_start3A_295, %dma_start3A_296] : memref<40x128xi32, #tpu.memory_space<vmem>> -> memref<39x128xi32, #tpu.memory_space<vmem>>
      %dma_start3A_298 = arith.constant 40 : i32
      %dma_start3A_299 = arith.constant 0 : i32
      %dma_start3A_300 = tpu.memref_slice %arg3[%add3A, %dma_start3A_298, %dma_start3A_299] : memref<32x79x128xi32, #tpu.memory_space<hbm>> -> memref<1x39x128xi32, #tpu.memory_space<hbm>>
      %dma_start3A_301 = tpu.memref_squeeze %dma_start3A_300 : memref<1x39x128xi32, #tpu.memory_space<hbm>> -> memref<39x128xi32, #tpu.memory_space<hbm>>
      %dma_start3A_302 = arith.constant 0 : i32
      %dma_start3A_303 = arith.constant 0 : i32
      %dma_start3A_304 = tpu.memref_slice %arg7[%dma_start3A_302, %dma_start3A_303] : memref<40x128xi32, #tpu.memory_space<vmem>> -> memref<39x128xi32, #tpu.memory_space<vmem>>
      %dma_start3A_305 = arith.constant 40 : i32
      %dma_start3A_306 = arith.constant 0 : i32
      %dma_start3A_307 = tpu.memref_slice %arg3[%add3A, %dma_start3A_305, %dma_start3A_306] : memref<32x79x128xi32, #tpu.memory_space<hbm>> -> memref<1x39x128xi32, #tpu.memory_space<hbm>>
      %dma_start3A_308 = tpu.memref_squeeze %dma_start3A_307 : memref<1x39x128xi32, #tpu.memory_space<hbm>> -> memref<39x128xi32, #tpu.memory_space<hbm>>
      tpu.enqueue_dma source(%dma_start3A_308 : memref<39x128xi32, #tpu.memory_space<hbm>>) target(%dma_start3A_304 : memref<39x128xi32, #tpu.memory_space<vmem>>) target_semaphore(%run_scoped3A_294 : memref<!tpu.dma_semaphore, #tpu.memory_space<semaphore_mem>>)
      %dma_wait3A_309 = arith.constant 0 : i32
      %dma_wait3A_310 = arith.constant 0 : i32
      %dma_wait3A_311 = tpu.memref_slice %arg7[%dma_wait3A_309, %dma_wait3A_310] : memref<40x128xi32, #tpu.memory_space<vmem>> -> memref<39x128xi32, #tpu.memory_space<vmem>>
      %dma_wait3A_312 = arith.constant 40 : i32
      %dma_wait3A_313 = arith.constant 0 : i32
      %dma_wait3A_314 = tpu.memref_slice %arg3[%add3A, %dma_wait3A_312, %dma_wait3A_313] : memref<32x79x128xi32, #tpu.memory_space<hbm>> -> memref<1x39x128xi32, #tpu.memory_space<hbm>>
      %dma_wait3A_315 = tpu.memref_squeeze %dma_wait3A_314 : memref<1x39x128xi32, #tpu.memory_space<hbm>> -> memref<39x128xi32, #tpu.memory_space<hbm>>
      %dma_wait3A_316 = arith.constant 0 : i32
      %dma_wait3A_317 = arith.constant 0 : i32
      %dma_wait3A_318 = tpu.memref_slice %arg7[%dma_wait3A_316, %dma_wait3A_317] : memref<40x128xi32, #tpu.memory_space<vmem>> -> memref<39x128xi32, #tpu.memory_space<vmem>>
      %dma_wait3A_319 = arith.constant 40 : i32
      %dma_wait3A_320 = arith.constant 0 : i32
      %dma_wait3A_321 = tpu.memref_slice %arg3[%add3A, %dma_wait3A_319, %dma_wait3A_320] : memref<32x79x128xi32, #tpu.memory_space<hbm>> -> memref<1x39x128xi32, #tpu.memory_space<hbm>>
      %dma_wait3A_322 = tpu.memref_squeeze %dma_wait3A_321 : memref<1x39x128xi32, #tpu.memory_space<hbm>> -> memref<39x128xi32, #tpu.memory_space<hbm>>
      tpu.wait_dma2 semaphore(%run_scoped3A_294 : memref<!tpu.dma_semaphore, #tpu.memory_space<semaphore_mem>>) src(%dma_wait3A_322 : memref<39x128xi32, #tpu.memory_space<hbm>>) dst(%dma_wait3A_318 : memref<39x128xi32, #tpu.memory_space<vmem>>)
      tpu.yield
    }) : () -> ()
    "tpu.region"() ({
      %run_scoped3A_294 = tpu.sem_alloc : memref<!tpu.dma_semaphore, #tpu.memory_space<semaphore_mem>>
      %dma_start3A_295 = arith.constant 0 : i32
      %dma_start3A_296 = arith.constant 0 : i32
      %dma_start3A_297 = tpu.memref_slice %arg8[%dma_start3A_295, %dma_start3A_296] : memref<40x128xi32, #tpu.memory_space<vmem>> -> memref<39x128xi32, #tpu.memory_space<vmem>>
      %dma_start3A_298 = arith.constant 40 : i32
      %dma_start3A_299 = arith.constant 0 : i32
      %dma_start3A_300 = tpu.memref_slice %arg4[%add3A, %dma_start3A_298, %dma_start3A_299] : memref<32x79x128xi32, #tpu.memory_space<hbm>> -> memref<1x39x128xi32, #tpu.memory_space<hbm>>
      %dma_start3A_301 = tpu.memref_squeeze %dma_start3A_300 : memref<1x39x128xi32, #tpu.memory_space<hbm>> -> memref<39x128xi32, #tpu.memory_space<hbm>>
      %dma_start3A_302 = arith.constant 0 : i32
      %dma_start3A_303 = arith.constant 0 : i32
      %dma_start3A_304 = tpu.memref_slice %arg8[%dma_start3A_302, %dma_start3A_303] : memref<40x128xi32, #tpu.memory_space<vmem>> -> memref<39x128xi32, #tpu.memory_space<vmem>>
      %dma_start3A_305 = arith.constant 40 : i32
      %dma_start3A_306 = arith.constant 0 : i32
      %dma_start3A_307 = tpu.memref_slice %arg4[%add3A, %dma_start3A_305, %dma_start3A_306] : memref<32x79x128xi32, #tpu.memory_space<hbm>> -> memref<1x39x128xi32, #tpu.memory_space<hbm>>
      %dma_start3A_308 = tpu.memref_squeeze %dma_start3A_307 : memref<1x39x128xi32, #tpu.memory_space<hbm>> -> memref<39x128xi32, #tpu.memory_space<hbm>>
      tpu.enqueue_dma source(%dma_start3A_308 : memref<39x128xi32, #tpu.memory_space<hbm>>) target(%dma_start3A_304 : memref<39x128xi32, #tpu.memory_space<vmem>>) target_semaphore(%run_scoped3A_294 : memref<!tpu.dma_semaphore, #tpu.memory_space<semaphore_mem>>)
      %dma_wait3A_309 = arith.constant 0 : i32
      %dma_wait3A_310 = arith.constant 0 : i32
      %dma_wait3A_311 = tpu.memref_slice %arg8[%dma_wait3A_309, %dma_wait3A_310] : memref<40x128xi32, #tpu.memory_space<vmem>> -> memref<39x128xi32, #tpu.memory_space<vmem>>
      %dma_wait3A_312 = arith.constant 40 : i32
      %dma_wait3A_313 = arith.constant 0 : i32
      %dma_wait3A_314 = tpu.memref_slice %arg4[%add3A, %dma_wait3A_312, %dma_wait3A_313] : memref<32x79x128xi32, #tpu.memory_space<hbm>> -> memref<1x39x128xi32, #tpu.memory_space<hbm>>
      %dma_wait3A_315 = tpu.memref_squeeze %dma_wait3A_314 : memref<1x39x128xi32, #tpu.memory_space<hbm>> -> memref<39x128xi32, #tpu.memory_space<hbm>>
      %dma_wait3A_316 = arith.constant 0 : i32
      %dma_wait3A_317 = arith.constant 0 : i32
      %dma_wait3A_318 = tpu.memref_slice %arg8[%dma_wait3A_316, %dma_wait3A_317] : memref<40x128xi32, #tpu.memory_space<vmem>> -> memref<39x128xi32, #tpu.memory_space<vmem>>
      %dma_wait3A_319 = arith.constant 40 : i32
      %dma_wait3A_320 = arith.constant 0 : i32
      %dma_wait3A_321 = tpu.memref_slice %arg4[%add3A, %dma_wait3A_319, %dma_wait3A_320] : memref<32x79x128xi32, #tpu.memory_space<hbm>> -> memref<1x39x128xi32, #tpu.memory_space<hbm>>
      %dma_wait3A_322 = tpu.memref_squeeze %dma_wait3A_321 : memref<1x39x128xi32, #tpu.memory_space<hbm>> -> memref<39x128xi32, #tpu.memory_space<hbm>>
      tpu.wait_dma2 semaphore(%run_scoped3A_294 : memref<!tpu.dma_semaphore, #tpu.memory_space<semaphore_mem>>) src(%dma_wait3A_322 : memref<39x128xi32, #tpu.memory_space<hbm>>) dst(%dma_wait3A_318 : memref<39x128xi32, #tpu.memory_space<vmem>>)
      tpu.yield
    }) : () -> ()
    %dma_start3A_128 = arith.constant 0 : i32
    %dma_start3A_129 = arith.constant 0 : i32
    %dma_start3A_130 = arith.constant 0 : i32
    %dma_start3A_131 = arith.constant 0 : i32
    %dma_start3A_132 = arith.constant 0 : i32
    %dma_start3A_133 = tpu.memref_slice %arg9[%dma_start3A_129, %dma_start3A_131, %dma_start3A_132] : memref<2x128x128xf32, #tpu.memory_space<vmem>> -> memref<1x128x128xf32, #tpu.memory_space<vmem>>
    %dma_start3A_134 = tpu.memref_squeeze %dma_start3A_133 : memref<1x128x128xf32, #tpu.memory_space<vmem>> -> memref<128x128xf32, #tpu.memory_space<vmem>>
    %dma_start3A_135 = arith.constant 0 : i32
    %dma_start3A_136 = tpu.memref_slice %arg7[%dma_start3A_128, %dma_start3A_135] : memref<40x128xi32, #tpu.memory_space<vmem>> -> memref<1x128xi32, #tpu.memory_space<vmem>>
    %dma_start3A_137 = tpu.memref_squeeze %dma_start3A_136 : memref<1x128xi32, #tpu.memory_space<vmem>> -> memref<128xi32, #tpu.memory_space<vmem>>
    %dma_start3A_138 = arith.constant 0 : i32
    %dma_start3A_139 = arith.constant 0 : i32
    %dma_start3A_140 = tpu.memref_slice %arg2[%dma_start3A_138, %dma_start3A_139] : memref<10000x128xf32, #tpu.memory_space<hbm>> -> memref<10000x128xf32, #tpu.memory_space<hbm>>
    %dma_start3A_141 = tpu.memref_slice %arg10[%dma_start3A_130] : memref<2x!tpu.dma_semaphore, #tpu.memory_space<semaphore_mem>> -> memref<1x!tpu.dma_semaphore, #tpu.memory_space<semaphore_mem>>
    %dma_start3A_142 = tpu.memref_squeeze %dma_start3A_141 : memref<1x!tpu.dma_semaphore, #tpu.memory_space<semaphore_mem>> -> memref<!tpu.dma_semaphore, #tpu.memory_space<semaphore_mem>>
    tpu.enqueue_indirect_dma source(%dma_start3A_140 : memref<10000x128xf32, #tpu.memory_space<hbm>>) target(%dma_start3A_134 : memref<128x128xf32, #tpu.memory_space<vmem>>) offsets(%dma_start3A_137 : memref<128xi32, #tpu.memory_space<vmem>>) semaphore(%dma_start3A_142 : memref<!tpu.dma_semaphore, #tpu.memory_space<semaphore_mem>>)
    %dma_start3A_143 = arith.constant 1 : i32
    %dma_start3A_144 = arith.constant 1 : i32
    %dma_start3A_145 = arith.constant 1 : i32
    %dma_start3A_146 = arith.constant 0 : i32
    %dma_start3A_147 = arith.constant 0 : i32
    %dma_start3A_148 = tpu.memref_slice %arg9[%dma_start3A_144, %dma_start3A_146, %dma_start3A_147] : memref<2x128x128xf32, #tpu.memory_space<vmem>> -> memref<1x128x128xf32, #tpu.memory_space<vmem>>
    %dma_start3A_149 = tpu.memref_squeeze %dma_start3A_148 : memref<1x128x128xf32, #tpu.memory_space<vmem>> -> memref<128x128xf32, #tpu.memory_space<vmem>>
    %dma_start3A_150 = arith.constant 0 : i32
    %dma_start3A_151 = tpu.memref_slice %arg7[%dma_start3A_143, %dma_start3A_150] : memref<40x128xi32, #tpu.memory_space<vmem>> -> memref<1x128xi32, #tpu.memory_space<vmem>>
    %dma_start3A_152 = tpu.memref_squeeze %dma_start3A_151 : memref<1x128xi32, #tpu.memory_space<vmem>> -> memref<128xi32, #tpu.memory_space<vmem>>
    %dma_start3A_153 = arith.constant 0 : i32
    %dma_start3A_154 = arith.constant 0 : i32
    %dma_start3A_155 = tpu.memref_slice %arg2[%dma_start3A_153, %dma_start3A_154] : memref<10000x128xf32, #tpu.memory_space<hbm>> -> memref<10000x128xf32, #tpu.memory_space<hbm>>
    %dma_start3A_156 = tpu.memref_slice %arg10[%dma_start3A_145] : memref<2x!tpu.dma_semaphore, #tpu.memory_space<semaphore_mem>> -> memref<1x!tpu.dma_semaphore, #tpu.memory_space<semaphore_mem>>
    %dma_start3A_157 = tpu.memref_squeeze %dma_start3A_156 : memref<1x!tpu.dma_semaphore, #tpu.memory_space<semaphore_mem>> -> memref<!tpu.dma_semaphore, #tpu.memory_space<semaphore_mem>>
    tpu.enqueue_indirect_dma source(%dma_start3A_155 : memref<10000x128xf32, #tpu.memory_space<hbm>>) target(%dma_start3A_149 : memref<128x128xf32, #tpu.memory_space<vmem>>) offsets(%dma_start3A_152 : memref<128xi32, #tpu.memory_space<vmem>>) semaphore(%dma_start3A_157 : memref<!tpu.dma_semaphore, #tpu.memory_space<semaphore_mem>>)
    %scan3A_158 = arith.constant 0 : i32
    %scan3A_159 = arith.constant 0 : i32
    %scan3A_160 = arith.constant 18 : i32
    %scan3A_161 = arith.addi %scan3A_159, %scan3A_160 : i32
    %scan3A_162 = arith.constant 1 : i32
    scf.for %scan3A_294 = %scan3A_159 to %scan3A_161 step %scan3A_162  : i32 {
      %mul3A_295 = arith.constant 2 : i32
      %mul3A_296 = arith.muli %scan3A_294, %mul3A_295 : i32
      %add3A_297 = arith.constant 0 : i32
      %add3A_298 = arith.addi %mul3A_296, %add3A_297 : i32
      %dma_wait3A_299 = arith.constant 0 : i32
      %dma_wait3A_300 = arith.constant 0 : i32
      %dma_wait3A_301 = arith.constant 0 : i32
      %dma_wait3A_302 = arith.constant 0 : i32
      %dma_wait3A_303 = tpu.memref_slice %arg9[%dma_wait3A_299, %dma_wait3A_301, %dma_wait3A_302] : memref<2x128x128xf32, #tpu.memory_space<vmem>> -> memref<1x128x128xf32, #tpu.memory_space<vmem>>
      %dma_wait3A_304 = tpu.memref_squeeze %dma_wait3A_303 : memref<1x128x128xf32, #tpu.memory_space<vmem>> -> memref<128x128xf32, #tpu.memory_space<vmem>>
      %dma_wait3A_305 = arith.constant 0 : i32
      %dma_wait3A_306 = tpu.memref_slice %arg7[%add3A_298, %dma_wait3A_305] : memref<40x128xi32, #tpu.memory_space<vmem>> -> memref<1x128xi32, #tpu.memory_space<vmem>>
      %dma_wait3A_307 = tpu.memref_squeeze %dma_wait3A_306 : memref<1x128xi32, #tpu.memory_space<vmem>> -> memref<128xi32, #tpu.memory_space<vmem>>
      %dma_wait3A_308 = arith.constant 0 : i32
      %dma_wait3A_309 = arith.constant 0 : i32
      %dma_wait3A_310 = tpu.memref_slice %arg2[%dma_wait3A_308, %dma_wait3A_309] : memref<10000x128xf32, #tpu.memory_space<hbm>> -> memref<10000x128xf32, #tpu.memory_space<hbm>>
      %dma_wait3A_311 = tpu.memref_slice %arg10[%dma_wait3A_300] : memref<2x!tpu.dma_semaphore, #tpu.memory_space<semaphore_mem>> -> memref<1x!tpu.dma_semaphore, #tpu.memory_space<semaphore_mem>>
      %dma_wait3A_312 = tpu.memref_squeeze %dma_wait3A_311 : memref<1x!tpu.dma_semaphore, #tpu.memory_space<semaphore_mem>> -> memref<!tpu.dma_semaphore, #tpu.memory_space<semaphore_mem>>
      tpu.wait_indirect_dma semaphore(%dma_wait3A_312 : memref<!tpu.dma_semaphore, #tpu.memory_space<semaphore_mem>>) src(%dma_wait3A_310 : memref<10000x128xf32, #tpu.memory_space<hbm>>) dst(%dma_wait3A_304 : memref<128x128xf32, #tpu.memory_space<vmem>>)
      %dma_start3A_313 = arith.constant 0 : i32
      %dma_start3A_314 = arith.constant 0 : i32
      %dma_start3A_315 = arith.constant 0 : i32
      %dma_start3A_316 = arith.constant 0 : i32
      %dma_start3A_317 = tpu.memref_slice %arg9[%dma_start3A_313, %dma_start3A_315, %dma_start3A_316] : memref<2x128x128xf32, #tpu.memory_space<vmem>> -> memref<1x128x128xf32, #tpu.memory_space<vmem>>
      %dma_start3A_318 = tpu.memref_squeeze %dma_start3A_317 : memref<1x128x128xf32, #tpu.memory_space<vmem>> -> memref<128x128xf32, #tpu.memory_space<vmem>>
      %dma_start3A_319 = arith.constant 0 : i32
      %dma_start3A_320 = tpu.memref_slice %arg8[%add3A_298, %dma_start3A_319] : memref<40x128xi32, #tpu.memory_space<vmem>> -> memref<1x128xi32, #tpu.memory_space<vmem>>
      %dma_start3A_321 = tpu.memref_squeeze %dma_start3A_320 : memref<1x128xi32, #tpu.memory_space<vmem>> -> memref<128xi32, #tpu.memory_space<vmem>>
      %dma_start3A_322 = arith.constant 0 : i32
      %dma_start3A_323 = arith.constant 0 : i32
      %dma_start3A_324 = tpu.memref_slice %arg12[%dma_start3A_322, %dma_start3A_323] : memref<10128x128xf32, #tpu.memory_space<vmem_shared>> -> memref<10128x128xf32, #tpu.memory_space<vmem_shared>>
      %dma_start3A_325 = tpu.memref_slice %arg11[%dma_start3A_314] : memref<2x!tpu.dma_semaphore, #tpu.memory_space<semaphore_mem>> -> memref<1x!tpu.dma_semaphore, #tpu.memory_space<semaphore_mem>>
      %dma_start3A_326 = tpu.memref_squeeze %dma_start3A_325 : memref<1x!tpu.dma_semaphore, #tpu.memory_space<semaphore_mem>> -> memref<!tpu.dma_semaphore, #tpu.memory_space<semaphore_mem>>
      tpu.enqueue_indirect_dma source(%dma_start3A_318 : memref<128x128xf32, #tpu.memory_space<vmem>>) target(%dma_start3A_324 : memref<10128x128xf32, #tpu.memory_space<vmem_shared>>) offsets(%dma_start3A_321 : memref<128xi32, #tpu.memory_space<vmem>>) semaphore(%dma_start3A_326 : memref<!tpu.dma_semaphore, #tpu.memory_space<semaphore_mem>>) {add = true}
      %dma_wait3A_327 = arith.constant 0 : i32
      %dma_wait3A_328 = arith.constant 0 : i32
      %dma_wait3A_329 = arith.constant 0 : i32
      %dma_wait3A_330 = arith.constant 0 : i32
      %dma_wait3A_331 = tpu.memref_slice %arg9[%dma_wait3A_327, %dma_wait3A_329, %dma_wait3A_330] : memref<2x128x128xf32, #tpu.memory_space<vmem>> -> memref<1x128x128xf32, #tpu.memory_space<vmem>>
      %dma_wait3A_332 = tpu.memref_squeeze %dma_wait3A_331 : memref<1x128x128xf32, #tpu.memory_space<vmem>> -> memref<128x128xf32, #tpu.memory_space<vmem>>
      %dma_wait3A_333 = arith.constant 0 : i32
      %dma_wait3A_334 = tpu.memref_slice %arg8[%add3A_298, %dma_wait3A_333] : memref<40x128xi32, #tpu.memory_space<vmem>> -> memref<1x128xi32, #tpu.memory_space<vmem>>
      %dma_wait3A_335 = tpu.memref_squeeze %dma_wait3A_334 : memref<1x128xi32, #tpu.memory_space<vmem>> -> memref<128xi32, #tpu.memory_space<vmem>>
      %dma_wait3A_336 = arith.constant 0 : i32
      %dma_wait3A_337 = arith.constant 0 : i32
      %dma_wait3A_338 = tpu.memref_slice %arg12[%dma_wait3A_336, %dma_wait3A_337] : memref<10128x128xf32, #tpu.memory_space<vmem_shared>> -> memref<10128x128xf32, #tpu.memory_space<vmem_shared>>
      %dma_wait3A_339 = tpu.memref_slice %arg11[%dma_wait3A_328] : memref<2x!tpu.dma_semaphore, #tpu.memory_space<semaphore_mem>> -> memref<1x!tpu.dma_semaphore, #tpu.memory_space<semaphore_mem>>
      %dma_wait3A_340 = tpu.memref_squeeze %dma_wait3A_339 : memref<1x!tpu.dma_semaphore, #tpu.memory_space<semaphore_mem>> -> memref<!tpu.dma_semaphore, #tpu.memory_space<semaphore_mem>>
      tpu.wait_indirect_dma semaphore(%dma_wait3A_340 : memref<!tpu.dma_semaphore, #tpu.memory_space<semaphore_mem>>) src(%dma_wait3A_332 : memref<128x128xf32, #tpu.memory_space<vmem>>) dst(%dma_wait3A_338 : memref<10128x128xf32, #tpu.memory_space<vmem_shared>>)
      %add3A_341 = arith.constant 2 : i32
      %add3A_342 = arith.addi %add3A_298, %add3A_341 : i32
      %dma_start3A_343 = arith.constant 0 : i32
      %dma_start3A_344 = arith.constant 0 : i32
      %dma_start3A_345 = arith.constant 0 : i32
      %dma_start3A_346 = arith.constant 0 : i32
      %dma_start3A_347 = tpu.memref_slice %arg9[%dma_start3A_343, %dma_start3A_345, %dma_start3A_346] : memref<2x128x128xf32, #tpu.memory_space<vmem>> -> memref<1x128x128xf32, #tpu.memory_space<vmem>>
      %dma_start3A_348 = tpu.memref_squeeze %dma_start3A_347 : memref<1x128x128xf32, #tpu.memory_space<vmem>> -> memref<128x128xf32, #tpu.memory_space<vmem>>
      %dma_start3A_349 = arith.constant 0 : i32
      %dma_start3A_350 = tpu.memref_slice %arg7[%add3A_342, %dma_start3A_349] : memref<40x128xi32, #tpu.memory_space<vmem>> -> memref<1x128xi32, #tpu.memory_space<vmem>>
      %dma_start3A_351 = tpu.memref_squeeze %dma_start3A_350 : memref<1x128xi32, #tpu.memory_space<vmem>> -> memref<128xi32, #tpu.memory_space<vmem>>
      %dma_start3A_352 = arith.constant 0 : i32
      %dma_start3A_353 = arith.constant 0 : i32
      %dma_start3A_354 = tpu.memref_slice %arg2[%dma_start3A_352, %dma_start3A_353] : memref<10000x128xf32, #tpu.memory_space<hbm>> -> memref<10000x128xf32, #tpu.memory_space<hbm>>
      %dma_start3A_355 = tpu.memref_slice %arg10[%dma_start3A_344] : memref<2x!tpu.dma_semaphore, #tpu.memory_space<semaphore_mem>> -> memref<1x!tpu.dma_semaphore, #tpu.memory_space<semaphore_mem>>
      %dma_start3A_356 = tpu.memref_squeeze %dma_start3A_355 : memref<1x!tpu.dma_semaphore, #tpu.memory_space<semaphore_mem>> -> memref<!tpu.dma_semaphore, #tpu.memory_space<semaphore_mem>>
      tpu.enqueue_indirect_dma source(%dma_start3A_354 : memref<10000x128xf32, #tpu.memory_space<hbm>>) target(%dma_start3A_348 : memref<128x128xf32, #tpu.memory_space<vmem>>) offsets(%dma_start3A_351 : memref<128xi32, #tpu.memory_space<vmem>>) semaphore(%dma_start3A_356 : memref<!tpu.dma_semaphore, #tpu.memory_space<semaphore_mem>>)
      %mul3A_357 = arith.constant 2 : i32
      %mul3A_358 = arith.muli %scan3A_294, %mul3A_357 : i32
      %add3A_359 = arith.constant 1 : i32
      %add3A_360 = arith.addi %mul3A_358, %add3A_359 : i32
      %dma_wait3A_361 = arith.constant 1 : i32
      %dma_wait3A_362 = arith.constant 1 : i32
      %dma_wait3A_363 = arith.constant 0 : i32
      %dma_wait3A_364 = arith.constant 0 : i32
      %dma_wait3A_365 = tpu.memref_slice %arg9[%dma_wait3A_361, %dma_wait3A_363, %dma_wait3A_364] : memref<2x128x128xf32, #tpu.memory_space<vmem>> -> memref<1x128x128xf32, #tpu.memory_space<vmem>>
      %dma_wait3A_366 = tpu.memref_squeeze %dma_wait3A_365 : memref<1x128x128xf32, #tpu.memory_space<vmem>> -> memref<128x128xf32, #tpu.memory_space<vmem>>
      %dma_wait3A_367 = arith.constant 0 : i32
      %dma_wait3A_368 = tpu.memref_slice %arg7[%add3A_360, %dma_wait3A_367] : memref<40x128xi32, #tpu.memory_space<vmem>> -> memref<1x128xi32, #tpu.memory_space<vmem>>
      %dma_wait3A_369 = tpu.memref_squeeze %dma_wait3A_368 : memref<1x128xi32, #tpu.memory_space<vmem>> -> memref<128xi32, #tpu.memory_space<vmem>>
      %dma_wait3A_370 = arith.constant 0 : i32
      %dma_wait3A_371 = arith.constant 0 : i32
      %dma_wait3A_372 = tpu.memref_slice %arg2[%dma_wait3A_370, %dma_wait3A_371] : memref<10000x128xf32, #tpu.memory_space<hbm>> -> memref<10000x128xf32, #tpu.memory_space<hbm>>
      %dma_wait3A_373 = tpu.memref_slice %arg10[%dma_wait3A_362] : memref<2x!tpu.dma_semaphore, #tpu.memory_space<semaphore_mem>> -> memref<1x!tpu.dma_semaphore, #tpu.memory_space<semaphore_mem>>
      %dma_wait3A_374 = tpu.memref_squeeze %dma_wait3A_373 : memref<1x!tpu.dma_semaphore, #tpu.memory_space<semaphore_mem>> -> memref<!tpu.dma_semaphore, #tpu.memory_space<semaphore_mem>>
      tpu.wait_indirect_dma semaphore(%dma_wait3A_374 : memref<!tpu.dma_semaphore, #tpu.memory_space<semaphore_mem>>) src(%dma_wait3A_372 : memref<10000x128xf32, #tpu.memory_space<hbm>>) dst(%dma_wait3A_366 : memref<128x128xf32, #tpu.memory_space<vmem>>)
      %dma_start3A_375 = arith.constant 1 : i32
      %dma_start3A_376 = arith.constant 1 : i32
      %dma_start3A_377 = arith.constant 0 : i32
      %dma_start3A_378 = arith.constant 0 : i32
      %dma_start3A_379 = tpu.memref_slice %arg9[%dma_start3A_375, %dma_start3A_377, %dma_start3A_378] : memref<2x128x128xf32, #tpu.memory_space<vmem>> -> memref<1x128x128xf32, #tpu.memory_space<vmem>>
      %dma_start3A_380 = tpu.memref_squeeze %dma_start3A_379 : memref<1x128x128xf32, #tpu.memory_space<vmem>> -> memref<128x128xf32, #tpu.memory_space<vmem>>
      %dma_start3A_381 = arith.constant 0 : i32
      %dma_start3A_382 = tpu.memref_slice %arg8[%add3A_360, %dma_start3A_381] : memref<40x128xi32, #tpu.memory_space<vmem>> -> memref<1x128xi32, #tpu.memory_space<vmem>>
      %dma_start3A_383 = tpu.memref_squeeze %dma_start3A_382 : memref<1x128xi32, #tpu.memory_space<vmem>> -> memref<128xi32, #tpu.memory_space<vmem>>
      %dma_start3A_384 = arith.constant 0 : i32
      %dma_start3A_385 = arith.constant 0 : i32
      %dma_start3A_386 = tpu.memref_slice %arg12[%dma_start3A_384, %dma_start3A_385] : memref<10128x128xf32, #tpu.memory_space<vmem_shared>> -> memref<10128x128xf32, #tpu.memory_space<vmem_shared>>
      %dma_start3A_387 = tpu.memref_slice %arg11[%dma_start3A_376] : memref<2x!tpu.dma_semaphore, #tpu.memory_space<semaphore_mem>> -> memref<1x!tpu.dma_semaphore, #tpu.memory_space<semaphore_mem>>
      %dma_start3A_388 = tpu.memref_squeeze %dma_start3A_387 : memref<1x!tpu.dma_semaphore, #tpu.memory_space<semaphore_mem>> -> memref<!tpu.dma_semaphore, #tpu.memory_space<semaphore_mem>>
      tpu.enqueue_indirect_dma source(%dma_start3A_380 : memref<128x128xf32, #tpu.memory_space<vmem>>) target(%dma_start3A_386 : memref<10128x128xf32, #tpu.memory_space<vmem_shared>>) offsets(%dma_start3A_383 : memref<128xi32, #tpu.memory_space<vmem>>) semaphore(%dma_start3A_388 : memref<!tpu.dma_semaphore, #tpu.memory_space<semaphore_mem>>) {add = true}
      %dma_wait3A_389 = arith.constant 1 : i32
      %dma_wait3A_390 = arith.constant 1 : i32
      %dma_wait3A_391 = arith.constant 0 : i32
      %dma_wait3A_392 = arith.constant 0 : i32
      %dma_wait3A_393 = tpu.memref_slice %arg9[%dma_wait3A_389, %dma_wait3A_391, %dma_wait3A_392] : memref<2x128x128xf32, #tpu.memory_space<vmem>> -> memref<1x128x128xf32, #tpu.memory_space<vmem>>
      %dma_wait3A_394 = tpu.memref_squeeze %dma_wait3A_393 : memref<1x128x128xf32, #tpu.memory_space<vmem>> -> memref<128x128xf32, #tpu.memory_space<vmem>>
      %dma_wait3A_395 = arith.constant 0 : i32
      %dma_wait3A_396 = tpu.memref_slice %arg8[%add3A_360, %dma_wait3A_395] : memref<40x128xi32, #tpu.memory_space<vmem>> -> memref<1x128xi32, #tpu.memory_space<vmem>>
      %dma_wait3A_397 = tpu.memref_squeeze %dma_wait3A_396 : memref<1x128xi32, #tpu.memory_space<vmem>> -> memref<128xi32, #tpu.memory_space<vmem>>
      %dma_wait3A_398 = arith.constant 0 : i32
      %dma_wait3A_399 = arith.constant 0 : i32
      %dma_wait3A_400 = tpu.memref_slice %arg12[%dma_wait3A_398, %dma_wait3A_399] : memref<10128x128xf32, #tpu.memory_space<vmem_shared>> -> memref<10128x128xf32, #tpu.memory_space<vmem_shared>>
      %dma_wait3A_401 = tpu.memref_slice %arg11[%dma_wait3A_390] : memref<2x!tpu.dma_semaphore, #tpu.memory_space<semaphore_mem>> -> memref<1x!tpu.dma_semaphore, #tpu.memory_space<semaphore_mem>>
      %dma_wait3A_402 = tpu.memref_squeeze %dma_wait3A_401 : memref<1x!tpu.dma_semaphore, #tpu.memory_space<semaphore_mem>> -> memref<!tpu.dma_semaphore, #tpu.memory_space<semaphore_mem>>
      tpu.wait_indirect_dma semaphore(%dma_wait3A_402 : memref<!tpu.dma_semaphore, #tpu.memory_space<semaphore_mem>>) src(%dma_wait3A_394 : memref<128x128xf32, #tpu.memory_space<vmem>>) dst(%dma_wait3A_400 : memref<10128x128xf32, #tpu.memory_space<vmem_shared>>)
      %add3A_403 = arith.constant 2 : i32
      %add3A_404 = arith.addi %add3A_360, %add3A_403 : i32
      %dma_start3A_405 = arith.constant 1 : i32
      %dma_start3A_406 = arith.constant 1 : i32
      %dma_start3A_407 = arith.constant 0 : i32
      %dma_start3A_408 = arith.constant 0 : i32
      %dma_start3A_409 = tpu.memref_slice %arg9[%dma_start3A_405, %dma_start3A_407, %dma_start3A_408] : memref<2x128x128xf32, #tpu.memory_space<vmem>> -> memref<1x128x128xf32, #tpu.memory_space<vmem>>
      %dma_start3A_410 = tpu.memref_squeeze %dma_start3A_409 : memref<1x128x128xf32, #tpu.memory_space<vmem>> -> memref<128x128xf32, #tpu.memory_space<vmem>>
      %dma_start3A_411 = arith.constant 0 : i32
      %dma_start3A_412 = tpu.memref_slice %arg7[%add3A_404, %dma_start3A_411] : memref<40x128xi32, #tpu.memory_space<vmem>> -> memref<1x128xi32, #tpu.memory_space<vmem>>
      %dma_start3A_413 = tpu.memref_squeeze %dma_start3A_412 : memref<1x128xi32, #tpu.memory_space<vmem>> -> memref<128xi32, #tpu.memory_space<vmem>>
      %dma_start3A_414 = arith.constant 0 : i32
      %dma_start3A_415 = arith.constant 0 : i32
      %dma_start3A_416 = tpu.memref_slice %arg2[%dma_start3A_414, %dma_start3A_415] : memref<10000x128xf32, #tpu.memory_space<hbm>> -> memref<10000x128xf32, #tpu.memory_space<hbm>>
      %dma_start3A_417 = tpu.memref_slice %arg10[%dma_start3A_406] : memref<2x!tpu.dma_semaphore, #tpu.memory_space<semaphore_mem>> -> memref<1x!tpu.dma_semaphore, #tpu.memory_space<semaphore_mem>>
      %dma_start3A_418 = tpu.memref_squeeze %dma_start3A_417 : memref<1x!tpu.dma_semaphore, #tpu.memory_space<semaphore_mem>> -> memref<!tpu.dma_semaphore, #tpu.memory_space<semaphore_mem>>
      tpu.enqueue_indirect_dma source(%dma_start3A_416 : memref<10000x128xf32, #tpu.memory_space<hbm>>) target(%dma_start3A_410 : memref<128x128xf32, #tpu.memory_space<vmem>>) offsets(%dma_start3A_413 : memref<128xi32, #tpu.memory_space<vmem>>) semaphore(%dma_start3A_418 : memref<!tpu.dma_semaphore, #tpu.memory_space<semaphore_mem>>)
    }
    %scan3A_163 = arith.constant 18 : i32
    %dma_wait3A_164 = arith.constant 36 : i32
    %dma_wait3A_165 = arith.constant 0 : i32
    %dma_wait3A_166 = arith.constant 0 : i32
    %dma_wait3A_167 = arith.constant 0 : i32
    %dma_wait3A_168 = arith.constant 0 : i32
    %dma_wait3A_169 = tpu.memref_slice %arg9[%dma_wait3A_165, %dma_wait3A_167, %dma_wait3A_168] : memref<2x128x128xf32, #tpu.memory_space<vmem>> -> memref<1x128x128xf32, #tpu.memory_space<vmem>>
    %dma_wait3A_170 = tpu.memref_squeeze %dma_wait3A_169 : memref<1x128x128xf32, #tpu.memory_space<vmem>> -> memref<128x128xf32, #tpu.memory_space<vmem>>
    %dma_wait3A_171 = arith.constant 0 : i32
    %dma_wait3A_172 = tpu.memref_slice %arg7[%dma_wait3A_164, %dma_wait3A_171] : memref<40x128xi32, #tpu.memory_space<vmem>> -> memref<1x128xi32, #tpu.memory_space<vmem>>
    %dma_wait3A_173 = tpu.memref_squeeze %dma_wait3A_172 : memref<1x128xi32, #tpu.memory_space<vmem>> -> memref<128xi32, #tpu.memory_space<vmem>>
    %dma_wait3A_174 = arith.constant 0 : i32
    %dma_wait3A_175 = arith.constant 0 : i32
    %dma_wait3A_176 = tpu.memref_slice %arg2[%dma_wait3A_174, %dma_wait3A_175] : memref<10000x128xf32, #tpu.memory_space<hbm>> -> memref<10000x128xf32, #tpu.memory_space<hbm>>
    %dma_wait3A_177 = tpu.memref_slice %arg10[%dma_wait3A_166] : memref<2x!tpu.dma_semaphore, #tpu.memory_space<semaphore_mem>> -> memref<1x!tpu.dma_semaphore, #tpu.memory_space<semaphore_mem>>
    %dma_wait3A_178 = tpu.memref_squeeze %dma_wait3A_177 : memref<1x!tpu.dma_semaphore, #tpu.memory_space<semaphore_mem>> -> memref<!tpu.dma_semaphore, #tpu.memory_space<semaphore_mem>>
    tpu.wait_indirect_dma semaphore(%dma_wait3A_178 : memref<!tpu.dma_semaphore, #tpu.memory_space<semaphore_mem>>) src(%dma_wait3A_176 : memref<10000x128xf32, #tpu.memory_space<hbm>>) dst(%dma_wait3A_170 : memref<128x128xf32, #tpu.memory_space<vmem>>)
    %dma_start3A_179 = arith.constant 0 : i32
    %dma_start3A_180 = arith.constant 36 : i32
    %dma_start3A_181 = arith.constant 0 : i32
    %dma_start3A_182 = arith.constant 0 : i32
    %dma_start3A_183 = arith.constant 0 : i32
    %dma_start3A_184 = tpu.memref_slice %arg9[%dma_start3A_179, %dma_start3A_182, %dma_start3A_183] : memref<2x128x128xf32, #tpu.memory_space<vmem>> -> memref<1x128x128xf32, #tpu.memory_space<vmem>>
    %dma_start3A_185 = tpu.memref_squeeze %dma_start3A_184 : memref<1x128x128xf32, #tpu.memory_space<vmem>> -> memref<128x128xf32, #tpu.memory_space<vmem>>
    %dma_start3A_186 = arith.constant 0 : i32
    %dma_start3A_187 = tpu.memref_slice %arg8[%dma_start3A_180, %dma_start3A_186] : memref<40x128xi32, #tpu.memory_space<vmem>> -> memref<1x128xi32, #tpu.memory_space<vmem>>
    %dma_start3A_188 = tpu.memref_squeeze %dma_start3A_187 : memref<1x128xi32, #tpu.memory_space<vmem>> -> memref<128xi32, #tpu.memory_space<vmem>>
    %dma_start3A_189 = arith.constant 0 : i32
    %dma_start3A_190 = arith.constant 0 : i32
    %dma_start3A_191 = tpu.memref_slice %arg12[%dma_start3A_189, %dma_start3A_190] : memref<10128x128xf32, #tpu.memory_space<vmem_shared>> -> memref<10128x128xf32, #tpu.memory_space<vmem_shared>>
    %dma_start3A_192 = tpu.memref_slice %arg11[%dma_start3A_181] : memref<2x!tpu.dma_semaphore, #tpu.memory_space<semaphore_mem>> -> memref<1x!tpu.dma_semaphore, #tpu.memory_space<semaphore_mem>>
    %dma_start3A_193 = tpu.memref_squeeze %dma_start3A_192 : memref<1x!tpu.dma_semaphore, #tpu.memory_space<semaphore_mem>> -> memref<!tpu.dma_semaphore, #tpu.memory_space<semaphore_mem>>
    tpu.enqueue_indirect_dma source(%dma_start3A_185 : memref<128x128xf32, #tpu.memory_space<vmem>>) target(%dma_start3A_191 : memref<10128x128xf32, #tpu.memory_space<vmem_shared>>) offsets(%dma_start3A_188 : memref<128xi32, #tpu.memory_space<vmem>>) semaphore(%dma_start3A_193 : memref<!tpu.dma_semaphore, #tpu.memory_space<semaphore_mem>>) {add = true}
    %dma_wait3A_194 = arith.constant 37 : i32
    %dma_wait3A_195 = arith.constant 1 : i32
    %dma_wait3A_196 = arith.constant 1 : i32
    %dma_wait3A_197 = arith.constant 0 : i32
    %dma_wait3A_198 = arith.constant 0 : i32
    %dma_wait3A_199 = tpu.memref_slice %arg9[%dma_wait3A_195, %dma_wait3A_197, %dma_wait3A_198] : memref<2x128x128xf32, #tpu.memory_space<vmem>> -> memref<1x128x128xf32, #tpu.memory_space<vmem>>
    %dma_wait3A_200 = tpu.memref_squeeze %dma_wait3A_199 : memref<1x128x128xf32, #tpu.memory_space<vmem>> -> memref<128x128xf32, #tpu.memory_space<vmem>>
    %dma_wait3A_201 = arith.constant 0 : i32
    %dma_wait3A_202 = tpu.memref_slice %arg7[%dma_wait3A_194, %dma_wait3A_201] : memref<40x128xi32, #tpu.memory_space<vmem>> -> memref<1x128xi32, #tpu.memory_space<vmem>>
    %dma_wait3A_203 = tpu.memref_squeeze %dma_wait3A_202 : memref<1x128xi32, #tpu.memory_space<vmem>> -> memref<128xi32, #tpu.memory_space<vmem>>
    %dma_wait3A_204 = arith.constant 0 : i32
    %dma_wait3A_205 = arith.constant 0 : i32
    %dma_wait3A_206 = tpu.memref_slice %arg2[%dma_wait3A_204, %dma_wait3A_205] : memref<10000x128xf32, #tpu.memory_space<hbm>> -> memref<10000x128xf32, #tpu.memory_space<hbm>>
    %dma_wait3A_207 = tpu.memref_slice %arg10[%dma_wait3A_196] : memref<2x!tpu.dma_semaphore, #tpu.memory_space<semaphore_mem>> -> memref<1x!tpu.dma_semaphore, #tpu.memory_space<semaphore_mem>>
    %dma_wait3A_208 = tpu.memref_squeeze %dma_wait3A_207 : memref<1x!tpu.dma_semaphore, #tpu.memory_space<semaphore_mem>> -> memref<!tpu.dma_semaphore, #tpu.memory_space<semaphore_mem>>
    tpu.wait_indirect_dma semaphore(%dma_wait3A_208 : memref<!tpu.dma_semaphore, #tpu.memory_space<semaphore_mem>>) src(%dma_wait3A_206 : memref<10000x128xf32, #tpu.memory_space<hbm>>) dst(%dma_wait3A_200 : memref<128x128xf32, #tpu.memory_space<vmem>>)
    %dma_start3A_209 = arith.constant 1 : i32
    %dma_start3A_210 = arith.constant 37 : i32
    %dma_start3A_211 = arith.constant 1 : i32
    %dma_start3A_212 = arith.constant 0 : i32
    %dma_start3A_213 = arith.constant 0 : i32
    %dma_start3A_214 = tpu.memref_slice %arg9[%dma_start3A_209, %dma_start3A_212, %dma_start3A_213] : memref<2x128x128xf32, #tpu.memory_space<vmem>> -> memref<1x128x128xf32, #tpu.memory_space<vmem>>
    %dma_start3A_215 = tpu.memref_squeeze %dma_start3A_214 : memref<1x128x128xf32, #tpu.memory_space<vmem>> -> memref<128x128xf32, #tpu.memory_space<vmem>>
    %dma_start3A_216 = arith.constant 0 : i32
    %dma_start3A_217 = tpu.memref_slice %arg8[%dma_start3A_210, %dma_start3A_216] : memref<40x128xi32, #tpu.memory_space<vmem>> -> memref<1x128xi32, #tpu.memory_space<vmem>>
    %dma_start3A_218 = tpu.memref_squeeze %dma_start3A_217 : memref<1x128xi32, #tpu.memory_space<vmem>> -> memref<128xi32, #tpu.memory_space<vmem>>
    %dma_start3A_219 = arith.constant 0 : i32
    %dma_start3A_220 = arith.constant 0 : i32
    %dma_start3A_221 = tpu.memref_slice %arg12[%dma_start3A_219, %dma_start3A_220] : memref<10128x128xf32, #tpu.memory_space<vmem_shared>> -> memref<10128x128xf32, #tpu.memory_space<vmem_shared>>
    %dma_start3A_222 = tpu.memref_slice %arg11[%dma_start3A_211] : memref<2x!tpu.dma_semaphore, #tpu.memory_space<semaphore_mem>> -> memref<1x!tpu.dma_semaphore, #tpu.memory_space<semaphore_mem>>
    %dma_start3A_223 = tpu.memref_squeeze %dma_start3A_222 : memref<1x!tpu.dma_semaphore, #tpu.memory_space<semaphore_mem>> -> memref<!tpu.dma_semaphore, #tpu.memory_space<semaphore_mem>>
    tpu.enqueue_indirect_dma source(%dma_start3A_215 : memref<128x128xf32, #tpu.memory_space<vmem>>) target(%dma_start3A_221 : memref<10128x128xf32, #tpu.memory_space<vmem_shared>>) offsets(%dma_start3A_218 : memref<128xi32, #tpu.memory_space<vmem>>) semaphore(%dma_start3A_223 : memref<!tpu.dma_semaphore, #tpu.memory_space<semaphore_mem>>) {add = true}
    %dma_wait3A_224 = arith.constant 0 : i32
    %dma_wait3A_225 = arith.constant 36 : i32
    %dma_wait3A_226 = arith.constant 0 : i32
    %dma_wait3A_227 = arith.constant 0 : i32
    %dma_wait3A_228 = arith.constant 0 : i32
    %dma_wait3A_229 = tpu.memref_slice %arg9[%dma_wait3A_224, %dma_wait3A_227, %dma_wait3A_228] : memref<2x128x128xf32, #tpu.memory_space<vmem>> -> memref<1x128x128xf32, #tpu.memory_space<vmem>>
    %dma_wait3A_230 = tpu.memref_squeeze %dma_wait3A_229 : memref<1x128x128xf32, #tpu.memory_space<vmem>> -> memref<128x128xf32, #tpu.memory_space<vmem>>
    %dma_wait3A_231 = arith.constant 0 : i32
    %dma_wait3A_232 = tpu.memref_slice %arg8[%dma_wait3A_225, %dma_wait3A_231] : memref<40x128xi32, #tpu.memory_space<vmem>> -> memref<1x128xi32, #tpu.memory_space<vmem>>
    %dma_wait3A_233 = tpu.memref_squeeze %dma_wait3A_232 : memref<1x128xi32, #tpu.memory_space<vmem>> -> memref<128xi32, #tpu.memory_space<vmem>>
    %dma_wait3A_234 = arith.constant 0 : i32
    %dma_wait3A_235 = arith.constant 0 : i32
    %dma_wait3A_236 = tpu.memref_slice %arg12[%dma_wait3A_234, %dma_wait3A_235] : memref<10128x128xf32, #tpu.memory_space<vmem_shared>> -> memref<10128x128xf32, #tpu.memory_space<vmem_shared>>
    %dma_wait3A_237 = tpu.memref_slice %arg11[%dma_wait3A_226] : memref<2x!tpu.dma_semaphore, #tpu.memory_space<semaphore_mem>> -> memref<1x!tpu.dma_semaphore, #tpu.memory_space<semaphore_mem>>
    %dma_wait3A_238 = tpu.memref_squeeze %dma_wait3A_237 : memref<1x!tpu.dma_semaphore, #tpu.memory_space<semaphore_mem>> -> memref<!tpu.dma_semaphore, #tpu.memory_space<semaphore_mem>>
    tpu.wait_indirect_dma semaphore(%dma_wait3A_238 : memref<!tpu.dma_semaphore, #tpu.memory_space<semaphore_mem>>) src(%dma_wait3A_230 : memref<128x128xf32, #tpu.memory_space<vmem>>) dst(%dma_wait3A_236 : memref<10128x128xf32, #tpu.memory_space<vmem_shared>>)
    %run_scoped3A = arith.constant 38 : i32
    %run_scoped3A_239 = arith.constant 0 : i32
    "tpu.region"() ({
      %run_scoped3A_294 = tpu.sem_alloc : memref<!tpu.dma_semaphore, #tpu.memory_space<semaphore_mem>>
      %dma_start3A_295 = arith.constant 0 : i32
      %dma_start3A_296 = arith.constant 0 : i32
      %dma_start3A_297 = tpu.memref_slice %arg9[%run_scoped3A_239, %dma_start3A_295, %dma_start3A_296] : memref<2x128x128xf32, #tpu.memory_space<vmem>> -> memref<1x128x128xf32, #tpu.memory_space<vmem>>
      %dma_start3A_298 = tpu.memref_squeeze %dma_start3A_297 : memref<1x128x128xf32, #tpu.memory_space<vmem>> -> memref<128x128xf32, #tpu.memory_space<vmem>>
      %dma_start3A_299 = arith.constant 0 : i32
      %dma_start3A_300 = tpu.memref_slice %arg7[%run_scoped3A, %dma_start3A_299] : memref<40x128xi32, #tpu.memory_space<vmem>> -> memref<1x128xi32, #tpu.memory_space<vmem>>
      %dma_start3A_301 = tpu.memref_squeeze %dma_start3A_300 : memref<1x128xi32, #tpu.memory_space<vmem>> -> memref<128xi32, #tpu.memory_space<vmem>>
      %dma_start3A_302 = arith.constant 0 : i32
      %dma_start3A_303 = arith.constant 0 : i32
      %dma_start3A_304 = tpu.memref_slice %arg2[%dma_start3A_302, %dma_start3A_303] : memref<10000x128xf32, #tpu.memory_space<hbm>> -> memref<10000x128xf32, #tpu.memory_space<hbm>>
      tpu.enqueue_indirect_dma source(%dma_start3A_304 : memref<10000x128xf32, #tpu.memory_space<hbm>>) target(%dma_start3A_298 : memref<128x128xf32, #tpu.memory_space<vmem>>) offsets(%dma_start3A_301 : memref<128xi32, #tpu.memory_space<vmem>>) semaphore(%run_scoped3A_294 : memref<!tpu.dma_semaphore, #tpu.memory_space<semaphore_mem>>)
      %dma_wait3A_305 = arith.constant 0 : i32
      %dma_wait3A_306 = arith.constant 0 : i32
      %dma_wait3A_307 = tpu.memref_slice %arg9[%run_scoped3A_239, %dma_wait3A_305, %dma_wait3A_306] : memref<2x128x128xf32, #tpu.memory_space<vmem>> -> memref<1x128x128xf32, #tpu.memory_space<vmem>>
      %dma_wait3A_308 = tpu.memref_squeeze %dma_wait3A_307 : memref<1x128x128xf32, #tpu.memory_space<vmem>> -> memref<128x128xf32, #tpu.memory_space<vmem>>
      %dma_wait3A_309 = arith.constant 0 : i32
      %dma_wait3A_310 = tpu.memref_slice %arg7[%run_scoped3A, %dma_wait3A_309] : memref<40x128xi32, #tpu.memory_space<vmem>> -> memref<1x128xi32, #tpu.memory_space<vmem>>
      %dma_wait3A_311 = tpu.memref_squeeze %dma_wait3A_310 : memref<1x128xi32, #tpu.memory_space<vmem>> -> memref<128xi32, #tpu.memory_space<vmem>>
      %dma_wait3A_312 = arith.constant 0 : i32
      %dma_wait3A_313 = arith.constant 0 : i32
      %dma_wait3A_314 = tpu.memref_slice %arg2[%dma_wait3A_312, %dma_wait3A_313] : memref<10000x128xf32, #tpu.memory_space<hbm>> -> memref<10000x128xf32, #tpu.memory_space<hbm>>
      tpu.wait_indirect_dma semaphore(%run_scoped3A_294 : memref<!tpu.dma_semaphore, #tpu.memory_space<semaphore_mem>>) src(%dma_wait3A_314 : memref<10000x128xf32, #tpu.memory_space<hbm>>) dst(%dma_wait3A_308 : memref<128x128xf32, #tpu.memory_space<vmem>>)
      tpu.yield
    }) : () -> ()
    %dma_start3A_240 = arith.constant 0 : i32
    %dma_start3A_241 = arith.constant 38 : i32
    %dma_start3A_242 = arith.constant 0 : i32
    %dma_start3A_243 = arith.constant 0 : i32
    %dma_start3A_244 = arith.constant 0 : i32
    %dma_start3A_245 = tpu.memref_slice %arg9[%dma_start3A_240, %dma_start3A_243, %dma_start3A_244] : memref<2x128x128xf32, #tpu.memory_space<vmem>> -> memref<1x128x128xf32, #tpu.memory_space<vmem>>
    %dma_start3A_246 = tpu.memref_squeeze %dma_start3A_245 : memref<1x128x128xf32, #tpu.memory_space<vmem>> -> memref<128x128xf32, #tpu.memory_space<vmem>>
    %dma_start3A_247 = arith.constant 0 : i32
    %dma_start3A_248 = tpu.memref_slice %arg8[%dma_start3A_241, %dma_start3A_247] : memref<40x128xi32, #tpu.memory_space<vmem>> -> memref<1x128xi32, #tpu.memory_space<vmem>>
    %dma_start3A_249 = tpu.memref_squeeze %dma_start3A_248 : memref<1x128xi32, #tpu.memory_space<vmem>> -> memref<128xi32, #tpu.memory_space<vmem>>
    %dma_start3A_250 = arith.constant 0 : i32
    %dma_start3A_251 = arith.constant 0 : i32
    %dma_start3A_252 = tpu.memref_slice %arg12[%dma_start3A_250, %dma_start3A_251] : memref<10128x128xf32, #tpu.memory_space<vmem_shared>> -> memref<10128x128xf32, #tpu.memory_space<vmem_shared>>
    %dma_start3A_253 = tpu.memref_slice %arg11[%dma_start3A_242] : memref<2x!tpu.dma_semaphore, #tpu.memory_space<semaphore_mem>> -> memref<1x!tpu.dma_semaphore, #tpu.memory_space<semaphore_mem>>
    %dma_start3A_254 = tpu.memref_squeeze %dma_start3A_253 : memref<1x!tpu.dma_semaphore, #tpu.memory_space<semaphore_mem>> -> memref<!tpu.dma_semaphore, #tpu.memory_space<semaphore_mem>>
    tpu.enqueue_indirect_dma source(%dma_start3A_246 : memref<128x128xf32, #tpu.memory_space<vmem>>) target(%dma_start3A_252 : memref<10128x128xf32, #tpu.memory_space<vmem_shared>>) offsets(%dma_start3A_249 : memref<128xi32, #tpu.memory_space<vmem>>) semaphore(%dma_start3A_254 : memref<!tpu.dma_semaphore, #tpu.memory_space<semaphore_mem>>) {add = true}
    %dma_wait3A_255 = arith.constant 0 : i32
    %dma_wait3A_256 = arith.constant 38 : i32
    %dma_wait3A_257 = arith.constant 0 : i32
    %dma_wait3A_258 = arith.constant 0 : i32
    %dma_wait3A_259 = arith.constant 0 : i32
    %dma_wait3A_260 = tpu.memref_slice %arg9[%dma_wait3A_255, %dma_wait3A_258, %dma_wait3A_259] : memref<2x128x128xf32, #tpu.memory_space<vmem>> -> memref<1x128x128xf32, #tpu.memory_space<vmem>>
    %dma_wait3A_261 = tpu.memref_squeeze %dma_wait3A_260 : memref<1x128x128xf32, #tpu.memory_space<vmem>> -> memref<128x128xf32, #tpu.memory_space<vmem>>
    %dma_wait3A_262 = arith.constant 0 : i32
    %dma_wait3A_263 = tpu.memref_slice %arg8[%dma_wait3A_256, %dma_wait3A_262] : memref<40x128xi32, #tpu.memory_space<vmem>> -> memref<1x128xi32, #tpu.memory_space<vmem>>
    %dma_wait3A_264 = tpu.memref_squeeze %dma_wait3A_263 : memref<1x128xi32, #tpu.memory_space<vmem>> -> memref<128xi32, #tpu.memory_space<vmem>>
    %dma_wait3A_265 = arith.constant 0 : i32
    %dma_wait3A_266 = arith.constant 0 : i32
    %dma_wait3A_267 = tpu.memref_slice %arg12[%dma_wait3A_265, %dma_wait3A_266] : memref<10128x128xf32, #tpu.memory_space<vmem_shared>> -> memref<10128x128xf32, #tpu.memory_space<vmem_shared>>
    %dma_wait3A_268 = tpu.memref_slice %arg11[%dma_wait3A_257] : memref<2x!tpu.dma_semaphore, #tpu.memory_space<semaphore_mem>> -> memref<1x!tpu.dma_semaphore, #tpu.memory_space<semaphore_mem>>
    %dma_wait3A_269 = tpu.memref_squeeze %dma_wait3A_268 : memref<1x!tpu.dma_semaphore, #tpu.memory_space<semaphore_mem>> -> memref<!tpu.dma_semaphore, #tpu.memory_space<semaphore_mem>>
    tpu.wait_indirect_dma semaphore(%dma_wait3A_269 : memref<!tpu.dma_semaphore, #tpu.memory_space<semaphore_mem>>) src(%dma_wait3A_261 : memref<128x128xf32, #tpu.memory_space<vmem>>) dst(%dma_wait3A_267 : memref<10128x128xf32, #tpu.memory_space<vmem_shared>>)
    %dma_wait3A_270 = arith.constant 1 : i32
    %dma_wait3A_271 = arith.constant 38 : i32
    %dma_wait3A_272 = arith.constant 1 : i32
    %dma_wait3A_273 = arith.constant 0 : i32
    %dma_wait3A_274 = arith.constant 0 : i32
    %dma_wait3A_275 = tpu.memref_slice %arg9[%dma_wait3A_270, %dma_wait3A_273, %dma_wait3A_274] : memref<2x128x128xf32, #tpu.memory_space<vmem>> -> memref<1x128x128xf32, #tpu.memory_space<vmem>>
    %dma_wait3A_276 = tpu.memref_squeeze %dma_wait3A_275 : memref<1x128x128xf32, #tpu.memory_space<vmem>> -> memref<128x128xf32, #tpu.memory_space<vmem>>
    %dma_wait3A_277 = arith.constant 0 : i32
    %dma_wait3A_278 = tpu.memref_slice %arg8[%dma_wait3A_271, %dma_wait3A_277] : memref<40x128xi32, #tpu.memory_space<vmem>> -> memref<1x128xi32, #tpu.memory_space<vmem>>
    %dma_wait3A_279 = tpu.memref_squeeze %dma_wait3A_278 : memref<1x128xi32, #tpu.memory_space<vmem>> -> memref<128xi32, #tpu.memory_space<vmem>>
    %dma_wait3A_280 = arith.constant 0 : i32
    %dma_wait3A_281 = arith.constant 0 : i32
    %dma_wait3A_282 = tpu.memref_slice %arg12[%dma_wait3A_280, %dma_wait3A_281] : memref<10128x128xf32, #tpu.memory_space<vmem_shared>> -> memref<10128x128xf32, #tpu.memory_space<vmem_shared>>
    %dma_wait3A_283 = tpu.memref_slice %arg11[%dma_wait3A_272] : memref<2x!tpu.dma_semaphore, #tpu.memory_space<semaphore_mem>> -> memref<1x!tpu.dma_semaphore, #tpu.memory_space<semaphore_mem>>
    %dma_wait3A_284 = tpu.memref_squeeze %dma_wait3A_283 : memref<1x!tpu.dma_semaphore, #tpu.memory_space<semaphore_mem>> -> memref<!tpu.dma_semaphore, #tpu.memory_space<semaphore_mem>>
    tpu.wait_indirect_dma semaphore(%dma_wait3A_284 : memref<!tpu.dma_semaphore, #tpu.memory_space<semaphore_mem>>) src(%dma_wait3A_276 : memref<128x128xf32, #tpu.memory_space<vmem>>) dst(%dma_wait3A_282 : memref<10128x128xf32, #tpu.memory_space<vmem_shared>>)
    %barrier3A_285 = arith.constant 0 : index
    tpu.barrier barrier_id(%barrier3A_285)
    %mul3A_286 = arith.constant 624 : i32
    %mul3A_287 = arith.muli %arg1, %mul3A_286 : i32
    %multiple_of3A_288 = tpu.assume_multiple %mul3A_287, 8 : i32
    "tpu.region"() ({
      %run_scoped3A_294 = tpu.sem_alloc : memref<!tpu.dma_semaphore, #tpu.memory_space<semaphore_mem>>
      %dma_start3A_295 = arith.constant 0 : i32
      %dma_start3A_296 = arith.constant 0 : i32
      %dma_start3A_297 = tpu.memref_slice %arg6[%arg0, %dma_start3A_295, %dma_start3A_296] : memref<2x10000x128xf32, #tpu.memory_space<hbm>> -> memref<1x10000x128xf32, #tpu.memory_space<hbm>>
      %dma_start3A_298 = tpu.memref_squeeze %dma_start3A_297 : memref<1x10000x128xf32, #tpu.memory_space<hbm>> -> memref<10000x128xf32, #tpu.memory_space<hbm>>
      %dma_start3A_299 = arith.constant 0 : i32
      %dma_start3A_300 = tpu.memref_slice %dma_start3A_298[%multiple_of3A_288, %dma_start3A_299] : memref<10000x128xf32, #tpu.memory_space<hbm>> -> memref<624x128xf32, #tpu.memory_space<hbm>>
      %dma_start3A_301 = arith.constant 0 : i32
      %dma_start3A_302 = tpu.memref_slice %arg12[%multiple_of3A_288, %dma_start3A_301] : memref<10128x128xf32, #tpu.memory_space<vmem_shared>> -> memref<624x128xf32, #tpu.memory_space<vmem_shared>>
      tpu.enqueue_dma source(%dma_start3A_302 : memref<624x128xf32, #tpu.memory_space<vmem_shared>>) target(%dma_start3A_300 : memref<624x128xf32, #tpu.memory_space<hbm>>) target_semaphore(%run_scoped3A_294 : memref<!tpu.dma_semaphore, #tpu.memory_space<semaphore_mem>>)
      %dma_wait3A_303 = arith.constant 0 : i32
      %dma_wait3A_304 = arith.constant 0 : i32
      %dma_wait3A_305 = tpu.memref_slice %arg6[%arg0, %dma_wait3A_303, %dma_wait3A_304] : memref<2x10000x128xf32, #tpu.memory_space<hbm>> -> memref<1x10000x128xf32, #tpu.memory_space<hbm>>
      %dma_wait3A_306 = tpu.memref_squeeze %dma_wait3A_305 : memref<1x10000x128xf32, #tpu.memory_space<hbm>> -> memref<10000x128xf32, #tpu.memory_space<hbm>>
      %dma_wait3A_307 = arith.constant 0 : i32
      %dma_wait3A_308 = tpu.memref_slice %dma_wait3A_306[%multiple_of3A_288, %dma_wait3A_307] : memref<10000x128xf32, #tpu.memory_space<hbm>> -> memref<624x128xf32, #tpu.memory_space<hbm>>
      %dma_wait3A_309 = arith.constant 0 : i32
      %dma_wait3A_310 = tpu.memref_slice %arg12[%multiple_of3A_288, %dma_wait3A_309] : memref<10128x128xf32, #tpu.memory_space<vmem_shared>> -> memref<624x128xf32, #tpu.memory_space<vmem_shared>>
      tpu.wait_dma2 semaphore(%run_scoped3A_294 : memref<!tpu.dma_semaphore, #tpu.memory_space<semaphore_mem>>) src(%dma_wait3A_310 : memref<624x128xf32, #tpu.memory_space<vmem_shared>>) dst(%dma_wait3A_308 : memref<624x128xf32, #tpu.memory_space<hbm>>)
      tpu.yield
    }) : () -> ()
    %eq3A_289 = arith.constant 15 : i32
    %eq3A_290 = arith.cmpi eq, %arg1, %eq3A_289 : i32
    %convert_element_type3A_291 = arith.extui %eq3A_290 : i1 to i32
    %cond3A_292 = arith.constant 0 : i32
    %cond3A_293 = arith.cmpi ne, %convert_element_type3A_291, %cond3A_292 : i32
    scf.if %cond3A_293 {
      "tpu.region"() ({
        %run_scoped3A_294 = tpu.sem_alloc : memref<!tpu.dma_semaphore, #tpu.memory_space<semaphore_mem>>
        %dma_start3A_295 = arith.constant 0 : i32
        %dma_start3A_296 = arith.constant 0 : i32
        %dma_start3A_297 = tpu.memref_slice %arg6[%arg0, %dma_start3A_295, %dma_start3A_296] : memref<2x10000x128xf32, #tpu.memory_space<hbm>> -> memref<1x10000x128xf32, #tpu.memory_space<hbm>>
        %dma_start3A_298 = tpu.memref_squeeze %dma_start3A_297 : memref<1x10000x128xf32, #tpu.memory_space<hbm>> -> memref<10000x128xf32, #tpu.memory_space<hbm>>
        %dma_start3A_299 = arith.constant 9984 : i32
        %dma_start3A_300 = arith.constant 0 : i32
        %dma_start3A_301 = tpu.memref_slice %dma_start3A_298[%dma_start3A_299, %dma_start3A_300] : memref<10000x128xf32, #tpu.memory_space<hbm>> -> memref<16x128xf32, #tpu.memory_space<hbm>>
        %dma_start3A_302 = arith.constant 9984 : i32
        %dma_start3A_303 = arith.constant 0 : i32
        %dma_start3A_304 = tpu.memref_slice %arg12[%dma_start3A_302, %dma_start3A_303] : memref<10128x128xf32, #tpu.memory_space<vmem_shared>> -> memref<16x128xf32, #tpu.memory_space<vmem_shared>>
        tpu.enqueue_dma source(%dma_start3A_304 : memref<16x128xf32, #tpu.memory_space<vmem_shared>>) target(%dma_start3A_301 : memref<16x128xf32, #tpu.memory_space<hbm>>) target_semaphore(%run_scoped3A_294 : memref<!tpu.dma_semaphore, #tpu.memory_space<semaphore_mem>>)
        %dma_wait3A_305 = arith.constant 0 : i32
        %dma_wait3A_306 = arith.constant 0 : i32
        %dma_wait3A_307 = tpu.memref_slice %arg6[%arg0, %dma_wait3A_305, %dma_wait3A_306] : memref<2x10000x128xf32, #tpu.memory_space<hbm>> -> memref<1x10000x128xf32, #tpu.memory_space<hbm>>
        %dma_wait3A_308 = tpu.memref_squeeze %dma_wait3A_307 : memref<1x10000x128xf32, #tpu.memory_space<hbm>> -> memref<10000x128xf32, #tpu.memory_space<hbm>>
        %dma_wait3A_309 = arith.constant 9984 : i32
        %dma_wait3A_310 = arith.constant 0 : i32
        %dma_wait3A_311 = tpu.memref_slice %dma_wait3A_308[%dma_wait3A_309, %dma_wait3A_310] : memref<10000x128xf32, #tpu.memory_space<hbm>> -> memref<16x128xf32, #tpu.memory_space<hbm>>
        %dma_wait3A_312 = arith.constant 9984 : i32
        %dma_wait3A_313 = arith.constant 0 : i32
        %dma_wait3A_314 = tpu.memref_slice %arg12[%dma_wait3A_312, %dma_wait3A_313] : memref<10128x128xf32, #tpu.memory_space<vmem_shared>> -> memref<16x128xf32, #tpu.memory_space<vmem_shared>>
        tpu.wait_dma2 semaphore(%run_scoped3A_294 : memref<!tpu.dma_semaphore, #tpu.memory_space<semaphore_mem>>) src(%dma_wait3A_314 : memref<16x128xf32, #tpu.memory_space<vmem_shared>>) dst(%dma_wait3A_311 : memref<16x128xf32, #tpu.memory_space<hbm>>)
        tpu.yield
      }) : () -> ()
    } else {
    }
    return
  }
}

#map = affine_map<(d0, d1) -> (0, 0)>
#map1 = affine_map<(d0, d1) -> (0, 0, 0)>
module attributes {stable_mosaic.version = 14 : i64} {
  func.func @agg(%arg0: i32, %arg1: i32, %arg2: memref<10000x128xf32, #tpu.memory_space<hbm>>, %arg3: memref<32x79x128xi32, #tpu.memory_space<hbm>>, %arg4: memref<32x79x128xi32, #tpu.memory_space<hbm>>, %arg5: memref<10000x128xf32, #tpu.memory_space<hbm>>, %arg6: memref<2x10000x128xf32, #tpu.memory_space<hbm>>, %arg7: memref<40x128xi32, #tpu.memory_space<vmem>>, %arg8: memref<40x128xi32, #tpu.memory_space<vmem>>, %arg9: memref<2x128x128xf32, #tpu.memory_space<vmem>>, %arg10: memref<2x!tpu.dma_semaphore, #tpu.memory_space<semaphore_mem>>, %arg11: memref<2x!tpu.dma_semaphore, #tpu.memory_space<semaphore_mem>>, %arg12: memref<10128x128xf32, #tpu.memory_space<vmem_shared>>) attributes {dimension_semantics = [#tpu.dimension_semantics<core_parallel>, #tpu.dimension_semantics<subcore_parallel>], iteration_bounds = array<i64: 2, 16>, scalar_prefetch = 0 : i64, scratch_operands = 6 : i64, tpu.core_type = #tpu.core_type<sc_vector_subcore>, window_params = [{transform_indices = #map}, {transform_indices = #map1}, {transform_indices = #map1}, {transform_indices = #map}, {transform_indices = #map1}]} {
    %mul3A = arith.constant 16 : i32
    %mul3A_0 = arith.muli %arg0, %mul3A : i32
    %add3A = arith.addi %mul3A_0, %arg1 : i32
    "tpu.region"() ({
      %run_scoped3A_294 = tpu.sem_alloc : memref<!tpu.dma_semaphore, #tpu.memory_space<semaphore_mem>>
      %dma_start3A_295 = arith.constant 0 : i32
      %dma_start3A_296 = arith.constant 0 : i32
      %dma_start3A_297 = tpu.memref_slice %arg7[%dma_start3A_295, %dma_start3A_296] : memref<40x128xi32, #tpu.memory_space<vmem>> -> memref<40x128xi32, #tpu.memory_space<vmem>>
      %dma_start3A_298 = arith.constant 0 : i32
      %dma_start3A_299 = arith.constant 0 : i32
      %dma_start3A_300 = tpu.memref_slice %arg3[%add3A, %dma_start3A_298, %dma_start3A_299] : memref<32x79x128xi32, #tpu.memory_space<hbm>> -> memref<1x40x128xi32, #tpu.memory_space<hbm>>
      %dma_start3A_301 = tpu.memref_squeeze %dma_start3A_300 : memref<1x40x128xi32, #tpu.memory_space<hbm>> -> memref<40x128xi32, #tpu.memory_space<hbm>>
      %dma_start3A_302 = arith.constant 0 : i32
      %dma_start3A_303 = arith.constant 0 : i32
      %dma_start3A_304 = tpu.memref_slice %arg7[%dma_start3A_302, %dma_start3A_303] : memref<40x128xi32, #tpu.memory_space<vmem>> -> memref<40x128xi32, #tpu.memory_space<vmem>>
      %dma_start3A_305 = arith.constant 0 : i32
      %dma_start3A_306 = arith.constant 0 : i32
      %dma_start3A_307 = tpu.memref_slice %arg3[%add3A, %dma_start3A_305, %dma_start3A_306] : memref<32x79x128xi32, #tpu.memory_space<hbm>> -> memref<1x40x128xi32, #tpu.memory_space<hbm>>
      %dma_start3A_308 = tpu.memref_squeeze %dma_start3A_307 : memref<1x40x128xi32, #tpu.memory_space<hbm>> -> memref<40x128xi32, #tpu.memory_space<hbm>>
      tpu.enqueue_dma source(%dma_start3A_308 : memref<40x128xi32, #tpu.memory_space<hbm>>) target(%dma_start3A_304 : memref<40x128xi32, #tpu.memory_space<vmem>>) target_semaphore(%run_scoped3A_294 : memref<!tpu.dma_semaphore, #tpu.memory_space<semaphore_mem>>)
      %dma_wait3A_309 = arith.constant 0 : i32
      %dma_wait3A_310 = arith.constant 0 : i32
      %dma_wait3A_311 = tpu.memref_slice %arg7[%dma_wait3A_309, %dma_wait3A_310] : memref<40x128xi32, #tpu.memory_space<vmem>> -> memref<40x128xi32, #tpu.memory_space<vmem>>
      %dma_wait3A_312 = arith.constant 0 : i32
      %dma_wait3A_313 = arith.constant 0 : i32
      %dma_wait3A_314 = tpu.memref_slice %arg3[%add3A, %dma_wait3A_312, %dma_wait3A_313] : memref<32x79x128xi32, #tpu.memory_space<hbm>> -> memref<1x40x128xi32, #tpu.memory_space<hbm>>
      %dma_wait3A_315 = tpu.memref_squeeze %dma_wait3A_314 : memref<1x40x128xi32, #tpu.memory_space<hbm>> -> memref<40x128xi32, #tpu.memory_space<hbm>>
      %dma_wait3A_316 = arith.constant 0 : i32
      %dma_wait3A_317 = arith.constant 0 : i32
      %dma_wait3A_318 = tpu.memref_slice %arg7[%dma_wait3A_316, %dma_wait3A_317] : memref<40x128xi32, #tpu.memory_space<vmem>> -> memref<40x128xi32, #tpu.memory_space<vmem>>
      %dma_wait3A_319 = arith.constant 0 : i32
      %dma_wait3A_320 = arith.constant 0 : i32
      %dma_wait3A_321 = tpu.memref_slice %arg3[%add3A, %dma_wait3A_319, %dma_wait3A_320] : memref<32x79x128xi32, #tpu.memory_space<hbm>> -> memref<1x40x128xi32, #tpu.memory_space<hbm>>
      %dma_wait3A_322 = tpu.memref_squeeze %dma_wait3A_321 : memref<1x40x128xi32, #tpu.memory_space<hbm>> -> memref<40x128xi32, #tpu.memory_space<hbm>>
      tpu.wait_dma2 semaphore(%run_scoped3A_294 : memref<!tpu.dma_semaphore, #tpu.memory_space<semaphore_mem>>) src(%dma_wait3A_322 : memref<40x128xi32, #tpu.memory_space<hbm>>) dst(%dma_wait3A_318 : memref<40x128xi32, #tpu.memory_space<vmem>>)
      tpu.yield
    }) : () -> ()
    "tpu.region"() ({
      %run_scoped3A_294 = tpu.sem_alloc : memref<!tpu.dma_semaphore, #tpu.memory_space<semaphore_mem>>
      %dma_start3A_295 = arith.constant 0 : i32
      %dma_start3A_296 = arith.constant 0 : i32
      %dma_start3A_297 = tpu.memref_slice %arg8[%dma_start3A_295, %dma_start3A_296] : memref<40x128xi32, #tpu.memory_space<vmem>> -> memref<40x128xi32, #tpu.memory_space<vmem>>
      %dma_start3A_298 = arith.constant 0 : i32
      %dma_start3A_299 = arith.constant 0 : i32
      %dma_start3A_300 = tpu.memref_slice %arg4[%add3A, %dma_start3A_298, %dma_start3A_299] : memref<32x79x128xi32, #tpu.memory_space<hbm>> -> memref<1x40x128xi32, #tpu.memory_space<hbm>>
      %dma_start3A_301 = tpu.memref_squeeze %dma_start3A_300 : memref<1x40x128xi32, #tpu.memory_space<hbm>> -> memref<40x128xi32, #tpu.memory_space<hbm>>
      %dma_start3A_302 = arith.constant 0 : i32
      %dma_start3A_303 = arith.constant 0 : i32
      %dma_start3A_304 = tpu.memref_slice %arg8[%dma_start3A_302, %dma_start3A_303] : memref<40x128xi32, #tpu.memory_space<vmem>> -> memref<40x128xi32, #tpu.memory_space<vmem>>
      %dma_start3A_305 = arith.constant 0 : i32
      %dma_start3A_306 = arith.constant 0 : i32
      %dma_start3A_307 = tpu.memref_slice %arg4[%add3A, %dma_start3A_305, %dma_start3A_306] : memref<32x79x128xi32, #tpu.memory_space<hbm>> -> memref<1x40x128xi32, #tpu.memory_space<hbm>>
      %dma_start3A_308 = tpu.memref_squeeze %dma_start3A_307 : memref<1x40x128xi32, #tpu.memory_space<hbm>> -> memref<40x128xi32, #tpu.memory_space<hbm>>
      tpu.enqueue_dma source(%dma_start3A_308 : memref<40x128xi32, #tpu.memory_space<hbm>>) target(%dma_start3A_304 : memref<40x128xi32, #tpu.memory_space<vmem>>) target_semaphore(%run_scoped3A_294 : memref<!tpu.dma_semaphore, #tpu.memory_space<semaphore_mem>>)
      %dma_wait3A_309 = arith.constant 0 : i32
      %dma_wait3A_310 = arith.constant 0 : i32
      %dma_wait3A_311 = tpu.memref_slice %arg8[%dma_wait3A_309, %dma_wait3A_310] : memref<40x128xi32, #tpu.memory_space<vmem>> -> memref<40x128xi32, #tpu.memory_space<vmem>>
      %dma_wait3A_312 = arith.constant 0 : i32
      %dma_wait3A_313 = arith.constant 0 : i32
      %dma_wait3A_314 = tpu.memref_slice %arg4[%add3A, %dma_wait3A_312, %dma_wait3A_313] : memref<32x79x128xi32, #tpu.memory_space<hbm>> -> memref<1x40x128xi32, #tpu.memory_space<hbm>>
      %dma_wait3A_315 = tpu.memref_squeeze %dma_wait3A_314 : memref<1x40x128xi32, #tpu.memory_space<hbm>> -> memref<40x128xi32, #tpu.memory_space<hbm>>
      %dma_wait3A_316 = arith.constant 0 : i32
      %dma_wait3A_317 = arith.constant 0 : i32
      %dma_wait3A_318 = tpu.memref_slice %arg8[%dma_wait3A_316, %dma_wait3A_317] : memref<40x128xi32, #tpu.memory_space<vmem>> -> memref<40x128xi32, #tpu.memory_space<vmem>>
      %dma_wait3A_319 = arith.constant 0 : i32
      %dma_wait3A_320 = arith.constant 0 : i32
      %dma_wait3A_321 = tpu.memref_slice %arg4[%add3A, %dma_wait3A_319, %dma_wait3A_320] : memref<32x79x128xi32, #tpu.memory_space<hbm>> -> memref<1x40x128xi32, #tpu.memory_space<hbm>>
      %dma_wait3A_322 = tpu.memref_squeeze %dma_wait3A_321 : memref<1x40x128xi32, #tpu.memory_space<hbm>> -> memref<40x128xi32, #tpu.memory_space<hbm>>
      tpu.wait_dma2 semaphore(%run_scoped3A_294 : memref<!tpu.dma_semaphore, #tpu.memory_space<semaphore_mem>>) src(%dma_wait3A_322 : memref<40x128xi32, #tpu.memory_space<hbm>>) dst(%dma_wait3A_318 : memref<40x128xi32, #tpu.memory_space<vmem>>)
      tpu.yield
    }) : () -> ()
    %dma_start3A = arith.constant 0 : i32
    %dma_start3A_1 = arith.constant 0 : i32
    %dma_start3A_2 = arith.constant 0 : i32
    %dma_start3A_3 = arith.constant 0 : i32
    %dma_start3A_4 = arith.constant 0 : i32
    %dma_start3A_5 = tpu.memref_slice %arg9[%dma_start3A_1, %dma_start3A_3, %dma_start3A_4] : memref<2x128x128xf32, #tpu.memory_space<vmem>> -> memref<1x128x128xf32, #tpu.memory_space<vmem>>
    %dma_start3A_6 = tpu.memref_squeeze %dma_start3A_5 : memref<1x128x128xf32, #tpu.memory_space<vmem>> -> memref<128x128xf32, #tpu.memory_space<vmem>>
    %dma_start3A_7 = arith.constant 0 : i32
    %dma_start3A_8 = tpu.memref_slice %arg7[%dma_start3A, %dma_start3A_7] : memref<40x128xi32, #tpu.memory_space<vmem>> -> memref<1x128xi32, #tpu.memory_space<vmem>>
    %dma_start3A_9 = tpu.memref_squeeze %dma_start3A_8 : memref<1x128xi32, #tpu.memory_space<vmem>> -> memref<128xi32, #tpu.memory_space<vmem>>
    %dma_start3A_10 = arith.constant 0 : i32
    %dma_start3A_11 = arith.constant 0 : i32
    %dma_start3A_12 = tpu.memref_slice %arg2[%dma_start3A_10, %dma_start3A_11] : memref<10000x128xf32, #tpu.memory_space<hbm>> -> memref<10000x128xf32, #tpu.memory_space<hbm>>
    %dma_start3A_13 = tpu.memref_slice %arg10[%dma_start3A_2] : memref<2x!tpu.dma_semaphore, #tpu.memory_space<semaphore_mem>> -> memref<1x!tpu.dma_semaphore, #tpu.memory_space<semaphore_mem>>
    %dma_start3A_14 = tpu.memref_squeeze %dma_start3A_13 : memref<1x!tpu.dma_semaphore, #tpu.memory_space<semaphore_mem>> -> memref<!tpu.dma_semaphore, #tpu.memory_space<semaphore_mem>>
    tpu.enqueue_indirect_dma source(%dma_start3A_12 : memref<10000x128xf32, #tpu.memory_space<hbm>>) target(%dma_start3A_6 : memref<128x128xf32, #tpu.memory_space<vmem>>) offsets(%dma_start3A_9 : memref<128xi32, #tpu.memory_space<vmem>>) semaphore(%dma_start3A_14 : memref<!tpu.dma_semaphore, #tpu.memory_space<semaphore_mem>>)
    %dma_start3A_15 = arith.constant 1 : i32
    %dma_start3A_16 = arith.constant 1 : i32
    %dma_start3A_17 = arith.constant 1 : i32
    %dma_start3A_18 = arith.constant 0 : i32
    %dma_start3A_19 = arith.constant 0 : i32
    %dma_start3A_20 = tpu.memref_slice %arg9[%dma_start3A_16, %dma_start3A_18, %dma_start3A_19] : memref<2x128x128xf32, #tpu.memory_space<vmem>> -> memref<1x128x128xf32, #tpu.memory_space<vmem>>
    %dma_start3A_21 = tpu.memref_squeeze %dma_start3A_20 : memref<1x128x128xf32, #tpu.memory_space<vmem>> -> memref<128x128xf32, #tpu.memory_space<vmem>>
    %dma_start3A_22 = arith.constant 0 : i32
    %dma_start3A_23 = tpu.memref_slice %arg7[%dma_start3A_15, %dma_start3A_22] : memref<40x128xi32, #tpu.memory_space<vmem>> -> memref<1x128xi32, #tpu.memory_space<vmem>>
    %dma_start3A_24 = tpu.memref_squeeze %dma_start3A_23 : memref<1x128xi32, #tpu.memory_space<vmem>> -> memref<128xi32, #tpu.memory_space<vmem>>
    %dma_start3A_25 = arith.constant 0 : i32
    %dma_start3A_26 = arith.constant 0 : i32
    %dma_start3A_27 = tpu.memref_slice %arg2[%dma_start3A_25, %dma_start3A_26] : memref<10000x128xf32, #tpu.memory_space<hbm>> -> memref<10000x128xf32, #tpu.memory_space<hbm>>
    %dma_start3A_28 = tpu.memref_slice %arg10[%dma_start3A_17] : memref<2x!tpu.dma_semaphore, #tpu.memory_space<semaphore_mem>> -> memref<1x!tpu.dma_semaphore, #tpu.memory_space<semaphore_mem>>
    %dma_start3A_29 = tpu.memref_squeeze %dma_start3A_28 : memref<1x!tpu.dma_semaphore, #tpu.memory_space<semaphore_mem>> -> memref<!tpu.dma_semaphore, #tpu.memory_space<semaphore_mem>>
    tpu.enqueue_indirect_dma source(%dma_start3A_27 : memref<10000x128xf32, #tpu.memory_space<hbm>>) target(%dma_start3A_21 : memref<128x128xf32, #tpu.memory_space<vmem>>) offsets(%dma_start3A_24 : memref<128xi32, #tpu.memory_space<vmem>>) semaphore(%dma_start3A_29 : memref<!tpu.dma_semaphore, #tpu.memory_space<semaphore_mem>>)
    %mul3A_30 = arith.constant 624 : i32
    %mul3A_31 = arith.muli %arg1, %mul3A_30 : i32
    %multiple_of3A = tpu.assume_multiple %mul3A_31, 8 : i32
    "tpu.region"() ({
      %run_scoped3A_294 = tpu.sem_alloc : memref<!tpu.dma_semaphore, #tpu.memory_space<semaphore_mem>>
      %dma_start3A_295 = arith.constant 0 : i32
      %dma_start3A_296 = tpu.memref_slice %arg12[%multiple_of3A, %dma_start3A_295] : memref<10128x128xf32, #tpu.memory_space<vmem_shared>> -> memref<624x128xf32, #tpu.memory_space<vmem_shared>>
      %dma_start3A_297 = arith.constant 0 : i32
      %dma_start3A_298 = tpu.memref_slice %arg5[%multiple_of3A, %dma_start3A_297] : memref<10000x128xf32, #tpu.memory_space<hbm>> -> memref<624x128xf32, #tpu.memory_space<hbm>>
      tpu.enqueue_dma source(%dma_start3A_298 : memref<624x128xf32, #tpu.memory_space<hbm>>) target(%dma_start3A_296 : memref<624x128xf32, #tpu.memory_space<vmem_shared>>) target_semaphore(%run_scoped3A_294 : memref<!tpu.dma_semaphore, #tpu.memory_space<semaphore_mem>>)
      %dma_wait3A_299 = arith.constant 0 : i32
      %dma_wait3A_300 = tpu.memref_slice %arg12[%multiple_of3A, %dma_wait3A_299] : memref<10128x128xf32, #tpu.memory_space<vmem_shared>> -> memref<624x128xf32, #tpu.memory_space<vmem_shared>>
      %dma_wait3A_301 = arith.constant 0 : i32
      %dma_wait3A_302 = tpu.memref_slice %arg5[%multiple_of3A, %dma_wait3A_301] : memref<10000x128xf32, #tpu.memory_space<hbm>> -> memref<624x128xf32, #tpu.memory_space<hbm>>
      tpu.wait_dma2 semaphore(%run_scoped3A_294 : memref<!tpu.dma_semaphore, #tpu.memory_space<semaphore_mem>>) src(%dma_wait3A_302 : memref<624x128xf32, #tpu.memory_space<hbm>>) dst(%dma_wait3A_300 : memref<624x128xf32, #tpu.memory_space<vmem_shared>>)
      tpu.yield
    }) : () -> ()
    %eq3A = arith.constant 15 : i32
    %eq3A_32 = arith.cmpi eq, %arg1, %eq3A : i32
    %convert_element_type3A = arith.extui %eq3A_32 : i1 to i32
    %cond3A = arith.constant 0 : i32
    %cond3A_33 = arith.cmpi ne, %convert_element_type3A, %cond3A : i32
    scf.if %cond3A_33 {
      "tpu.region"() ({
        %run_scoped3A_294 = tpu.sem_alloc : memref<!tpu.dma_semaphore, #tpu.memory_space<semaphore_mem>>
        %dma_start3A_295 = arith.constant 9984 : i32
        %dma_start3A_296 = arith.constant 0 : i32
        %dma_start3A_297 = tpu.memref_slice %arg12[%dma_start3A_295, %dma_start3A_296] : memref<10128x128xf32, #tpu.memory_space<vmem_shared>> -> memref<16x128xf32, #tpu.memory_space<vmem_shared>>
        %dma_start3A_298 = arith.constant 9984 : i32
        %dma_start3A_299 = arith.constant 0 : i32
        %dma_start3A_300 = tpu.memref_slice %arg5[%dma_start3A_298, %dma_start3A_299] : memref<10000x128xf32, #tpu.memory_space<hbm>> -> memref<16x128xf32, #tpu.memory_space<hbm>>
        tpu.enqueue_dma source(%dma_start3A_300 : memref<16x128xf32, #tpu.memory_space<hbm>>) target(%dma_start3A_297 : memref<16x128xf32, #tpu.memory_space<vmem_shared>>) target_semaphore(%run_scoped3A_294 : memref<!tpu.dma_semaphore, #tpu.memory_space<semaphore_mem>>)
        %dma_wait3A_301 = arith.constant 9984 : i32
        %dma_wait3A_302 = arith.constant 0 : i32
        %dma_wait3A_303 = tpu.memref_slice %arg12[%dma_wait3A_301, %dma_wait3A_302] : memref<10128x128xf32, #tpu.memory_space<vmem_shared>> -> memref<16x128xf32, #tpu.memory_space<vmem_shared>>
        %dma_wait3A_304 = arith.constant 9984 : i32
        %dma_wait3A_305 = arith.constant 0 : i32
        %dma_wait3A_306 = tpu.memref_slice %arg5[%dma_wait3A_304, %dma_wait3A_305] : memref<10000x128xf32, #tpu.memory_space<hbm>> -> memref<16x128xf32, #tpu.memory_space<hbm>>
        tpu.wait_dma2 semaphore(%run_scoped3A_294 : memref<!tpu.dma_semaphore, #tpu.memory_space<semaphore_mem>>) src(%dma_wait3A_306 : memref<16x128xf32, #tpu.memory_space<hbm>>) dst(%dma_wait3A_303 : memref<16x128xf32, #tpu.memory_space<vmem_shared>>)
        tpu.yield
      }) : () -> ()
    } else {
    }
    %barrier3A = arith.constant 0 : index
    tpu.barrier barrier_id(%barrier3A)
    %scan3A = arith.constant 0 : i32
    %scan3A_34 = arith.constant 0 : i32
    %scan3A_35 = arith.constant 19 : i32
    %scan3A_36 = arith.addi %scan3A_34, %scan3A_35 : i32
    %scan3A_37 = arith.constant 1 : i32
    scf.for %scan3A_294 = %scan3A_34 to %scan3A_36 step %scan3A_37  : i32 {
      %mul3A_295 = arith.constant 2 : i32
      %mul3A_296 = arith.muli %scan3A_294, %mul3A_295 : i32
      %add3A_297 = arith.constant 0 : i32
      %add3A_298 = arith.addi %mul3A_296, %add3A_297 : i32
      %dma_wait3A_299 = arith.constant 0 : i32
      %dma_wait3A_300 = arith.constant 0 : i32
      %dma_wait3A_301 = arith.constant 0 : i32
      %dma_wait3A_302 = arith.constant 0 : i32
      %dma_wait3A_303 = tpu.memref_slice %arg9[%dma_wait3A_299, %dma_wait3A_301, %dma_wait3A_302] : memref<2x128x128xf32, #tpu.memory_space<vmem>> -> memref<1x128x128xf32, #tpu.memory_space<vmem>>
      %dma_wait3A_304 = tpu.memref_squeeze %dma_wait3A_303 : memref<1x128x128xf32, #tpu.memory_space<vmem>> -> memref<128x128xf32, #tpu.memory_space<vmem>>
      %dma_wait3A_305 = arith.constant 0 : i32
      %dma_wait3A_306 = tpu.memref_slice %arg7[%add3A_298, %dma_wait3A_305] : memref<40x128xi32, #tpu.memory_space<vmem>> -> memref<1x128xi32, #tpu.memory_space<vmem>>
      %dma_wait3A_307 = tpu.memref_squeeze %dma_wait3A_306 : memref<1x128xi32, #tpu.memory_space<vmem>> -> memref<128xi32, #tpu.memory_space<vmem>>
      %dma_wait3A_308 = arith.constant 0 : i32
      %dma_wait3A_309 = arith.constant 0 : i32
      %dma_wait3A_310 = tpu.memref_slice %arg2[%dma_wait3A_308, %dma_wait3A_309] : memref<10000x128xf32, #tpu.memory_space<hbm>> -> memref<10000x128xf32, #tpu.memory_space<hbm>>
      %dma_wait3A_311 = tpu.memref_slice %arg10[%dma_wait3A_300] : memref<2x!tpu.dma_semaphore, #tpu.memory_space<semaphore_mem>> -> memref<1x!tpu.dma_semaphore, #tpu.memory_space<semaphore_mem>>
      %dma_wait3A_312 = tpu.memref_squeeze %dma_wait3A_311 : memref<1x!tpu.dma_semaphore, #tpu.memory_space<semaphore_mem>> -> memref<!tpu.dma_semaphore, #tpu.memory_space<semaphore_mem>>
      tpu.wait_indirect_dma semaphore(%dma_wait3A_312 : memref<!tpu.dma_semaphore, #tpu.memory_space<semaphore_mem>>) src(%dma_wait3A_310 : memref<10000x128xf32, #tpu.memory_space<hbm>>) dst(%dma_wait3A_304 : memref<128x128xf32, #tpu.memory_space<vmem>>)
      %dma_start3A_313 = arith.constant 0 : i32
      %dma_start3A_314 = arith.constant 0 : i32
      %dma_start3A_315 = arith.constant 0 : i32
      %dma_start3A_316 = arith.constant 0 : i32
      %dma_start3A_317 = tpu.memref_slice %arg9[%dma_start3A_313, %dma_start3A_315, %dma_start3A_316] : memref<2x128x128xf32, #tpu.memory_space<vmem>> -> memref<1x128x128xf32, #tpu.memory_space<vmem>>
      %dma_start3A_318 = tpu.memref_squeeze %dma_start3A_317 : memref<1x128x128xf32, #tpu.memory_space<vmem>> -> memref<128x128xf32, #tpu.memory_space<vmem>>
      %dma_start3A_319 = arith.constant 0 : i32
      %dma_start3A_320 = tpu.memref_slice %arg8[%add3A_298, %dma_start3A_319] : memref<40x128xi32, #tpu.memory_space<vmem>> -> memref<1x128xi32, #tpu.memory_space<vmem>>
      %dma_start3A_321 = tpu.memref_squeeze %dma_start3A_320 : memref<1x128xi32, #tpu.memory_space<vmem>> -> memref<128xi32, #tpu.memory_space<vmem>>
      %dma_start3A_322 = arith.constant 0 : i32
      %dma_start3A_323 = arith.constant 0 : i32
      %dma_start3A_324 = tpu.memref_slice %arg12[%dma_start3A_322, %dma_start3A_323] : memref<10128x128xf32, #tpu.memory_space<vmem_shared>> -> memref<10128x128xf32, #tpu.memory_space<vmem_shared>>
      %dma_start3A_325 = tpu.memref_slice %arg11[%dma_start3A_314] : memref<2x!tpu.dma_semaphore, #tpu.memory_space<semaphore_mem>> -> memref<1x!tpu.dma_semaphore, #tpu.memory_space<semaphore_mem>>
      %dma_start3A_326 = tpu.memref_squeeze %dma_start3A_325 : memref<1x!tpu.dma_semaphore, #tpu.memory_space<semaphore_mem>> -> memref<!tpu.dma_semaphore, #tpu.memory_space<semaphore_mem>>
      tpu.enqueue_indirect_dma source(%dma_start3A_318 : memref<128x128xf32, #tpu.memory_space<vmem>>) target(%dma_start3A_324 : memref<10128x128xf32, #tpu.memory_space<vmem_shared>>) offsets(%dma_start3A_321 : memref<128xi32, #tpu.memory_space<vmem>>) semaphore(%dma_start3A_326 : memref<!tpu.dma_semaphore, #tpu.memory_space<semaphore_mem>>) {add = true}
      %dma_wait3A_327 = arith.constant 0 : i32
      %dma_wait3A_328 = arith.constant 0 : i32
      %dma_wait3A_329 = arith.constant 0 : i32
      %dma_wait3A_330 = arith.constant 0 : i32
      %dma_wait3A_331 = tpu.memref_slice %arg9[%dma_wait3A_327, %dma_wait3A_329, %dma_wait3A_330] : memref<2x128x128xf32, #tpu.memory_space<vmem>> -> memref<1x128x128xf32, #tpu.memory_space<vmem>>
      %dma_wait3A_332 = tpu.memref_squeeze %dma_wait3A_331 : memref<1x128x128xf32, #tpu.memory_space<vmem>> -> memref<128x128xf32, #tpu.memory_space<vmem>>
      %dma_wait3A_333 = arith.constant 0 : i32
      %dma_wait3A_334 = tpu.memref_slice %arg8[%add3A_298, %dma_wait3A_333] : memref<40x128xi32, #tpu.memory_space<vmem>> -> memref<1x128xi32, #tpu.memory_space<vmem>>
      %dma_wait3A_335 = tpu.memref_squeeze %dma_wait3A_334 : memref<1x128xi32, #tpu.memory_space<vmem>> -> memref<128xi32, #tpu.memory_space<vmem>>
      %dma_wait3A_336 = arith.constant 0 : i32
      %dma_wait3A_337 = arith.constant 0 : i32
      %dma_wait3A_338 = tpu.memref_slice %arg12[%dma_wait3A_336, %dma_wait3A_337] : memref<10128x128xf32, #tpu.memory_space<vmem_shared>> -> memref<10128x128xf32, #tpu.memory_space<vmem_shared>>
      %dma_wait3A_339 = tpu.memref_slice %arg11[%dma_wait3A_328] : memref<2x!tpu.dma_semaphore, #tpu.memory_space<semaphore_mem>> -> memref<1x!tpu.dma_semaphore, #tpu.memory_space<semaphore_mem>>
      %dma_wait3A_340 = tpu.memref_squeeze %dma_wait3A_339 : memref<1x!tpu.dma_semaphore, #tpu.memory_space<semaphore_mem>> -> memref<!tpu.dma_semaphore, #tpu.memory_space<semaphore_mem>>
      tpu.wait_indirect_dma semaphore(%dma_wait3A_340 : memref<!tpu.dma_semaphore, #tpu.memory_space<semaphore_mem>>) src(%dma_wait3A_332 : memref<128x128xf32, #tpu.memory_space<vmem>>) dst(%dma_wait3A_338 : memref<10128x128xf32, #tpu.memory_space<vmem_shared>>)
      %add3A_341 = arith.constant 2 : i32
      %add3A_342 = arith.addi %add3A_298, %add3A_341 : i32
      %dma_start3A_343 = arith.constant 0 : i32
      %dma_start3A_344 = arith.constant 0 : i32
      %dma_start3A_345 = arith.constant 0 : i32
      %dma_start3A_346 = arith.constant 0 : i32
      %dma_start3A_347 = tpu.memref_slice %arg9[%dma_start3A_343, %dma_start3A_345, %dma_start3A_346] : memref<2x128x128xf32, #tpu.memory_space<vmem>> -> memref<1x128x128xf32, #tpu.memory_space<vmem>>
      %dma_start3A_348 = tpu.memref_squeeze %dma_start3A_347 : memref<1x128x128xf32, #tpu.memory_space<vmem>> -> memref<128x128xf32, #tpu.memory_space<vmem>>
      %dma_start3A_349 = arith.constant 0 : i32
      %dma_start3A_350 = tpu.memref_slice %arg7[%add3A_342, %dma_start3A_349] : memref<40x128xi32, #tpu.memory_space<vmem>> -> memref<1x128xi32, #tpu.memory_space<vmem>>
      %dma_start3A_351 = tpu.memref_squeeze %dma_start3A_350 : memref<1x128xi32, #tpu.memory_space<vmem>> -> memref<128xi32, #tpu.memory_space<vmem>>
      %dma_start3A_352 = arith.constant 0 : i32
      %dma_start3A_353 = arith.constant 0 : i32
      %dma_start3A_354 = tpu.memref_slice %arg2[%dma_start3A_352, %dma_start3A_353] : memref<10000x128xf32, #tpu.memory_space<hbm>> -> memref<10000x128xf32, #tpu.memory_space<hbm>>
      %dma_start3A_355 = tpu.memref_slice %arg10[%dma_start3A_344] : memref<2x!tpu.dma_semaphore, #tpu.memory_space<semaphore_mem>> -> memref<1x!tpu.dma_semaphore, #tpu.memory_space<semaphore_mem>>
      %dma_start3A_356 = tpu.memref_squeeze %dma_start3A_355 : memref<1x!tpu.dma_semaphore, #tpu.memory_space<semaphore_mem>> -> memref<!tpu.dma_semaphore, #tpu.memory_space<semaphore_mem>>
      tpu.enqueue_indirect_dma source(%dma_start3A_354 : memref<10000x128xf32, #tpu.memory_space<hbm>>) target(%dma_start3A_348 : memref<128x128xf32, #tpu.memory_space<vmem>>) offsets(%dma_start3A_351 : memref<128xi32, #tpu.memory_space<vmem>>) semaphore(%dma_start3A_356 : memref<!tpu.dma_semaphore, #tpu.memory_space<semaphore_mem>>)
      %mul3A_357 = arith.constant 2 : i32
      %mul3A_358 = arith.muli %scan3A_294, %mul3A_357 : i32
      %add3A_359 = arith.constant 1 : i32
      %add3A_360 = arith.addi %mul3A_358, %add3A_359 : i32
      %dma_wait3A_361 = arith.constant 1 : i32
      %dma_wait3A_362 = arith.constant 1 : i32
      %dma_wait3A_363 = arith.constant 0 : i32
      %dma_wait3A_364 = arith.constant 0 : i32
      %dma_wait3A_365 = tpu.memref_slice %arg9[%dma_wait3A_361, %dma_wait3A_363, %dma_wait3A_364] : memref<2x128x128xf32, #tpu.memory_space<vmem>> -> memref<1x128x128xf32, #tpu.memory_space<vmem>>
      %dma_wait3A_366 = tpu.memref_squeeze %dma_wait3A_365 : memref<1x128x128xf32, #tpu.memory_space<vmem>> -> memref<128x128xf32, #tpu.memory_space<vmem>>
      %dma_wait3A_367 = arith.constant 0 : i32
      %dma_wait3A_368 = tpu.memref_slice %arg7[%add3A_360, %dma_wait3A_367] : memref<40x128xi32, #tpu.memory_space<vmem>> -> memref<1x128xi32, #tpu.memory_space<vmem>>
      %dma_wait3A_369 = tpu.memref_squeeze %dma_wait3A_368 : memref<1x128xi32, #tpu.memory_space<vmem>> -> memref<128xi32, #tpu.memory_space<vmem>>
      %dma_wait3A_370 = arith.constant 0 : i32
      %dma_wait3A_371 = arith.constant 0 : i32
      %dma_wait3A_372 = tpu.memref_slice %arg2[%dma_wait3A_370, %dma_wait3A_371] : memref<10000x128xf32, #tpu.memory_space<hbm>> -> memref<10000x128xf32, #tpu.memory_space<hbm>>
      %dma_wait3A_373 = tpu.memref_slice %arg10[%dma_wait3A_362] : memref<2x!tpu.dma_semaphore, #tpu.memory_space<semaphore_mem>> -> memref<1x!tpu.dma_semaphore, #tpu.memory_space<semaphore_mem>>
      %dma_wait3A_374 = tpu.memref_squeeze %dma_wait3A_373 : memref<1x!tpu.dma_semaphore, #tpu.memory_space<semaphore_mem>> -> memref<!tpu.dma_semaphore, #tpu.memory_space<semaphore_mem>>
      tpu.wait_indirect_dma semaphore(%dma_wait3A_374 : memref<!tpu.dma_semaphore, #tpu.memory_space<semaphore_mem>>) src(%dma_wait3A_372 : memref<10000x128xf32, #tpu.memory_space<hbm>>) dst(%dma_wait3A_366 : memref<128x128xf32, #tpu.memory_space<vmem>>)
      %dma_start3A_375 = arith.constant 1 : i32
      %dma_start3A_376 = arith.constant 1 : i32
      %dma_start3A_377 = arith.constant 0 : i32
      %dma_start3A_378 = arith.constant 0 : i32
      %dma_start3A_379 = tpu.memref_slice %arg9[%dma_start3A_375, %dma_start3A_377, %dma_start3A_378] : memref<2x128x128xf32, #tpu.memory_space<vmem>> -> memref<1x128x128xf32, #tpu.memory_space<vmem>>
      %dma_start3A_380 = tpu.memref_squeeze %dma_start3A_379 : memref<1x128x128xf32, #tpu.memory_space<vmem>> -> memref<128x128xf32, #tpu.memory_space<vmem>>
      %dma_start3A_381 = arith.constant 0 : i32
      %dma_start3A_382 = tpu.memref_slice %arg8[%add3A_360, %dma_start3A_381] : memref<40x128xi32, #tpu.memory_space<vmem>> -> memref<1x128xi32, #tpu.memory_space<vmem>>
      %dma_start3A_383 = tpu.memref_squeeze %dma_start3A_382 : memref<1x128xi32, #tpu.memory_space<vmem>> -> memref<128xi32, #tpu.memory_space<vmem>>
      %dma_start3A_384 = arith.constant 0 : i32
      %dma_start3A_385 = arith.constant 0 : i32
      %dma_start3A_386 = tpu.memref_slice %arg12[%dma_start3A_384, %dma_start3A_385] : memref<10128x128xf32, #tpu.memory_space<vmem_shared>> -> memref<10128x128xf32, #tpu.memory_space<vmem_shared>>
      %dma_start3A_387 = tpu.memref_slice %arg11[%dma_start3A_376] : memref<2x!tpu.dma_semaphore, #tpu.memory_space<semaphore_mem>> -> memref<1x!tpu.dma_semaphore, #tpu.memory_space<semaphore_mem>>
      %dma_start3A_388 = tpu.memref_squeeze %dma_start3A_387 : memref<1x!tpu.dma_semaphore, #tpu.memory_space<semaphore_mem>> -> memref<!tpu.dma_semaphore, #tpu.memory_space<semaphore_mem>>
      tpu.enqueue_indirect_dma source(%dma_start3A_380 : memref<128x128xf32, #tpu.memory_space<vmem>>) target(%dma_start3A_386 : memref<10128x128xf32, #tpu.memory_space<vmem_shared>>) offsets(%dma_start3A_383 : memref<128xi32, #tpu.memory_space<vmem>>) semaphore(%dma_start3A_388 : memref<!tpu.dma_semaphore, #tpu.memory_space<semaphore_mem>>) {add = true}
      %dma_wait3A_389 = arith.constant 1 : i32
      %dma_wait3A_390 = arith.constant 1 : i32
      %dma_wait3A_391 = arith.constant 0 : i32
      %dma_wait3A_392 = arith.constant 0 : i32
      %dma_wait3A_393 = tpu.memref_slice %arg9[%dma_wait3A_389, %dma_wait3A_391, %dma_wait3A_392] : memref<2x128x128xf32, #tpu.memory_space<vmem>> -> memref<1x128x128xf32, #tpu.memory_space<vmem>>
      %dma_wait3A_394 = tpu.memref_squeeze %dma_wait3A_393 : memref<1x128x128xf32, #tpu.memory_space<vmem>> -> memref<128x128xf32, #tpu.memory_space<vmem>>
      %dma_wait3A_395 = arith.constant 0 : i32
      %dma_wait3A_396 = tpu.memref_slice %arg8[%add3A_360, %dma_wait3A_395] : memref<40x128xi32, #tpu.memory_space<vmem>> -> memref<1x128xi32, #tpu.memory_space<vmem>>
      %dma_wait3A_397 = tpu.memref_squeeze %dma_wait3A_396 : memref<1x128xi32, #tpu.memory_space<vmem>> -> memref<128xi32, #tpu.memory_space<vmem>>
      %dma_wait3A_398 = arith.constant 0 : i32
      %dma_wait3A_399 = arith.constant 0 : i32
      %dma_wait3A_400 = tpu.memref_slice %arg12[%dma_wait3A_398, %dma_wait3A_399] : memref<10128x128xf32, #tpu.memory_space<vmem_shared>> -> memref<10128x128xf32, #tpu.memory_space<vmem_shared>>
      %dma_wait3A_401 = tpu.memref_slice %arg11[%dma_wait3A_390] : memref<2x!tpu.dma_semaphore, #tpu.memory_space<semaphore_mem>> -> memref<1x!tpu.dma_semaphore, #tpu.memory_space<semaphore_mem>>
      %dma_wait3A_402 = tpu.memref_squeeze %dma_wait3A_401 : memref<1x!tpu.dma_semaphore, #tpu.memory_space<semaphore_mem>> -> memref<!tpu.dma_semaphore, #tpu.memory_space<semaphore_mem>>
      tpu.wait_indirect_dma semaphore(%dma_wait3A_402 : memref<!tpu.dma_semaphore, #tpu.memory_space<semaphore_mem>>) src(%dma_wait3A_394 : memref<128x128xf32, #tpu.memory_space<vmem>>) dst(%dma_wait3A_400 : memref<10128x128xf32, #tpu.memory_space<vmem_shared>>)
      %add3A_403 = arith.constant 2 : i32
      %add3A_404 = arith.addi %add3A_360, %add3A_403 : i32
      %dma_start3A_405 = arith.constant 1 : i32
      %dma_start3A_406 = arith.constant 1 : i32
      %dma_start3A_407 = arith.constant 0 : i32
      %dma_start3A_408 = arith.constant 0 : i32
      %dma_start3A_409 = tpu.memref_slice %arg9[%dma_start3A_405, %dma_start3A_407, %dma_start3A_408] : memref<2x128x128xf32, #tpu.memory_space<vmem>> -> memref<1x128x128xf32, #tpu.memory_space<vmem>>
      %dma_start3A_410 = tpu.memref_squeeze %dma_start3A_409 : memref<1x128x128xf32, #tpu.memory_space<vmem>> -> memref<128x128xf32, #tpu.memory_space<vmem>>
      %dma_start3A_411 = arith.constant 0 : i32
      %dma_start3A_412 = tpu.memref_slice %arg7[%add3A_404, %dma_start3A_411] : memref<40x128xi32, #tpu.memory_space<vmem>> -> memref<1x128xi32, #tpu.memory_space<vmem>>
      %dma_start3A_413 = tpu.memref_squeeze %dma_start3A_412 : memref<1x128xi32, #tpu.memory_space<vmem>> -> memref<128xi32, #tpu.memory_space<vmem>>
      %dma_start3A_414 = arith.constant 0 : i32
      %dma_start3A_415 = arith.constant 0 : i32
      %dma_start3A_416 = tpu.memref_slice %arg2[%dma_start3A_414, %dma_start3A_415] : memref<10000x128xf32, #tpu.memory_space<hbm>> -> memref<10000x128xf32, #tpu.memory_space<hbm>>
      %dma_start3A_417 = tpu.memref_slice %arg10[%dma_start3A_406] : memref<2x!tpu.dma_semaphore, #tpu.memory_space<semaphore_mem>> -> memref<1x!tpu.dma_semaphore, #tpu.memory_space<semaphore_mem>>
      %dma_start3A_418 = tpu.memref_squeeze %dma_start3A_417 : memref<1x!tpu.dma_semaphore, #tpu.memory_space<semaphore_mem>> -> memref<!tpu.dma_semaphore, #tpu.memory_space<semaphore_mem>>
      tpu.enqueue_indirect_dma source(%dma_start3A_416 : memref<10000x128xf32, #tpu.memory_space<hbm>>) target(%dma_start3A_410 : memref<128x128xf32, #tpu.memory_space<vmem>>) offsets(%dma_start3A_413 : memref<128xi32, #tpu.memory_space<vmem>>) semaphore(%dma_start3A_418 : memref<!tpu.dma_semaphore, #tpu.memory_space<semaphore_mem>>)
    }
    %scan3A_38 = arith.constant 19 : i32
    %dma_wait3A = arith.constant 38 : i32
    %dma_wait3A_39 = arith.constant 0 : i32
    %dma_wait3A_40 = arith.constant 0 : i32
    %dma_wait3A_41 = arith.constant 0 : i32
    %dma_wait3A_42 = arith.constant 0 : i32
    %dma_wait3A_43 = tpu.memref_slice %arg9[%dma_wait3A_39, %dma_wait3A_41, %dma_wait3A_42] : memref<2x128x128xf32, #tpu.memory_space<vmem>> -> memref<1x128x128xf32, #tpu.memory_space<vmem>>
    %dma_wait3A_44 = tpu.memref_squeeze %dma_wait3A_43 : memref<1x128x128xf32, #tpu.memory_space<vmem>> -> memref<128x128xf32, #tpu.memory_space<vmem>>
    %dma_wait3A_45 = arith.constant 0 : i32
    %dma_wait3A_46 = tpu.memref_slice %arg7[%dma_wait3A, %dma_wait3A_45] : memref<40x128xi32, #tpu.memory_space<vmem>> -> memref<1x128xi32, #tpu.memory_space<vmem>>
    %dma_wait3A_47 = tpu.memref_squeeze %dma_wait3A_46 : memref<1x128xi32, #tpu.memory_space<vmem>> -> memref<128xi32, #tpu.memory_space<vmem>>
    %dma_wait3A_48 = arith.constant 0 : i32
    %dma_wait3A_49 = arith.constant 0 : i32
    %dma_wait3A_50 = tpu.memref_slice %arg2[%dma_wait3A_48, %dma_wait3A_49] : memref<10000x128xf32, #tpu.memory_space<hbm>> -> memref<10000x128xf32, #tpu.memory_space<hbm>>
    %dma_wait3A_51 = tpu.memref_slice %arg10[%dma_wait3A_40] : memref<2x!tpu.dma_semaphore, #tpu.memory_space<semaphore_mem>> -> memref<1x!tpu.dma_semaphore, #tpu.memory_space<semaphore_mem>>
    %dma_wait3A_52 = tpu.memref_squeeze %dma_wait3A_51 : memref<1x!tpu.dma_semaphore, #tpu.memory_space<semaphore_mem>> -> memref<!tpu.dma_semaphore, #tpu.memory_space<semaphore_mem>>
    tpu.wait_indirect_dma semaphore(%dma_wait3A_52 : memref<!tpu.dma_semaphore, #tpu.memory_space<semaphore_mem>>) src(%dma_wait3A_50 : memref<10000x128xf32, #tpu.memory_space<hbm>>) dst(%dma_wait3A_44 : memref<128x128xf32, #tpu.memory_space<vmem>>)
    %dma_start3A_53 = arith.constant 0 : i32
    %dma_start3A_54 = arith.constant 38 : i32
    %dma_start3A_55 = arith.constant 0 : i32
    %dma_start3A_56 = arith.constant 0 : i32
    %dma_start3A_57 = arith.constant 0 : i32
    %dma_start3A_58 = tpu.memref_slice %arg9[%dma_start3A_53, %dma_start3A_56, %dma_start3A_57] : memref<2x128x128xf32, #tpu.memory_space<vmem>> -> memref<1x128x128xf32, #tpu.memory_space<vmem>>
    %dma_start3A_59 = tpu.memref_squeeze %dma_start3A_58 : memref<1x128x128xf32, #tpu.memory_space<vmem>> -> memref<128x128xf32, #tpu.memory_space<vmem>>
    %dma_start3A_60 = arith.constant 0 : i32
    %dma_start3A_61 = tpu.memref_slice %arg8[%dma_start3A_54, %dma_start3A_60] : memref<40x128xi32, #tpu.memory_space<vmem>> -> memref<1x128xi32, #tpu.memory_space<vmem>>
    %dma_start3A_62 = tpu.memref_squeeze %dma_start3A_61 : memref<1x128xi32, #tpu.memory_space<vmem>> -> memref<128xi32, #tpu.memory_space<vmem>>
    %dma_start3A_63 = arith.constant 0 : i32
    %dma_start3A_64 = arith.constant 0 : i32
    %dma_start3A_65 = tpu.memref_slice %arg12[%dma_start3A_63, %dma_start3A_64] : memref<10128x128xf32, #tpu.memory_space<vmem_shared>> -> memref<10128x128xf32, #tpu.memory_space<vmem_shared>>
    %dma_start3A_66 = tpu.memref_slice %arg11[%dma_start3A_55] : memref<2x!tpu.dma_semaphore, #tpu.memory_space<semaphore_mem>> -> memref<1x!tpu.dma_semaphore, #tpu.memory_space<semaphore_mem>>
    %dma_start3A_67 = tpu.memref_squeeze %dma_start3A_66 : memref<1x!tpu.dma_semaphore, #tpu.memory_space<semaphore_mem>> -> memref<!tpu.dma_semaphore, #tpu.memory_space<semaphore_mem>>
    tpu.enqueue_indirect_dma source(%dma_start3A_59 : memref<128x128xf32, #tpu.memory_space<vmem>>) target(%dma_start3A_65 : memref<10128x128xf32, #tpu.memory_space<vmem_shared>>) offsets(%dma_start3A_62 : memref<128xi32, #tpu.memory_space<vmem>>) semaphore(%dma_start3A_67 : memref<!tpu.dma_semaphore, #tpu.memory_space<semaphore_mem>>) {add = true}
    %dma_wait3A_68 = arith.constant 39 : i32
    %dma_wait3A_69 = arith.constant 1 : i32
    %dma_wait3A_70 = arith.constant 1 : i32
    %dma_wait3A_71 = arith.constant 0 : i32
    %dma_wait3A_72 = arith.constant 0 : i32
    %dma_wait3A_73 = tpu.memref_slice %arg9[%dma_wait3A_69, %dma_wait3A_71, %dma_wait3A_72] : memref<2x128x128xf32, #tpu.memory_space<vmem>> -> memref<1x128x128xf32, #tpu.memory_space<vmem>>
    %dma_wait3A_74 = tpu.memref_squeeze %dma_wait3A_73 : memref<1x128x128xf32, #tpu.memory_space<vmem>> -> memref<128x128xf32, #tpu.memory_space<vmem>>
    %dma_wait3A_75 = arith.constant 0 : i32
    %dma_wait3A_76 = tpu.memref_slice %arg7[%dma_wait3A_68, %dma_wait3A_75] : memref<40x128xi32, #tpu.memory_space<vmem>> -> memref<1x128xi32, #tpu.memory_space<vmem>>
    %dma_wait3A_77 = tpu.memref_squeeze %dma_wait3A_76 : memref<1x128xi32, #tpu.memory_space<vmem>> -> memref<128xi32, #tpu.memory_space<vmem>>
    %dma_wait3A_78 = arith.constant 0 : i32
    %dma_wait3A_79 = arith.constant 0 : i32
    %dma_wait3A_80 = tpu.memref_slice %arg2[%dma_wait3A_78, %dma_wait3A_79] : memref<10000x128xf32, #tpu.memory_space<hbm>> -> memref<10000x128xf32, #tpu.memory_space<hbm>>
    %dma_wait3A_81 = tpu.memref_slice %arg10[%dma_wait3A_70] : memref<2x!tpu.dma_semaphore, #tpu.memory_space<semaphore_mem>> -> memref<1x!tpu.dma_semaphore, #tpu.memory_space<semaphore_mem>>
    %dma_wait3A_82 = tpu.memref_squeeze %dma_wait3A_81 : memref<1x!tpu.dma_semaphore, #tpu.memory_space<semaphore_mem>> -> memref<!tpu.dma_semaphore, #tpu.memory_space<semaphore_mem>>
    tpu.wait_indirect_dma semaphore(%dma_wait3A_82 : memref<!tpu.dma_semaphore, #tpu.memory_space<semaphore_mem>>) src(%dma_wait3A_80 : memref<10000x128xf32, #tpu.memory_space<hbm>>) dst(%dma_wait3A_74 : memref<128x128xf32, #tpu.memory_space<vmem>>)
    %dma_start3A_83 = arith.constant 1 : i32
    %dma_start3A_84 = arith.constant 39 : i32
    %dma_start3A_85 = arith.constant 1 : i32
    %dma_start3A_86 = arith.constant 0 : i32
    %dma_start3A_87 = arith.constant 0 : i32
    %dma_start3A_88 = tpu.memref_slice %arg9[%dma_start3A_83, %dma_start3A_86, %dma_start3A_87] : memref<2x128x128xf32, #tpu.memory_space<vmem>> -> memref<1x128x128xf32, #tpu.memory_space<vmem>>
    %dma_start3A_89 = tpu.memref_squeeze %dma_start3A_88 : memref<1x128x128xf32, #tpu.memory_space<vmem>> -> memref<128x128xf32, #tpu.memory_space<vmem>>
    %dma_start3A_90 = arith.constant 0 : i32
    %dma_start3A_91 = tpu.memref_slice %arg8[%dma_start3A_84, %dma_start3A_90] : memref<40x128xi32, #tpu.memory_space<vmem>> -> memref<1x128xi32, #tpu.memory_space<vmem>>
    %dma_start3A_92 = tpu.memref_squeeze %dma_start3A_91 : memref<1x128xi32, #tpu.memory_space<vmem>> -> memref<128xi32, #tpu.memory_space<vmem>>
    %dma_start3A_93 = arith.constant 0 : i32
    %dma_start3A_94 = arith.constant 0 : i32
    %dma_start3A_95 = tpu.memref_slice %arg12[%dma_start3A_93, %dma_start3A_94] : memref<10128x128xf32, #tpu.memory_space<vmem_shared>> -> memref<10128x128xf32, #tpu.memory_space<vmem_shared>>
    %dma_start3A_96 = tpu.memref_slice %arg11[%dma_start3A_85] : memref<2x!tpu.dma_semaphore, #tpu.memory_space<semaphore_mem>> -> memref<1x!tpu.dma_semaphore, #tpu.memory_space<semaphore_mem>>
    %dma_start3A_97 = tpu.memref_squeeze %dma_start3A_96 : memref<1x!tpu.dma_semaphore, #tpu.memory_space<semaphore_mem>> -> memref<!tpu.dma_semaphore, #tpu.memory_space<semaphore_mem>>
    tpu.enqueue_indirect_dma source(%dma_start3A_89 : memref<128x128xf32, #tpu.memory_space<vmem>>) target(%dma_start3A_95 : memref<10128x128xf32, #tpu.memory_space<vmem_shared>>) offsets(%dma_start3A_92 : memref<128xi32, #tpu.memory_space<vmem>>) semaphore(%dma_start3A_97 : memref<!tpu.dma_semaphore, #tpu.memory_space<semaphore_mem>>) {add = true}
    %dma_wait3A_98 = arith.constant 0 : i32
    %dma_wait3A_99 = arith.constant 39 : i32
    %dma_wait3A_100 = arith.constant 0 : i32
    %dma_wait3A_101 = arith.constant 0 : i32
    %dma_wait3A_102 = arith.constant 0 : i32
    %dma_wait3A_103 = tpu.memref_slice %arg9[%dma_wait3A_98, %dma_wait3A_101, %dma_wait3A_102] : memref<2x128x128xf32, #tpu.memory_space<vmem>> -> memref<1x128x128xf32, #tpu.memory_space<vmem>>
    %dma_wait3A_104 = tpu.memref_squeeze %dma_wait3A_103 : memref<1x128x128xf32, #tpu.memory_space<vmem>> -> memref<128x128xf32, #tpu.memory_space<vmem>>
    %dma_wait3A_105 = arith.constant 0 : i32
    %dma_wait3A_106 = tpu.memref_slice %arg8[%dma_wait3A_99, %dma_wait3A_105] : memref<40x128xi32, #tpu.memory_space<vmem>> -> memref<1x128xi32, #tpu.memory_space<vmem>>
    %dma_wait3A_107 = tpu.memref_squeeze %dma_wait3A_106 : memref<1x128xi32, #tpu.memory_space<vmem>> -> memref<128xi32, #tpu.memory_space<vmem>>
    %dma_wait3A_108 = arith.constant 0 : i32
    %dma_wait3A_109 = arith.constant 0 : i32
    %dma_wait3A_110 = tpu.memref_slice %arg12[%dma_wait3A_108, %dma_wait3A_109] : memref<10128x128xf32, #tpu.memory_space<vmem_shared>> -> memref<10128x128xf32, #tpu.memory_space<vmem_shared>>
    %dma_wait3A_111 = tpu.memref_slice %arg11[%dma_wait3A_100] : memref<2x!tpu.dma_semaphore, #tpu.memory_space<semaphore_mem>> -> memref<1x!tpu.dma_semaphore, #tpu.memory_space<semaphore_mem>>
    %dma_wait3A_112 = tpu.memref_squeeze %dma_wait3A_111 : memref<1x!tpu.dma_semaphore, #tpu.memory_space<semaphore_mem>> -> memref<!tpu.dma_semaphore, #tpu.memory_space<semaphore_mem>>
    tpu.wait_indirect_dma semaphore(%dma_wait3A_112 : memref<!tpu.dma_semaphore, #tpu.memory_space<semaphore_mem>>) src(%dma_wait3A_104 : memref<128x128xf32, #tpu.memory_space<vmem>>) dst(%dma_wait3A_110 : memref<10128x128xf32, #tpu.memory_space<vmem_shared>>)
    %dma_wait3A_113 = arith.constant 1 : i32
    %dma_wait3A_114 = arith.constant 39 : i32
    %dma_wait3A_115 = arith.constant 1 : i32
    %dma_wait3A_116 = arith.constant 0 : i32
    %dma_wait3A_117 = arith.constant 0 : i32
    %dma_wait3A_118 = tpu.memref_slice %arg9[%dma_wait3A_113, %dma_wait3A_116, %dma_wait3A_117] : memref<2x128x128xf32, #tpu.memory_space<vmem>> -> memref<1x128x128xf32, #tpu.memory_space<vmem>>
    %dma_wait3A_119 = tpu.memref_squeeze %dma_wait3A_118 : memref<1x128x128xf32, #tpu.memory_space<vmem>> -> memref<128x128xf32, #tpu.memory_space<vmem>>
    %dma_wait3A_120 = arith.constant 0 : i32
    %dma_wait3A_121 = tpu.memref_slice %arg8[%dma_wait3A_114, %dma_wait3A_120] : memref<40x128xi32, #tpu.memory_space<vmem>> -> memref<1x128xi32, #tpu.memory_space<vmem>>
    %dma_wait3A_122 = tpu.memref_squeeze %dma_wait3A_121 : memref<1x128xi32, #tpu.memory_space<vmem>> -> memref<128xi32, #tpu.memory_space<vmem>>
    %dma_wait3A_123 = arith.constant 0 : i32
    %dma_wait3A_124 = arith.constant 0 : i32
    %dma_wait3A_125 = tpu.memref_slice %arg12[%dma_wait3A_123, %dma_wait3A_124] : memref<10128x128xf32, #tpu.memory_space<vmem_shared>> -> memref<10128x128xf32, #tpu.memory_space<vmem_shared>>
    %dma_wait3A_126 = tpu.memref_slice %arg11[%dma_wait3A_115] : memref<2x!tpu.dma_semaphore, #tpu.memory_space<semaphore_mem>> -> memref<1x!tpu.dma_semaphore, #tpu.memory_space<semaphore_mem>>
    %dma_wait3A_127 = tpu.memref_squeeze %dma_wait3A_126 : memref<1x!tpu.dma_semaphore, #tpu.memory_space<semaphore_mem>> -> memref<!tpu.dma_semaphore, #tpu.memory_space<semaphore_mem>>
    tpu.wait_indirect_dma semaphore(%dma_wait3A_127 : memref<!tpu.dma_semaphore, #tpu.memory_space<semaphore_mem>>) src(%dma_wait3A_119 : memref<128x128xf32, #tpu.memory_space<vmem>>) dst(%dma_wait3A_125 : memref<10128x128xf32, #tpu.memory_space<vmem_shared>>)
    "tpu.region"() ({
      %run_scoped3A_294 = tpu.sem_alloc : memref<!tpu.dma_semaphore, #tpu.memory_space<semaphore_mem>>
      %dma_start3A_295 = arith.constant 0 : i32
      %dma_start3A_296 = arith.constant 0 : i32
      %dma_start3A_297 = tpu.memref_slice %arg7[%dma_start3A_295, %dma_start3A_296] : memref<40x128xi32, #tpu.memory_space<vmem>> -> memref<39x128xi32, #tpu.memory_space<vmem>>
      %dma_start3A_298 = arith.constant 40 : i32
      %dma_start3A_299 = arith.constant 0 : i32
      %dma_start3A_300 = tpu.memref_slice %arg3[%add3A, %dma_start3A_298, %dma_start3A_299] : memref<32x79x128xi32, #tpu.memory_space<hbm>> -> memref<1x39x128xi32, #tpu.memory_space<hbm>>
      %dma_start3A_301 = tpu.memref_squeeze %dma_start3A_300 : memref<1x39x128xi32, #tpu.memory_space<hbm>> -> memref<39x128xi32, #tpu.memory_space<hbm>>
      %dma_start3A_302 = arith.constant 0 : i32
      %dma_start3A_303 = arith.constant 0 : i32
      %dma_start3A_304 = tpu.memref_slice %arg7[%dma_start3A_302, %dma_start3A_303] : memref<40x128xi32, #tpu.memory_space<vmem>> -> memref<39x128xi32, #tpu.memory_space<vmem>>
      %dma_start3A_305 = arith.constant 40 : i32
      %dma_start3A_306 = arith.constant 0 : i32
      %dma_start3A_307 = tpu.memref_slice %arg3[%add3A, %dma_start3A_305, %dma_start3A_306] : memref<32x79x128xi32, #tpu.memory_space<hbm>> -> memref<1x39x128xi32, #tpu.memory_space<hbm>>
      %dma_start3A_308 = tpu.memref_squeeze %dma_start3A_307 : memref<1x39x128xi32, #tpu.memory_space<hbm>> -> memref<39x128xi32, #tpu.memory_space<hbm>>
      tpu.enqueue_dma source(%dma_start3A_308 : memref<39x128xi32, #tpu.memory_space<hbm>>) target(%dma_start3A_304 : memref<39x128xi32, #tpu.memory_space<vmem>>) target_semaphore(%run_scoped3A_294 : memref<!tpu.dma_semaphore, #tpu.memory_space<semaphore_mem>>)
      %dma_wait3A_309 = arith.constant 0 : i32
      %dma_wait3A_310 = arith.constant 0 : i32
      %dma_wait3A_311 = tpu.memref_slice %arg7[%dma_wait3A_309, %dma_wait3A_310] : memref<40x128xi32, #tpu.memory_space<vmem>> -> memref<39x128xi32, #tpu.memory_space<vmem>>
      %dma_wait3A_312 = arith.constant 40 : i32
      %dma_wait3A_313 = arith.constant 0 : i32
      %dma_wait3A_314 = tpu.memref_slice %arg3[%add3A, %dma_wait3A_312, %dma_wait3A_313] : memref<32x79x128xi32, #tpu.memory_space<hbm>> -> memref<1x39x128xi32, #tpu.memory_space<hbm>>
      %dma_wait3A_315 = tpu.memref_squeeze %dma_wait3A_314 : memref<1x39x128xi32, #tpu.memory_space<hbm>> -> memref<39x128xi32, #tpu.memory_space<hbm>>
      %dma_wait3A_316 = arith.constant 0 : i32
      %dma_wait3A_317 = arith.constant 0 : i32
      %dma_wait3A_318 = tpu.memref_slice %arg7[%dma_wait3A_316, %dma_wait3A_317] : memref<40x128xi32, #tpu.memory_space<vmem>> -> memref<39x128xi32, #tpu.memory_space<vmem>>
      %dma_wait3A_319 = arith.constant 40 : i32
      %dma_wait3A_320 = arith.constant 0 : i32
      %dma_wait3A_321 = tpu.memref_slice %arg3[%add3A, %dma_wait3A_319, %dma_wait3A_320] : memref<32x79x128xi32, #tpu.memory_space<hbm>> -> memref<1x39x128xi32, #tpu.memory_space<hbm>>
      %dma_wait3A_322 = tpu.memref_squeeze %dma_wait3A_321 : memref<1x39x128xi32, #tpu.memory_space<hbm>> -> memref<39x128xi32, #tpu.memory_space<hbm>>
      tpu.wait_dma2 semaphore(%run_scoped3A_294 : memref<!tpu.dma_semaphore, #tpu.memory_space<semaphore_mem>>) src(%dma_wait3A_322 : memref<39x128xi32, #tpu.memory_space<hbm>>) dst(%dma_wait3A_318 : memref<39x128xi32, #tpu.memory_space<vmem>>)
      tpu.yield
    }) : () -> ()
    "tpu.region"() ({
      %run_scoped3A_294 = tpu.sem_alloc : memref<!tpu.dma_semaphore, #tpu.memory_space<semaphore_mem>>
      %dma_start3A_295 = arith.constant 0 : i32
      %dma_start3A_296 = arith.constant 0 : i32
      %dma_start3A_297 = tpu.memref_slice %arg8[%dma_start3A_295, %dma_start3A_296] : memref<40x128xi32, #tpu.memory_space<vmem>> -> memref<39x128xi32, #tpu.memory_space<vmem>>
      %dma_start3A_298 = arith.constant 40 : i32
      %dma_start3A_299 = arith.constant 0 : i32
      %dma_start3A_300 = tpu.memref_slice %arg4[%add3A, %dma_start3A_298, %dma_start3A_299] : memref<32x79x128xi32, #tpu.memory_space<hbm>> -> memref<1x39x128xi32, #tpu.memory_space<hbm>>
      %dma_start3A_301 = tpu.memref_squeeze %dma_start3A_300 : memref<1x39x128xi32, #tpu.memory_space<hbm>> -> memref<39x128xi32, #tpu.memory_space<hbm>>
      %dma_start3A_302 = arith.constant 0 : i32
      %dma_start3A_303 = arith.constant 0 : i32
      %dma_start3A_304 = tpu.memref_slice %arg8[%dma_start3A_302, %dma_start3A_303] : memref<40x128xi32, #tpu.memory_space<vmem>> -> memref<39x128xi32, #tpu.memory_space<vmem>>
      %dma_start3A_305 = arith.constant 40 : i32
      %dma_start3A_306 = arith.constant 0 : i32
      %dma_start3A_307 = tpu.memref_slice %arg4[%add3A, %dma_start3A_305, %dma_start3A_306] : memref<32x79x128xi32, #tpu.memory_space<hbm>> -> memref<1x39x128xi32, #tpu.memory_space<hbm>>
      %dma_start3A_308 = tpu.memref_squeeze %dma_start3A_307 : memref<1x39x128xi32, #tpu.memory_space<hbm>> -> memref<39x128xi32, #tpu.memory_space<hbm>>
      tpu.enqueue_dma source(%dma_start3A_308 : memref<39x128xi32, #tpu.memory_space<hbm>>) target(%dma_start3A_304 : memref<39x128xi32, #tpu.memory_space<vmem>>) target_semaphore(%run_scoped3A_294 : memref<!tpu.dma_semaphore, #tpu.memory_space<semaphore_mem>>)
      %dma_wait3A_309 = arith.constant 0 : i32
      %dma_wait3A_310 = arith.constant 0 : i32
      %dma_wait3A_311 = tpu.memref_slice %arg8[%dma_wait3A_309, %dma_wait3A_310] : memref<40x128xi32, #tpu.memory_space<vmem>> -> memref<39x128xi32, #tpu.memory_space<vmem>>
      %dma_wait3A_312 = arith.constant 40 : i32
      %dma_wait3A_313 = arith.constant 0 : i32
      %dma_wait3A_314 = tpu.memref_slice %arg4[%add3A, %dma_wait3A_312, %dma_wait3A_313] : memref<32x79x128xi32, #tpu.memory_space<hbm>> -> memref<1x39x128xi32, #tpu.memory_space<hbm>>
      %dma_wait3A_315 = tpu.memref_squeeze %dma_wait3A_314 : memref<1x39x128xi32, #tpu.memory_space<hbm>> -> memref<39x128xi32, #tpu.memory_space<hbm>>
      %dma_wait3A_316 = arith.constant 0 : i32
      %dma_wait3A_317 = arith.constant 0 : i32
      %dma_wait3A_318 = tpu.memref_slice %arg8[%dma_wait3A_316, %dma_wait3A_317] : memref<40x128xi32, #tpu.memory_space<vmem>> -> memref<39x128xi32, #tpu.memory_space<vmem>>
      %dma_wait3A_319 = arith.constant 40 : i32
      %dma_wait3A_320 = arith.constant 0 : i32
      %dma_wait3A_321 = tpu.memref_slice %arg4[%add3A, %dma_wait3A_319, %dma_wait3A_320] : memref<32x79x128xi32, #tpu.memory_space<hbm>> -> memref<1x39x128xi32, #tpu.memory_space<hbm>>
      %dma_wait3A_322 = tpu.memref_squeeze %dma_wait3A_321 : memref<1x39x128xi32, #tpu.memory_space<hbm>> -> memref<39x128xi32, #tpu.memory_space<hbm>>
      tpu.wait_dma2 semaphore(%run_scoped3A_294 : memref<!tpu.dma_semaphore, #tpu.memory_space<semaphore_mem>>) src(%dma_wait3A_322 : memref<39x128xi32, #tpu.memory_space<hbm>>) dst(%dma_wait3A_318 : memref<39x128xi32, #tpu.memory_space<vmem>>)
      tpu.yield
    }) : () -> ()
    %dma_start3A_128 = arith.constant 0 : i32
    %dma_start3A_129 = arith.constant 0 : i32
    %dma_start3A_130 = arith.constant 0 : i32
    %dma_start3A_131 = arith.constant 0 : i32
    %dma_start3A_132 = arith.constant 0 : i32
    %dma_start3A_133 = tpu.memref_slice %arg9[%dma_start3A_129, %dma_start3A_131, %dma_start3A_132] : memref<2x128x128xf32, #tpu.memory_space<vmem>> -> memref<1x128x128xf32, #tpu.memory_space<vmem>>
    %dma_start3A_134 = tpu.memref_squeeze %dma_start3A_133 : memref<1x128x128xf32, #tpu.memory_space<vmem>> -> memref<128x128xf32, #tpu.memory_space<vmem>>
    %dma_start3A_135 = arith.constant 0 : i32
    %dma_start3A_136 = tpu.memref_slice %arg7[%dma_start3A_128, %dma_start3A_135] : memref<40x128xi32, #tpu.memory_space<vmem>> -> memref<1x128xi32, #tpu.memory_space<vmem>>
    %dma_start3A_137 = tpu.memref_squeeze %dma_start3A_136 : memref<1x128xi32, #tpu.memory_space<vmem>> -> memref<128xi32, #tpu.memory_space<vmem>>
    %dma_start3A_138 = arith.constant 0 : i32
    %dma_start3A_139 = arith.constant 0 : i32
    %dma_start3A_140 = tpu.memref_slice %arg2[%dma_start3A_138, %dma_start3A_139] : memref<10000x128xf32, #tpu.memory_space<hbm>> -> memref<10000x128xf32, #tpu.memory_space<hbm>>
    %dma_start3A_141 = tpu.memref_slice %arg10[%dma_start3A_130] : memref<2x!tpu.dma_semaphore, #tpu.memory_space<semaphore_mem>> -> memref<1x!tpu.dma_semaphore, #tpu.memory_space<semaphore_mem>>
    %dma_start3A_142 = tpu.memref_squeeze %dma_start3A_141 : memref<1x!tpu.dma_semaphore, #tpu.memory_space<semaphore_mem>> -> memref<!tpu.dma_semaphore, #tpu.memory_space<semaphore_mem>>
    tpu.enqueue_indirect_dma source(%dma_start3A_140 : memref<10000x128xf32, #tpu.memory_space<hbm>>) target(%dma_start3A_134 : memref<128x128xf32, #tpu.memory_space<vmem>>) offsets(%dma_start3A_137 : memref<128xi32, #tpu.memory_space<vmem>>) semaphore(%dma_start3A_142 : memref<!tpu.dma_semaphore, #tpu.memory_space<semaphore_mem>>)
    %dma_start3A_143 = arith.constant 1 : i32
    %dma_start3A_144 = arith.constant 1 : i32
    %dma_start3A_145 = arith.constant 1 : i32
    %dma_start3A_146 = arith.constant 0 : i32
    %dma_start3A_147 = arith.constant 0 : i32
    %dma_start3A_148 = tpu.memref_slice %arg9[%dma_start3A_144, %dma_start3A_146, %dma_start3A_147] : memref<2x128x128xf32, #tpu.memory_space<vmem>> -> memref<1x128x128xf32, #tpu.memory_space<vmem>>
    %dma_start3A_149 = tpu.memref_squeeze %dma_start3A_148 : memref<1x128x128xf32, #tpu.memory_space<vmem>> -> memref<128x128xf32, #tpu.memory_space<vmem>>
    %dma_start3A_150 = arith.constant 0 : i32
    %dma_start3A_151 = tpu.memref_slice %arg7[%dma_start3A_143, %dma_start3A_150] : memref<40x128xi32, #tpu.memory_space<vmem>> -> memref<1x128xi32, #tpu.memory_space<vmem>>
    %dma_start3A_152 = tpu.memref_squeeze %dma_start3A_151 : memref<1x128xi32, #tpu.memory_space<vmem>> -> memref<128xi32, #tpu.memory_space<vmem>>
    %dma_start3A_153 = arith.constant 0 : i32
    %dma_start3A_154 = arith.constant 0 : i32
    %dma_start3A_155 = tpu.memref_slice %arg2[%dma_start3A_153, %dma_start3A_154] : memref<10000x128xf32, #tpu.memory_space<hbm>> -> memref<10000x128xf32, #tpu.memory_space<hbm>>
    %dma_start3A_156 = tpu.memref_slice %arg10[%dma_start3A_145] : memref<2x!tpu.dma_semaphore, #tpu.memory_space<semaphore_mem>> -> memref<1x!tpu.dma_semaphore, #tpu.memory_space<semaphore_mem>>
    %dma_start3A_157 = tpu.memref_squeeze %dma_start3A_156 : memref<1x!tpu.dma_semaphore, #tpu.memory_space<semaphore_mem>> -> memref<!tpu.dma_semaphore, #tpu.memory_space<semaphore_mem>>
    tpu.enqueue_indirect_dma source(%dma_start3A_155 : memref<10000x128xf32, #tpu.memory_space<hbm>>) target(%dma_start3A_149 : memref<128x128xf32, #tpu.memory_space<vmem>>) offsets(%dma_start3A_152 : memref<128xi32, #tpu.memory_space<vmem>>) semaphore(%dma_start3A_157 : memref<!tpu.dma_semaphore, #tpu.memory_space<semaphore_mem>>)
    %scan3A_158 = arith.constant 0 : i32
    %scan3A_159 = arith.constant 0 : i32
    %scan3A_160 = arith.constant 18 : i32
    %scan3A_161 = arith.addi %scan3A_159, %scan3A_160 : i32
    %scan3A_162 = arith.constant 1 : i32
    scf.for %scan3A_294 = %scan3A_159 to %scan3A_161 step %scan3A_162  : i32 {
      %mul3A_295 = arith.constant 2 : i32
      %mul3A_296 = arith.muli %scan3A_294, %mul3A_295 : i32
      %add3A_297 = arith.constant 0 : i32
      %add3A_298 = arith.addi %mul3A_296, %add3A_297 : i32
      %dma_wait3A_299 = arith.constant 0 : i32
      %dma_wait3A_300 = arith.constant 0 : i32
      %dma_wait3A_301 = arith.constant 0 : i32
      %dma_wait3A_302 = arith.constant 0 : i32
      %dma_wait3A_303 = tpu.memref_slice %arg9[%dma_wait3A_299, %dma_wait3A_301, %dma_wait3A_302] : memref<2x128x128xf32, #tpu.memory_space<vmem>> -> memref<1x128x128xf32, #tpu.memory_space<vmem>>
      %dma_wait3A_304 = tpu.memref_squeeze %dma_wait3A_303 : memref<1x128x128xf32, #tpu.memory_space<vmem>> -> memref<128x128xf32, #tpu.memory_space<vmem>>
      %dma_wait3A_305 = arith.constant 0 : i32
      %dma_wait3A_306 = tpu.memref_slice %arg7[%add3A_298, %dma_wait3A_305] : memref<40x128xi32, #tpu.memory_space<vmem>> -> memref<1x128xi32, #tpu.memory_space<vmem>>
      %dma_wait3A_307 = tpu.memref_squeeze %dma_wait3A_306 : memref<1x128xi32, #tpu.memory_space<vmem>> -> memref<128xi32, #tpu.memory_space<vmem>>
      %dma_wait3A_308 = arith.constant 0 : i32
      %dma_wait3A_309 = arith.constant 0 : i32
      %dma_wait3A_310 = tpu.memref_slice %arg2[%dma_wait3A_308, %dma_wait3A_309] : memref<10000x128xf32, #tpu.memory_space<hbm>> -> memref<10000x128xf32, #tpu.memory_space<hbm>>
      %dma_wait3A_311 = tpu.memref_slice %arg10[%dma_wait3A_300] : memref<2x!tpu.dma_semaphore, #tpu.memory_space<semaphore_mem>> -> memref<1x!tpu.dma_semaphore, #tpu.memory_space<semaphore_mem>>
      %dma_wait3A_312 = tpu.memref_squeeze %dma_wait3A_311 : memref<1x!tpu.dma_semaphore, #tpu.memory_space<semaphore_mem>> -> memref<!tpu.dma_semaphore, #tpu.memory_space<semaphore_mem>>
      tpu.wait_indirect_dma semaphore(%dma_wait3A_312 : memref<!tpu.dma_semaphore, #tpu.memory_space<semaphore_mem>>) src(%dma_wait3A_310 : memref<10000x128xf32, #tpu.memory_space<hbm>>) dst(%dma_wait3A_304 : memref<128x128xf32, #tpu.memory_space<vmem>>)
      %dma_start3A_313 = arith.constant 0 : i32
      %dma_start3A_314 = arith.constant 0 : i32
      %dma_start3A_315 = arith.constant 0 : i32
      %dma_start3A_316 = arith.constant 0 : i32
      %dma_start3A_317 = tpu.memref_slice %arg9[%dma_start3A_313, %dma_start3A_315, %dma_start3A_316] : memref<2x128x128xf32, #tpu.memory_space<vmem>> -> memref<1x128x128xf32, #tpu.memory_space<vmem>>
      %dma_start3A_318 = tpu.memref_squeeze %dma_start3A_317 : memref<1x128x128xf32, #tpu.memory_space<vmem>> -> memref<128x128xf32, #tpu.memory_space<vmem>>
      %dma_start3A_319 = arith.constant 0 : i32
      %dma_start3A_320 = tpu.memref_slice %arg8[%add3A_298, %dma_start3A_319] : memref<40x128xi32, #tpu.memory_space<vmem>> -> memref<1x128xi32, #tpu.memory_space<vmem>>
      %dma_start3A_321 = tpu.memref_squeeze %dma_start3A_320 : memref<1x128xi32, #tpu.memory_space<vmem>> -> memref<128xi32, #tpu.memory_space<vmem>>
      %dma_start3A_322 = arith.constant 0 : i32
      %dma_start3A_323 = arith.constant 0 : i32
      %dma_start3A_324 = tpu.memref_slice %arg12[%dma_start3A_322, %dma_start3A_323] : memref<10128x128xf32, #tpu.memory_space<vmem_shared>> -> memref<10128x128xf32, #tpu.memory_space<vmem_shared>>
      %dma_start3A_325 = tpu.memref_slice %arg11[%dma_start3A_314] : memref<2x!tpu.dma_semaphore, #tpu.memory_space<semaphore_mem>> -> memref<1x!tpu.dma_semaphore, #tpu.memory_space<semaphore_mem>>
      %dma_start3A_326 = tpu.memref_squeeze %dma_start3A_325 : memref<1x!tpu.dma_semaphore, #tpu.memory_space<semaphore_mem>> -> memref<!tpu.dma_semaphore, #tpu.memory_space<semaphore_mem>>
      tpu.enqueue_indirect_dma source(%dma_start3A_318 : memref<128x128xf32, #tpu.memory_space<vmem>>) target(%dma_start3A_324 : memref<10128x128xf32, #tpu.memory_space<vmem_shared>>) offsets(%dma_start3A_321 : memref<128xi32, #tpu.memory_space<vmem>>) semaphore(%dma_start3A_326 : memref<!tpu.dma_semaphore, #tpu.memory_space<semaphore_mem>>) {add = true}
      %dma_wait3A_327 = arith.constant 0 : i32
      %dma_wait3A_328 = arith.constant 0 : i32
      %dma_wait3A_329 = arith.constant 0 : i32
      %dma_wait3A_330 = arith.constant 0 : i32
      %dma_wait3A_331 = tpu.memref_slice %arg9[%dma_wait3A_327, %dma_wait3A_329, %dma_wait3A_330] : memref<2x128x128xf32, #tpu.memory_space<vmem>> -> memref<1x128x128xf32, #tpu.memory_space<vmem>>
      %dma_wait3A_332 = tpu.memref_squeeze %dma_wait3A_331 : memref<1x128x128xf32, #tpu.memory_space<vmem>> -> memref<128x128xf32, #tpu.memory_space<vmem>>
      %dma_wait3A_333 = arith.constant 0 : i32
      %dma_wait3A_334 = tpu.memref_slice %arg8[%add3A_298, %dma_wait3A_333] : memref<40x128xi32, #tpu.memory_space<vmem>> -> memref<1x128xi32, #tpu.memory_space<vmem>>
      %dma_wait3A_335 = tpu.memref_squeeze %dma_wait3A_334 : memref<1x128xi32, #tpu.memory_space<vmem>> -> memref<128xi32, #tpu.memory_space<vmem>>
      %dma_wait3A_336 = arith.constant 0 : i32
      %dma_wait3A_337 = arith.constant 0 : i32
      %dma_wait3A_338 = tpu.memref_slice %arg12[%dma_wait3A_336, %dma_wait3A_337] : memref<10128x128xf32, #tpu.memory_space<vmem_shared>> -> memref<10128x128xf32, #tpu.memory_space<vmem_shared>>
      %dma_wait3A_339 = tpu.memref_slice %arg11[%dma_wait3A_328] : memref<2x!tpu.dma_semaphore, #tpu.memory_space<semaphore_mem>> -> memref<1x!tpu.dma_semaphore, #tpu.memory_space<semaphore_mem>>
      %dma_wait3A_340 = tpu.memref_squeeze %dma_wait3A_339 : memref<1x!tpu.dma_semaphore, #tpu.memory_space<semaphore_mem>> -> memref<!tpu.dma_semaphore, #tpu.memory_space<semaphore_mem>>
      tpu.wait_indirect_dma semaphore(%dma_wait3A_340 : memref<!tpu.dma_semaphore, #tpu.memory_space<semaphore_mem>>) src(%dma_wait3A_332 : memref<128x128xf32, #tpu.memory_space<vmem>>) dst(%dma_wait3A_338 : memref<10128x128xf32, #tpu.memory_space<vmem_shared>>)
      %add3A_341 = arith.constant 2 : i32
      %add3A_342 = arith.addi %add3A_298, %add3A_341 : i32
      %dma_start3A_343 = arith.constant 0 : i32
      %dma_start3A_344 = arith.constant 0 : i32
      %dma_start3A_345 = arith.constant 0 : i32
      %dma_start3A_346 = arith.constant 0 : i32
      %dma_start3A_347 = tpu.memref_slice %arg9[%dma_start3A_343, %dma_start3A_345, %dma_start3A_346] : memref<2x128x128xf32, #tpu.memory_space<vmem>> -> memref<1x128x128xf32, #tpu.memory_space<vmem>>
      %dma_start3A_348 = tpu.memref_squeeze %dma_start3A_347 : memref<1x128x128xf32, #tpu.memory_space<vmem>> -> memref<128x128xf32, #tpu.memory_space<vmem>>
      %dma_start3A_349 = arith.constant 0 : i32
      %dma_start3A_350 = tpu.memref_slice %arg7[%add3A_342, %dma_start3A_349] : memref<40x128xi32, #tpu.memory_space<vmem>> -> memref<1x128xi32, #tpu.memory_space<vmem>>
      %dma_start3A_351 = tpu.memref_squeeze %dma_start3A_350 : memref<1x128xi32, #tpu.memory_space<vmem>> -> memref<128xi32, #tpu.memory_space<vmem>>
      %dma_start3A_352 = arith.constant 0 : i32
      %dma_start3A_353 = arith.constant 0 : i32
      %dma_start3A_354 = tpu.memref_slice %arg2[%dma_start3A_352, %dma_start3A_353] : memref<10000x128xf32, #tpu.memory_space<hbm>> -> memref<10000x128xf32, #tpu.memory_space<hbm>>
      %dma_start3A_355 = tpu.memref_slice %arg10[%dma_start3A_344] : memref<2x!tpu.dma_semaphore, #tpu.memory_space<semaphore_mem>> -> memref<1x!tpu.dma_semaphore, #tpu.memory_space<semaphore_mem>>
      %dma_start3A_356 = tpu.memref_squeeze %dma_start3A_355 : memref<1x!tpu.dma_semaphore, #tpu.memory_space<semaphore_mem>> -> memref<!tpu.dma_semaphore, #tpu.memory_space<semaphore_mem>>
      tpu.enqueue_indirect_dma source(%dma_start3A_354 : memref<10000x128xf32, #tpu.memory_space<hbm>>) target(%dma_start3A_348 : memref<128x128xf32, #tpu.memory_space<vmem>>) offsets(%dma_start3A_351 : memref<128xi32, #tpu.memory_space<vmem>>) semaphore(%dma_start3A_356 : memref<!tpu.dma_semaphore, #tpu.memory_space<semaphore_mem>>)
      %mul3A_357 = arith.constant 2 : i32
      %mul3A_358 = arith.muli %scan3A_294, %mul3A_357 : i32
      %add3A_359 = arith.constant 1 : i32
      %add3A_360 = arith.addi %mul3A_358, %add3A_359 : i32
      %dma_wait3A_361 = arith.constant 1 : i32
      %dma_wait3A_362 = arith.constant 1 : i32
      %dma_wait3A_363 = arith.constant 0 : i32
      %dma_wait3A_364 = arith.constant 0 : i32
      %dma_wait3A_365 = tpu.memref_slice %arg9[%dma_wait3A_361, %dma_wait3A_363, %dma_wait3A_364] : memref<2x128x128xf32, #tpu.memory_space<vmem>> -> memref<1x128x128xf32, #tpu.memory_space<vmem>>
      %dma_wait3A_366 = tpu.memref_squeeze %dma_wait3A_365 : memref<1x128x128xf32, #tpu.memory_space<vmem>> -> memref<128x128xf32, #tpu.memory_space<vmem>>
      %dma_wait3A_367 = arith.constant 0 : i32
      %dma_wait3A_368 = tpu.memref_slice %arg7[%add3A_360, %dma_wait3A_367] : memref<40x128xi32, #tpu.memory_space<vmem>> -> memref<1x128xi32, #tpu.memory_space<vmem>>
      %dma_wait3A_369 = tpu.memref_squeeze %dma_wait3A_368 : memref<1x128xi32, #tpu.memory_space<vmem>> -> memref<128xi32, #tpu.memory_space<vmem>>
      %dma_wait3A_370 = arith.constant 0 : i32
      %dma_wait3A_371 = arith.constant 0 : i32
      %dma_wait3A_372 = tpu.memref_slice %arg2[%dma_wait3A_370, %dma_wait3A_371] : memref<10000x128xf32, #tpu.memory_space<hbm>> -> memref<10000x128xf32, #tpu.memory_space<hbm>>
      %dma_wait3A_373 = tpu.memref_slice %arg10[%dma_wait3A_362] : memref<2x!tpu.dma_semaphore, #tpu.memory_space<semaphore_mem>> -> memref<1x!tpu.dma_semaphore, #tpu.memory_space<semaphore_mem>>
      %dma_wait3A_374 = tpu.memref_squeeze %dma_wait3A_373 : memref<1x!tpu.dma_semaphore, #tpu.memory_space<semaphore_mem>> -> memref<!tpu.dma_semaphore, #tpu.memory_space<semaphore_mem>>
      tpu.wait_indirect_dma semaphore(%dma_wait3A_374 : memref<!tpu.dma_semaphore, #tpu.memory_space<semaphore_mem>>) src(%dma_wait3A_372 : memref<10000x128xf32, #tpu.memory_space<hbm>>) dst(%dma_wait3A_366 : memref<128x128xf32, #tpu.memory_space<vmem>>)
      %dma_start3A_375 = arith.constant 1 : i32
      %dma_start3A_376 = arith.constant 1 : i32
      %dma_start3A_377 = arith.constant 0 : i32
      %dma_start3A_378 = arith.constant 0 : i32
      %dma_start3A_379 = tpu.memref_slice %arg9[%dma_start3A_375, %dma_start3A_377, %dma_start3A_378] : memref<2x128x128xf32, #tpu.memory_space<vmem>> -> memref<1x128x128xf32, #tpu.memory_space<vmem>>
      %dma_start3A_380 = tpu.memref_squeeze %dma_start3A_379 : memref<1x128x128xf32, #tpu.memory_space<vmem>> -> memref<128x128xf32, #tpu.memory_space<vmem>>
      %dma_start3A_381 = arith.constant 0 : i32
      %dma_start3A_382 = tpu.memref_slice %arg8[%add3A_360, %dma_start3A_381] : memref<40x128xi32, #tpu.memory_space<vmem>> -> memref<1x128xi32, #tpu.memory_space<vmem>>
      %dma_start3A_383 = tpu.memref_squeeze %dma_start3A_382 : memref<1x128xi32, #tpu.memory_space<vmem>> -> memref<128xi32, #tpu.memory_space<vmem>>
      %dma_start3A_384 = arith.constant 0 : i32
      %dma_start3A_385 = arith.constant 0 : i32
      %dma_start3A_386 = tpu.memref_slice %arg12[%dma_start3A_384, %dma_start3A_385] : memref<10128x128xf32, #tpu.memory_space<vmem_shared>> -> memref<10128x128xf32, #tpu.memory_space<vmem_shared>>
      %dma_start3A_387 = tpu.memref_slice %arg11[%dma_start3A_376] : memref<2x!tpu.dma_semaphore, #tpu.memory_space<semaphore_mem>> -> memref<1x!tpu.dma_semaphore, #tpu.memory_space<semaphore_mem>>
      %dma_start3A_388 = tpu.memref_squeeze %dma_start3A_387 : memref<1x!tpu.dma_semaphore, #tpu.memory_space<semaphore_mem>> -> memref<!tpu.dma_semaphore, #tpu.memory_space<semaphore_mem>>
      tpu.enqueue_indirect_dma source(%dma_start3A_380 : memref<128x128xf32, #tpu.memory_space<vmem>>) target(%dma_start3A_386 : memref<10128x128xf32, #tpu.memory_space<vmem_shared>>) offsets(%dma_start3A_383 : memref<128xi32, #tpu.memory_space<vmem>>) semaphore(%dma_start3A_388 : memref<!tpu.dma_semaphore, #tpu.memory_space<semaphore_mem>>) {add = true}
      %dma_wait3A_389 = arith.constant 1 : i32
      %dma_wait3A_390 = arith.constant 1 : i32
      %dma_wait3A_391 = arith.constant 0 : i32
      %dma_wait3A_392 = arith.constant 0 : i32
      %dma_wait3A_393 = tpu.memref_slice %arg9[%dma_wait3A_389, %dma_wait3A_391, %dma_wait3A_392] : memref<2x128x128xf32, #tpu.memory_space<vmem>> -> memref<1x128x128xf32, #tpu.memory_space<vmem>>
      %dma_wait3A_394 = tpu.memref_squeeze %dma_wait3A_393 : memref<1x128x128xf32, #tpu.memory_space<vmem>> -> memref<128x128xf32, #tpu.memory_space<vmem>>
      %dma_wait3A_395 = arith.constant 0 : i32
      %dma_wait3A_396 = tpu.memref_slice %arg8[%add3A_360, %dma_wait3A_395] : memref<40x128xi32, #tpu.memory_space<vmem>> -> memref<1x128xi32, #tpu.memory_space<vmem>>
      %dma_wait3A_397 = tpu.memref_squeeze %dma_wait3A_396 : memref<1x128xi32, #tpu.memory_space<vmem>> -> memref<128xi32, #tpu.memory_space<vmem>>
      %dma_wait3A_398 = arith.constant 0 : i32
      %dma_wait3A_399 = arith.constant 0 : i32
      %dma_wait3A_400 = tpu.memref_slice %arg12[%dma_wait3A_398, %dma_wait3A_399] : memref<10128x128xf32, #tpu.memory_space<vmem_shared>> -> memref<10128x128xf32, #tpu.memory_space<vmem_shared>>
      %dma_wait3A_401 = tpu.memref_slice %arg11[%dma_wait3A_390] : memref<2x!tpu.dma_semaphore, #tpu.memory_space<semaphore_mem>> -> memref<1x!tpu.dma_semaphore, #tpu.memory_space<semaphore_mem>>
      %dma_wait3A_402 = tpu.memref_squeeze %dma_wait3A_401 : memref<1x!tpu.dma_semaphore, #tpu.memory_space<semaphore_mem>> -> memref<!tpu.dma_semaphore, #tpu.memory_space<semaphore_mem>>
      tpu.wait_indirect_dma semaphore(%dma_wait3A_402 : memref<!tpu.dma_semaphore, #tpu.memory_space<semaphore_mem>>) src(%dma_wait3A_394 : memref<128x128xf32, #tpu.memory_space<vmem>>) dst(%dma_wait3A_400 : memref<10128x128xf32, #tpu.memory_space<vmem_shared>>)
      %add3A_403 = arith.constant 2 : i32
      %add3A_404 = arith.addi %add3A_360, %add3A_403 : i32
      %dma_start3A_405 = arith.constant 1 : i32
      %dma_start3A_406 = arith.constant 1 : i32
      %dma_start3A_407 = arith.constant 0 : i32
      %dma_start3A_408 = arith.constant 0 : i32
      %dma_start3A_409 = tpu.memref_slice %arg9[%dma_start3A_405, %dma_start3A_407, %dma_start3A_408] : memref<2x128x128xf32, #tpu.memory_space<vmem>> -> memref<1x128x128xf32, #tpu.memory_space<vmem>>
      %dma_start3A_410 = tpu.memref_squeeze %dma_start3A_409 : memref<1x128x128xf32, #tpu.memory_space<vmem>> -> memref<128x128xf32, #tpu.memory_space<vmem>>
      %dma_start3A_411 = arith.constant 0 : i32
      %dma_start3A_412 = tpu.memref_slice %arg7[%add3A_404, %dma_start3A_411] : memref<40x128xi32, #tpu.memory_space<vmem>> -> memref<1x128xi32, #tpu.memory_space<vmem>>
      %dma_start3A_413 = tpu.memref_squeeze %dma_start3A_412 : memref<1x128xi32, #tpu.memory_space<vmem>> -> memref<128xi32, #tpu.memory_space<vmem>>
      %dma_start3A_414 = arith.constant 0 : i32
      %dma_start3A_415 = arith.constant 0 : i32
      %dma_start3A_416 = tpu.memref_slice %arg2[%dma_start3A_414, %dma_start3A_415] : memref<10000x128xf32, #tpu.memory_space<hbm>> -> memref<10000x128xf32, #tpu.memory_space<hbm>>
      %dma_start3A_417 = tpu.memref_slice %arg10[%dma_start3A_406] : memref<2x!tpu.dma_semaphore, #tpu.memory_space<semaphore_mem>> -> memref<1x!tpu.dma_semaphore, #tpu.memory_space<semaphore_mem>>
      %dma_start3A_418 = tpu.memref_squeeze %dma_start3A_417 : memref<1x!tpu.dma_semaphore, #tpu.memory_space<semaphore_mem>> -> memref<!tpu.dma_semaphore, #tpu.memory_space<semaphore_mem>>
      tpu.enqueue_indirect_dma source(%dma_start3A_416 : memref<10000x128xf32, #tpu.memory_space<hbm>>) target(%dma_start3A_410 : memref<128x128xf32, #tpu.memory_space<vmem>>) offsets(%dma_start3A_413 : memref<128xi32, #tpu.memory_space<vmem>>) semaphore(%dma_start3A_418 : memref<!tpu.dma_semaphore, #tpu.memory_space<semaphore_mem>>)
    }
    %scan3A_163 = arith.constant 18 : i32
    %dma_wait3A_164 = arith.constant 36 : i32
    %dma_wait3A_165 = arith.constant 0 : i32
    %dma_wait3A_166 = arith.constant 0 : i32
    %dma_wait3A_167 = arith.constant 0 : i32
    %dma_wait3A_168 = arith.constant 0 : i32
    %dma_wait3A_169 = tpu.memref_slice %arg9[%dma_wait3A_165, %dma_wait3A_167, %dma_wait3A_168] : memref<2x128x128xf32, #tpu.memory_space<vmem>> -> memref<1x128x128xf32, #tpu.memory_space<vmem>>
    %dma_wait3A_170 = tpu.memref_squeeze %dma_wait3A_169 : memref<1x128x128xf32, #tpu.memory_space<vmem>> -> memref<128x128xf32, #tpu.memory_space<vmem>>
    %dma_wait3A_171 = arith.constant 0 : i32
    %dma_wait3A_172 = tpu.memref_slice %arg7[%dma_wait3A_164, %dma_wait3A_171] : memref<40x128xi32, #tpu.memory_space<vmem>> -> memref<1x128xi32, #tpu.memory_space<vmem>>
    %dma_wait3A_173 = tpu.memref_squeeze %dma_wait3A_172 : memref<1x128xi32, #tpu.memory_space<vmem>> -> memref<128xi32, #tpu.memory_space<vmem>>
    %dma_wait3A_174 = arith.constant 0 : i32
    %dma_wait3A_175 = arith.constant 0 : i32
    %dma_wait3A_176 = tpu.memref_slice %arg2[%dma_wait3A_174, %dma_wait3A_175] : memref<10000x128xf32, #tpu.memory_space<hbm>> -> memref<10000x128xf32, #tpu.memory_space<hbm>>
    %dma_wait3A_177 = tpu.memref_slice %arg10[%dma_wait3A_166] : memref<2x!tpu.dma_semaphore, #tpu.memory_space<semaphore_mem>> -> memref<1x!tpu.dma_semaphore, #tpu.memory_space<semaphore_mem>>
    %dma_wait3A_178 = tpu.memref_squeeze %dma_wait3A_177 : memref<1x!tpu.dma_semaphore, #tpu.memory_space<semaphore_mem>> -> memref<!tpu.dma_semaphore, #tpu.memory_space<semaphore_mem>>
    tpu.wait_indirect_dma semaphore(%dma_wait3A_178 : memref<!tpu.dma_semaphore, #tpu.memory_space<semaphore_mem>>) src(%dma_wait3A_176 : memref<10000x128xf32, #tpu.memory_space<hbm>>) dst(%dma_wait3A_170 : memref<128x128xf32, #tpu.memory_space<vmem>>)
    %dma_start3A_179 = arith.constant 0 : i32
    %dma_start3A_180 = arith.constant 36 : i32
    %dma_start3A_181 = arith.constant 0 : i32
    %dma_start3A_182 = arith.constant 0 : i32
    %dma_start3A_183 = arith.constant 0 : i32
    %dma_start3A_184 = tpu.memref_slice %arg9[%dma_start3A_179, %dma_start3A_182, %dma_start3A_183] : memref<2x128x128xf32, #tpu.memory_space<vmem>> -> memref<1x128x128xf32, #tpu.memory_space<vmem>>
    %dma_start3A_185 = tpu.memref_squeeze %dma_start3A_184 : memref<1x128x128xf32, #tpu.memory_space<vmem>> -> memref<128x128xf32, #tpu.memory_space<vmem>>
    %dma_start3A_186 = arith.constant 0 : i32
    %dma_start3A_187 = tpu.memref_slice %arg8[%dma_start3A_180, %dma_start3A_186] : memref<40x128xi32, #tpu.memory_space<vmem>> -> memref<1x128xi32, #tpu.memory_space<vmem>>
    %dma_start3A_188 = tpu.memref_squeeze %dma_start3A_187 : memref<1x128xi32, #tpu.memory_space<vmem>> -> memref<128xi32, #tpu.memory_space<vmem>>
    %dma_start3A_189 = arith.constant 0 : i32
    %dma_start3A_190 = arith.constant 0 : i32
    %dma_start3A_191 = tpu.memref_slice %arg12[%dma_start3A_189, %dma_start3A_190] : memref<10128x128xf32, #tpu.memory_space<vmem_shared>> -> memref<10128x128xf32, #tpu.memory_space<vmem_shared>>
    %dma_start3A_192 = tpu.memref_slice %arg11[%dma_start3A_181] : memref<2x!tpu.dma_semaphore, #tpu.memory_space<semaphore_mem>> -> memref<1x!tpu.dma_semaphore, #tpu.memory_space<semaphore_mem>>
    %dma_start3A_193 = tpu.memref_squeeze %dma_start3A_192 : memref<1x!tpu.dma_semaphore, #tpu.memory_space<semaphore_mem>> -> memref<!tpu.dma_semaphore, #tpu.memory_space<semaphore_mem>>
    tpu.enqueue_indirect_dma source(%dma_start3A_185 : memref<128x128xf32, #tpu.memory_space<vmem>>) target(%dma_start3A_191 : memref<10128x128xf32, #tpu.memory_space<vmem_shared>>) offsets(%dma_start3A_188 : memref<128xi32, #tpu.memory_space<vmem>>) semaphore(%dma_start3A_193 : memref<!tpu.dma_semaphore, #tpu.memory_space<semaphore_mem>>) {add = true}
    %dma_wait3A_194 = arith.constant 37 : i32
    %dma_wait3A_195 = arith.constant 1 : i32
    %dma_wait3A_196 = arith.constant 1 : i32
    %dma_wait3A_197 = arith.constant 0 : i32
    %dma_wait3A_198 = arith.constant 0 : i32
    %dma_wait3A_199 = tpu.memref_slice %arg9[%dma_wait3A_195, %dma_wait3A_197, %dma_wait3A_198] : memref<2x128x128xf32, #tpu.memory_space<vmem>> -> memref<1x128x128xf32, #tpu.memory_space<vmem>>
    %dma_wait3A_200 = tpu.memref_squeeze %dma_wait3A_199 : memref<1x128x128xf32, #tpu.memory_space<vmem>> -> memref<128x128xf32, #tpu.memory_space<vmem>>
    %dma_wait3A_201 = arith.constant 0 : i32
    %dma_wait3A_202 = tpu.memref_slice %arg7[%dma_wait3A_194, %dma_wait3A_201] : memref<40x128xi32, #tpu.memory_space<vmem>> -> memref<1x128xi32, #tpu.memory_space<vmem>>
    %dma_wait3A_203 = tpu.memref_squeeze %dma_wait3A_202 : memref<1x128xi32, #tpu.memory_space<vmem>> -> memref<128xi32, #tpu.memory_space<vmem>>
    %dma_wait3A_204 = arith.constant 0 : i32
    %dma_wait3A_205 = arith.constant 0 : i32
    %dma_wait3A_206 = tpu.memref_slice %arg2[%dma_wait3A_204, %dma_wait3A_205] : memref<10000x128xf32, #tpu.memory_space<hbm>> -> memref<10000x128xf32, #tpu.memory_space<hbm>>
    %dma_wait3A_207 = tpu.memref_slice %arg10[%dma_wait3A_196] : memref<2x!tpu.dma_semaphore, #tpu.memory_space<semaphore_mem>> -> memref<1x!tpu.dma_semaphore, #tpu.memory_space<semaphore_mem>>
    %dma_wait3A_208 = tpu.memref_squeeze %dma_wait3A_207 : memref<1x!tpu.dma_semaphore, #tpu.memory_space<semaphore_mem>> -> memref<!tpu.dma_semaphore, #tpu.memory_space<semaphore_mem>>
    tpu.wait_indirect_dma semaphore(%dma_wait3A_208 : memref<!tpu.dma_semaphore, #tpu.memory_space<semaphore_mem>>) src(%dma_wait3A_206 : memref<10000x128xf32, #tpu.memory_space<hbm>>) dst(%dma_wait3A_200 : memref<128x128xf32, #tpu.memory_space<vmem>>)
    %dma_start3A_209 = arith.constant 1 : i32
    %dma_start3A_210 = arith.constant 37 : i32
    %dma_start3A_211 = arith.constant 1 : i32
    %dma_start3A_212 = arith.constant 0 : i32
    %dma_start3A_213 = arith.constant 0 : i32
    %dma_start3A_214 = tpu.memref_slice %arg9[%dma_start3A_209, %dma_start3A_212, %dma_start3A_213] : memref<2x128x128xf32, #tpu.memory_space<vmem>> -> memref<1x128x128xf32, #tpu.memory_space<vmem>>
    %dma_start3A_215 = tpu.memref_squeeze %dma_start3A_214 : memref<1x128x128xf32, #tpu.memory_space<vmem>> -> memref<128x128xf32, #tpu.memory_space<vmem>>
    %dma_start3A_216 = arith.constant 0 : i32
    %dma_start3A_217 = tpu.memref_slice %arg8[%dma_start3A_210, %dma_start3A_216] : memref<40x128xi32, #tpu.memory_space<vmem>> -> memref<1x128xi32, #tpu.memory_space<vmem>>
    %dma_start3A_218 = tpu.memref_squeeze %dma_start3A_217 : memref<1x128xi32, #tpu.memory_space<vmem>> -> memref<128xi32, #tpu.memory_space<vmem>>
    %dma_start3A_219 = arith.constant 0 : i32
    %dma_start3A_220 = arith.constant 0 : i32
    %dma_start3A_221 = tpu.memref_slice %arg12[%dma_start3A_219, %dma_start3A_220] : memref<10128x128xf32, #tpu.memory_space<vmem_shared>> -> memref<10128x128xf32, #tpu.memory_space<vmem_shared>>
    %dma_start3A_222 = tpu.memref_slice %arg11[%dma_start3A_211] : memref<2x!tpu.dma_semaphore, #tpu.memory_space<semaphore_mem>> -> memref<1x!tpu.dma_semaphore, #tpu.memory_space<semaphore_mem>>
    %dma_start3A_223 = tpu.memref_squeeze %dma_start3A_222 : memref<1x!tpu.dma_semaphore, #tpu.memory_space<semaphore_mem>> -> memref<!tpu.dma_semaphore, #tpu.memory_space<semaphore_mem>>
    tpu.enqueue_indirect_dma source(%dma_start3A_215 : memref<128x128xf32, #tpu.memory_space<vmem>>) target(%dma_start3A_221 : memref<10128x128xf32, #tpu.memory_space<vmem_shared>>) offsets(%dma_start3A_218 : memref<128xi32, #tpu.memory_space<vmem>>) semaphore(%dma_start3A_223 : memref<!tpu.dma_semaphore, #tpu.memory_space<semaphore_mem>>) {add = true}
    %dma_wait3A_224 = arith.constant 0 : i32
    %dma_wait3A_225 = arith.constant 36 : i32
    %dma_wait3A_226 = arith.constant 0 : i32
    %dma_wait3A_227 = arith.constant 0 : i32
    %dma_wait3A_228 = arith.constant 0 : i32
    %dma_wait3A_229 = tpu.memref_slice %arg9[%dma_wait3A_224, %dma_wait3A_227, %dma_wait3A_228] : memref<2x128x128xf32, #tpu.memory_space<vmem>> -> memref<1x128x128xf32, #tpu.memory_space<vmem>>
    %dma_wait3A_230 = tpu.memref_squeeze %dma_wait3A_229 : memref<1x128x128xf32, #tpu.memory_space<vmem>> -> memref<128x128xf32, #tpu.memory_space<vmem>>
    %dma_wait3A_231 = arith.constant 0 : i32
    %dma_wait3A_232 = tpu.memref_slice %arg8[%dma_wait3A_225, %dma_wait3A_231] : memref<40x128xi32, #tpu.memory_space<vmem>> -> memref<1x128xi32, #tpu.memory_space<vmem>>
    %dma_wait3A_233 = tpu.memref_squeeze %dma_wait3A_232 : memref<1x128xi32, #tpu.memory_space<vmem>> -> memref<128xi32, #tpu.memory_space<vmem>>
    %dma_wait3A_234 = arith.constant 0 : i32
    %dma_wait3A_235 = arith.constant 0 : i32
    %dma_wait3A_236 = tpu.memref_slice %arg12[%dma_wait3A_234, %dma_wait3A_235] : memref<10128x128xf32, #tpu.memory_space<vmem_shared>> -> memref<10128x128xf32, #tpu.memory_space<vmem_shared>>
    %dma_wait3A_237 = tpu.memref_slice %arg11[%dma_wait3A_226] : memref<2x!tpu.dma_semaphore, #tpu.memory_space<semaphore_mem>> -> memref<1x!tpu.dma_semaphore, #tpu.memory_space<semaphore_mem>>
    %dma_wait3A_238 = tpu.memref_squeeze %dma_wait3A_237 : memref<1x!tpu.dma_semaphore, #tpu.memory_space<semaphore_mem>> -> memref<!tpu.dma_semaphore, #tpu.memory_space<semaphore_mem>>
    tpu.wait_indirect_dma semaphore(%dma_wait3A_238 : memref<!tpu.dma_semaphore, #tpu.memory_space<semaphore_mem>>) src(%dma_wait3A_230 : memref<128x128xf32, #tpu.memory_space<vmem>>) dst(%dma_wait3A_236 : memref<10128x128xf32, #tpu.memory_space<vmem_shared>>)
    %run_scoped3A = arith.constant 38 : i32
    %run_scoped3A_239 = arith.constant 0 : i32
    "tpu.region"() ({
      %run_scoped3A_294 = tpu.sem_alloc : memref<!tpu.dma_semaphore, #tpu.memory_space<semaphore_mem>>
      %dma_start3A_295 = arith.constant 0 : i32
      %dma_start3A_296 = arith.constant 0 : i32
      %dma_start3A_297 = tpu.memref_slice %arg9[%run_scoped3A_239, %dma_start3A_295, %dma_start3A_296] : memref<2x128x128xf32, #tpu.memory_space<vmem>> -> memref<1x128x128xf32, #tpu.memory_space<vmem>>
      %dma_start3A_298 = tpu.memref_squeeze %dma_start3A_297 : memref<1x128x128xf32, #tpu.memory_space<vmem>> -> memref<128x128xf32, #tpu.memory_space<vmem>>
      %dma_start3A_299 = arith.constant 0 : i32
      %dma_start3A_300 = tpu.memref_slice %arg7[%run_scoped3A, %dma_start3A_299] : memref<40x128xi32, #tpu.memory_space<vmem>> -> memref<1x128xi32, #tpu.memory_space<vmem>>
      %dma_start3A_301 = tpu.memref_squeeze %dma_start3A_300 : memref<1x128xi32, #tpu.memory_space<vmem>> -> memref<128xi32, #tpu.memory_space<vmem>>
      %dma_start3A_302 = arith.constant 0 : i32
      %dma_start3A_303 = arith.constant 0 : i32
      %dma_start3A_304 = tpu.memref_slice %arg2[%dma_start3A_302, %dma_start3A_303] : memref<10000x128xf32, #tpu.memory_space<hbm>> -> memref<10000x128xf32, #tpu.memory_space<hbm>>
      tpu.enqueue_indirect_dma source(%dma_start3A_304 : memref<10000x128xf32, #tpu.memory_space<hbm>>) target(%dma_start3A_298 : memref<128x128xf32, #tpu.memory_space<vmem>>) offsets(%dma_start3A_301 : memref<128xi32, #tpu.memory_space<vmem>>) semaphore(%run_scoped3A_294 : memref<!tpu.dma_semaphore, #tpu.memory_space<semaphore_mem>>)
      %dma_wait3A_305 = arith.constant 0 : i32
      %dma_wait3A_306 = arith.constant 0 : i32
      %dma_wait3A_307 = tpu.memref_slice %arg9[%run_scoped3A_239, %dma_wait3A_305, %dma_wait3A_306] : memref<2x128x128xf32, #tpu.memory_space<vmem>> -> memref<1x128x128xf32, #tpu.memory_space<vmem>>
      %dma_wait3A_308 = tpu.memref_squeeze %dma_wait3A_307 : memref<1x128x128xf32, #tpu.memory_space<vmem>> -> memref<128x128xf32, #tpu.memory_space<vmem>>
      %dma_wait3A_309 = arith.constant 0 : i32
      %dma_wait3A_310 = tpu.memref_slice %arg7[%run_scoped3A, %dma_wait3A_309] : memref<40x128xi32, #tpu.memory_space<vmem>> -> memref<1x128xi32, #tpu.memory_space<vmem>>
      %dma_wait3A_311 = tpu.memref_squeeze %dma_wait3A_310 : memref<1x128xi32, #tpu.memory_space<vmem>> -> memref<128xi32, #tpu.memory_space<vmem>>
      %dma_wait3A_312 = arith.constant 0 : i32
      %dma_wait3A_313 = arith.constant 0 : i32
      %dma_wait3A_314 = tpu.memref_slice %arg2[%dma_wait3A_312, %dma_wait3A_313] : memref<10000x128xf32, #tpu.memory_space<hbm>> -> memref<10000x128xf32, #tpu.memory_space<hbm>>
      tpu.wait_indirect_dma semaphore(%run_scoped3A_294 : memref<!tpu.dma_semaphore, #tpu.memory_space<semaphore_mem>>) src(%dma_wait3A_314 : memref<10000x128xf32, #tpu.memory_space<hbm>>) dst(%dma_wait3A_308 : memref<128x128xf32, #tpu.memory_space<vmem>>)
      tpu.yield
    }) : () -> ()
    %dma_start3A_240 = arith.constant 0 : i32
    %dma_start3A_241 = arith.constant 38 : i32
    %dma_start3A_242 = arith.constant 0 : i32
    %dma_start3A_243 = arith.constant 0 : i32
    %dma_start3A_244 = arith.constant 0 : i32
    %dma_start3A_245 = tpu.memref_slice %arg9[%dma_start3A_240, %dma_start3A_243, %dma_start3A_244] : memref<2x128x128xf32, #tpu.memory_space<vmem>> -> memref<1x128x128xf32, #tpu.memory_space<vmem>>
    %dma_start3A_246 = tpu.memref_squeeze %dma_start3A_245 : memref<1x128x128xf32, #tpu.memory_space<vmem>> -> memref<128x128xf32, #tpu.memory_space<vmem>>
    %dma_start3A_247 = arith.constant 0 : i32
    %dma_start3A_248 = tpu.memref_slice %arg8[%dma_start3A_241, %dma_start3A_247] : memref<40x128xi32, #tpu.memory_space<vmem>> -> memref<1x128xi32, #tpu.memory_space<vmem>>
    %dma_start3A_249 = tpu.memref_squeeze %dma_start3A_248 : memref<1x128xi32, #tpu.memory_space<vmem>> -> memref<128xi32, #tpu.memory_space<vmem>>
    %dma_start3A_250 = arith.constant 0 : i32
    %dma_start3A_251 = arith.constant 0 : i32
    %dma_start3A_252 = tpu.memref_slice %arg12[%dma_start3A_250, %dma_start3A_251] : memref<10128x128xf32, #tpu.memory_space<vmem_shared>> -> memref<10128x128xf32, #tpu.memory_space<vmem_shared>>
    %dma_start3A_253 = tpu.memref_slice %arg11[%dma_start3A_242] : memref<2x!tpu.dma_semaphore, #tpu.memory_space<semaphore_mem>> -> memref<1x!tpu.dma_semaphore, #tpu.memory_space<semaphore_mem>>
    %dma_start3A_254 = tpu.memref_squeeze %dma_start3A_253 : memref<1x!tpu.dma_semaphore, #tpu.memory_space<semaphore_mem>> -> memref<!tpu.dma_semaphore, #tpu.memory_space<semaphore_mem>>
    tpu.enqueue_indirect_dma source(%dma_start3A_246 : memref<128x128xf32, #tpu.memory_space<vmem>>) target(%dma_start3A_252 : memref<10128x128xf32, #tpu.memory_space<vmem_shared>>) offsets(%dma_start3A_249 : memref<128xi32, #tpu.memory_space<vmem>>) semaphore(%dma_start3A_254 : memref<!tpu.dma_semaphore, #tpu.memory_space<semaphore_mem>>) {add = true}
    %dma_wait3A_255 = arith.constant 0 : i32
    %dma_wait3A_256 = arith.constant 38 : i32
    %dma_wait3A_257 = arith.constant 0 : i32
    %dma_wait3A_258 = arith.constant 0 : i32
    %dma_wait3A_259 = arith.constant 0 : i32
    %dma_wait3A_260 = tpu.memref_slice %arg9[%dma_wait3A_255, %dma_wait3A_258, %dma_wait3A_259] : memref<2x128x128xf32, #tpu.memory_space<vmem>> -> memref<1x128x128xf32, #tpu.memory_space<vmem>>
    %dma_wait3A_261 = tpu.memref_squeeze %dma_wait3A_260 : memref<1x128x128xf32, #tpu.memory_space<vmem>> -> memref<128x128xf32, #tpu.memory_space<vmem>>
    %dma_wait3A_262 = arith.constant 0 : i32
    %dma_wait3A_263 = tpu.memref_slice %arg8[%dma_wait3A_256, %dma_wait3A_262] : memref<40x128xi32, #tpu.memory_space<vmem>> -> memref<1x128xi32, #tpu.memory_space<vmem>>
    %dma_wait3A_264 = tpu.memref_squeeze %dma_wait3A_263 : memref<1x128xi32, #tpu.memory_space<vmem>> -> memref<128xi32, #tpu.memory_space<vmem>>
    %dma_wait3A_265 = arith.constant 0 : i32
    %dma_wait3A_266 = arith.constant 0 : i32
    %dma_wait3A_267 = tpu.memref_slice %arg12[%dma_wait3A_265, %dma_wait3A_266] : memref<10128x128xf32, #tpu.memory_space<vmem_shared>> -> memref<10128x128xf32, #tpu.memory_space<vmem_shared>>
    %dma_wait3A_268 = tpu.memref_slice %arg11[%dma_wait3A_257] : memref<2x!tpu.dma_semaphore, #tpu.memory_space<semaphore_mem>> -> memref<1x!tpu.dma_semaphore, #tpu.memory_space<semaphore_mem>>
    %dma_wait3A_269 = tpu.memref_squeeze %dma_wait3A_268 : memref<1x!tpu.dma_semaphore, #tpu.memory_space<semaphore_mem>> -> memref<!tpu.dma_semaphore, #tpu.memory_space<semaphore_mem>>
    tpu.wait_indirect_dma semaphore(%dma_wait3A_269 : memref<!tpu.dma_semaphore, #tpu.memory_space<semaphore_mem>>) src(%dma_wait3A_261 : memref<128x128xf32, #tpu.memory_space<vmem>>) dst(%dma_wait3A_267 : memref<10128x128xf32, #tpu.memory_space<vmem_shared>>)
    %dma_wait3A_270 = arith.constant 1 : i32
    %dma_wait3A_271 = arith.constant 38 : i32
    %dma_wait3A_272 = arith.constant 1 : i32
    %dma_wait3A_273 = arith.constant 0 : i32
    %dma_wait3A_274 = arith.constant 0 : i32
    %dma_wait3A_275 = tpu.memref_slice %arg9[%dma_wait3A_270, %dma_wait3A_273, %dma_wait3A_274] : memref<2x128x128xf32, #tpu.memory_space<vmem>> -> memref<1x128x128xf32, #tpu.memory_space<vmem>>
    %dma_wait3A_276 = tpu.memref_squeeze %dma_wait3A_275 : memref<1x128x128xf32, #tpu.memory_space<vmem>> -> memref<128x128xf32, #tpu.memory_space<vmem>>
    %dma_wait3A_277 = arith.constant 0 : i32
    %dma_wait3A_278 = tpu.memref_slice %arg8[%dma_wait3A_271, %dma_wait3A_277] : memref<40x128xi32, #tpu.memory_space<vmem>> -> memref<1x128xi32, #tpu.memory_space<vmem>>
    %dma_wait3A_279 = tpu.memref_squeeze %dma_wait3A_278 : memref<1x128xi32, #tpu.memory_space<vmem>> -> memref<128xi32, #tpu.memory_space<vmem>>
    %dma_wait3A_280 = arith.constant 0 : i32
    %dma_wait3A_281 = arith.constant 0 : i32
    %dma_wait3A_282 = tpu.memref_slice %arg12[%dma_wait3A_280, %dma_wait3A_281] : memref<10128x128xf32, #tpu.memory_space<vmem_shared>> -> memref<10128x128xf32, #tpu.memory_space<vmem_shared>>
    %dma_wait3A_283 = tpu.memref_slice %arg11[%dma_wait3A_272] : memref<2x!tpu.dma_semaphore, #tpu.memory_space<semaphore_mem>> -> memref<1x!tpu.dma_semaphore, #tpu.memory_space<semaphore_mem>>
    %dma_wait3A_284 = tpu.memref_squeeze %dma_wait3A_283 : memref<1x!tpu.dma_semaphore, #tpu.memory_space<semaphore_mem>> -> memref<!tpu.dma_semaphore, #tpu.memory_space<semaphore_mem>>
    tpu.wait_indirect_dma semaphore(%dma_wait3A_284 : memref<!tpu.dma_semaphore, #tpu.memory_space<semaphore_mem>>) src(%dma_wait3A_276 : memref<128x128xf32, #tpu.memory_space<vmem>>) dst(%dma_wait3A_282 : memref<10128x128xf32, #tpu.memory_space<vmem_shared>>)
    %barrier3A_285 = arith.constant 0 : index
    tpu.barrier barrier_id(%barrier3A_285)
    %mul3A_286 = arith.constant 624 : i32
    %mul3A_287 = arith.muli %arg1, %mul3A_286 : i32
    %multiple_of3A_288 = tpu.assume_multiple %mul3A_287, 8 : i32
    "tpu.region"() ({
      %run_scoped3A_294 = tpu.sem_alloc : memref<!tpu.dma_semaphore, #tpu.memory_space<semaphore_mem>>
      %dma_start3A_295 = arith.constant 0 : i32
      %dma_start3A_296 = arith.constant 0 : i32
      %dma_start3A_297 = tpu.memref_slice %arg6[%arg0, %dma_start3A_295, %dma_start3A_296] : memref<2x10000x128xf32, #tpu.memory_space<hbm>> -> memref<1x10000x128xf32, #tpu.memory_space<hbm>>
      %dma_start3A_298 = tpu.memref_squeeze %dma_start3A_297 : memref<1x10000x128xf32, #tpu.memory_space<hbm>> -> memref<10000x128xf32, #tpu.memory_space<hbm>>
      %dma_start3A_299 = arith.constant 0 : i32
      %dma_start3A_300 = tpu.memref_slice %dma_start3A_298[%multiple_of3A_288, %dma_start3A_299] : memref<10000x128xf32, #tpu.memory_space<hbm>> -> memref<624x128xf32, #tpu.memory_space<hbm>>
      %dma_start3A_301 = arith.constant 0 : i32
      %dma_start3A_302 = tpu.memref_slice %arg12[%multiple_of3A_288, %dma_start3A_301] : memref<10128x128xf32, #tpu.memory_space<vmem_shared>> -> memref<624x128xf32, #tpu.memory_space<vmem_shared>>
      tpu.enqueue_dma source(%dma_start3A_302 : memref<624x128xf32, #tpu.memory_space<vmem_shared>>) target(%dma_start3A_300 : memref<624x128xf32, #tpu.memory_space<hbm>>) target_semaphore(%run_scoped3A_294 : memref<!tpu.dma_semaphore, #tpu.memory_space<semaphore_mem>>)
      %dma_wait3A_303 = arith.constant 0 : i32
      %dma_wait3A_304 = arith.constant 0 : i32
      %dma_wait3A_305 = tpu.memref_slice %arg6[%arg0, %dma_wait3A_303, %dma_wait3A_304] : memref<2x10000x128xf32, #tpu.memory_space<hbm>> -> memref<1x10000x128xf32, #tpu.memory_space<hbm>>
      %dma_wait3A_306 = tpu.memref_squeeze %dma_wait3A_305 : memref<1x10000x128xf32, #tpu.memory_space<hbm>> -> memref<10000x128xf32, #tpu.memory_space<hbm>>
      %dma_wait3A_307 = arith.constant 0 : i32
      %dma_wait3A_308 = tpu.memref_slice %dma_wait3A_306[%multiple_of3A_288, %dma_wait3A_307] : memref<10000x128xf32, #tpu.memory_space<hbm>> -> memref<624x128xf32, #tpu.memory_space<hbm>>
      %dma_wait3A_309 = arith.constant 0 : i32
      %dma_wait3A_310 = tpu.memref_slice %arg12[%multiple_of3A_288, %dma_wait3A_309] : memref<10128x128xf32, #tpu.memory_space<vmem_shared>> -> memref<624x128xf32, #tpu.memory_space<vmem_shared>>
      tpu.wait_dma2 semaphore(%run_scoped3A_294 : memref<!tpu.dma_semaphore, #tpu.memory_space<semaphore_mem>>) src(%dma_wait3A_310 : memref<624x128xf32, #tpu.memory_space<vmem_shared>>) dst(%dma_wait3A_308 : memref<624x128xf32, #tpu.memory_space<hbm>>)
      tpu.yield
    }) : () -> ()
    %eq3A_289 = arith.constant 15 : i32
    %eq3A_290 = arith.cmpi eq, %arg1, %eq3A_289 : i32
    %convert_element_type3A_291 = arith.extui %eq3A_290 : i1 to i32
    %cond3A_292 = arith.constant 0 : i32
    %cond3A_293 = arith.cmpi ne, %convert_element_type3A_291, %cond3A_292 : i32
    scf.if %cond3A_293 {
      "tpu.region"() ({
        %run_scoped3A_294 = tpu.sem_alloc : memref<!tpu.dma_semaphore, #tpu.memory_space<semaphore_mem>>
        %dma_start3A_295 = arith.constant 0 : i32
        %dma_start3A_296 = arith.constant 0 : i32
        %dma_start3A_297 = tpu.memref_slice %arg6[%arg0, %dma_start3A_295, %dma_start3A_296] : memref<2x10000x128xf32, #tpu.memory_space<hbm>> -> memref<1x10000x128xf32, #tpu.memory_space<hbm>>
        %dma_start3A_298 = tpu.memref_squeeze %dma_start3A_297 : memref<1x10000x128xf32, #tpu.memory_space<hbm>> -> memref<10000x128xf32, #tpu.memory_space<hbm>>
        %dma_start3A_299 = arith.constant 9984 : i32
        %dma_start3A_300 = arith.constant 0 : i32
        %dma_start3A_301 = tpu.memref_slice %dma_start3A_298[%dma_start3A_299, %dma_start3A_300] : memref<10000x128xf32, #tpu.memory_space<hbm>> -> memref<16x128xf32, #tpu.memory_space<hbm>>
        %dma_start3A_302 = arith.constant 9984 : i32
        %dma_start3A_303 = arith.constant 0 : i32
        %dma_start3A_304 = tpu.memref_slice %arg12[%dma_start3A_302, %dma_start3A_303] : memref<10128x128xf32, #tpu.memory_space<vmem_shared>> -> memref<16x128xf32, #tpu.memory_space<vmem_shared>>
        tpu.enqueue_dma source(%dma_start3A_304 : memref<16x128xf32, #tpu.memory_space<vmem_shared>>) target(%dma_start3A_301 : memref<16x128xf32, #tpu.memory_space<hbm>>) target_semaphore(%run_scoped3A_294 : memref<!tpu.dma_semaphore, #tpu.memory_space<semaphore_mem>>)
        %dma_wait3A_305 = arith.constant 0 : i32
        %dma_wait3A_306 = arith.constant 0 : i32
        %dma_wait3A_307 = tpu.memref_slice %arg6[%arg0, %dma_wait3A_305, %dma_wait3A_306] : memref<2x10000x128xf32, #tpu.memory_space<hbm>> -> memref<1x10000x128xf32, #tpu.memory_space<hbm>>
        %dma_wait3A_308 = tpu.memref_squeeze %dma_wait3A_307 : memref<1x10000x128xf32, #tpu.memory_space<hbm>> -> memref<10000x128xf32, #tpu.memory_space<hbm>>
        %dma_wait3A_309 = arith.constant 9984 : i32
        %dma_wait3A_310 = arith.constant 0 : i32
        %dma_wait3A_311 = tpu.memref_slice %dma_wait3A_308[%dma_wait3A_309, %dma_wait3A_310] : memref<10000x128xf32, #tpu.memory_space<hbm>> -> memref<16x128xf32, #tpu.memory_space<hbm>>
        %dma_wait3A_312 = arith.constant 9984 : i32
        %dma_wait3A_313 = arith.constant 0 : i32
        %dma_wait3A_314 = tpu.memref_slice %arg12[%dma_wait3A_312, %dma_wait3A_313] : memref<10128x128xf32, #tpu.memory_space<vmem_shared>> -> memref<16x128xf32, #tpu.memory_space<vmem_shared>>
        tpu.wait_dma2 semaphore(%run_scoped3A_294 : memref<!tpu.dma_semaphore, #tpu.memory_space<semaphore_mem>>) src(%dma_wait3A_314 : memref<16x128xf32, #tpu.memory_space<vmem_shared>>) dst(%dma_wait3A_311 : memref<16x128xf32, #tpu.memory_space<hbm>>)
        tpu.yield
      }) : () -> ()
    } else {
    }
    return
  }
}

module attributes {stable_mosaic.version = 14 : i64} {
  func.func @body(%arg0: i32, %arg1: memref<400x128xf32, #tpu.memory_space<vmem>>, %arg2: memref<2x400x128xf32, #tpu.memory_space<vmem>>, %arg3: memref<400x128xf32, #tpu.memory_space<vmem>>, %arg4: memref<400x1xf32, #tpu.memory_space<vmem>>, %arg5: memref<400x1xf32, #tpu.memory_space<vmem>>) attributes {dimension_semantics = [#tpu.dimension_semantics<arbitrary>], iteration_bounds = array<i64: 25>, scalar_prefetch = 0 : i64, scratch_operands = 0 : i64, tpu.core_type = #tpu.core_type<tc>, window_params = [{transform_indices = @transform_0, window_bounds = array<i64: 400, 128>}, {transform_indices = @transform_1, window_bounds = array<i64: 2, 400, 128>}, {transform_indices = @transform_2, window_bounds = array<i64: 400, 128>}, {transform_indices = @transform_3, window_bounds = array<i64: 400, 1>}, {transform_indices = @transform_4, window_bounds = array<i64: 400, 1>}]} {
    %get3A = arith.constant 0 : index
    %get3A_0 = arith.constant 0 : index
    %get3A_1 = arith.constant 0 : index
    %get3A_2 = vector.load %arg2[%get3A, %get3A_0, %get3A_1] : memref<2x400x128xf32, #tpu.memory_space<vmem>>, vector<2x400x128xf32>
    %slice3A = vector.extract_strided_slice %get3A_2 {offsets = [0, 0, 0], sizes = [1, 400, 1], strides = [1, 1, 1]} : vector<2x400x128xf32> to vector<1x400x1xf32>
    %squeeze3A = vector.shape_cast %slice3A : vector<1x400x1xf32> to vector<400x1xf32>
    %slice3A_3 = vector.extract_strided_slice %get3A_2 {offsets = [1, 0, 0], sizes = [1, 400, 1], strides = [1, 1, 1]} : vector<2x400x128xf32> to vector<1x400x1xf32>
    %squeeze3A_4 = vector.shape_cast %slice3A_3 : vector<1x400x1xf32> to vector<400x1xf32>
    %add3A = arith.addf %squeeze3A, %squeeze3A_4 : vector<400x1xf32>
    %add3A_5 = arith.constant 1.000000e+00 : f32
    %add3A_6 = vector.broadcast %add3A_5 : f32 to vector<400x1xf32>
    %add3A_7 = arith.addf %add3A, %add3A_6 : vector<400x1xf32>
    %rsqrt3A = math.rsqrt %add3A_7 : vector<400x1xf32>
    %div3A = arith.constant 1.000000e+00 : f32
    %div3A_8 = vector.broadcast %div3A : f32 to vector<400x1xf32>
    %div3A_9 = arith.divf %div3A_8, %add3A_7 : vector<400x1xf32>
    %get3A_10 = arith.constant 0 : index
    %get3A_11 = arith.constant 0 : index
    %get3A_12 = vector.load %arg1[%get3A_10, %get3A_11] : memref<400x128xf32, #tpu.memory_space<vmem>>, vector<400x128xf32>
    %mul3A = vector.broadcast %rsqrt3A : vector<400x1xf32> to vector<400x128xf32>
    %mul3A_13 = arith.mulf %get3A_12, %mul3A : vector<400x128xf32>
    %swap3A = arith.constant 0 : index
    %swap3A_14 = arith.constant 0 : index
    %swap3A_15 = vector.load %arg3[%swap3A, %swap3A_14] : memref<400x128xf32, #tpu.memory_space<vmem>>, vector<400x128xf32>
    tpu.vector_store %arg3[%swap3A, %swap3A_14], %mul3A_13 {strides = array<i32>} : memref<400x128xf32, #tpu.memory_space<vmem>>, vector<400x128xf32>,
    %swap3A_16 = arith.constant 0 : index
    %swap3A_17 = arith.constant 0 : index
    %swap3A_18 = vector.load %arg4[%swap3A_16, %swap3A_17] : memref<400x1xf32, #tpu.memory_space<vmem>>, vector<400x1xf32>
    tpu.vector_store %arg4[%swap3A_16, %swap3A_17], %rsqrt3A {strides = array<i32>} : memref<400x1xf32, #tpu.memory_space<vmem>>, vector<400x1xf32>,
    %swap3A_19 = arith.constant 0 : index
    %swap3A_20 = arith.constant 0 : index
    %swap3A_21 = vector.load %arg5[%swap3A_19, %swap3A_20] : memref<400x1xf32, #tpu.memory_space<vmem>>, vector<400x1xf32>
    tpu.vector_store %arg5[%swap3A_19, %swap3A_20], %div3A_9 {strides = array<i32>} : memref<400x1xf32, #tpu.memory_space<vmem>>, vector<400x1xf32>,
    return
  }
  func.func @transform_0(%arg0: i32) -> (i32, i32) {
    %c0_i32 = arith.constant 0 : i32
    %c0_i32_0 = arith.constant 0 : i32
    return %arg0, %c0_i32 : i32, i32
  }
  func.func @transform_1(%arg0: i32) -> (i32, i32, i32) {
    %c0_i32 = arith.constant 0 : i32
    %c0_i32_0 = arith.constant 0 : i32
    %c0_i32_1 = arith.constant 0 : i32
    return %c0_i32, %arg0, %c0_i32_0 : i32, i32, i32
  }
  func.func @transform_2(%arg0: i32) -> (i32, i32) {
    %c0_i32 = arith.constant 0 : i32
    %c0_i32_0 = arith.constant 0 : i32
    return %arg0, %c0_i32 : i32, i32
  }
  func.func @transform_3(%arg0: i32) -> (i32, i32) {
    %c0_i32 = arith.constant 0 : i32
    %c0_i32_0 = arith.constant 0 : i32
    return %arg0, %c0_i32 : i32, i32
  }
  func.func @transform_4(%arg0: i32) -> (i32, i32) {
    %c0_i32 = arith.constant 0 : i32
    %c0_i32_0 = arith.constant 0 : i32
    return %arg0, %c0_i32 : i32, i32
  }
}

module attributes {stable_mosaic.version = 14 : i64} {
  func.func @body(%arg0: i32, %arg1: memref<400x128xf32, #tpu.memory_space<vmem>>, %arg2: memref<128x128xf32, #tpu.memory_space<vmem>>, %arg3: memref<400x128xf32, #tpu.memory_space<vmem>>) attributes {dimension_semantics = [#tpu.dimension_semantics<arbitrary>], iteration_bounds = array<i64: 25>, scalar_prefetch = 0 : i64, scratch_operands = 0 : i64, tpu.core_type = #tpu.core_type<tc>, window_params = [{transform_indices = @transform_0, window_bounds = array<i64: 400, 128>}, {pipeline_mode = #tpu.pipeline_mode<synchronous>, transform_indices = @transform_1, window_bounds = array<i64: 128, 128>}, {transform_indices = @transform_2, window_bounds = array<i64: 400, 128>}]} {
    %get3A = arith.constant 0 : index
    %get3A_0 = arith.constant 0 : index
    %get3A_1 = vector.load %arg1[%get3A, %get3A_0] : memref<400x128xf32, #tpu.memory_space<vmem>>, vector<400x128xf32>
    %get3A_2 = arith.constant 0 : index
    %get3A_3 = arith.constant 0 : index
    %get3A_4 = vector.load %arg2[%get3A_2, %get3A_3] : memref<128x128xf32, #tpu.memory_space<vmem>>, vector<128x128xf32>
    %dot_general3A = arith.constant dense<0.000000e+00> : vector<400x128xf32>
    %dot_general3A_5 = tpu.matmul %get3A_1, %get3A_4, %dot_general3A {dimension_numbers = #tpu.dot_dimension_numbers<[1], [0], [0], [1], [0, 0, 1, 1], [], []>, transpose_lhs_hint = false} : vector<400x128xf32>, vector<128x128xf32>, vector<400x128xf32> -> vector<400x128xf32>
    %swap3A = arith.constant 0 : index
    %swap3A_6 = arith.constant 0 : index
    %swap3A_7 = vector.load %arg3[%swap3A, %swap3A_6] : memref<400x128xf32, #tpu.memory_space<vmem>>, vector<400x128xf32>
    tpu.vector_store %arg3[%swap3A, %swap3A_6], %dot_general3A_5 {strides = array<i32>} : memref<400x128xf32, #tpu.memory_space<vmem>>, vector<400x128xf32>,
    return
  }
  func.func @transform_0(%arg0: i32) -> (i32, i32) {
    %c0_i32 = arith.constant 0 : i32
    %c0_i32_0 = arith.constant 0 : i32
    return %arg0, %c0_i32 : i32, i32
  }
  func.func @transform_1(%arg0: i32) -> (i32, i32) {
    %c0_i32 = arith.constant 0 : i32
    %c0_i32_0 = arith.constant 0 : i32
    %c0_i32_1 = arith.constant 0 : i32
    return %c0_i32, %c0_i32_0 : i32, i32
  }
  func.func @transform_2(%arg0: i32) -> (i32, i32) {
    %c0_i32 = arith.constant 0 : i32
    %c0_i32_0 = arith.constant 0 : i32
    return %arg0, %c0_i32 : i32, i32
  }
}

module attributes {stable_mosaic.version = 14 : i64} {
  func.func @body(%arg0: i32, %arg1: memref<2x400x128xf32, #tpu.memory_space<vmem>>, %arg2: memref<400x128xf32, #tpu.memory_space<vmem>>, %arg3: memref<400x1xf32, #tpu.memory_space<vmem>>, %arg4: memref<400x1xf32, #tpu.memory_space<vmem>>, %arg5: memref<1x128xf32, #tpu.memory_space<vmem>>, %arg6: memref<128x128xf32, #tpu.memory_space<vmem>>, %arg7: memref<400x128xf32, #tpu.memory_space<vmem>>, %arg8: memref<400x128xf32, #tpu.memory_space<vmem>>) attributes {dimension_semantics = [#tpu.dimension_semantics<arbitrary>], iteration_bounds = array<i64: 25>, scalar_prefetch = 0 : i64, scratch_operands = 0 : i64, tpu.core_type = #tpu.core_type<tc>, window_params = [{transform_indices = @transform_0, window_bounds = array<i64: 2, 400, 128>}, {transform_indices = @transform_1, window_bounds = array<i64: 400, 128>}, {transform_indices = @transform_2, window_bounds = array<i64: 400, 1>}, {transform_indices = @transform_3, window_bounds = array<i64: 400, 1>}, {pipeline_mode = #tpu.pipeline_mode<synchronous>, transform_indices = @transform_4, window_bounds = array<i64: 1, 128>}, {pipeline_mode = #tpu.pipeline_mode<synchronous>, transform_indices = @transform_5, window_bounds = array<i64: 128, 128>}, {transform_indices = @transform_6, window_bounds = array<i64: 400, 128>}, {transform_indices = @transform_7, window_bounds = array<i64: 400, 128>}]} {
    %get3A = arith.constant 0 : index
    %get3A_0 = arith.constant 0 : index
    %get3A_1 = arith.constant 0 : index
    %get3A_2 = vector.load %arg1[%get3A, %get3A_0, %get3A_1] : memref<2x400x128xf32, #tpu.memory_space<vmem>>, vector<2x400x128xf32>
    %get3A_3 = arith.constant 0 : index
    %get3A_4 = arith.constant 0 : index
    %get3A_5 = vector.load %arg3[%get3A_3, %get3A_4] : memref<400x1xf32, #tpu.memory_space<vmem>>, vector<400x1xf32>
    %slice3A = vector.extract_strided_slice %get3A_2 {offsets = [0, 0, 0], sizes = [1, 400, 128], strides = [1, 1, 1]} : vector<2x400x128xf32> to vector<1x400x128xf32>
    %squeeze3A = vector.shape_cast %slice3A : vector<1x400x128xf32> to vector<400x128xf32>
    %slice3A_6 = vector.extract_strided_slice %get3A_2 {offsets = [1, 0, 0], sizes = [1, 400, 128], strides = [1, 1, 1]} : vector<2x400x128xf32> to vector<1x400x128xf32>
    %squeeze3A_7 = vector.shape_cast %slice3A_6 : vector<1x400x128xf32> to vector<400x128xf32>
    %add3A = arith.addf %squeeze3A, %squeeze3A_7 : vector<400x128xf32>
    %mul3A = vector.broadcast %get3A_5 : vector<400x1xf32> to vector<400x128xf32>
    %mul3A_8 = arith.mulf %mul3A, %add3A : vector<400x128xf32>
    %get3A_9 = arith.constant 0 : index
    %get3A_10 = arith.constant 0 : index
    %get3A_11 = vector.load %arg4[%get3A_9, %get3A_10] : memref<400x1xf32, #tpu.memory_space<vmem>>, vector<400x1xf32>
    %get3A_12 = arith.constant 0 : index
    %get3A_13 = arith.constant 0 : index
    %get3A_14 = vector.load %arg2[%get3A_12, %get3A_13] : memref<400x128xf32, #tpu.memory_space<vmem>>, vector<400x128xf32>
    %mul3A_15 = vector.broadcast %get3A_11 : vector<400x1xf32> to vector<400x128xf32>
    %mul3A_16 = arith.mulf %mul3A_15, %get3A_14 : vector<400x128xf32>
    %add3A_17 = arith.addf %mul3A_8, %mul3A_16 : vector<400x128xf32>
    %get3A_18 = arith.constant 0 : index
    %get3A_19 = arith.constant 0 : index
    %get3A_20 = vector.load %arg5[%get3A_18, %get3A_19] : memref<1x128xf32, #tpu.memory_space<vmem>>, vector<1x128xf32>
    %add3A_21 = vector.broadcast %get3A_20 : vector<1x128xf32> to vector<400x128xf32>
    %add3A_22 = arith.addf %add3A_17, %add3A_21 : vector<400x128xf32>
    %max3A = arith.constant 0.000000e+00 : f32
    %max3A_23 = vector.broadcast %max3A : f32 to vector<400x128xf32>
    %max3A_24 = arith.maximumf %add3A_22, %max3A_23 : vector<400x128xf32>
    %get3A_25 = arith.constant 0 : index
    %get3A_26 = arith.constant 0 : index
    %get3A_27 = vector.load %arg6[%get3A_25, %get3A_26] : memref<128x128xf32, #tpu.memory_space<vmem>>, vector<128x128xf32>
    %dot_general3A = arith.constant dense<0.000000e+00> : vector<400x128xf32>
    %dot_general3A_28 = tpu.matmul %max3A_24, %get3A_27, %dot_general3A {dimension_numbers = #tpu.dot_dimension_numbers<[1], [0], [0], [1], [0, 0, 1, 1], [], []>, transpose_lhs_hint = false} : vector<400x128xf32>, vector<128x128xf32>, vector<400x128xf32> -> vector<400x128xf32>
    %swap3A = arith.constant 0 : index
    %swap3A_29 = arith.constant 0 : index
    %swap3A_30 = vector.load %arg7[%swap3A, %swap3A_29] : memref<400x128xf32, #tpu.memory_space<vmem>>, vector<400x128xf32>
    tpu.vector_store %arg7[%swap3A, %swap3A_29], %dot_general3A_28 {strides = array<i32>} : memref<400x128xf32, #tpu.memory_space<vmem>>, vector<400x128xf32>,
    %mul3A_31 = vector.broadcast %get3A_5 : vector<400x1xf32> to vector<400x128xf32>
    %mul3A_32 = arith.mulf %dot_general3A_28, %mul3A_31 : vector<400x128xf32>
    %swap3A_33 = arith.constant 0 : index
    %swap3A_34 = arith.constant 0 : index
    %swap3A_35 = vector.load %arg8[%swap3A_33, %swap3A_34] : memref<400x128xf32, #tpu.memory_space<vmem>>, vector<400x128xf32>
    tpu.vector_store %arg8[%swap3A_33, %swap3A_34], %mul3A_32 {strides = array<i32>} : memref<400x128xf32, #tpu.memory_space<vmem>>, vector<400x128xf32>,
    return
  }
  func.func @transform_0(%arg0: i32) -> (i32, i32, i32) {
    %c0_i32 = arith.constant 0 : i32
    %c0_i32_0 = arith.constant 0 : i32
    %c0_i32_1 = arith.constant 0 : i32
    return %c0_i32, %arg0, %c0_i32_0 : i32, i32, i32
  }
  func.func @transform_1(%arg0: i32) -> (i32, i32) {
    %c0_i32 = arith.constant 0 : i32
    %c0_i32_0 = arith.constant 0 : i32
    return %arg0, %c0_i32 : i32, i32
  }
  func.func @transform_2(%arg0: i32) -> (i32, i32) {
    %c0_i32 = arith.constant 0 : i32
    %c0_i32_0 = arith.constant 0 : i32
    return %arg0, %c0_i32 : i32, i32
  }
  func.func @transform_3(%arg0: i32) -> (i32, i32) {
    %c0_i32 = arith.constant 0 : i32
    %c0_i32_0 = arith.constant 0 : i32
    return %arg0, %c0_i32 : i32, i32
  }
  func.func @transform_4(%arg0: i32) -> (i32, i32) {
    %c0_i32 = arith.constant 0 : i32
    %c0_i32_0 = arith.constant 0 : i32
    %c0_i32_1 = arith.constant 0 : i32
    return %c0_i32, %c0_i32_0 : i32, i32
  }
  func.func @transform_5(%arg0: i32) -> (i32, i32) {
    %c0_i32 = arith.constant 0 : i32
    %c0_i32_0 = arith.constant 0 : i32
    %c0_i32_1 = arith.constant 0 : i32
    return %c0_i32, %c0_i32_0 : i32, i32
  }
  func.func @transform_6(%arg0: i32) -> (i32, i32) {
    %c0_i32 = arith.constant 0 : i32
    %c0_i32_0 = arith.constant 0 : i32
    return %arg0, %c0_i32 : i32, i32
  }
  func.func @transform_7(%arg0: i32) -> (i32, i32) {
    %c0_i32 = arith.constant 0 : i32
    %c0_i32_0 = arith.constant 0 : i32
    return %arg0, %c0_i32 : i32, i32
  }
}

module attributes {stable_mosaic.version = 14 : i64} {
  func.func @body(%arg0: i32, %arg1: memref<2x400x128xf32, #tpu.memory_space<vmem>>, %arg2: memref<400x128xf32, #tpu.memory_space<vmem>>, %arg3: memref<400x1xf32, #tpu.memory_space<vmem>>, %arg4: memref<400x1xf32, #tpu.memory_space<vmem>>, %arg5: memref<1x128xf32, #tpu.memory_space<vmem>>, %arg6: memref<400x1xi32, #tpu.memory_space<vmem>>, %arg7: memref<64x128xf32, #tpu.memory_space<vmem>>, %arg8: memref<64x128xf32, #tpu.memory_space<vmem>>, %arg9: memref<64x1xf32, #tpu.memory_space<vmem>>) attributes {dimension_semantics = [#tpu.dimension_semantics<arbitrary>], iteration_bounds = array<i64: 25>, scalar_prefetch = 0 : i64, scratch_operands = 2 : i64, tpu.core_type = #tpu.core_type<tc>, window_params = [{transform_indices = @transform_0, window_bounds = array<i64: 2, 400, 128>}, {transform_indices = @transform_1, window_bounds = array<i64: 400, 128>}, {transform_indices = @transform_2, window_bounds = array<i64: 400, 1>}, {transform_indices = @transform_3, window_bounds = array<i64: 400, 1>}, {pipeline_mode = #tpu.pipeline_mode<synchronous>, transform_indices = @transform_4, window_bounds = array<i64: 1, 128>}, {transform_indices = @transform_5, window_bounds = array<i64: 400, 1>}, {pipeline_mode = #tpu.pipeline_mode<synchronous>, transform_indices = @transform_6, window_bounds = array<i64: 64, 128>}]} {
    %get3A = arith.constant 0 : index
    %get3A_0 = arith.constant 0 : index
    %get3A_1 = arith.constant 0 : index
    %get3A_2 = vector.load %arg1[%get3A, %get3A_0, %get3A_1] : memref<2x400x128xf32, #tpu.memory_space<vmem>>, vector<2x400x128xf32>
    %get3A_3 = arith.constant 0 : index
    %get3A_4 = arith.constant 0 : index
    %get3A_5 = vector.load %arg3[%get3A_3, %get3A_4] : memref<400x1xf32, #tpu.memory_space<vmem>>, vector<400x1xf32>
    %slice3A = vector.extract_strided_slice %get3A_2 {offsets = [0, 0, 0], sizes = [1, 400, 128], strides = [1, 1, 1]} : vector<2x400x128xf32> to vector<1x400x128xf32>
    %squeeze3A = vector.shape_cast %slice3A : vector<1x400x128xf32> to vector<400x128xf32>
    %slice3A_6 = vector.extract_strided_slice %get3A_2 {offsets = [1, 0, 0], sizes = [1, 400, 128], strides = [1, 1, 1]} : vector<2x400x128xf32> to vector<1x400x128xf32>
    %squeeze3A_7 = vector.shape_cast %slice3A_6 : vector<1x400x128xf32> to vector<400x128xf32>
    %add3A = arith.addf %squeeze3A, %squeeze3A_7 : vector<400x128xf32>
    %mul3A = vector.broadcast %get3A_5 : vector<400x1xf32> to vector<400x128xf32>
    %mul3A_8 = arith.mulf %mul3A, %add3A : vector<400x128xf32>
    %get3A_9 = arith.constant 0 : index
    %get3A_10 = arith.constant 0 : index
    %get3A_11 = vector.load %arg4[%get3A_9, %get3A_10] : memref<400x1xf32, #tpu.memory_space<vmem>>, vector<400x1xf32>
    %get3A_12 = arith.constant 0 : index
    %get3A_13 = arith.constant 0 : index
    %get3A_14 = vector.load %arg2[%get3A_12, %get3A_13] : memref<400x128xf32, #tpu.memory_space<vmem>>, vector<400x128xf32>
    %mul3A_15 = vector.broadcast %get3A_11 : vector<400x1xf32> to vector<400x128xf32>
    %mul3A_16 = arith.mulf %mul3A_15, %get3A_14 : vector<400x128xf32>
    %add3A_17 = arith.addf %mul3A_8, %mul3A_16 : vector<400x128xf32>
    %get3A_18 = arith.constant 0 : index
    %get3A_19 = arith.constant 0 : index
    %get3A_20 = vector.load %arg5[%get3A_18, %get3A_19] : memref<1x128xf32, #tpu.memory_space<vmem>>, vector<1x128xf32>
    %add3A_21 = vector.broadcast %get3A_20 : vector<1x128xf32> to vector<400x128xf32>
    %add3A_22 = arith.addf %add3A_17, %add3A_21 : vector<400x128xf32>
    %max3A = arith.constant 0.000000e+00 : f32
    %max3A_23 = vector.broadcast %max3A : f32 to vector<400x128xf32>
    %max3A_24 = arith.maximumf %add3A_22, %max3A_23 : vector<400x128xf32>
    %iota3A = tpu.iota {dimensions = array<i32: 1>} : vector<400x64xi32>
    %get3A_25 = arith.constant 0 : index
    %get3A_26 = arith.constant 0 : index
    %get3A_27 = vector.load %arg6[%get3A_25, %get3A_26] : memref<400x1xi32, #tpu.memory_space<vmem>>, vector<400x1xi32>
    %eq3A = vector.broadcast %get3A_27 : vector<400x1xi32> to vector<400x64xi32>
    %eq3A_28 = arith.cmpi eq, %iota3A, %eq3A : vector<400x64xi32>
    %convert_element_type3A = arith.extui %eq3A_28 : vector<400x64xi1> to vector<400x64xi32>
    %convert_element_type3A_29 = arith.sitofp %convert_element_type3A : vector<400x64xi32> to vector<400x64xf32>
    %dot_general3A = arith.constant dense<0.000000e+00> : vector<64x128xf32>
    %dot_general3A_30 = tpu.matmul %convert_element_type3A_29, %max3A_24, %dot_general3A {dimension_numbers = #tpu.dot_dimension_numbers<[0], [0], [1], [1], [0, 1, 1, 1], [], []>, transpose_lhs_hint = false} : vector<400x64xf32>, vector<400x128xf32>, vector<64x128xf32> -> vector<64x128xf32>
    %broadcast_in_dim3A = arith.constant 1.000000e+00 : f32
    %broadcast_in_dim3A_31 = vector.broadcast %broadcast_in_dim3A : f32 to vector<400x1xf32>
    %dot_general3A_32 = arith.constant dense<0.000000e+00> : vector<64x1xf32>
    %dot_general3A_33 = tpu.matmul %convert_element_type3A_29, %broadcast_in_dim3A_31, %dot_general3A_32 {dimension_numbers = #tpu.dot_dimension_numbers<[0], [0], [1], [1], [0, 1, 1, 1], [], []>, transpose_lhs_hint = false} : vector<400x64xf32>, vector<400x1xf32>, vector<64x1xf32> -> vector<64x1xf32>
    %eq3A_34 = arith.constant 0 : i32
    %eq3A_35 = arith.cmpi eq, %arg0, %eq3A_34 : i32
    %convert_element_type3A_36 = arith.extui %eq3A_35 : i1 to i32
    %cond3A = arith.constant 0 : i32
    %cond3A_37 = arith.cmpi ne, %convert_element_type3A_36, %cond3A : i32
    scf.if %cond3A_37 {
      %broadcast_in_dim3A_56 = arith.constant 0.000000e+00 : f32
      %broadcast_in_dim3A_57 = vector.broadcast %broadcast_in_dim3A_56 : f32 to vector<64x128xf32>
      %swap3A_58 = arith.constant 0 : index
      %swap3A_59 = arith.constant 0 : index
      %swap3A_60 = vector.load %arg8[%swap3A_58, %swap3A_59] : memref<64x128xf32, #tpu.memory_space<vmem>>, vector<64x128xf32>
      tpu.vector_store %arg8[%swap3A_58, %swap3A_59], %broadcast_in_dim3A_57 {strides = array<i32>} : memref<64x128xf32, #tpu.memory_space<vmem>>, vector<64x128xf32>,
      %broadcast_in_dim3A_61 = arith.constant 0.000000e+00 : f32
      %broadcast_in_dim3A_62 = vector.broadcast %broadcast_in_dim3A_61 : f32 to vector<64x1xf32>
      %swap3A_63 = arith.constant 0 : index
      %swap3A_64 = arith.constant 0 : index
      %swap3A_65 = vector.load %arg9[%swap3A_63, %swap3A_64] : memref<64x1xf32, #tpu.memory_space<vmem>>, vector<64x1xf32>
      tpu.vector_store %arg9[%swap3A_63, %swap3A_64], %broadcast_in_dim3A_62 {strides = array<i32>} : memref<64x1xf32, #tpu.memory_space<vmem>>, vector<64x1xf32>,
    } else {
    }
    %get3A_38 = arith.constant 0 : index
    %get3A_39 = arith.constant 0 : index
    %get3A_40 = vector.load %arg8[%get3A_38, %get3A_39] : memref<64x128xf32, #tpu.memory_space<vmem>>, vector<64x128xf32>
    %add3A_41 = arith.addf %get3A_40, %dot_general3A_30 : vector<64x128xf32>
    %swap3A = arith.constant 0 : index
    %swap3A_42 = arith.constant 0 : index
    %swap3A_43 = vector.load %arg8[%swap3A, %swap3A_42] : memref<64x128xf32, #tpu.memory_space<vmem>>, vector<64x128xf32>
    tpu.vector_store %arg8[%swap3A, %swap3A_42], %add3A_41 {strides = array<i32>} : memref<64x128xf32, #tpu.memory_space<vmem>>, vector<64x128xf32>,
    %get3A_44 = arith.constant 0 : index
    %get3A_45 = arith.constant 0 : index
    %get3A_46 = vector.load %arg9[%get3A_44, %get3A_45] : memref<64x1xf32, #tpu.memory_space<vmem>>, vector<64x1xf32>
    %add3A_47 = arith.addf %get3A_46, %dot_general3A_33 : vector<64x1xf32>
    %swap3A_48 = arith.constant 0 : index
    %swap3A_49 = arith.constant 0 : index
    %swap3A_50 = vector.load %arg9[%swap3A_48, %swap3A_49] : memref<64x1xf32, #tpu.memory_space<vmem>>, vector<64x1xf32>
    tpu.vector_store %arg9[%swap3A_48, %swap3A_49], %add3A_47 {strides = array<i32>} : memref<64x1xf32, #tpu.memory_space<vmem>>, vector<64x1xf32>,
    %eq3A_51 = arith.constant 24 : i32
    %eq3A_52 = arith.cmpi eq, %arg0, %eq3A_51 : i32
    %convert_element_type3A_53 = arith.extui %eq3A_52 : i1 to i32
    %cond3A_54 = arith.constant 0 : i32
    %cond3A_55 = arith.cmpi ne, %convert_element_type3A_53, %cond3A_54 : i32
    scf.if %cond3A_55 {
      %get3A_56 = arith.constant 0 : index
      %get3A_57 = arith.constant 0 : index
      %get3A_58 = vector.load %arg8[%get3A_56, %get3A_57] : memref<64x128xf32, #tpu.memory_space<vmem>>, vector<64x128xf32>
      %get3A_59 = arith.constant 0 : index
      %get3A_60 = arith.constant 0 : index
      %get3A_61 = vector.load %arg9[%get3A_59, %get3A_60] : memref<64x1xf32, #tpu.memory_space<vmem>>, vector<64x1xf32>
      %max3A_62 = arith.constant 1.000000e+00 : f32
      %max3A_63 = vector.broadcast %max3A_62 : f32 to vector<64x1xf32>
      %max3A_64 = arith.maximumf %get3A_61, %max3A_63 : vector<64x1xf32>
      %div3A = vector.broadcast %max3A_64 : vector<64x1xf32> to vector<64x128xf32>
      %div3A_65 = arith.divf %get3A_58, %div3A : vector<64x128xf32>
      %swap3A_66 = arith.constant 0 : index
      %swap3A_67 = arith.constant 0 : index
      %swap3A_68 = vector.load %arg7[%swap3A_66, %swap3A_67] : memref<64x128xf32, #tpu.memory_space<vmem>>, vector<64x128xf32>
      tpu.vector_store %arg7[%swap3A_66, %swap3A_67], %div3A_65 {strides = array<i32>} : memref<64x128xf32, #tpu.memory_space<vmem>>, vector<64x128xf32>,
    } else {
    }
    return
  }
  func.func @transform_0(%arg0: i32) -> (i32, i32, i32) {
    %c0_i32 = arith.constant 0 : i32
    %c0_i32_0 = arith.constant 0 : i32
    %c0_i32_1 = arith.constant 0 : i32
    return %c0_i32, %arg0, %c0_i32_0 : i32, i32, i32
  }
  func.func @transform_1(%arg0: i32) -> (i32, i32) {
    %c0_i32 = arith.constant 0 : i32
    %c0_i32_0 = arith.constant 0 : i32
    return %arg0, %c0_i32 : i32, i32
  }
  func.func @transform_2(%arg0: i32) -> (i32, i32) {
    %c0_i32 = arith.constant 0 : i32
    %c0_i32_0 = arith.constant 0 : i32
    return %arg0, %c0_i32 : i32, i32
  }
  func.func @transform_3(%arg0: i32) -> (i32, i32) {
    %c0_i32 = arith.constant 0 : i32
    %c0_i32_0 = arith.constant 0 : i32
    return %arg0, %c0_i32 : i32, i32
  }
  func.func @transform_4(%arg0: i32) -> (i32, i32) {
    %c0_i32 = arith.constant 0 : i32
    %c0_i32_0 = arith.constant 0 : i32
    %c0_i32_1 = arith.constant 0 : i32
    return %c0_i32, %c0_i32_0 : i32, i32
  }
  func.func @transform_5(%arg0: i32) -> (i32, i32) {
    %c0_i32 = arith.constant 0 : i32
    %c0_i32_0 = arith.constant 0 : i32
    return %arg0, %c0_i32 : i32, i32
  }
  func.func @transform_6(%arg0: i32) -> (i32, i32) {
    %c0_i32 = arith.constant 0 : i32
    %c0_i32_0 = arith.constant 0 : i32
    %c0_i32_1 = arith.constant 0 : i32
    return %c0_i32, %c0_i32_0 : i32, i32
  }
}

</mosaic_0001>

<sc_bundles>
// kernel: kernel.11.cloned.1.call-start
scs
__scs_entry_jumppad:
0x0: {  	(pc) =	sbr.rel $0x88, $3  }
0x1: {  	(tag) =	ssettag $0x0;
	lr =	simm.s32 $0x1  }
0x2: {  	[smem:$0x3F98] =	sst lr;
	_ =	strace $0xD0000000  }
0x3: {  	_ = 	snop  }
0x4: {  	_ = 	snop  }
0x5: {  	_ = 	snop  }
0x6: {  	_ = 	snop  }
0x7: {  	_ = 	snop  }
__scs_overlays_trampoline_lowered:
0x8: {  	[smem:$0x3FA7] =	sst s0  }
0x9: {  	[smem:$0x3FA8] =	sst s1  }
0xa: {  	[smem:$0x3FA9] =	sst s2  }
0xb: {  	[smem:$0x3FAA] =	sst s3  }
0xc: {  	[smem:$0x3FAB] =	sst s4  }
0xd: {  	[smem:$0x3FAC] =	sst s5  }
0xe: {  	[smem:$0x3FAD] =	sst s6  }
0xf: {  	[smem:$0x3FAE] =	sst s7  }
0x10: {  	[smem:$0x3FAF] =	sst s8  }
0x11: {  	[smem:$0x3FB0] =	sst s9;
	s0 =	simm.s32 @!p0 $0x0  }
0x12: {  	s1 =	sld [smem:$0x3F96];
	s0 =	simm.s32 @p0 $0x1  }
0x13: {  	[smem:$0x3FB1] =	sst s0;
	s0 =	simm.s32 @!p1 $0x0  }
0x14: {  	s2 =	sld [smem:$0x3F95];
	s0 =	simm.s32 @p1 $0x1  }
0x15: {  	[smem:$0x3FB2] =	sst s0;
	s0 =	simm.s32 @!p2 $0x0  }
0x16: {  	s3 =	sld [smem:$0x3FDB];
	s0 =	simm.s32 @p2 $0x1  }
0x17: {  	s4 =	simm.s32 $0x1BF5;
	[smem:$0x3FB4] =	sst s0  }
0x18: {  	s0 =	sld [smem:$0x3F97];
	_ =	swait.ge [sflag:s4], $0x0  }
0x19: {  	s7 =	sld [smem:$0x3F98]  }
0x1a: {  	s8 =	sadd.s32 $0xFFFFE003, lr  }
0x1b: {  	s9 =	sadd.s32 $0xFFFFFEF7, lr;
	s5 =	simm.s32 $0xFFFFFFFF;
	p2 =	slt.u32 s8, $0xFFFFF086  }
0x1c: {  	p1 =	slt.u32 s9, $0xF7A;
	s5 =	simm.s32 @!p2 $0x0  }
0x1d: {  	s5 =	simm.s32 @p1 $0x1;
	p0 =	seq.s32 s7, s2  }
0x1e: {  	s7 =	smul.u32 @!p0 $0xF7A, s2;
	p2 =	seq.s32 @!p0 s5, $0x0  }
0x1f: {  	s9 =	smul.u32 $0xF7A, s1;
	s8 =	simm.s32 @!p0 $0x1BF5;
	p2 =	por !p2, p0  }
0x20: {  	[sflag:s8] =	ssyncset.s32 @!p0 $0xFFFFF086;
	s6 =	sadd.s32 @!p0 s3, s7;
	s7 =	simm.s32 @!p0 $0x108  }
0x21: {  	s3 =	sadd.s32 s3, s9;
	s6 =	sadd.s32 @!p0 $0x88, s6;
	s7 =	simm.s32 @p2 $0x1082  }
0x22: {  	[simem:s7], [sflag:s8] =	dma.local @!p0 [hbm:s6], $0xF7A  }
0x23: {  	s9 =	sor.u32 $0xD0000000, s2;
	s6 =	simm.s32 $0x108;
	_ =	swait.ge @!p0 [sflag:s8], $0x0  }
0x24: {  	s3 =	sadd.s32 $0x88, s3;
	s6 =	simm.s32 @!p1 $0x1082;
	[sflag:s4] =	ssyncset.s32 $0xFFFFF086  }
0x25: {  	[simem:s6], [sflag:s4] =	dma.local [hbm:s3], $0xF7A  }
0x26: {  	[smem:$0x3F98] =	sst s1;
	(tag) =	ssettag s2;
	_ =	strace s9  }
0x27: {  	s1 =	sld [smem:$0x3FA8]  }
0x28: {  	s2 =	sld [smem:$0x3FA9]  }
0x29: {  	s4 =	sld [smem:$0x3FAB]  }
0x2a: {  	p0 =	seq.s32 s5, $0x0;
	s5 =	sld [smem:$0x3FAC]  }
0x2b: {  	s6 =	sld [smem:$0x3FAD]  }
0x2c: {  	s7 =	sld [smem:$0x3FAE]  }
0x2d: {  	s3 =	simm.s32 $0x108;
	s8 =	sld [smem:$0x3FAF]  }
0x2e: {  	s3 =	simm.s32 @!p0 $0x1082;
	s9 =	sld [smem:$0x3FB0]  }
0x2f: {  	lr =	sadd.s32 s0, s3;
	s0 =	sld [smem:$0x3FA7]  }
0x30: {  	s3 =	sld [smem:$0x3FAA]  }
0x31: {  	[smem:$0x3FB3] =	sst s10  }
0x32: {  	s10 =	sld [smem:$0x3FB1];
	_ =	sdelay $0x3  }
0x33: {  	p0 =	seq.s32 s10, $0x1;
	s10 =	sld [smem:$0x3FB3];
	_ =	sdelay $0x3  }
0x34: {  	[smem:$0x3FB3] =	sst s10  }
0x35: {  	s10 =	sld [smem:$0x3FB2];
	_ =	sdelay $0x3  }
0x36: {  	p1 =	seq.s32 s10, $0x1;
	s10 =	sld [smem:$0x3FB3];
	_ =	sdelay $0x3  }
0x37: {  	[smem:$0x3FB3] =	sst s10  }
0x38: {  	s10 =	sld [smem:$0x3FB4]  }
0x39: {  	_ = 	snop;
	(pc) =	sbr.ind lr, $3  }
0x3a: {  	_ = 	snop  }
0x3b: {  	_ = 	snop  }
0x3c: {  	p2 =	seq.s32 s10, $0x1;
	s10 =	sld [smem:$0x3FB3]  }
0x3d: {  	_ =	shalt  }
0x3e: {  	_ =	shalt  }
0x3f: {  	_ =	shalt  }
0x40: {  	_ =	shalt  }
0x41: {  	_ =	shalt  }
0x42: {  	_ =	shalt  }
0x43: {  	_ =	shalt  }
0x44: {  	_ =	shalt  }
0x45: {  	_ =	shalt  }
0x46: {  	_ =	shalt  }
0x47: {  	_ =	shalt  }
0x48: {  	_ =	shalt  }
0x49: {  	_ =	shalt  }
0x4a: {  	_ =	shalt  }
0x4b: {  	_ =	shalt  }
0x4c: {  	_ =	shalt  }
0x4d: {  	_ =	shalt  }
0x4e: {  	_ =	shalt  }
0x4f: {  	_ =	shalt  }
0x50: {  	_ =	shalt  }
0x51: {  	_ =	shalt  }
0x52: {  	_ =	shalt  }
0x53: {  	_ =	shalt  }
0x54: {  	_ =	shalt  }
0x55: {  	_ =	shalt  }
0x56: {  	_ =	shalt  }
0x57: {  	_ =	shalt  }
0x58: {  	_ =	shalt  }
0x59: {  	_ =	shalt  }
0x5a: {  	_ =	shalt  }
0x5b: {  	_ =	shalt  }
0x5c: {  	_ =	shalt  }
0x5d: {  	_ =	shalt  }
0x5e: {  	_ =	shalt  }
0x5f: {  	_ =	shalt  }
0x60: {  	_ =	shalt  }
0x61: {  	_ =	shalt  }
0x62: {  	_ =	shalt  }
0x63: {  	_ =	shalt  }
0x64: {  	_ =	shalt  }
0x65: {  	_ =	shalt  }
0x66: {  	_ =	shalt  }
0x67: {  	_ =	shalt  }
0x68: {  	_ =	shalt  }
0x69: {  	_ =	shalt  }
0x6a: {  	_ =	shalt  }
0x6b: {  	_ =	shalt  }
0x6c: {  	_ =	shalt  }
0x6d: {  	_ =	shalt  }
0x6e: {  	_ =	shalt  }
0x6f: {  	_ =	shalt  }
0x70: {  	_ =	shalt  }
0x71: {  	_ =	shalt  }
0x72: {  	_ =	shalt  }
0x73: {  	_ =	shalt  }
0x74: {  	_ =	shalt  }
0x75: {  	_ =	shalt  }
0x76: {  	_ =	shalt  }
0x77: {  	_ =	shalt  }
0x78: {  	_ =	shalt  }
0x79: {  	_ =	shalt  }
0x7a: {  	_ =	shalt  }
0x7b: {  	_ =	shalt  }
0x7c: {  	_ =	shalt  }
0x7d: {  	_ =	shalt  }
0x7e: {  	_ =	shalt  }
0x7f: {  	_ =	shalt  }
0x80: {  	_ =	shalt  }
0x81: {  	_ =	shalt  }
0x82: {  	_ =	shalt  }
0x83: {  	_ =	shalt  }
0x84: {  	_ =	shalt  }
0x85: {  	_ =	shalt  }
0x86: {  	_ =	shalt  }
0x87: {  	_ =	shalt  }
.Lfunc_end0:
.L_simem_size_0:
called_computation_lowered:
.L_overlay_start_0:
0x88: {  	s2 =	sld [smem:$0x3FD9]  }
0x89: {  	s3 =	sld [smem:$0x3FFE];
	_ =	sdelay $0x1  }
0x8a: {  	s1 =	srdreg.scid  }
0x8b: {  	s0 =	sand.u32 $0x1, s1  }
0x8c: {  	s16 =	sshll.u32 s0, $0xA;
	s2 =	sadd.s32 s3, s2  }
0x8d: {  	s2 =	sadd.s32 s2, s16  }
0x8e: {  	[smem:$0x3FBF] =	sst s2  }
0x8f: {  	_ = 	snop  }
0x90: {  	(tm) =	ssettm $0x1  }
0x91: {  	s17 =	sld [smem:$0x3FFB];
	_ =	sdelay $0x3  }
0x92: {  	_ =	strace s17  }
0x93: {  	s2 =	sld [smem:$0x3FFC];
	_ =	sdelay $0x3  }
0x94: {  	_ =	strace s2  }
0x95: {  	s2 =	sld [smem:$0x3FFD];
	_ =	sdelay $0x3  }
0x96: {  	_ =	strace s2  }
0x97: {  	_ =	strace $0x8FFFFFFF  }
0x98: {  	s18 =	sld [smem:$0x3FDB];
	_ =	sdelay $0x1  }
0x99: {  	s19 =	simm.s32 $_scs_section_size  }
0x9a: {  	s4 =	simm.s32 $_size__tile_overlayer_lowered;
	s5 =	simm.s32 $_tile_overlayer_lowered  }
0x9b: {  	s22 =	simm.s32 $0x1BFF;
	s21 =	sshll.u32 s5, $0x1;
	s2 =	sadd.s32 s19, s18  }
0x9c: {  	s6 =	simm.s32 $0x0;
	s20 =	sshll.u32 s4, $0x1;
	s4 =	sadd.s32 s21, s2  }
0x9d: {  	[timem:s6], [sflag:s22] =	dma.local [hbm:s4], s20  }
0x9e: {  	_ =	swait.ge [sflag:s22], s20  }
0x9f: {  	s3 =	ssub.s32 $0x0, s20;
	[sflag:s22] =	ssyncset.done $0x0  }
0xa0: {  	[sflag:s22] =	ssyncadd.s32 s3;
	_ =	sdelay $0x1  }
0xa1: {  	s23 =	simm.s32 $0x1B8B  }
0xa2: {  	_ =	swait.ge [sflag:s23], $0x1  }
0xa3: {  	[sflag:s23] =	ssyncset.done $0x0  }
0xa4: {  	s25 =	simm.s32 $0x1B8E;
	s24 =	sld [smem:$0x3FFE];
	[sflag:s23] =	ssyncadd.s32 $0xFFFFFFFF  }
0xa5: {  	s26 =	simm.s32 $execute0_lowered;
	[smem:$0x3FD2] =	sst s25  }
0xa6: {  	s4 =	sshll.u32 s26, $0x1;
	_ =	strace $0x80000046;
	[dreg:$0x1] =	wrdreg $0xFFFFFFFF  }
0xa7: {  	s28 =	simm.s32 $_size_execute0_lowered;
	s2 =	sadd.s32 s2, s4;
	[dreg:$0x0] =	wrdreg $0x0  }
0xa8: {  	s4 =	sshll.u32 s28, $0x1;
	[dreg:$0x2] =	wrdreg s2  }
0xa9: {  	[dreg:$0x3] =	wrdreg s4  }
0xaa: {  	[dreg:$0x4] =	wrdreg $0xC0  }
0xab: {  	_ =	task [dreg:s6], $0x5FFFF  }
0xac: {  	[dreg:$0x1] =	wrdreg $0xFFFFFFFF  }
0xad: {  	[dreg:$0x0] =	wrdreg $0x60  }
0xae: {  	[dreg:$0x2] =	wrdreg s24  }
0xaf: {  	[dreg:$0x3] =	wrdreg $0x68000  }
0xb0: {  	[dreg:$0x4] =	wrdreg $0x9  }
0xb1: {  	_ =	task.clear_ibuf [dreg:s6], $0x5FFFF;
	_ =	strace $0x90000046  }
0xb2: {  	s29 =	simm.s32 $0x9;
	_ =	strace $0x80000048  }
0xb3: {  	_ =	swait.ge [sflag:s29], $0x1  }
0xb4: {  	[sflag:s29] =	ssyncadd.s32 $0xFFFFFFFF  }
0xb5: {  	_ =	strace $0x90000048  }
0xb6: {  	_ =	sfence  }
0xb7: {  	s30 =	sld [smem:$0x0];
	_ =	sdelay $0x2  }
0xb8: {  	s31 =	sshll.u32 s1, $0xD;
	s1 =	sshrl.u32 s1, $0x2  }
0xb9: {  	s3 =	sand.u32 $0x4000, s31;
	s1 =	sadd.s32 s1, s30  }
0xba: {  	s0 =	sor.u32 s3, s0;
	s1 =	sshll.u32 s1, $0x11  }
0xbb: {  	s0 =	sor.u32 s1, s0  }
0xbc: {  	s0 =	sadd.s32 $0x8F2B, s0  }
0xbd: {  	[sflag:s0] =	ssyncadd.remote.s32 $0x1  }
0xbe: {  	_ =	sfence.sel $0xFFFF  }
0xbf: {  	[dreg:$0x0] =	wrdreg $0xFFFFFFFF;
	(pc) =	sbr.abs _section_cstart, $3  }
0xc0: {  	[dreg:$0x1] =	wrdreg $0xFFFFFFFF  }
0xc1: {  	_ =	task.clear_ibuf [dreg:s6], $0x2FFFF;
	_ =	strace $0x9FFFFFFF  }
0xc2: {  	(tm) =	ssettm $0x7FFFFFFF  }
0xc3: {  	_ =	shalt  }
tec
execute0_lowered:
.L_overlay_start_1:
0x0: {  	(tag) =	ssettag $0x1  }
0x1: {  	s7 =	rddreg [dreg:$0x0]  }
0x2: {  	s0 =	srdreg.scid;
	s2 =	rddreg [dreg:$0x1]  }
0x3: {  	s3 =	simm.s32 $0x0;
	s14 =	simm.s32 $0x80;
	s15 =	simm.s32 $0x1  }
0x4: {  	s16 =	simm.s32 $0x2;
	s17 =	simm.s32 $0x3;
	s18 =	simm.s32 $0x4  }
0x5: {  	s19 =	simm.s32 $0x2600;
	s20 =	simm.s32 $0x2680;
	s21 =	simm.s32 $0x2700  }
0x6: {  	s24 =	simm.s32 $0x0;
	s5 =	sand.u32 $0x1, s0;
	s0 =	stileid.u32  }
0x7: {  	[smem:$0x7FF] =	sst s3;
	s13 =	sadd.s32 $0x138000, s2;
	s22 =	smul.u32 $0x2700, s0  }
0x8: {  	s1 =	sshll.u32 s5, $0x4;
	s8 =	smul.u32 $0x27100, s5;
	s5 =	ssub.s32 $0x2, s5  }
0x9: {  	s9 =	smul.u32 $0x4E000, s0;
	p0 =	sne.s32 s0, $0xF;
	s31 =	sshll.u32 s0, $0x6  }
0xa: {  	s4 =	sor.u32 s0, s1;
	s1 =	rddreg [dreg:$0x2];
	_ =	strace $0x80000047  }
0xb: {  	s11 =	sshrl.u32 s5, $0x1;
	s13 =	sshrl.u32 @!p0 s13, $0x3;
	s4 =	smul.u32 $0x500, s4  }
0xc: {  	s10 =	sadd.s32 s22, s7;
	s8 =	sadd.s32 s8, s7;
	s30 =	sshrl.u32 s9, $0x2  }
0xd: {  	s11 =	ssub.s32 s5, s11;
	s9 =	simm.s32 $0x5;
	s12 =	sadd.s32 s30, s2  }
0xe: {  	s23 =	sadd.s32 $0x34A00, s8;
	s8 =	smax.u32 s11, $0x1;
	s11 =	sor.u32 $0x1C05, s31  }
0xf: {  	s6 =	sadd.s32 s4, s7;
	s4 =	sadd.s32 $0xD000, s7;
	s7 =	sadd.s32 $0x34800, s7  }
0x10: {  	s12 =	sshrl.u32 s12, $0x3;
	s22 =	sadd.s32 s22, s23;
	s23 =	sadd.s32 @!p0 $0x27000, s23  }
0x11: {  	s5 =	sadd.s32 $0x3000, s6;
	s6 =	sadd.s32 $0xD800, s10;
	s10 =	simm.s32 $0x2800  }
.LBB2_1:
0x12: {  	[tilespmem:s3], [sflag:$0x5] =	stream.linear.gather [hbm4b:s5+s3], $0x2780, $0x38;
	[tilespmem:$0x1A480] =	vst v63  }
0x13: {  	_ =	swait.ge [sflag:s9], $0x2780  }
0x14: {  	[sflag:s9] =	ssyncset.done $0x0  }
0x15: {  	[sflag:s9] =	ssyncadd.s32 $0xFFFFD880  }
0x16: {  	[tilespmem:s10], [sflag:$0x5] =	stream.linear.gather [hbm4b:s4+s3], $0x4000, $0x38;
	[tilespmem:$0x1A480] =	vst v63  }
0x17: {  	_ =	swait.ge [sflag:s9], $0x4000  }
0x18: {  	[sflag:s9] =	ssyncset.done $0x0  }
0x19: {  	[sflag:s9] =	ssyncadd.s32 $0xFFFFC000  }
0x1a: {  	[spmem:s12], [sflag:s11] =	dma.local [hbm:s6], $0x2700  }
0x1b: {  	_ =	swait.ge [sflag:s9], $0x2700  }
0x1c: {  	[sflag:s9] =	ssyncset.done $0x0  }
0x1d: {  	s25 =	simm.s32 @!p0 $0x5;
	[sflag:s9] =	ssyncadd.s32 $0xFFFFD900  }
0x1e: {  	[spmem:s13], [sflag:s11] =	dma.local @!p0 [hbm:s7], $0x100  }
0x1f: {  	_ =	swait.ge @!p0 [sflag:s25], $0x100  }
0x20: {  	[sflag:s25] =	ssyncset.done @!p0 $0x0  }
0x21: {  	[sflag:s25] =	ssyncadd.s32 @!p0 $0xFFFFFF00  }
0x22: {  	s28 =	simm.s32 $0x0;
	[bflag:$0x0] =	sbarrier.arrive $0xFFFF  }
0x23: {  	[spmem:s2] =	stream.indirect.scatter.add.f32 [tilespmem:s10], [sflag:$0x1], $0x80, s28, s14, $0xb8;
	[tilespmem:$0x1A480] =	vst v63  }
0x24: {  	s29 =	simm.s32 $0x80  }
0x25: {  	[spmem:s2] =	stream.indirect.scatter.add.f32 [tilespmem:s10], [sflag:$0x2], $0x80, s29, s14, $0xb8;
	[tilespmem:$0x1A480] =	vst v63  }
0x26: {  	s30 =	simm.s32 $0x100  }
0x27: {  	[spmem:s2] =	stream.indirect.scatter.add.f32 [tilespmem:s10], [sflag:$0x3], $0x80, s30, s14, $0xb8;
	[tilespmem:$0x1A480] =	vst v63  }
0x28: {  	s31 =	simm.s32 $0x180  }
0x29: {  	[spmem:s2] =	stream.indirect.scatter.add.f32 [tilespmem:s10], [sflag:$0x4], $0x80, s31, s14, $0xb8;
	[tilespmem:$0x1A480] =	vst v63  }
0x2a: {  	_ =	swait.ge [sflag:s15], $0x4000  }
0x2b: {  	[sflag:s15] =	ssyncset.done $0x0  }
0x2c: {  	[sflag:s15] =	ssyncadd.s32 $0xFFFFC000  }
0x2d: {  	_ =	swait.ge [sflag:s16], $0x4000  }
0x2e: {  	[sflag:s16] =	ssyncset.done $0x0  }
0x2f: {  	[sflag:s16] =	ssyncadd.s32 $0xFFFFC000  }
0x30: {  	_ =	swait.ge [sflag:s17], $0x4000  }
0x31: {  	[sflag:s17] =	ssyncset.done $0x0  }
0x32: {  	[sflag:s17] =	ssyncadd.s32 $0xFFFFC000  }
0x33: {  	_ =	swait.ge [sflag:s18], $0x4000  }
0x34: {  	s26 =	simm.s32 $0x1000;
	s25 =	simm.s32 $0x800;
	[sflag:s18] =	ssyncset.done $0x0  }
.LBB2_2:
0x35: {  	s28 =	sshra.s32 s25, $0x2  }
0x36: {  	[sflag:s18] =	ssyncadd.s32 $0xFFFFC000;
	s25 =	smov.u32 s26;
	s29 =	sadd.s32 $0x800, s26  }
0x37: {  	[spmem:s2] =	stream.indirect.scatter.add.f32 [tilespmem:s10], [sflag:$0x1], $0x80, s28, s14, $0xb8;
	[tilespmem:$0x1A480] =	vst v63  }
0x38: {  	p1 =	sne.s32 s26, $0x9000;
	s26 =	sadd.s32 $0x80, s28  }
0x39: {  	[spmem:s2] =	stream.indirect.scatter.add.f32 [tilespmem:s10], [sflag:$0x2], $0x80, s26, s14, $0xb8;
	[tilespmem:$0x1A480] =	vst v63  }
0x3a: {  	s26 =	sadd.s32 $0x100, s28  }
0x3b: {  	[spmem:s2] =	stream.indirect.scatter.add.f32 [tilespmem:s10], [sflag:$0x3], $0x80, s26, s14, $0xb8;
	[tilespmem:$0x1A480] =	vst v63  }
0x3c: {  	s26 =	sadd.s32 $0x180, s28  }
0x3d: {  	[spmem:s2] =	stream.indirect.scatter.add.f32 [tilespmem:s10], [sflag:$0x4], $0x80, s26, s14, $0xb8;
	[tilespmem:$0x1A480] =	vst v63  }
0x3e: {  	_ =	swait.ge [sflag:s15], $0x4000  }
0x3f: {  	[sflag:s15] =	ssyncset.done $0x0  }
0x40: {  	[sflag:s15] =	ssyncadd.s32 $0xFFFFC000  }
0x41: {  	_ =	swait.ge [sflag:s16], $0x4000  }
0x42: {  	[sflag:s16] =	ssyncset.done $0x0  }
0x43: {  	[sflag:s16] =	ssyncadd.s32 $0xFFFFC000  }
.Ltmp0:
0x44: {  	_ =	swait.ge [sflag:s17], $0x4000;
	(pc) =	sbr.rel @p1 .LBB2_2-.Ltmp0, $4  }
0x45: {  	[sflag:s17] =	ssyncset.done $0x0  }
0x46: {  	[sflag:s17] =	ssyncadd.s32 $0xFFFFC000  }
0x47: {  	_ =	swait.ge [sflag:s18], $0x4000  }
0x48: {  	s26 =	smov.u32 s29;
	[sflag:s18] =	ssyncset.done $0x0  }
0x49: {  	s25 =	sshra.s32 s25, $0x2;
	[sflag:s18] =	ssyncadd.s32 $0xFFFFC000  }
0x4a: {  	[spmem:s2] =	stream.indirect.scatter.add.f32 [tilespmem:s10], [sflag:$0x1], $0x80, s25, s14, $0xb8;
	[tilespmem:$0x1A480] =	vst v63  }
0x4b: {  	s26 =	sadd.s32 $0x80, s25  }
0x4c: {  	[spmem:s2] =	stream.indirect.scatter.add.f32 [tilespmem:s10], [sflag:$0x2], $0x80, s26, s14, $0xb8;
	[tilespmem:$0x1A480] =	vst v63  }
0x4d: {  	s31 =	sadd.s32 $0x100, s25  }
0x4e: {  	[spmem:s2] =	stream.indirect.scatter.add.f32 [tilespmem:s10], [sflag:$0x3], $0x80, s31, s14, $0xb8;
	[tilespmem:$0x1A480] =	vst v63  }
0x4f: {  	s25 =	sadd.s32 $0x180, s25  }
0x50: {  	[spmem:s2] =	stream.indirect.scatter.add.f32 [tilespmem:s10], [sflag:$0x4], $0x80, s25, s14, $0xb8;
	[tilespmem:$0x1A480] =	vst v63  }
0x51: {  	_ =	swait.ge [sflag:s15], $0x4000  }
0x52: {  	[sflag:s15] =	ssyncset.done $0x0  }
0x53: {  	[sflag:s15] =	ssyncadd.s32 $0xFFFFC000  }
0x54: {  	_ =	swait.ge [sflag:s16], $0x4000  }
0x55: {  	[sflag:s16] =	ssyncset.done $0x0  }
0x56: {  	[sflag:s16] =	ssyncadd.s32 $0xFFFFC000  }
0x57: {  	_ =	swait.ge [sflag:s17], $0x4000  }
0x58: {  	[sflag:s17] =	ssyncset.done $0x0  }
0x59: {  	[sflag:s17] =	ssyncadd.s32 $0xFFFFC000  }
0x5a: {  	_ =	swait.ge [sflag:s18], $0x4000  }
0x5b: {  	[sflag:s18] =	ssyncset.done $0x0  }
0x5c: {  	[sflag:s18] =	ssyncadd.s32 $0xFFFFC000  }
0x5d: {  	[spmem:s2] =	stream.indirect.scatter.add.f32 [tilespmem:s10], [sflag:$0x5], $0x80, s19, s14, $0xb8;
	[tilespmem:$0x1A480] =	vst v63  }
0x5e: {  	_ =	swait.ge [sflag:s9], $0x4000  }
0x5f: {  	[sflag:s9] =	ssyncset.done $0x0  }
0x60: {  	[sflag:s9] =	ssyncadd.s32 $0xFFFFC000  }
0x61: {  	[spmem:s2] =	stream.indirect.scatter.add.f32 [tilespmem:s10], [sflag:$0x5], $0x80, s20, s14, $0xb8;
	[tilespmem:$0x1A480] =	vst v63  }
0x62: {  	_ =	swait.ge [sflag:s9], $0x4000  }
0x63: {  	[sflag:s9] =	ssyncset.done $0x0  }
0x64: {  	[sflag:s9] =	ssyncadd.s32 $0xFFFFC000  }
0x65: {  	[spmem:s2] =	stream.indirect.scatter.add.f32 [tilespmem:s10], [sflag:$0x5], $0x80, s21, s14, $0xb8;
	[tilespmem:$0x1A480] =	vst v63  }
0x66: {  	_ =	swait.ge [sflag:s9], $0x4000  }
0x67: {  	[sflag:s9] =	ssyncset.done $0x0  }
0x68: {  	[sflag:s9] =	ssyncadd.s32 $0xFFFFC000  }
0x69: {  	[bflag:$0x0] =	sbarrier.arrive $0xFFFF  }
0x6a: {  	[hbm:s22], [sflag:s11] =	dma.local [spmem:s12], $0x2700  }
0x6b: {  	s24 =	sadd.s32 $0x1, s24;
	_ =	swait.ge [sflag:s9], $0x2700  }
0x6c: {  	p1 =	sne.s32 s24, s8;
	[sflag:s9] =	ssyncset.done $0x0  }
.Ltmp1:
0x6d: {  	s25 =	simm.s32 @!p0 $0x5;
	[sflag:s9] =	ssyncadd.s32 $0xFFFFD900;
	(pc) =	sbr.rel @p1 .LBB2_1-.Ltmp1, $4  }
0x6e: {  	[hbm:s23], [sflag:s11] =	dma.local @!p0 [spmem:s13], $0x100  }
0x6f: {  	_ =	swait.ge @!p0 [sflag:s25], $0x100  }
0x70: {  	[sflag:s25] =	ssyncset.done @!p0 $0x0  }
0x71: {  	[sflag:s25] =	ssyncadd.s32 @!p0 $0xFFFFFF00  }
0x72: {  	_ =	sfence.sel $0x180000  }
0x73: {  	[bflag:$0x0] =	sbarrier.arrive $0xFFFF  }
0x74: {  	p0 =	sne.s32 s0, $0x0;
	_ =	strace $0x90000047  }
0x75: {  	s0 =	sadd.s32 @!p0 $0x100000, s1;
	[bflag:$0x2] =	sbarrier.arrive $0xFFFF  }
0x76: {  	[sflag:s0] =	ssyncadd.tile.s32 @!p0 $0x1;
	_ =	shalt  }
.Lfunc_end2:
_tile_overlayer_lowered:
.L_overlay_start_2:
0x77: {  	(tag) =	ssettag $0x2  }
0x78: {  	s0 =	rddreg [dreg:$0x0];
	s2 =	stileid.u32  }
0x79: {  	s1 =	rddreg [dreg:$0x1];
	p0 =	sne.s32 s2, $0x0  }
0x7a: {  	s3 =	rddreg [dreg:$0x2];
	[bflag:$0x3] =	sbarrier.arrive $0xFFFF;
	s2 =	simm.s32 @!p0 $0x1C05  }
0x7b: {  	[timem:s3], [sflag:s2] =	dma.local @!p0 [hbm:s0], s1  }
0x7c: {  	s0 =	simm.s32 @!p0 $0x5  }
0x7d: {  	_ =	swait.ge @!p0 [sflag:s0], s1  }
0x7e: {  	s1 =	ssub.s32 @!p0 $0x0, s1;
	[sflag:s0] =	ssyncset.done @!p0 $0x0  }
0x7f: {  	[sflag:s0] =	ssyncadd.s32 @!p0 s1  }
0x80: {  	[bflag:$0x3] =	sbarrier.arrive $0xFFFF  }
0x81: {  	_ =	shalt  }

// kernel: kernel.14.cloned.1.call-start
scs
__scs_entry_jumppad:
0x0: {  	(pc) =	sbr.rel $0x88, $3  }
0x1: {  	(tag) =	ssettag $0x0;
	lr =	simm.s32 $0x1  }
0x2: {  	[smem:$0x3F98] =	sst lr;
	_ =	strace $0xD0000000  }
0x3: {  	_ = 	snop  }
0x4: {  	_ = 	snop  }
0x5: {  	_ = 	snop  }
0x6: {  	_ = 	snop  }
0x7: {  	_ = 	snop  }
__scs_overlays_trampoline_lowered:
0x8: {  	[smem:$0x3FA7] =	sst s0  }
0x9: {  	[smem:$0x3FA8] =	sst s1  }
0xa: {  	[smem:$0x3FA9] =	sst s2  }
0xb: {  	[smem:$0x3FAA] =	sst s3  }
0xc: {  	[smem:$0x3FAB] =	sst s4  }
0xd: {  	[smem:$0x3FAC] =	sst s5  }
0xe: {  	[smem:$0x3FAD] =	sst s6  }
0xf: {  	[smem:$0x3FAE] =	sst s7  }
0x10: {  	[smem:$0x3FAF] =	sst s8  }
0x11: {  	[smem:$0x3FB0] =	sst s9;
	s0 =	simm.s32 @!p0 $0x0  }
0x12: {  	s1 =	sld [smem:$0x3F96];
	s0 =	simm.s32 @p0 $0x1  }
0x13: {  	[smem:$0x3FB1] =	sst s0;
	s0 =	simm.s32 @!p1 $0x0  }
0x14: {  	s2 =	sld [smem:$0x3F95];
	s0 =	simm.s32 @p1 $0x1  }
0x15: {  	[smem:$0x3FB2] =	sst s0;
	s0 =	simm.s32 @!p2 $0x0  }
0x16: {  	s3 =	sld [smem:$0x3FDB];
	s0 =	simm.s32 @p2 $0x1  }
0x17: {  	s4 =	simm.s32 $0x1BF5;
	[smem:$0x3FB4] =	sst s0  }
0x18: {  	s0 =	sld [smem:$0x3F97];
	_ =	swait.ge [sflag:s4], $0x0  }
0x19: {  	s7 =	sld [smem:$0x3F98]  }
0x1a: {  	s8 =	sadd.s32 $0xFFFFE003, lr  }
0x1b: {  	s9 =	sadd.s32 $0xFFFFFEF7, lr;
	s5 =	simm.s32 $0xFFFFFFFF;
	p2 =	slt.u32 s8, $0xFFFFF086  }
0x1c: {  	p1 =	slt.u32 s9, $0xF7A;
	s5 =	simm.s32 @!p2 $0x0  }
0x1d: {  	s5 =	simm.s32 @p1 $0x1;
	p0 =	seq.s32 s7, s2  }
0x1e: {  	s7 =	smul.u32 @!p0 $0xF7A, s2;
	p2 =	seq.s32 @!p0 s5, $0x0  }
0x1f: {  	s9 =	smul.u32 $0xF7A, s1;
	s8 =	simm.s32 @!p0 $0x1BF5;
	p2 =	por !p2, p0  }
0x20: {  	[sflag:s8] =	ssyncset.s32 @!p0 $0xFFFFF086;
	s6 =	sadd.s32 @!p0 s3, s7;
	s7 =	simm.s32 @!p0 $0x108  }
0x21: {  	s3 =	sadd.s32 s3, s9;
	s6 =	sadd.s32 @!p0 $0x88, s6;
	s7 =	simm.s32 @p2 $0x1082  }
0x22: {  	[simem:s7], [sflag:s8] =	dma.local @!p0 [hbm:s6], $0xF7A  }
0x23: {  	s9 =	sor.u32 $0xD0000000, s2;
	s6 =	simm.s32 $0x108;
	_ =	swait.ge @!p0 [sflag:s8], $0x0  }
0x24: {  	s3 =	sadd.s32 $0x88, s3;
	s6 =	simm.s32 @!p1 $0x1082;
	[sflag:s4] =	ssyncset.s32 $0xFFFFF086  }
0x25: {  	[simem:s6], [sflag:s4] =	dma.local [hbm:s3], $0xF7A  }
0x26: {  	[smem:$0x3F98] =	sst s1;
	(tag) =	ssettag s2;
	_ =	strace s9  }
0x27: {  	s1 =	sld [smem:$0x3FA8]  }
0x28: {  	s2 =	sld [smem:$0x3FA9]  }
0x29: {  	s4 =	sld [smem:$0x3FAB]  }
0x2a: {  	p0 =	seq.s32 s5, $0x0;
	s5 =	sld [smem:$0x3FAC]  }
0x2b: {  	s6 =	sld [smem:$0x3FAD]  }
0x2c: {  	s7 =	sld [smem:$0x3FAE]  }
0x2d: {  	s3 =	simm.s32 $0x108;
	s8 =	sld [smem:$0x3FAF]  }
0x2e: {  	s3 =	simm.s32 @!p0 $0x1082;
	s9 =	sld [smem:$0x3FB0]  }
0x2f: {  	lr =	sadd.s32 s0, s3;
	s0 =	sld [smem:$0x3FA7]  }
0x30: {  	s3 =	sld [smem:$0x3FAA]  }
0x31: {  	[smem:$0x3FB3] =	sst s10  }
0x32: {  	s10 =	sld [smem:$0x3FB1];
	_ =	sdelay $0x3  }
0x33: {  	p0 =	seq.s32 s10, $0x1;
	s10 =	sld [smem:$0x3FB3];
	_ =	sdelay $0x3  }
0x34: {  	[smem:$0x3FB3] =	sst s10  }
0x35: {  	s10 =	sld [smem:$0x3FB2];
	_ =	sdelay $0x3  }
0x36: {  	p1 =	seq.s32 s10, $0x1;
	s10 =	sld [smem:$0x3FB3];
	_ =	sdelay $0x3  }
0x37: {  	[smem:$0x3FB3] =	sst s10  }
0x38: {  	s10 =	sld [smem:$0x3FB4]  }
0x39: {  	_ = 	snop;
	(pc) =	sbr.ind lr, $3  }
0x3a: {  	_ = 	snop  }
0x3b: {  	_ = 	snop  }
0x3c: {  	p2 =	seq.s32 s10, $0x1;
	s10 =	sld [smem:$0x3FB3]  }
0x3d: {  	_ =	shalt  }
0x3e: {  	_ =	shalt  }
0x3f: {  	_ =	shalt  }
0x40: {  	_ =	shalt  }
0x41: {  	_ =	shalt  }
0x42: {  	_ =	shalt  }
0x43: {  	_ =	shalt  }
0x44: {  	_ =	shalt  }
0x45: {  	_ =	shalt  }
0x46: {  	_ =	shalt  }
0x47: {  	_ =	shalt  }
0x48: {  	_ =	shalt  }
0x49: {  	_ =	shalt  }
0x4a: {  	_ =	shalt  }
0x4b: {  	_ =	shalt  }
0x4c: {  	_ =	shalt  }
0x4d: {  	_ =	shalt  }
0x4e: {  	_ =	shalt  }
0x4f: {  	_ =	shalt  }
0x50: {  	_ =	shalt  }
0x51: {  	_ =	shalt  }
0x52: {  	_ =	shalt  }
0x53: {  	_ =	shalt  }
0x54: {  	_ =	shalt  }
0x55: {  	_ =	shalt  }
0x56: {  	_ =	shalt  }
0x57: {  	_ =	shalt  }
0x58: {  	_ =	shalt  }
0x59: {  	_ =	shalt  }
0x5a: {  	_ =	shalt  }
0x5b: {  	_ =	shalt  }
0x5c: {  	_ =	shalt  }
0x5d: {  	_ =	shalt  }
0x5e: {  	_ =	shalt  }
0x5f: {  	_ =	shalt  }
0x60: {  	_ =	shalt  }
0x61: {  	_ =	shalt  }
0x62: {  	_ =	shalt  }
0x63: {  	_ =	shalt  }
0x64: {  	_ =	shalt  }
0x65: {  	_ =	shalt  }
0x66: {  	_ =	shalt  }
0x67: {  	_ =	shalt  }
0x68: {  	_ =	shalt  }
0x69: {  	_ =	shalt  }
0x6a: {  	_ =	shalt  }
0x6b: {  	_ =	shalt  }
0x6c: {  	_ =	shalt  }
0x6d: {  	_ =	shalt  }
0x6e: {  	_ =	shalt  }
0x6f: {  	_ =	shalt  }
0x70: {  	_ =	shalt  }
0x71: {  	_ =	shalt  }
0x72: {  	_ =	shalt  }
0x73: {  	_ =	shalt  }
0x74: {  	_ =	shalt  }
0x75: {  	_ =	shalt  }
0x76: {  	_ =	shalt  }
0x77: {  	_ =	shalt  }
0x78: {  	_ =	shalt  }
0x79: {  	_ =	shalt  }
0x7a: {  	_ =	shalt  }
0x7b: {  	_ =	shalt  }
0x7c: {  	_ =	shalt  }
0x7d: {  	_ =	shalt  }
0x7e: {  	_ =	shalt  }
0x7f: {  	_ =	shalt  }
0x80: {  	_ =	shalt  }
0x81: {  	_ =	shalt  }
0x82: {  	_ =	shalt  }
0x83: {  	_ =	shalt  }
0x84: {  	_ =	shalt  }
0x85: {  	_ =	shalt  }
0x86: {  	_ =	shalt  }
0x87: {  	_ =	shalt  }
.Lfunc_end0:
.L_simem_size_0:
called_computation.1_lowered:
.L_overlay_start_0:
0x88: {  	s2 =	sld [smem:$0x3FD9]  }
0x89: {  	s3 =	sld [smem:$0x3FFE];
	_ =	sdelay $0x1  }
0x8a: {  	s1 =	srdreg.scid  }
0x8b: {  	s0 =	sand.u32 $0x1, s1  }
0x8c: {  	s16 =	sshll.u32 s0, $0xA;
	s2 =	sadd.s32 s3, s2  }
0x8d: {  	s2 =	sadd.s32 s2, s16  }
0x8e: {  	[smem:$0x3FBF] =	sst s2  }
0x8f: {  	_ = 	snop  }
0x90: {  	(tm) =	ssettm $0x1  }
0x91: {  	s17 =	sld [smem:$0x3FFB];
	_ =	sdelay $0x3  }
0x92: {  	_ =	strace s17  }
0x93: {  	s2 =	sld [smem:$0x3FFC];
	_ =	sdelay $0x3  }
0x94: {  	_ =	strace s2  }
0x95: {  	s2 =	sld [smem:$0x3FFD];
	_ =	sdelay $0x3  }
0x96: {  	_ =	strace s2  }
0x97: {  	_ =	strace $0x8FFFFFFF  }
0x98: {  	s18 =	sld [smem:$0x3FDB];
	_ =	sdelay $0x1  }
0x99: {  	s19 =	simm.s32 $_scs_section_size  }
0x9a: {  	s4 =	simm.s32 $_size__tile_overlayer_lowered;
	s5 =	simm.s32 $_tile_overlayer_lowered  }
0x9b: {  	s22 =	simm.s32 $0x1BFF;
	s21 =	sshll.u32 s5, $0x1;
	s2 =	sadd.s32 s19, s18  }
0x9c: {  	s6 =	simm.s32 $0x0;
	s20 =	sshll.u32 s4, $0x1;
	s4 =	sadd.s32 s21, s2  }
0x9d: {  	[timem:s6], [sflag:s22] =	dma.local [hbm:s4], s20  }
0x9e: {  	_ =	swait.ge [sflag:s22], s20  }
0x9f: {  	s3 =	ssub.s32 $0x0, s20;
	[sflag:s22] =	ssyncset.done $0x0  }
0xa0: {  	[sflag:s22] =	ssyncadd.s32 s3;
	_ =	sdelay $0x1  }
0xa1: {  	s23 =	simm.s32 $0x1B8B  }
0xa2: {  	_ =	swait.ge [sflag:s23], $0x1  }
0xa3: {  	[sflag:s23] =	ssyncset.done $0x0  }
0xa4: {  	s25 =	simm.s32 $0x1B8E;
	s24 =	sld [smem:$0x3FFE];
	[sflag:s23] =	ssyncadd.s32 $0xFFFFFFFF  }
0xa5: {  	s26 =	simm.s32 $execute0_lowered;
	[smem:$0x3FD2] =	sst s25  }
0xa6: {  	s4 =	sshll.u32 s26, $0x1;
	_ =	strace $0x80000049;
	[dreg:$0x1] =	wrdreg $0xFFFFFFFF  }
0xa7: {  	s28 =	simm.s32 $_size_execute0_lowered;
	s2 =	sadd.s32 s2, s4;
	[dreg:$0x0] =	wrdreg $0x0  }
0xa8: {  	s4 =	sshll.u32 s28, $0x1;
	[dreg:$0x2] =	wrdreg s2  }
0xa9: {  	[dreg:$0x3] =	wrdreg s4  }
0xaa: {  	[dreg:$0x4] =	wrdreg $0xC0  }
0xab: {  	_ =	task [dreg:s6], $0x5FFFF  }
0xac: {  	[dreg:$0x1] =	wrdreg $0xFFFFFFFF  }
0xad: {  	[dreg:$0x0] =	wrdreg $0x60  }
0xae: {  	[dreg:$0x2] =	wrdreg s24  }
0xaf: {  	[dreg:$0x3] =	wrdreg $0xA8000  }
0xb0: {  	[dreg:$0x4] =	wrdreg $0x9  }
0xb1: {  	_ =	task.clear_ibuf [dreg:s6], $0x5FFFF;
	_ =	strace $0x90000049  }
0xb2: {  	s29 =	simm.s32 $0x9;
	_ =	strace $0x8000004B  }
0xb3: {  	_ =	swait.ge [sflag:s29], $0x1  }
0xb4: {  	[sflag:s29] =	ssyncadd.s32 $0xFFFFFFFF  }
0xb5: {  	_ =	strace $0x9000004B  }
0xb6: {  	_ =	sfence  }
0xb7: {  	s30 =	sld [smem:$0x0];
	_ =	sdelay $0x2  }
0xb8: {  	s31 =	sshll.u32 s1, $0xD;
	s1 =	sshrl.u32 s1, $0x2  }
0xb9: {  	s3 =	sand.u32 $0x4000, s31;
	s1 =	sadd.s32 s1, s30  }
0xba: {  	s0 =	sor.u32 s3, s0;
	s1 =	sshll.u32 s1, $0x11  }
0xbb: {  	s0 =	sor.u32 s1, s0  }
0xbc: {  	s0 =	sadd.s32 $0x8F2B, s0  }
0xbd: {  	[sflag:s0] =	ssyncadd.remote.s32 $0x1  }
0xbe: {  	_ =	sfence.sel $0xFFFF  }
0xbf: {  	[dreg:$0x0] =	wrdreg $0xFFFFFFFF;
	(pc) =	sbr.abs _section_cstart, $3  }
0xc0: {  	[dreg:$0x1] =	wrdreg $0xFFFFFFFF  }
0xc1: {  	_ =	task.clear_ibuf [dreg:s6], $0x2FFFF;
	_ =	strace $0x9FFFFFFF  }
0xc2: {  	(tm) =	ssettm $0x7FFFFFFF  }
0xc3: {  	_ =	shalt  }
tec
execute0_lowered:
.L_overlay_start_1:
0x0: {  	(tag) =	ssettag $0x1  }
0x1: {  	s0 =	rddreg [dreg:$0x0]  }
0x2: {  	s1 =	rddreg [dreg:$0x1]  }
0x3: {  	s3 =	simm.s32 $0x0;
	s2 =	srdreg.scid;
	s17 =	stileid.u32  }
0x4: {  	s14 =	simm.s32 $0x5;
	s15 =	simm.s32 $0x1400;
	s16 =	simm.s32 $0x80  }
0x5: {  	s18 =	simm.s32 $0x6800;
	s22 =	simm.s32 $0x1;
	s23 =	simm.s32 $0x3  }
0x6: {  	s24 =	simm.s32 $0x2;
	s25 =	simm.s32 $0x4;
	s30 =	simm.s32 $0x2680  }
0x7: {  	s31 =	simm.s32 $0x1300;
	[smem:$0x7FF] =	sst s3;
	s2 =	sand.u32 $0x1, s2  }
0x8: {  	s4 =	smul.u32 $0x2700, s17;
	s5 =	sadd.s32 $0x34A00, s0;
	s10 =	sadd.s32 $0x82C00, s0  }
0x9: {  	s11 =	sadd.s32 $0x3000, s0;
	s9 =	smul.u32 $0x4E000, s17;
	s21 =	sadd.s32 $0x138000, s1  }
0xa: {  	p0 =	sne.s32 s17, $0xF;
	s29 =	sshll.u32 s17, $0x6;
	_ =	strace $0x8000004A  }
0xb: {  	s6 =	sshll.u32 s2, $0x4;
	s7 =	smul.u32 $0x27100, s2;
	s2 =	ssub.s32 $0x2, s2  }
0xc: {  	s19 =	sor.u32 $0x1C05, s29;
	s21 =	sshrl.u32 @!p0 s21, $0x3;
	s6 =	sor.u32 s17, s6  }
0xd: {  	s8 =	sadd.s32 s4, s0;
	s26 =	sshrl.u32 s2, $0x1;
	s9 =	sshrl.u32 s9, $0x2  }
0xe: {  	s17 =	simm.s32 $0x2800;
	s6 =	smul.u32 $0x2800, s6;
	s12 =	sadd.s32 s7, s0  }
0xf: {  	s2 =	ssub.s32 s2, s26;
	s20 =	sadd.s32 s9, s1;
	s8 =	sadd.s32 $0xD800, s8  }
0x10: {  	s9 =	sadd.s32 $0x34800, s0;
	s26 =	simm.s32 $0x2700;
	s0 =	simm.s32 $0x0  }
0x11: {  	s12 =	sadd.s32 $0xB3E00, s12;
	s20 =	sshrl.u32 s20, $0x3;
	s13 =	sshrl.u32 s6, $0x3  }
0x12: {  	s6 =	sadd.s32 s10, s13;
	s7 =	sadd.s32 s11, s13;
	s28 =	sadd.s32 $0x280, s13  }
0x13: {  	s13 =	smax.u32 s2, $0x1;
	s10 =	sadd.s32 s10, s28;
	s11 =	sadd.s32 s11, s28  }
.LBB2_1:
0x14: {  	[tilespmem:s3], [sflag:$0x5] =	stream.linear.gather [hbm4b:s6+s3], $0x1400, $0x38;
	[tilespmem:$0x1E480] =	vst v63  }
0x15: {  	_ =	swait.ge [sflag:s14], $0x1400  }
0x16: {  	[sflag:s14] =	ssyncset.done $0x0  }
0x17: {  	[sflag:s14] =	ssyncadd.s32 $0xFFFFEC00  }
0x18: {  	[tilespmem:s15], [sflag:$0x5] =	stream.linear.gather [hbm4b:s7+s3], $0x1400, $0x38;
	[tilespmem:$0x1E480] =	vst v63  }
0x19: {  	_ =	swait.ge [sflag:s14], $0x1400  }
0x1a: {  	[sflag:s14] =	ssyncset.done $0x0  }
0x1b: {  	[sflag:s14] =	ssyncadd.s32 $0xFFFFEC00  }
0x1c: {  	[tilespmem:s17], [sflag:$0x1] =	stream.indirect.gather [hbm4b:s5+s16], $0x80, s3, s16, $0xb8;
	[tilespmem:$0x1E480] =	vst v63  }
0x1d: {  	_ = 	snop  }
0x1e: {  	[tilespmem:s18], [sflag:$0x2] =	stream.indirect.gather [hbm4b:s5+s16], $0x80, s16, s16, $0xb8;
	[tilespmem:$0x1E480] =	vst v63  }
0x1f: {  	[spmem:s20], [sflag:s19] =	dma.local [hbm:s8], $0x2700  }
0x20: {  	_ =	swait.ge [sflag:s14], $0x2700  }
0x21: {  	[sflag:s14] =	ssyncset.done $0x0  }
0x22: {  	s2 =	simm.s32 @!p0 $0x5;
	[sflag:s14] =	ssyncadd.s32 $0xFFFFD900  }
0x23: {  	[spmem:s21], [sflag:s19] =	dma.local @!p0 [hbm:s9], $0x100  }
0x24: {  	_ =	swait.ge @!p0 [sflag:s2], $0x100  }
0x25: {  	[sflag:s2] =	ssyncset.done @!p0 $0x0  }
0x26: {  	[sflag:s2] =	ssyncadd.s32 @!p0 $0xFFFFFF00  }
0x27: {  	[bflag:$0x0] =	sbarrier.arrive $0xFFFF  }
0x28: {  	_ =	swait.ge [sflag:s22], $0x4000  }
0x29: {  	[sflag:s22] =	ssyncset.done $0x0  }
0x2a: {  	s29 =	simm.s32 $0x1400;
	[sflag:s22] =	ssyncadd.s32 $0xFFFFC000  }
0x2b: {  	[spmem:s1] =	stream.indirect.scatter.add.f32 [tilespmem:s17], [sflag:$0x3], $0x80, s29, s16, $0xb8;
	[tilespmem:$0x1E480] =	vst v63  }
0x2c: {  	_ =	swait.ge [sflag:s23], $0x4000  }
0x2d: {  	[sflag:s23] =	ssyncset.done $0x0  }
0x2e: {  	s29 =	simm.s32 $0x100;
	[sflag:s23] =	ssyncadd.s32 $0xFFFFC000  }
0x2f: {  	[tilespmem:s17], [sflag:$0x1] =	stream.indirect.gather [hbm4b:s5+s16], $0x80, s29, s16, $0xb8;
	[tilespmem:$0x1E480] =	vst v63  }
0x30: {  	_ =	swait.ge [sflag:s24], $0x4000  }
0x31: {  	[sflag:s24] =	ssyncset.done $0x0  }
0x32: {  	s29 =	simm.s32 $0x1480;
	[sflag:s24] =	ssyncadd.s32 $0xFFFFC000  }
0x33: {  	[spmem:s1] =	stream.indirect.scatter.add.f32 [tilespmem:s18], [sflag:$0x4], $0x80, s29, s16, $0xb8;
	[tilespmem:$0x1E480] =	vst v63  }
0x34: {  	_ =	swait.ge [sflag:s25], $0x4000  }
0x35: {  	[sflag:s25] =	ssyncset.done $0x0  }
0x36: {  	s28 =	simm.s32 $0x180;
	s2 =	simm.s32 $0x400;
	[sflag:s25] =	ssyncadd.s32 $0xFFFFC000  }
.LBB2_2:
0x37: {  	[tilespmem:s18], [sflag:$0x2] =	stream.indirect.gather [hbm4b:s5+s16], $0x80, s28, s16, $0xb8;
	[tilespmem:$0x1E480] =	vst v63  }
0x38: {  	s28 =	smov.u32 s2  }
0x39: {  	p1 =	sne.s32 s2, $0x4800;
	s2 =	sadd.s32 $0x400, s2;
	_ =	swait.ge [sflag:s22], $0x4000  }
0x3a: {  	s28 =	sshra.s32 s28, $0x2;
	[sflag:s22] =	ssyncset.done $0x0  }
0x3b: {  	s29 =	sadd.s32 $0x1400, s28;
	[sflag:s22] =	ssyncadd.s32 $0xFFFFC000  }
0x3c: {  	[spmem:s1] =	stream.indirect.scatter.add.f32 [tilespmem:s17], [sflag:$0x3], $0x80, s29, s16, $0xb8;
	[tilespmem:$0x1E480] =	vst v63  }
0x3d: {  	_ =	swait.ge [sflag:s23], $0x4000  }
0x3e: {  	[sflag:s23] =	ssyncset.done $0x0  }
0x3f: {  	s29 =	sadd.s32 $0x100, s28;
	[sflag:s23] =	ssyncadd.s32 $0xFFFFC000  }
0x40: {  	[tilespmem:s17], [sflag:$0x1] =	stream.indirect.gather [hbm4b:s5+s16], $0x80, s29, s16, $0xb8;
	[tilespmem:$0x1E480] =	vst v63  }
0x41: {  	_ =	swait.ge [sflag:s24], $0x4000  }
0x42: {  	[sflag:s24] =	ssyncset.done $0x0  }
.Ltmp0:
0x43: {  	s29 =	sadd.s32 $0x1480, s28;
	[sflag:s24] =	ssyncadd.s32 $0xFFFFC000;
	(pc) =	sbr.rel @p1 .LBB2_2-.Ltmp0, $4  }
0x44: {  	[spmem:s1] =	stream.indirect.scatter.add.f32 [tilespmem:s18], [sflag:$0x4], $0x80, s29, s16, $0xb8;
	[tilespmem:$0x1E480] =	vst v63  }
0x45: {  	_ =	swait.ge [sflag:s25], $0x4000  }
0x46: {  	[sflag:s25] =	ssyncset.done $0x0  }
0x47: {  	s28 =	sadd.s32 $0x180, s28;
	[sflag:s25] =	ssyncadd.s32 $0xFFFFC000  }
0x48: {  	[tilespmem:s18], [sflag:$0x2] =	stream.indirect.gather [hbm4b:s5+s16], $0x80, s28, s16, $0xb8;
	[tilespmem:$0x1E480] =	vst v63  }
0x49: {  	_ =	swait.ge [sflag:s22], $0x4000  }
0x4a: {  	[sflag:s22] =	ssyncset.done $0x0  }
0x4b: {  	[sflag:s22] =	ssyncadd.s32 $0xFFFFC000  }
0x4c: {  	[spmem:s1] =	stream.indirect.scatter.add.f32 [tilespmem:s17], [sflag:$0x3], $0x80, s26, s16, $0xb8;
	[tilespmem:$0x1E480] =	vst v63  }
0x4d: {  	_ =	swait.ge [sflag:s24], $0x4000  }
0x4e: {  	[sflag:s24] =	ssyncset.done $0x0  }
0x4f: {  	s2 =	simm.s32 $0x2780;
	[sflag:s24] =	ssyncadd.s32 $0xFFFFC000  }
0x50: {  	[spmem:s1] =	stream.indirect.scatter.add.f32 [tilespmem:s18], [sflag:$0x4], $0x80, s2, s16, $0xb8;
	[tilespmem:$0x1E480] =	vst v63  }
0x51: {  	_ =	swait.ge [sflag:s23], $0x4000  }
0x52: {  	[sflag:s23] =	ssyncset.done $0x0  }
0x53: {  	[sflag:s23] =	ssyncadd.s32 $0xFFFFC000  }
0x54: {  	_ =	swait.ge [sflag:s25], $0x4000  }
0x55: {  	[sflag:s25] =	ssyncset.done $0x0  }
0x56: {  	s29 =	simm.s32 $0x0;
	[sflag:s25] =	ssyncadd.s32 $0xFFFFC000  }
0x57: {  	[tilespmem:s29], [sflag:$0x5] =	stream.linear.gather [hbm4b:s10+s29], $0x1380, $0x38;
	[tilespmem:$0x1E480] =	vst v63  }
0x58: {  	_ =	swait.ge [sflag:s14], $0x1380  }
0x59: {  	[sflag:s14] =	ssyncset.done $0x0  }
0x5a: {  	[sflag:s14] =	ssyncadd.s32 $0xFFFFEC80  }
0x5b: {  	[tilespmem:s15], [sflag:$0x5] =	stream.linear.gather [hbm4b:s11+s29], $0x1380, $0x38;
	[tilespmem:$0x1E480] =	vst v63  }
0x5c: {  	_ =	swait.ge [sflag:s14], $0x1380  }
0x5d: {  	[sflag:s14] =	ssyncset.done $0x0  }
0x5e: {  	[sflag:s14] =	ssyncadd.s32 $0xFFFFEC80  }
0x5f: {  	[tilespmem:s17], [sflag:$0x1] =	stream.indirect.gather [hbm4b:s5+s16], $0x80, s29, s16, $0xb8;
	[tilespmem:$0x1E480] =	vst v63  }
0x60: {  	_ = 	snop  }
0x61: {  	[tilespmem:s18], [sflag:$0x2] =	stream.indirect.gather [hbm4b:s5+s16], $0x80, s16, s16, $0xb8;
	[tilespmem:$0x1E480] =	vst v63  }
0x62: {  	_ =	swait.ge [sflag:s22], $0x4000  }
0x63: {  	[sflag:s22] =	ssyncset.done $0x0  }
0x64: {  	s29 =	simm.s32 $0x1400;
	[sflag:s22] =	ssyncadd.s32 $0xFFFFC000  }
0x65: {  	[spmem:s1] =	stream.indirect.scatter.add.f32 [tilespmem:s17], [sflag:$0x3], $0x80, s29, s16, $0xb8;
	[tilespmem:$0x1E480] =	vst v63  }
0x66: {  	_ =	swait.ge [sflag:s23], $0x4000  }
0x67: {  	[sflag:s23] =	ssyncset.done $0x0  }
0x68: {  	s29 =	simm.s32 $0x100;
	[sflag:s23] =	ssyncadd.s32 $0xFFFFC000  }
0x69: {  	[tilespmem:s17], [sflag:$0x1] =	stream.indirect.gather [hbm4b:s5+s16], $0x80, s29, s16, $0xb8;
	[tilespmem:$0x1E480] =	vst v63  }
0x6a: {  	_ =	swait.ge [sflag:s24], $0x4000  }
0x6b: {  	[sflag:s24] =	ssyncset.done $0x0  }
0x6c: {  	s29 =	simm.s32 $0x1480;
	[sflag:s24] =	ssyncadd.s32 $0xFFFFC000  }
0x6d: {  	[spmem:s1] =	stream.indirect.scatter.add.f32 [tilespmem:s18], [sflag:$0x4], $0x80, s29, s16, $0xb8;
	[tilespmem:$0x1E480] =	vst v63  }
0x6e: {  	_ =	swait.ge [sflag:s25], $0x4000  }
0x6f: {  	[sflag:s25] =	ssyncset.done $0x0  }
0x70: {  	s28 =	simm.s32 $0x180;
	s2 =	simm.s32 $0x400;
	[sflag:s25] =	ssyncadd.s32 $0xFFFFC000  }
.LBB2_4:
0x71: {  	[tilespmem:s18], [sflag:$0x2] =	stream.indirect.gather [hbm4b:s5+s16], $0x80, s28, s16, $0xb8;
	[tilespmem:$0x1E480] =	vst v63  }
0x72: {  	s28 =	smov.u32 s2  }
0x73: {  	p1 =	sne.s32 s2, $0x4400;
	s2 =	sadd.s32 $0x400, s2;
	_ =	swait.ge [sflag:s22], $0x4000  }
0x74: {  	s28 =	sshra.s32 s28, $0x2;
	[sflag:s22] =	ssyncset.done $0x0  }
0x75: {  	s29 =	sadd.s32 $0x1400, s28;
	[sflag:s22] =	ssyncadd.s32 $0xFFFFC000  }
0x76: {  	[spmem:s1] =	stream.indirect.scatter.add.f32 [tilespmem:s17], [sflag:$0x3], $0x80, s29, s16, $0xb8;
	[tilespmem:$0x1E480] =	vst v63  }
0x77: {  	_ =	swait.ge [sflag:s23], $0x4000  }
0x78: {  	[sflag:s23] =	ssyncset.done $0x0  }
0x79: {  	s29 =	sadd.s32 $0x100, s28;
	[sflag:s23] =	ssyncadd.s32 $0xFFFFC000  }
0x7a: {  	[tilespmem:s17], [sflag:$0x1] =	stream.indirect.gather [hbm4b:s5+s16], $0x80, s29, s16, $0xb8;
	[tilespmem:$0x1E480] =	vst v63  }
0x7b: {  	_ =	swait.ge [sflag:s24], $0x4000  }
0x7c: {  	[sflag:s24] =	ssyncset.done $0x0  }
.Ltmp1:
0x7d: {  	s29 =	sadd.s32 $0x1480, s28;
	[sflag:s24] =	ssyncadd.s32 $0xFFFFC000;
	(pc) =	sbr.rel @p1 .LBB2_4-.Ltmp1, $4  }
0x7e: {  	[spmem:s1] =	stream.indirect.scatter.add.f32 [tilespmem:s18], [sflag:$0x4], $0x80, s29, s16, $0xb8;
	[tilespmem:$0x1E480] =	vst v63  }
0x7f: {  	_ =	swait.ge [sflag:s25], $0x4000  }
0x80: {  	[sflag:s25] =	ssyncset.done $0x0  }
0x81: {  	s28 =	sadd.s32 $0x180, s28;
	[sflag:s25] =	ssyncadd.s32 $0xFFFFC000  }
0x82: {  	[tilespmem:s18], [sflag:$0x2] =	stream.indirect.gather [hbm4b:s5+s16], $0x80, s28, s16, $0xb8;
	[tilespmem:$0x1E480] =	vst v63  }
0x83: {  	_ =	swait.ge [sflag:s22], $0x4000  }
0x84: {  	[sflag:s22] =	ssyncset.done $0x0  }
0x85: {  	s2 =	simm.s32 $0x2600;
	[sflag:s22] =	ssyncadd.s32 $0xFFFFC000  }
0x86: {  	[spmem:s1] =	stream.indirect.scatter.add.f32 [tilespmem:s17], [sflag:$0x3], $0x80, s2, s16, $0xb8;
	[tilespmem:$0x1E480] =	vst v63  }
0x87: {  	_ =	swait.ge [sflag:s24], $0x4000  }
0x88: {  	[sflag:s24] =	ssyncset.done $0x0  }
0x89: {  	[sflag:s24] =	ssyncadd.s32 $0xFFFFC000  }
0x8a: {  	[spmem:s1] =	stream.indirect.scatter.add.f32 [tilespmem:s18], [sflag:$0x4], $0x80, s30, s16, $0xb8;
	[tilespmem:$0x1E480] =	vst v63  }
0x8b: {  	_ =	swait.ge [sflag:s23], $0x4000  }
0x8c: {  	[sflag:s23] =	ssyncset.done $0x0  }
0x8d: {  	[sflag:s23] =	ssyncadd.s32 $0xFFFFC000  }
0x8e: {  	[tilespmem:s17], [sflag:$0x5] =	stream.indirect.gather [hbm4b:s5+s16], $0x80, s31, s16, $0xb8;
	[tilespmem:$0x1E480] =	vst v63  }
0x8f: {  	_ =	swait.ge [sflag:s14], $0x4000  }
0x90: {  	[sflag:s14] =	ssyncset.done $0x0  }
0x91: {  	[sflag:s14] =	ssyncadd.s32 $0xFFFFC000  }
0x92: {  	[spmem:s1] =	stream.indirect.scatter.add.f32 [tilespmem:s17], [sflag:$0x3], $0x80, s26, s16, $0xb8;
	[tilespmem:$0x1E480] =	vst v63  }
0x93: {  	_ =	swait.ge [sflag:s23], $0x4000  }
0x94: {  	[sflag:s23] =	ssyncset.done $0x0  }
0x95: {  	[sflag:s23] =	ssyncadd.s32 $0xFFFFC000  }
0x96: {  	_ =	swait.ge [sflag:s25], $0x4000  }
0x97: {  	[sflag:s25] =	ssyncset.done $0x0  }
0x98: {  	[sflag:s25] =	ssyncadd.s32 $0xFFFFC000  }
0x99: {  	s29 =	sadd.s32 s4, s12;
	[bflag:$0x0] =	sbarrier.arrive $0xFFFF  }
0x9a: {  	[hbm:s29], [sflag:s19] =	dma.local [spmem:s20], $0x2700  }
0x9b: {  	_ =	swait.ge [sflag:s14], $0x2700  }
0x9c: {  	s0 =	sadd.s32 $0x1, s0;
	[sflag:s14] =	ssyncset.done $0x0  }
0x9d: {  	p1 =	sne.s32 s0, s13;
	s2 =	sadd.s32 @!p0 $0x27000, s12;
	[sflag:s14] =	ssyncadd.s32 $0xFFFFD900  }
0x9e: {  	[hbm:s2], [sflag:s19] =	dma.local @!p0 [spmem:s21], $0x100  }
.Ltmp2:
0x9f: {  	_ = 	snop;
	(pc) =	sbr.rel @p1 .LBB2_1-.Ltmp2, $4  }
0xa0: {  	s2 =	simm.s32 @!p0 $0x5  }
0xa1: {  	_ =	swait.ge @!p0 [sflag:s2], $0x100  }
0xa2: {  	[sflag:s2] =	ssyncset.done @!p0 $0x0  }
0xa3: {  	[sflag:s2] =	ssyncadd.s32 @!p0 $0xFFFFFF00  }
0xa4: {  	_ =	sfence.sel $0x180000  }
0xa5: {  	[bflag:$0x0] =	sbarrier.arrive $0xFFFF  }
0xa6: {  	_ =	strace $0x9000004A  }
0xa7: {  	s0 =	stileid.u32;
	[bflag:$0x2] =	sbarrier.arrive $0xFFFF  }
0xa8: {  	p0 =	sne.s32 s0, $0x0;
	s0 =	rddreg [dreg:$0x2]  }
0xa9: {  	s0 =	sadd.s32 @!p0 $0x100000, s0  }
0xaa: {  	[sflag:s0] =	ssyncadd.tile.s32 @!p0 $0x1;
	_ =	shalt  }
.Lfunc_end2:
_tile_overlayer_lowered:
.L_overlay_start_2:
0xab: {  	(tag) =	ssettag $0x2  }
0xac: {  	s0 =	rddreg [dreg:$0x0];
	s2 =	stileid.u32  }
0xad: {  	s1 =	rddreg [dreg:$0x1];
	p0 =	sne.s32 s2, $0x0  }
0xae: {  	s3 =	rddreg [dreg:$0x2];
	[bflag:$0x3] =	sbarrier.arrive $0xFFFF;
	s2 =	simm.s32 @!p0 $0x1C05  }
0xaf: {  	[timem:s3], [sflag:s2] =	dma.local @!p0 [hbm:s0], s1  }
0xb0: {  	s0 =	simm.s32 @!p0 $0x5  }
0xb1: {  	_ =	swait.ge @!p0 [sflag:s0], s1  }
0xb2: {  	s1 =	ssub.s32 @!p0 $0x0, s1;
	[sflag:s0] =	ssyncset.done @!p0 $0x0  }
0xb3: {  	[sflag:s0] =	ssyncadd.s32 @!p0 s1  }
0xb4: {  	[bflag:$0x3] =	sbarrier.arrive $0xFFFF  }
0xb5: {  	_ =	shalt  }

// kernel: kernel.17.cloned.1.call-start
scs
__scs_entry_jumppad:
0x0: {  	(pc) =	sbr.rel $0x88, $3  }
0x1: {  	(tag) =	ssettag $0x0;
	lr =	simm.s32 $0x1  }
0x2: {  	[smem:$0x3F98] =	sst lr;
	_ =	strace $0xD0000000  }
0x3: {  	_ = 	snop  }
0x4: {  	_ = 	snop  }
0x5: {  	_ = 	snop  }
0x6: {  	_ = 	snop  }
0x7: {  	_ = 	snop  }
__scs_overlays_trampoline_lowered:
0x8: {  	[smem:$0x3FA7] =	sst s0  }
0x9: {  	[smem:$0x3FA8] =	sst s1  }
0xa: {  	[smem:$0x3FA9] =	sst s2  }
0xb: {  	[smem:$0x3FAA] =	sst s3  }
0xc: {  	[smem:$0x3FAB] =	sst s4  }
0xd: {  	[smem:$0x3FAC] =	sst s5  }
0xe: {  	[smem:$0x3FAD] =	sst s6  }
0xf: {  	[smem:$0x3FAE] =	sst s7  }
0x10: {  	[smem:$0x3FAF] =	sst s8  }
0x11: {  	[smem:$0x3FB0] =	sst s9;
	s0 =	simm.s32 @!p0 $0x0  }
0x12: {  	s1 =	sld [smem:$0x3F96];
	s0 =	simm.s32 @p0 $0x1  }
0x13: {  	[smem:$0x3FB1] =	sst s0;
	s0 =	simm.s32 @!p1 $0x0  }
0x14: {  	s2 =	sld [smem:$0x3F95];
	s0 =	simm.s32 @p1 $0x1  }
0x15: {  	[smem:$0x3FB2] =	sst s0;
	s0 =	simm.s32 @!p2 $0x0  }
0x16: {  	s3 =	sld [smem:$0x3FDB];
	s0 =	simm.s32 @p2 $0x1  }
0x17: {  	s4 =	simm.s32 $0x1BF5;
	[smem:$0x3FB4] =	sst s0  }
0x18: {  	s0 =	sld [smem:$0x3F97];
	_ =	swait.ge [sflag:s4], $0x0  }
0x19: {  	s7 =	sld [smem:$0x3F98]  }
0x1a: {  	s8 =	sadd.s32 $0xFFFFE003, lr  }
0x1b: {  	s9 =	sadd.s32 $0xFFFFFEF7, lr;
	s5 =	simm.s32 $0xFFFFFFFF;
	p2 =	slt.u32 s8, $0xFFFFF086  }
0x1c: {  	p1 =	slt.u32 s9, $0xF7A;
	s5 =	simm.s32 @!p2 $0x0  }
0x1d: {  	s5 =	simm.s32 @p1 $0x1;
	p0 =	seq.s32 s7, s2  }
0x1e: {  	s7 =	smul.u32 @!p0 $0xF7A, s2;
	p2 =	seq.s32 @!p0 s5, $0x0  }
0x1f: {  	s9 =	smul.u32 $0xF7A, s1;
	s8 =	simm.s32 @!p0 $0x1BF5;
	p2 =	por !p2, p0  }
0x20: {  	[sflag:s8] =	ssyncset.s32 @!p0 $0xFFFFF086;
	s6 =	sadd.s32 @!p0 s3, s7;
	s7 =	simm.s32 @!p0 $0x108  }
0x21: {  	s3 =	sadd.s32 s3, s9;
	s6 =	sadd.s32 @!p0 $0x88, s6;
	s7 =	simm.s32 @p2 $0x1082  }
0x22: {  	[simem:s7], [sflag:s8] =	dma.local @!p0 [hbm:s6], $0xF7A  }
0x23: {  	s9 =	sor.u32 $0xD0000000, s2;
	s6 =	simm.s32 $0x108;
	_ =	swait.ge @!p0 [sflag:s8], $0x0  }
0x24: {  	s3 =	sadd.s32 $0x88, s3;
	s6 =	simm.s32 @!p1 $0x1082;
	[sflag:s4] =	ssyncset.s32 $0xFFFFF086  }
0x25: {  	[simem:s6], [sflag:s4] =	dma.local [hbm:s3], $0xF7A  }
0x26: {  	[smem:$0x3F98] =	sst s1;
	(tag) =	ssettag s2;
	_ =	strace s9  }
0x27: {  	s1 =	sld [smem:$0x3FA8]  }
0x28: {  	s2 =	sld [smem:$0x3FA9]  }
0x29: {  	s4 =	sld [smem:$0x3FAB]  }
0x2a: {  	p0 =	seq.s32 s5, $0x0;
	s5 =	sld [smem:$0x3FAC]  }
0x2b: {  	s6 =	sld [smem:$0x3FAD]  }
0x2c: {  	s7 =	sld [smem:$0x3FAE]  }
0x2d: {  	s3 =	simm.s32 $0x108;
	s8 =	sld [smem:$0x3FAF]  }
0x2e: {  	s3 =	simm.s32 @!p0 $0x1082;
	s9 =	sld [smem:$0x3FB0]  }
0x2f: {  	lr =	sadd.s32 s0, s3;
	s0 =	sld [smem:$0x3FA7]  }
0x30: {  	s3 =	sld [smem:$0x3FAA]  }
0x31: {  	[smem:$0x3FB3] =	sst s10  }
0x32: {  	s10 =	sld [smem:$0x3FB1];
	_ =	sdelay $0x3  }
0x33: {  	p0 =	seq.s32 s10, $0x1;
	s10 =	sld [smem:$0x3FB3];
	_ =	sdelay $0x3  }
0x34: {  	[smem:$0x3FB3] =	sst s10  }
0x35: {  	s10 =	sld [smem:$0x3FB2];
	_ =	sdelay $0x3  }
0x36: {  	p1 =	seq.s32 s10, $0x1;
	s10 =	sld [smem:$0x3FB3];
	_ =	sdelay $0x3  }
0x37: {  	[smem:$0x3FB3] =	sst s10  }
0x38: {  	s10 =	sld [smem:$0x3FB4]  }
0x39: {  	_ = 	snop;
	(pc) =	sbr.ind lr, $3  }
0x3a: {  	_ = 	snop  }
0x3b: {  	_ = 	snop  }
0x3c: {  	p2 =	seq.s32 s10, $0x1;
	s10 =	sld [smem:$0x3FB3]  }
0x3d: {  	_ =	shalt  }
0x3e: {  	_ =	shalt  }
0x3f: {  	_ =	shalt  }
0x40: {  	_ =	shalt  }
0x41: {  	_ =	shalt  }
0x42: {  	_ =	shalt  }
0x43: {  	_ =	shalt  }
0x44: {  	_ =	shalt  }
0x45: {  	_ =	shalt  }
0x46: {  	_ =	shalt  }
0x47: {  	_ =	shalt  }
0x48: {  	_ =	shalt  }
0x49: {  	_ =	shalt  }
0x4a: {  	_ =	shalt  }
0x4b: {  	_ =	shalt  }
0x4c: {  	_ =	shalt  }
0x4d: {  	_ =	shalt  }
0x4e: {  	_ =	shalt  }
0x4f: {  	_ =	shalt  }
0x50: {  	_ =	shalt  }
0x51: {  	_ =	shalt  }
0x52: {  	_ =	shalt  }
0x53: {  	_ =	shalt  }
0x54: {  	_ =	shalt  }
0x55: {  	_ =	shalt  }
0x56: {  	_ =	shalt  }
0x57: {  	_ =	shalt  }
0x58: {  	_ =	shalt  }
0x59: {  	_ =	shalt  }
0x5a: {  	_ =	shalt  }
0x5b: {  	_ =	shalt  }
0x5c: {  	_ =	shalt  }
0x5d: {  	_ =	shalt  }
0x5e: {  	_ =	shalt  }
0x5f: {  	_ =	shalt  }
0x60: {  	_ =	shalt  }
0x61: {  	_ =	shalt  }
0x62: {  	_ =	shalt  }
0x63: {  	_ =	shalt  }
0x64: {  	_ =	shalt  }
0x65: {  	_ =	shalt  }
0x66: {  	_ =	shalt  }
0x67: {  	_ =	shalt  }
0x68: {  	_ =	shalt  }
0x69: {  	_ =	shalt  }
0x6a: {  	_ =	shalt  }
0x6b: {  	_ =	shalt  }
0x6c: {  	_ =	shalt  }
0x6d: {  	_ =	shalt  }
0x6e: {  	_ =	shalt  }
0x6f: {  	_ =	shalt  }
0x70: {  	_ =	shalt  }
0x71: {  	_ =	shalt  }
0x72: {  	_ =	shalt  }
0x73: {  	_ =	shalt  }
0x74: {  	_ =	shalt  }
0x75: {  	_ =	shalt  }
0x76: {  	_ =	shalt  }
0x77: {  	_ =	shalt  }
0x78: {  	_ =	shalt  }
0x79: {  	_ =	shalt  }
0x7a: {  	_ =	shalt  }
0x7b: {  	_ =	shalt  }
0x7c: {  	_ =	shalt  }
0x7d: {  	_ =	shalt  }
0x7e: {  	_ =	shalt  }
0x7f: {  	_ =	shalt  }
0x80: {  	_ =	shalt  }
0x81: {  	_ =	shalt  }
0x82: {  	_ =	shalt  }
0x83: {  	_ =	shalt  }
0x84: {  	_ =	shalt  }
0x85: {  	_ =	shalt  }
0x86: {  	_ =	shalt  }
0x87: {  	_ =	shalt  }
.Lfunc_end0:
.L_simem_size_0:
called_computation.2_lowered:
.L_overlay_start_0:
0x88: {  	s2 =	sld [smem:$0x3FD9]  }
0x89: {  	s3 =	sld [smem:$0x3FFE];
	_ =	sdelay $0x1  }
0x8a: {  	s1 =	srdreg.scid  }
0x8b: {  	s0 =	sand.u32 $0x1, s1  }
0x8c: {  	s16 =	sshll.u32 s0, $0xA;
	s2 =	sadd.s32 s3, s2  }
0x8d: {  	s2 =	sadd.s32 s2, s16  }
0x8e: {  	[smem:$0x3FBF] =	sst s2  }
0x8f: {  	_ = 	snop  }
0x90: {  	(tm) =	ssettm $0x1  }
0x91: {  	s17 =	sld [smem:$0x3FFB];
	_ =	sdelay $0x3  }
0x92: {  	_ =	strace s17  }
0x93: {  	s2 =	sld [smem:$0x3FFC];
	_ =	sdelay $0x3  }
0x94: {  	_ =	strace s2  }
0x95: {  	s2 =	sld [smem:$0x3FFD];
	_ =	sdelay $0x3  }
0x96: {  	_ =	strace s2  }
0x97: {  	_ =	strace $0x8FFFFFFF  }
0x98: {  	s18 =	sld [smem:$0x3FDB];
	_ =	sdelay $0x1  }
0x99: {  	s19 =	simm.s32 $_scs_section_size  }
0x9a: {  	s4 =	simm.s32 $_size__tile_overlayer_lowered;
	s5 =	simm.s32 $_tile_overlayer_lowered  }
0x9b: {  	s22 =	simm.s32 $0x1BFF;
	s21 =	sshll.u32 s5, $0x1;
	s2 =	sadd.s32 s19, s18  }
0x9c: {  	s6 =	simm.s32 $0x0;
	s20 =	sshll.u32 s4, $0x1;
	s4 =	sadd.s32 s21, s2  }
0x9d: {  	[timem:s6], [sflag:s22] =	dma.local [hbm:s4], s20  }
0x9e: {  	_ =	swait.ge [sflag:s22], s20  }
0x9f: {  	s3 =	ssub.s32 $0x0, s20;
	[sflag:s22] =	ssyncset.done $0x0  }
0xa0: {  	[sflag:s22] =	ssyncadd.s32 s3;
	_ =	sdelay $0x1  }
0xa1: {  	s23 =	simm.s32 $0x1B8B  }
0xa2: {  	_ =	swait.ge [sflag:s23], $0x1  }
0xa3: {  	[sflag:s23] =	ssyncset.done $0x0  }
0xa4: {  	s25 =	simm.s32 $0x1B8E;
	s24 =	sld [smem:$0x3FFE];
	[sflag:s23] =	ssyncadd.s32 $0xFFFFFFFF  }
0xa5: {  	s26 =	simm.s32 $execute0_lowered;
	[smem:$0x3FD2] =	sst s25  }
0xa6: {  	s4 =	sshll.u32 s26, $0x1;
	_ =	strace $0x8000004C;
	[dreg:$0x1] =	wrdreg $0xFFFFFFFF  }
0xa7: {  	s28 =	simm.s32 $_size_execute0_lowered;
	s2 =	sadd.s32 s2, s4;
	[dreg:$0x0] =	wrdreg $0x0  }
0xa8: {  	s4 =	sshll.u32 s28, $0x1;
	[dreg:$0x2] =	wrdreg s2  }
0xa9: {  	[dreg:$0x3] =	wrdreg s4  }
0xaa: {  	[dreg:$0x4] =	wrdreg $0xC0  }
0xab: {  	_ =	task [dreg:s6], $0x5FFFF  }
0xac: {  	[dreg:$0x1] =	wrdreg $0xFFFFFFFF  }
0xad: {  	[dreg:$0x0] =	wrdreg $0x60  }
0xae: {  	[dreg:$0x2] =	wrdreg s24  }
0xaf: {  	[dreg:$0x3] =	wrdreg $0xA8000  }
0xb0: {  	[dreg:$0x4] =	wrdreg $0x9  }
0xb1: {  	_ =	task.clear_ibuf [dreg:s6], $0x5FFFF;
	_ =	strace $0x9000004C  }
0xb2: {  	s29 =	simm.s32 $0x9;
	_ =	strace $0x8000004E  }
0xb3: {  	_ =	swait.ge [sflag:s29], $0x1  }
0xb4: {  	[sflag:s29] =	ssyncadd.s32 $0xFFFFFFFF  }
0xb5: {  	_ =	strace $0x9000004E  }
0xb6: {  	_ =	sfence  }
0xb7: {  	s30 =	sld [smem:$0x0];
	_ =	sdelay $0x2  }
0xb8: {  	s31 =	sshll.u32 s1, $0xD;
	s1 =	sshrl.u32 s1, $0x2  }
0xb9: {  	s3 =	sand.u32 $0x4000, s31;
	s1 =	sadd.s32 s1, s30  }
0xba: {  	s0 =	sor.u32 s3, s0;
	s1 =	sshll.u32 s1, $0x11  }
0xbb: {  	s0 =	sor.u32 s1, s0  }
0xbc: {  	s0 =	sadd.s32 $0x8F2B, s0  }
0xbd: {  	[sflag:s0] =	ssyncadd.remote.s32 $0x1  }
0xbe: {  	_ =	sfence.sel $0xFFFF  }
0xbf: {  	[dreg:$0x0] =	wrdreg $0xFFFFFFFF;
	(pc) =	sbr.abs _section_cstart, $3  }
0xc0: {  	[dreg:$0x1] =	wrdreg $0xFFFFFFFF  }
0xc1: {  	_ =	task.clear_ibuf [dreg:s6], $0x2FFFF;
	_ =	strace $0x9FFFFFFF  }
0xc2: {  	(tm) =	ssettm $0x7FFFFFFF  }
0xc3: {  	_ =	shalt  }
tec
execute0_lowered:
.L_overlay_start_1:
0x0: {  	(tag) =	ssettag $0x1  }
0x1: {  	s0 =	rddreg [dreg:$0x0]  }
0x2: {  	s1 =	rddreg [dreg:$0x1]  }
0x3: {  	s3 =	simm.s32 $0x0;
	s2 =	srdreg.scid;
	s17 =	stileid.u32  }
0x4: {  	s14 =	simm.s32 $0x5;
	s15 =	simm.s32 $0x1400;
	s16 =	simm.s32 $0x80  }
0x5: {  	s18 =	simm.s32 $0x6800;
	s22 =	simm.s32 $0x1;
	s23 =	simm.s32 $0x3  }
0x6: {  	s24 =	simm.s32 $0x2;
	s25 =	simm.s32 $0x4;
	s30 =	simm.s32 $0x2680  }
0x7: {  	s31 =	simm.s32 $0x1300;
	[smem:$0x7FF] =	sst s3;
	s2 =	sand.u32 $0x1, s2  }
0x8: {  	s4 =	smul.u32 $0x2700, s17;
	s5 =	sadd.s32 $0x34A00, s0;
	s10 =	sadd.s32 $0x82C00, s0  }
0x9: {  	s11 =	sadd.s32 $0x3000, s0;
	s9 =	smul.u32 $0x4E000, s17;
	s21 =	sadd.s32 $0x138000, s1  }
0xa: {  	p0 =	sne.s32 s17, $0xF;
	s29 =	sshll.u32 s17, $0x6;
	_ =	strace $0x8000004D  }
0xb: {  	s6 =	sshll.u32 s2, $0x4;
	s7 =	smul.u32 $0x27100, s2;
	s2 =	ssub.s32 $0x2, s2  }
0xc: {  	s19 =	sor.u32 $0x1C05, s29;
	s21 =	sshrl.u32 @!p0 s21, $0x3;
	s6 =	sor.u32 s17, s6  }
0xd: {  	s8 =	sadd.s32 s4, s0;
	s26 =	sshrl.u32 s2, $0x1;
	s9 =	sshrl.u32 s9, $0x2  }
0xe: {  	s17 =	simm.s32 $0x2800;
	s6 =	smul.u32 $0x2800, s6;
	s12 =	sadd.s32 s7, s0  }
0xf: {  	s2 =	ssub.s32 s2, s26;
	s20 =	sadd.s32 s9, s1;
	s8 =	sadd.s32 $0xD800, s8  }
0x10: {  	s9 =	sadd.s32 $0x34800, s0;
	s26 =	simm.s32 $0x2700;
	s0 =	simm.s32 $0x0  }
0x11: {  	s12 =	sadd.s32 $0xB3E00, s12;
	s20 =	sshrl.u32 s20, $0x3;
	s13 =	sshrl.u32 s6, $0x3  }
0x12: {  	s6 =	sadd.s32 s10, s13;
	s7 =	sadd.s32 s11, s13;
	s28 =	sadd.s32 $0x280, s13  }
0x13: {  	s13 =	smax.u32 s2, $0x1;
	s10 =	sadd.s32 s10, s28;
	s11 =	sadd.s32 s11, s28  }
.LBB2_1:
0x14: {  	[tilespmem:s3], [sflag:$0x5] =	stream.linear.gather [hbm4b:s6+s3], $0x1400, $0x38;
	[tilespmem:$0x1E480] =	vst v63  }
0x15: {  	_ =	swait.ge [sflag:s14], $0x1400  }
0x16: {  	[sflag:s14] =	ssyncset.done $0x0  }
0x17: {  	[sflag:s14] =	ssyncadd.s32 $0xFFFFEC00  }
0x18: {  	[tilespmem:s15], [sflag:$0x5] =	stream.linear.gather [hbm4b:s7+s3], $0x1400, $0x38;
	[tilespmem:$0x1E480] =	vst v63  }
0x19: {  	_ =	swait.ge [sflag:s14], $0x1400  }
0x1a: {  	[sflag:s14] =	ssyncset.done $0x0  }
0x1b: {  	[sflag:s14] =	ssyncadd.s32 $0xFFFFEC00  }
0x1c: {  	[tilespmem:s17], [sflag:$0x1] =	stream.indirect.gather [hbm4b:s5+s16], $0x80, s3, s16, $0xb8;
	[tilespmem:$0x1E480] =	vst v63  }
0x1d: {  	_ = 	snop  }
0x1e: {  	[tilespmem:s18], [sflag:$0x2] =	stream.indirect.gather [hbm4b:s5+s16], $0x80, s16, s16, $0xb8;
	[tilespmem:$0x1E480] =	vst v63  }
0x1f: {  	[spmem:s20], [sflag:s19] =	dma.local [hbm:s8], $0x2700  }
0x20: {  	_ =	swait.ge [sflag:s14], $0x2700  }
0x21: {  	[sflag:s14] =	ssyncset.done $0x0  }
0x22: {  	s2 =	simm.s32 @!p0 $0x5;
	[sflag:s14] =	ssyncadd.s32 $0xFFFFD900  }
0x23: {  	[spmem:s21], [sflag:s19] =	dma.local @!p0 [hbm:s9], $0x100  }
0x24: {  	_ =	swait.ge @!p0 [sflag:s2], $0x100  }
0x25: {  	[sflag:s2] =	ssyncset.done @!p0 $0x0  }
0x26: {  	[sflag:s2] =	ssyncadd.s32 @!p0 $0xFFFFFF00  }
0x27: {  	[bflag:$0x0] =	sbarrier.arrive $0xFFFF  }
0x28: {  	_ =	swait.ge [sflag:s22], $0x4000  }
0x29: {  	[sflag:s22] =	ssyncset.done $0x0  }
0x2a: {  	s29 =	simm.s32 $0x1400;
	[sflag:s22] =	ssyncadd.s32 $0xFFFFC000  }
0x2b: {  	[spmem:s1] =	stream.indirect.scatter.add.f32 [tilespmem:s17], [sflag:$0x3], $0x80, s29, s16, $0xb8;
	[tilespmem:$0x1E480] =	vst v63  }
0x2c: {  	_ =	swait.ge [sflag:s23], $0x4000  }
0x2d: {  	[sflag:s23] =	ssyncset.done $0x0  }
0x2e: {  	s29 =	simm.s32 $0x100;
	[sflag:s23] =	ssyncadd.s32 $0xFFFFC000  }
0x2f: {  	[tilespmem:s17], [sflag:$0x1] =	stream.indirect.gather [hbm4b:s5+s16], $0x80, s29, s16, $0xb8;
	[tilespmem:$0x1E480] =	vst v63  }
0x30: {  	_ =	swait.ge [sflag:s24], $0x4000  }
0x31: {  	[sflag:s24] =	ssyncset.done $0x0  }
0x32: {  	s29 =	simm.s32 $0x1480;
	[sflag:s24] =	ssyncadd.s32 $0xFFFFC000  }
0x33: {  	[spmem:s1] =	stream.indirect.scatter.add.f32 [tilespmem:s18], [sflag:$0x4], $0x80, s29, s16, $0xb8;
	[tilespmem:$0x1E480] =	vst v63  }
0x34: {  	_ =	swait.ge [sflag:s25], $0x4000  }
0x35: {  	[sflag:s25] =	ssyncset.done $0x0  }
0x36: {  	s28 =	simm.s32 $0x180;
	s2 =	simm.s32 $0x400;
	[sflag:s25] =	ssyncadd.s32 $0xFFFFC000  }
.LBB2_2:
0x37: {  	[tilespmem:s18], [sflag:$0x2] =	stream.indirect.gather [hbm4b:s5+s16], $0x80, s28, s16, $0xb8;
	[tilespmem:$0x1E480] =	vst v63  }
0x38: {  	s28 =	smov.u32 s2  }
0x39: {  	p1 =	sne.s32 s2, $0x4800;
	s2 =	sadd.s32 $0x400, s2;
	_ =	swait.ge [sflag:s22], $0x4000  }
0x3a: {  	s28 =	sshra.s32 s28, $0x2;
	[sflag:s22] =	ssyncset.done $0x0  }
0x3b: {  	s29 =	sadd.s32 $0x1400, s28;
	[sflag:s22] =	ssyncadd.s32 $0xFFFFC000  }
0x3c: {  	[spmem:s1] =	stream.indirect.scatter.add.f32 [tilespmem:s17], [sflag:$0x3], $0x80, s29, s16, $0xb8;
	[tilespmem:$0x1E480] =	vst v63  }
0x3d: {  	_ =	swait.ge [sflag:s23], $0x4000  }
0x3e: {  	[sflag:s23] =	ssyncset.done $0x0  }
0x3f: {  	s29 =	sadd.s32 $0x100, s28;
	[sflag:s23] =	ssyncadd.s32 $0xFFFFC000  }
0x40: {  	[tilespmem:s17], [sflag:$0x1] =	stream.indirect.gather [hbm4b:s5+s16], $0x80, s29, s16, $0xb8;
	[tilespmem:$0x1E480] =	vst v63  }
0x41: {  	_ =	swait.ge [sflag:s24], $0x4000  }
0x42: {  	[sflag:s24] =	ssyncset.done $0x0  }
.Ltmp0:
0x43: {  	s29 =	sadd.s32 $0x1480, s28;
	[sflag:s24] =	ssyncadd.s32 $0xFFFFC000;
	(pc) =	sbr.rel @p1 .LBB2_2-.Ltmp0, $4  }
0x44: {  	[spmem:s1] =	stream.indirect.scatter.add.f32 [tilespmem:s18], [sflag:$0x4], $0x80, s29, s16, $0xb8;
	[tilespmem:$0x1E480] =	vst v63  }
0x45: {  	_ =	swait.ge [sflag:s25], $0x4000  }
0x46: {  	[sflag:s25] =	ssyncset.done $0x0  }
0x47: {  	s28 =	sadd.s32 $0x180, s28;
	[sflag:s25] =	ssyncadd.s32 $0xFFFFC000  }
0x48: {  	[tilespmem:s18], [sflag:$0x2] =	stream.indirect.gather [hbm4b:s5+s16], $0x80, s28, s16, $0xb8;
	[tilespmem:$0x1E480] =	vst v63  }
0x49: {  	_ =	swait.ge [sflag:s22], $0x4000  }
0x4a: {  	[sflag:s22] =	ssyncset.done $0x0  }
0x4b: {  	[sflag:s22] =	ssyncadd.s32 $0xFFFFC000  }
0x4c: {  	[spmem:s1] =	stream.indirect.scatter.add.f32 [tilespmem:s17], [sflag:$0x3], $0x80, s26, s16, $0xb8;
	[tilespmem:$0x1E480] =	vst v63  }
0x4d: {  	_ =	swait.ge [sflag:s24], $0x4000  }
0x4e: {  	[sflag:s24] =	ssyncset.done $0x0  }
0x4f: {  	s2 =	simm.s32 $0x2780;
	[sflag:s24] =	ssyncadd.s32 $0xFFFFC000  }
0x50: {  	[spmem:s1] =	stream.indirect.scatter.add.f32 [tilespmem:s18], [sflag:$0x4], $0x80, s2, s16, $0xb8;
	[tilespmem:$0x1E480] =	vst v63  }
0x51: {  	_ =	swait.ge [sflag:s23], $0x4000  }
0x52: {  	[sflag:s23] =	ssyncset.done $0x0  }
0x53: {  	[sflag:s23] =	ssyncadd.s32 $0xFFFFC000  }
0x54: {  	_ =	swait.ge [sflag:s25], $0x4000  }
0x55: {  	[sflag:s25] =	ssyncset.done $0x0  }
0x56: {  	s29 =	simm.s32 $0x0;
	[sflag:s25] =	ssyncadd.s32 $0xFFFFC000  }
0x57: {  	[tilespmem:s29], [sflag:$0x5] =	stream.linear.gather [hbm4b:s10+s29], $0x1380, $0x38;
	[tilespmem:$0x1E480] =	vst v63  }
0x58: {  	_ =	swait.ge [sflag:s14], $0x1380  }
0x59: {  	[sflag:s14] =	ssyncset.done $0x0  }
0x5a: {  	[sflag:s14] =	ssyncadd.s32 $0xFFFFEC80  }
0x5b: {  	[tilespmem:s15], [sflag:$0x5] =	stream.linear.gather [hbm4b:s11+s29], $0x1380, $0x38;
	[tilespmem:$0x1E480] =	vst v63  }
0x5c: {  	_ =	swait.ge [sflag:s14], $0x1380  }
0x5d: {  	[sflag:s14] =	ssyncset.done $0x0  }
0x5e: {  	[sflag:s14] =	ssyncadd.s32 $0xFFFFEC80  }
0x5f: {  	[tilespmem:s17], [sflag:$0x1] =	stream.indirect.gather [hbm4b:s5+s16], $0x80, s29, s16, $0xb8;
	[tilespmem:$0x1E480] =	vst v63  }
0x60: {  	_ = 	snop  }
0x61: {  	[tilespmem:s18], [sflag:$0x2] =	stream.indirect.gather [hbm4b:s5+s16], $0x80, s16, s16, $0xb8;
	[tilespmem:$0x1E480] =	vst v63  }
0x62: {  	_ =	swait.ge [sflag:s22], $0x4000  }
0x63: {  	[sflag:s22] =	ssyncset.done $0x0  }
0x64: {  	s29 =	simm.s32 $0x1400;
	[sflag:s22] =	ssyncadd.s32 $0xFFFFC000  }
0x65: {  	[spmem:s1] =	stream.indirect.scatter.add.f32 [tilespmem:s17], [sflag:$0x3], $0x80, s29, s16, $0xb8;
	[tilespmem:$0x1E480] =	vst v63  }
0x66: {  	_ =	swait.ge [sflag:s23], $0x4000  }
0x67: {  	[sflag:s23] =	ssyncset.done $0x0  }
0x68: {  	s29 =	simm.s32 $0x100;
	[sflag:s23] =	ssyncadd.s32 $0xFFFFC000  }
0x69: {  	[tilespmem:s17], [sflag:$0x1] =	stream.indirect.gather [hbm4b:s5+s16], $0x80, s29, s16, $0xb8;
	[tilespmem:$0x1E480] =	vst v63  }
0x6a: {  	_ =	swait.ge [sflag:s24], $0x4000  }
0x6b: {  	[sflag:s24] =	ssyncset.done $0x0  }
0x6c: {  	s29 =	simm.s32 $0x1480;
	[sflag:s24] =	ssyncadd.s32 $0xFFFFC000  }
0x6d: {  	[spmem:s1] =	stream.indirect.scatter.add.f32 [tilespmem:s18], [sflag:$0x4], $0x80, s29, s16, $0xb8;
	[tilespmem:$0x1E480] =	vst v63  }
0x6e: {  	_ =	swait.ge [sflag:s25], $0x4000  }
0x6f: {  	[sflag:s25] =	ssyncset.done $0x0  }
0x70: {  	s28 =	simm.s32 $0x180;
	s2 =	simm.s32 $0x400;
	[sflag:s25] =	ssyncadd.s32 $0xFFFFC000  }
.LBB2_4:
0x71: {  	[tilespmem:s18], [sflag:$0x2] =	stream.indirect.gather [hbm4b:s5+s16], $0x80, s28, s16, $0xb8;
	[tilespmem:$0x1E480] =	vst v63  }
0x72: {  	s28 =	smov.u32 s2  }
0x73: {  	p1 =	sne.s32 s2, $0x4400;
	s2 =	sadd.s32 $0x400, s2;
	_ =	swait.ge [sflag:s22], $0x4000  }
0x74: {  	s28 =	sshra.s32 s28, $0x2;
	[sflag:s22] =	ssyncset.done $0x0  }
0x75: {  	s29 =	sadd.s32 $0x1400, s28;
	[sflag:s22] =	ssyncadd.s32 $0xFFFFC000  }
0x76: {  	[spmem:s1] =	stream.indirect.scatter.add.f32 [tilespmem:s17], [sflag:$0x3], $0x80, s29, s16, $0xb8;
	[tilespmem:$0x1E480] =	vst v63  }
0x77: {  	_ =	swait.ge [sflag:s23], $0x4000  }
0x78: {  	[sflag:s23] =	ssyncset.done $0x0  }
0x79: {  	s29 =	sadd.s32 $0x100, s28;
	[sflag:s23] =	ssyncadd.s32 $0xFFFFC000  }
0x7a: {  	[tilespmem:s17], [sflag:$0x1] =	stream.indirect.gather [hbm4b:s5+s16], $0x80, s29, s16, $0xb8;
	[tilespmem:$0x1E480] =	vst v63  }
0x7b: {  	_ =	swait.ge [sflag:s24], $0x4000  }
0x7c: {  	[sflag:s24] =	ssyncset.done $0x0  }
.Ltmp1:
0x7d: {  	s29 =	sadd.s32 $0x1480, s28;
	[sflag:s24] =	ssyncadd.s32 $0xFFFFC000;
	(pc) =	sbr.rel @p1 .LBB2_4-.Ltmp1, $4  }
0x7e: {  	[spmem:s1] =	stream.indirect.scatter.add.f32 [tilespmem:s18], [sflag:$0x4], $0x80, s29, s16, $0xb8;
	[tilespmem:$0x1E480] =	vst v63  }
0x7f: {  	_ =	swait.ge [sflag:s25], $0x4000  }
0x80: {  	[sflag:s25] =	ssyncset.done $0x0  }
0x81: {  	s28 =	sadd.s32 $0x180, s28;
	[sflag:s25] =	ssyncadd.s32 $0xFFFFC000  }
0x82: {  	[tilespmem:s18], [sflag:$0x2] =	stream.indirect.gather [hbm4b:s5+s16], $0x80, s28, s16, $0xb8;
	[tilespmem:$0x1E480] =	vst v63  }
0x83: {  	_ =	swait.ge [sflag:s22], $0x4000  }
0x84: {  	[sflag:s22] =	ssyncset.done $0x0  }
0x85: {  	s2 =	simm.s32 $0x2600;
	[sflag:s22] =	ssyncadd.s32 $0xFFFFC000  }
0x86: {  	[spmem:s1] =	stream.indirect.scatter.add.f32 [tilespmem:s17], [sflag:$0x3], $0x80, s2, s16, $0xb8;
	[tilespmem:$0x1E480] =	vst v63  }
0x87: {  	_ =	swait.ge [sflag:s24], $0x4000  }
0x88: {  	[sflag:s24] =	ssyncset.done $0x0  }
0x89: {  	[sflag:s24] =	ssyncadd.s32 $0xFFFFC000  }
0x8a: {  	[spmem:s1] =	stream.indirect.scatter.add.f32 [tilespmem:s18], [sflag:$0x4], $0x80, s30, s16, $0xb8;
	[tilespmem:$0x1E480] =	vst v63  }
0x8b: {  	_ =	swait.ge [sflag:s23], $0x4000  }
0x8c: {  	[sflag:s23] =	ssyncset.done $0x0  }
0x8d: {  	[sflag:s23] =	ssyncadd.s32 $0xFFFFC000  }
0x8e: {  	[tilespmem:s17], [sflag:$0x5] =	stream.indirect.gather [hbm4b:s5+s16], $0x80, s31, s16, $0xb8;
	[tilespmem:$0x1E480] =	vst v63  }
0x8f: {  	_ =	swait.ge [sflag:s14], $0x4000  }
0x90: {  	[sflag:s14] =	ssyncset.done $0x0  }
0x91: {  	[sflag:s14] =	ssyncadd.s32 $0xFFFFC000  }
0x92: {  	[spmem:s1] =	stream.indirect.scatter.add.f32 [tilespmem:s17], [sflag:$0x3], $0x80, s26, s16, $0xb8;
	[tilespmem:$0x1E480] =	vst v63  }
0x93: {  	_ =	swait.ge [sflag:s23], $0x4000  }
0x94: {  	[sflag:s23] =	ssyncset.done $0x0  }
0x95: {  	[sflag:s23] =	ssyncadd.s32 $0xFFFFC000  }
0x96: {  	_ =	swait.ge [sflag:s25], $0x4000  }
0x97: {  	[sflag:s25] =	ssyncset.done $0x0  }
0x98: {  	[sflag:s25] =	ssyncadd.s32 $0xFFFFC000  }
0x99: {  	s29 =	sadd.s32 s4, s12;
	[bflag:$0x0] =	sbarrier.arrive $0xFFFF  }
0x9a: {  	[hbm:s29], [sflag:s19] =	dma.local [spmem:s20], $0x2700  }
0x9b: {  	_ =	swait.ge [sflag:s14], $0x2700  }
0x9c: {  	s0 =	sadd.s32 $0x1, s0;
	[sflag:s14] =	ssyncset.done $0x0  }
0x9d: {  	p1 =	sne.s32 s0, s13;
	s2 =	sadd.s32 @!p0 $0x27000, s12;
	[sflag:s14] =	ssyncadd.s32 $0xFFFFD900  }
0x9e: {  	[hbm:s2], [sflag:s19] =	dma.local @!p0 [spmem:s21], $0x100  }
.Ltmp2:
0x9f: {  	_ = 	snop;
	(pc) =	sbr.rel @p1 .LBB2_1-.Ltmp2, $4  }
0xa0: {  	s2 =	simm.s32 @!p0 $0x5  }
0xa1: {  	_ =	swait.ge @!p0 [sflag:s2], $0x100  }
0xa2: {  	[sflag:s2] =	ssyncset.done @!p0 $0x0  }
0xa3: {  	[sflag:s2] =	ssyncadd.s32 @!p0 $0xFFFFFF00  }
0xa4: {  	_ =	sfence.sel $0x180000  }
0xa5: {  	[bflag:$0x0] =	sbarrier.arrive $0xFFFF  }
0xa6: {  	_ =	strace $0x9000004D  }
0xa7: {  	s0 =	stileid.u32;
	[bflag:$0x2] =	sbarrier.arrive $0xFFFF  }
0xa8: {  	p0 =	sne.s32 s0, $0x0;
	s0 =	rddreg [dreg:$0x2]  }
0xa9: {  	s0 =	sadd.s32 @!p0 $0x100000, s0  }
0xaa: {  	[sflag:s0] =	ssyncadd.tile.s32 @!p0 $0x1;
	_ =	shalt  }
.Lfunc_end2:
_tile_overlayer_lowered:
.L_overlay_start_2:
0xab: {  	(tag) =	ssettag $0x2  }
0xac: {  	s0 =	rddreg [dreg:$0x0];
	s2 =	stileid.u32  }
0xad: {  	s1 =	rddreg [dreg:$0x1];
	p0 =	sne.s32 s2, $0x0  }
0xae: {  	s3 =	rddreg [dreg:$0x2];
	[bflag:$0x3] =	sbarrier.arrive $0xFFFF;
	s2 =	simm.s32 @!p0 $0x1C05  }
0xaf: {  	[timem:s3], [sflag:s2] =	dma.local @!p0 [hbm:s0], s1  }
0xb0: {  	s0 =	simm.s32 @!p0 $0x5  }
0xb1: {  	_ =	swait.ge @!p0 [sflag:s0], s1  }
0xb2: {  	s1 =	ssub.s32 @!p0 $0x0, s1;
	[sflag:s0] =	ssyncset.done @!p0 $0x0  }
0xb3: {  	[sflag:s0] =	ssyncadd.s32 @!p0 s1  }
0xb4: {  	[bflag:$0x3] =	sbarrier.arrive $0xFFFF  }
0xb5: {  	_ =	shalt  }

// kernel: kernel.20.cloned.1.call-start
scs
__scs_entry_jumppad:
0x0: {  	(pc) =	sbr.rel $0x88, $3  }
0x1: {  	(tag) =	ssettag $0x0;
	lr =	simm.s32 $0x1  }
0x2: {  	[smem:$0x3F98] =	sst lr;
	_ =	strace $0xD0000000  }
0x3: {  	_ = 	snop  }
0x4: {  	_ = 	snop  }
0x5: {  	_ = 	snop  }
0x6: {  	_ = 	snop  }
0x7: {  	_ = 	snop  }
__scs_overlays_trampoline_lowered:
0x8: {  	[smem:$0x3FA7] =	sst s0  }
0x9: {  	[smem:$0x3FA8] =	sst s1  }
0xa: {  	[smem:$0x3FA9] =	sst s2  }
0xb: {  	[smem:$0x3FAA] =	sst s3  }
0xc: {  	[smem:$0x3FAB] =	sst s4  }
0xd: {  	[smem:$0x3FAC] =	sst s5  }
0xe: {  	[smem:$0x3FAD] =	sst s6  }
0xf: {  	[smem:$0x3FAE] =	sst s7  }
0x10: {  	[smem:$0x3FAF] =	sst s8  }
0x11: {  	[smem:$0x3FB0] =	sst s9;
	s0 =	simm.s32 @!p0 $0x0  }
0x12: {  	s1 =	sld [smem:$0x3F96];
	s0 =	simm.s32 @p0 $0x1  }
0x13: {  	[smem:$0x3FB1] =	sst s0;
	s0 =	simm.s32 @!p1 $0x0  }
0x14: {  	s2 =	sld [smem:$0x3F95];
	s0 =	simm.s32 @p1 $0x1  }
0x15: {  	[smem:$0x3FB2] =	sst s0;
	s0 =	simm.s32 @!p2 $0x0  }
0x16: {  	s3 =	sld [smem:$0x3FDB];
	s0 =	simm.s32 @p2 $0x1  }
0x17: {  	s4 =	simm.s32 $0x1BF5;
	[smem:$0x3FB4] =	sst s0  }
0x18: {  	s0 =	sld [smem:$0x3F97];
	_ =	swait.ge [sflag:s4], $0x0  }
0x19: {  	s7 =	sld [smem:$0x3F98]  }
0x1a: {  	s8 =	sadd.s32 $0xFFFFE003, lr  }
0x1b: {  	s9 =	sadd.s32 $0xFFFFFEF7, lr;
	s5 =	simm.s32 $0xFFFFFFFF;
	p2 =	slt.u32 s8, $0xFFFFF086  }
0x1c: {  	p1 =	slt.u32 s9, $0xF7A;
	s5 =	simm.s32 @!p2 $0x0  }
0x1d: {  	s5 =	simm.s32 @p1 $0x1;
	p0 =	seq.s32 s7, s2  }
0x1e: {  	s7 =	smul.u32 @!p0 $0xF7A, s2;
	p2 =	seq.s32 @!p0 s5, $0x0  }
0x1f: {  	s9 =	smul.u32 $0xF7A, s1;
	s8 =	simm.s32 @!p0 $0x1BF5;
	p2 =	por !p2, p0  }
0x20: {  	[sflag:s8] =	ssyncset.s32 @!p0 $0xFFFFF086;
	s6 =	sadd.s32 @!p0 s3, s7;
	s7 =	simm.s32 @!p0 $0x108  }
0x21: {  	s3 =	sadd.s32 s3, s9;
	s6 =	sadd.s32 @!p0 $0x88, s6;
	s7 =	simm.s32 @p2 $0x1082  }
0x22: {  	[simem:s7], [sflag:s8] =	dma.local @!p0 [hbm:s6], $0xF7A  }
0x23: {  	s9 =	sor.u32 $0xD0000000, s2;
	s6 =	simm.s32 $0x108;
	_ =	swait.ge @!p0 [sflag:s8], $0x0  }
0x24: {  	s3 =	sadd.s32 $0x88, s3;
	s6 =	simm.s32 @!p1 $0x1082;
	[sflag:s4] =	ssyncset.s32 $0xFFFFF086  }
0x25: {  	[simem:s6], [sflag:s4] =	dma.local [hbm:s3], $0xF7A  }
0x26: {  	[smem:$0x3F98] =	sst s1;
	(tag) =	ssettag s2;
	_ =	strace s9  }
0x27: {  	s1 =	sld [smem:$0x3FA8]  }
0x28: {  	s2 =	sld [smem:$0x3FA9]  }
0x29: {  	s4 =	sld [smem:$0x3FAB]  }
0x2a: {  	p0 =	seq.s32 s5, $0x0;
	s5 =	sld [smem:$0x3FAC]  }
0x2b: {  	s6 =	sld [smem:$0x3FAD]  }
0x2c: {  	s7 =	sld [smem:$0x3FAE]  }
0x2d: {  	s3 =	simm.s32 $0x108;
	s8 =	sld [smem:$0x3FAF]  }
0x2e: {  	s3 =	simm.s32 @!p0 $0x1082;
	s9 =	sld [smem:$0x3FB0]  }
0x2f: {  	lr =	sadd.s32 s0, s3;
	s0 =	sld [smem:$0x3FA7]  }
0x30: {  	s3 =	sld [smem:$0x3FAA]  }
0x31: {  	[smem:$0x3FB3] =	sst s10  }
0x32: {  	s10 =	sld [smem:$0x3FB1];
	_ =	sdelay $0x3  }
0x33: {  	p0 =	seq.s32 s10, $0x1;
	s10 =	sld [smem:$0x3FB3];
	_ =	sdelay $0x3  }
0x34: {  	[smem:$0x3FB3] =	sst s10  }
0x35: {  	s10 =	sld [smem:$0x3FB2];
	_ =	sdelay $0x3  }
0x36: {  	p1 =	seq.s32 s10, $0x1;
	s10 =	sld [smem:$0x3FB3];
	_ =	sdelay $0x3  }
0x37: {  	[smem:$0x3FB3] =	sst s10  }
0x38: {  	s10 =	sld [smem:$0x3FB4]  }
0x39: {  	_ = 	snop;
	(pc) =	sbr.ind lr, $3  }
0x3a: {  	_ = 	snop  }
0x3b: {  	_ = 	snop  }
0x3c: {  	p2 =	seq.s32 s10, $0x1;
	s10 =	sld [smem:$0x3FB3]  }
0x3d: {  	_ =	shalt  }
0x3e: {  	_ =	shalt  }
0x3f: {  	_ =	shalt  }
0x40: {  	_ =	shalt  }
0x41: {  	_ =	shalt  }
0x42: {  	_ =	shalt  }
0x43: {  	_ =	shalt  }
0x44: {  	_ =	shalt  }
0x45: {  	_ =	shalt  }
0x46: {  	_ =	shalt  }
0x47: {  	_ =	shalt  }
0x48: {  	_ =	shalt  }
0x49: {  	_ =	shalt  }
0x4a: {  	_ =	shalt  }
0x4b: {  	_ =	shalt  }
0x4c: {  	_ =	shalt  }
0x4d: {  	_ =	shalt  }
0x4e: {  	_ =	shalt  }
0x4f: {  	_ =	shalt  }
0x50: {  	_ =	shalt  }
0x51: {  	_ =	shalt  }
0x52: {  	_ =	shalt  }
0x53: {  	_ =	shalt  }
0x54: {  	_ =	shalt  }
0x55: {  	_ =	shalt  }
0x56: {  	_ =	shalt  }
0x57: {  	_ =	shalt  }
0x58: {  	_ =	shalt  }
0x59: {  	_ =	shalt  }
0x5a: {  	_ =	shalt  }
0x5b: {  	_ =	shalt  }
0x5c: {  	_ =	shalt  }
0x5d: {  	_ =	shalt  }
0x5e: {  	_ =	shalt  }
0x5f: {  	_ =	shalt  }
0x60: {  	_ =	shalt  }
0x61: {  	_ =	shalt  }
0x62: {  	_ =	shalt  }
0x63: {  	_ =	shalt  }
0x64: {  	_ =	shalt  }
0x65: {  	_ =	shalt  }
0x66: {  	_ =	shalt  }
0x67: {  	_ =	shalt  }
0x68: {  	_ =	shalt  }
0x69: {  	_ =	shalt  }
0x6a: {  	_ =	shalt  }
0x6b: {  	_ =	shalt  }
0x6c: {  	_ =	shalt  }
0x6d: {  	_ =	shalt  }
0x6e: {  	_ =	shalt  }
0x6f: {  	_ =	shalt  }
0x70: {  	_ =	shalt  }
0x71: {  	_ =	shalt  }
0x72: {  	_ =	shalt  }
0x73: {  	_ =	shalt  }
0x74: {  	_ =	shalt  }
0x75: {  	_ =	shalt  }
0x76: {  	_ =	shalt  }
0x77: {  	_ =	shalt  }
0x78: {  	_ =	shalt  }
0x79: {  	_ =	shalt  }
0x7a: {  	_ =	shalt  }
0x7b: {  	_ =	shalt  }
0x7c: {  	_ =	shalt  }
0x7d: {  	_ =	shalt  }
0x7e: {  	_ =	shalt  }
0x7f: {  	_ =	shalt  }
0x80: {  	_ =	shalt  }
0x81: {  	_ =	shalt  }
0x82: {  	_ =	shalt  }
0x83: {  	_ =	shalt  }
0x84: {  	_ =	shalt  }
0x85: {  	_ =	shalt  }
0x86: {  	_ =	shalt  }
0x87: {  	_ =	shalt  }
.Lfunc_end0:
.L_simem_size_0:
called_computation.3_lowered:
.L_overlay_start_0:
0x88: {  	s2 =	sld [smem:$0x3FD9]  }
0x89: {  	s3 =	sld [smem:$0x3FFE];
	_ =	sdelay $0x1  }
0x8a: {  	s1 =	srdreg.scid  }
0x8b: {  	s0 =	sand.u32 $0x1, s1  }
0x8c: {  	s16 =	sshll.u32 s0, $0xA;
	s2 =	sadd.s32 s3, s2  }
0x8d: {  	s2 =	sadd.s32 s2, s16  }
0x8e: {  	[smem:$0x3FBF] =	sst s2  }
0x8f: {  	_ = 	snop  }
0x90: {  	(tm) =	ssettm $0x1  }
0x91: {  	s17 =	sld [smem:$0x3FFB];
	_ =	sdelay $0x3  }
0x92: {  	_ =	strace s17  }
0x93: {  	s2 =	sld [smem:$0x3FFC];
	_ =	sdelay $0x3  }
0x94: {  	_ =	strace s2  }
0x95: {  	s2 =	sld [smem:$0x3FFD];
	_ =	sdelay $0x3  }
0x96: {  	_ =	strace s2  }
0x97: {  	_ =	strace $0x8FFFFFFF  }
0x98: {  	s18 =	sld [smem:$0x3FDB];
	_ =	sdelay $0x1  }
0x99: {  	s19 =	simm.s32 $_scs_section_size  }
0x9a: {  	s4 =	simm.s32 $_size__tile_overlayer_lowered;
	s5 =	simm.s32 $_tile_overlayer_lowered  }
0x9b: {  	s22 =	simm.s32 $0x1BFF;
	s21 =	sshll.u32 s5, $0x1;
	s2 =	sadd.s32 s19, s18  }
0x9c: {  	s6 =	simm.s32 $0x0;
	s20 =	sshll.u32 s4, $0x1;
	s4 =	sadd.s32 s21, s2  }
0x9d: {  	[timem:s6], [sflag:s22] =	dma.local [hbm:s4], s20  }
0x9e: {  	_ =	swait.ge [sflag:s22], s20  }
0x9f: {  	s3 =	ssub.s32 $0x0, s20;
	[sflag:s22] =	ssyncset.done $0x0  }
0xa0: {  	[sflag:s22] =	ssyncadd.s32 s3;
	_ =	sdelay $0x1  }
0xa1: {  	s23 =	simm.s32 $0x1B8B  }
0xa2: {  	_ =	swait.ge [sflag:s23], $0x1  }
0xa3: {  	[sflag:s23] =	ssyncset.done $0x0  }
0xa4: {  	s25 =	simm.s32 $0x1B8E;
	s24 =	sld [smem:$0x3FFE];
	[sflag:s23] =	ssyncadd.s32 $0xFFFFFFFF  }
0xa5: {  	s26 =	simm.s32 $execute0_lowered;
	[smem:$0x3FD2] =	sst s25  }
0xa6: {  	s4 =	sshll.u32 s26, $0x1;
	_ =	strace $0x8000004F;
	[dreg:$0x1] =	wrdreg $0xFFFFFFFF  }
0xa7: {  	s28 =	simm.s32 $_size_execute0_lowered;
	s2 =	sadd.s32 s2, s4;
	[dreg:$0x0] =	wrdreg $0x0  }
0xa8: {  	s4 =	sshll.u32 s28, $0x1;
	[dreg:$0x2] =	wrdreg s2  }
0xa9: {  	[dreg:$0x3] =	wrdreg s4  }
0xaa: {  	[dreg:$0x4] =	wrdreg $0xC0  }
0xab: {  	_ =	task [dreg:s6], $0x5FFFF  }
0xac: {  	[dreg:$0x1] =	wrdreg $0xFFFFFFFF  }
0xad: {  	[dreg:$0x0] =	wrdreg $0x60  }
0xae: {  	[dreg:$0x2] =	wrdreg s24  }
0xaf: {  	[dreg:$0x3] =	wrdreg $0xA8000  }
0xb0: {  	[dreg:$0x4] =	wrdreg $0x9  }
0xb1: {  	_ =	task.clear_ibuf [dreg:s6], $0x5FFFF;
	_ =	strace $0x9000004F  }
0xb2: {  	s29 =	simm.s32 $0x9;
	_ =	strace $0x80000051  }
0xb3: {  	_ =	swait.ge [sflag:s29], $0x1  }
0xb4: {  	[sflag:s29] =	ssyncadd.s32 $0xFFFFFFFF  }
0xb5: {  	_ =	strace $0x90000051  }
0xb6: {  	_ =	sfence  }
0xb7: {  	s30 =	sld [smem:$0x0];
	_ =	sdelay $0x2  }
0xb8: {  	s31 =	sshll.u32 s1, $0xD;
	s1 =	sshrl.u32 s1, $0x2  }
0xb9: {  	s3 =	sand.u32 $0x4000, s31;
	s1 =	sadd.s32 s1, s30  }
0xba: {  	s0 =	sor.u32 s3, s0;
	s1 =	sshll.u32 s1, $0x11  }
0xbb: {  	s0 =	sor.u32 s1, s0  }
0xbc: {  	s0 =	sadd.s32 $0x8F2B, s0  }
0xbd: {  	[sflag:s0] =	ssyncadd.remote.s32 $0x1  }
0xbe: {  	_ =	sfence.sel $0xFFFF  }
0xbf: {  	[dreg:$0x0] =	wrdreg $0xFFFFFFFF;
	(pc) =	sbr.abs _section_cstart, $3  }
0xc0: {  	[dreg:$0x1] =	wrdreg $0xFFFFFFFF  }
0xc1: {  	_ =	task.clear_ibuf [dreg:s6], $0x2FFFF;
	_ =	strace $0x9FFFFFFF  }
0xc2: {  	(tm) =	ssettm $0x7FFFFFFF  }
0xc3: {  	_ =	shalt  }
tec
execute0_lowered:
.L_overlay_start_1:
0x0: {  	(tag) =	ssettag $0x1  }
0x1: {  	s0 =	rddreg [dreg:$0x0]  }
0x2: {  	s1 =	rddreg [dreg:$0x1]  }
0x3: {  	s3 =	simm.s32 $0x0;
	s2 =	srdreg.scid;
	s17 =	stileid.u32  }
0x4: {  	s14 =	simm.s32 $0x5;
	s15 =	simm.s32 $0x1400;
	s16 =	simm.s32 $0x80  }
0x5: {  	s18 =	simm.s32 $0x6800;
	s22 =	simm.s32 $0x1;
	s23 =	simm.s32 $0x3  }
0x6: {  	s24 =	simm.s32 $0x2;
	s25 =	simm.s32 $0x4;
	s30 =	simm.s32 $0x2680  }
0x7: {  	s31 =	simm.s32 $0x1300;
	[smem:$0x7FF] =	sst s3;
	s2 =	sand.u32 $0x1, s2  }
0x8: {  	s4 =	smul.u32 $0x2700, s17;
	s5 =	sadd.s32 $0x34A00, s0;
	s10 =	sadd.s32 $0x82C00, s0  }
0x9: {  	s11 =	sadd.s32 $0x3000, s0;
	s9 =	smul.u32 $0x4E000, s17;
	s21 =	sadd.s32 $0x138000, s1  }
0xa: {  	p0 =	sne.s32 s17, $0xF;
	s29 =	sshll.u32 s17, $0x6;
	_ =	strace $0x80000050  }
0xb: {  	s6 =	sshll.u32 s2, $0x4;
	s7 =	smul.u32 $0x27100, s2;
	s2 =	ssub.s32 $0x2, s2  }
0xc: {  	s19 =	sor.u32 $0x1C05, s29;
	s21 =	sshrl.u32 @!p0 s21, $0x3;
	s6 =	sor.u32 s17, s6  }
0xd: {  	s8 =	sadd.s32 s4, s0;
	s26 =	sshrl.u32 s2, $0x1;
	s9 =	sshrl.u32 s9, $0x2  }
0xe: {  	s17 =	simm.s32 $0x2800;
	s6 =	smul.u32 $0x2800, s6;
	s12 =	sadd.s32 s7, s0  }
0xf: {  	s2 =	ssub.s32 s2, s26;
	s20 =	sadd.s32 s9, s1;
	s8 =	sadd.s32 $0xD800, s8  }
0x10: {  	s9 =	sadd.s32 $0x34800, s0;
	s26 =	simm.s32 $0x2700;
	s0 =	simm.s32 $0x0  }
0x11: {  	s12 =	sadd.s32 $0xB3E00, s12;
	s20 =	sshrl.u32 s20, $0x3;
	s13 =	sshrl.u32 s6, $0x3  }
0x12: {  	s6 =	sadd.s32 s10, s13;
	s7 =	sadd.s32 s11, s13;
	s28 =	sadd.s32 $0x280, s13  }
0x13: {  	s13 =	smax.u32 s2, $0x1;
	s10 =	sadd.s32 s10, s28;
	s11 =	sadd.s32 s11, s28  }
.LBB2_1:
0x14: {  	[tilespmem:s3], [sflag:$0x5] =	stream.linear.gather [hbm4b:s6+s3], $0x1400, $0x38;
	[tilespmem:$0x1E480] =	vst v63  }
0x15: {  	_ =	swait.ge [sflag:s14], $0x1400  }
0x16: {  	[sflag:s14] =	ssyncset.done $0x0  }
0x17: {  	[sflag:s14] =	ssyncadd.s32 $0xFFFFEC00  }
0x18: {  	[tilespmem:s15], [sflag:$0x5] =	stream.linear.gather [hbm4b:s7+s3], $0x1400, $0x38;
	[tilespmem:$0x1E480] =	vst v63  }
0x19: {  	_ =	swait.ge [sflag:s14], $0x1400  }
0x1a: {  	[sflag:s14] =	ssyncset.done $0x0  }
0x1b: {  	[sflag:s14] =	ssyncadd.s32 $0xFFFFEC00  }
0x1c: {  	[tilespmem:s17], [sflag:$0x1] =	stream.indirect.gather [hbm4b:s5+s16], $0x80, s3, s16, $0xb8;
	[tilespmem:$0x1E480] =	vst v63  }
0x1d: {  	_ = 	snop  }
0x1e: {  	[tilespmem:s18], [sflag:$0x2] =	stream.indirect.gather [hbm4b:s5+s16], $0x80, s16, s16, $0xb8;
	[tilespmem:$0x1E480] =	vst v63  }
0x1f: {  	[spmem:s20], [sflag:s19] =	dma.local [hbm:s8], $0x2700  }
0x20: {  	_ =	swait.ge [sflag:s14], $0x2700  }
0x21: {  	[sflag:s14] =	ssyncset.done $0x0  }
0x22: {  	s2 =	simm.s32 @!p0 $0x5;
	[sflag:s14] =	ssyncadd.s32 $0xFFFFD900  }
0x23: {  	[spmem:s21], [sflag:s19] =	dma.local @!p0 [hbm:s9], $0x100  }
0x24: {  	_ =	swait.ge @!p0 [sflag:s2], $0x100  }
0x25: {  	[sflag:s2] =	ssyncset.done @!p0 $0x0  }
0x26: {  	[sflag:s2] =	ssyncadd.s32 @!p0 $0xFFFFFF00  }
0x27: {  	[bflag:$0x0] =	sbarrier.arrive $0xFFFF  }
0x28: {  	_ =	swait.ge [sflag:s22], $0x4000  }
0x29: {  	[sflag:s22] =	ssyncset.done $0x0  }
0x2a: {  	s29 =	simm.s32 $0x1400;
	[sflag:s22] =	ssyncadd.s32 $0xFFFFC000  }
0x2b: {  	[spmem:s1] =	stream.indirect.scatter.add.f32 [tilespmem:s17], [sflag:$0x3], $0x80, s29, s16, $0xb8;
	[tilespmem:$0x1E480] =	vst v63  }
0x2c: {  	_ =	swait.ge [sflag:s23], $0x4000  }
0x2d: {  	[sflag:s23] =	ssyncset.done $0x0  }
0x2e: {  	s29 =	simm.s32 $0x100;
	[sflag:s23] =	ssyncadd.s32 $0xFFFFC000  }
0x2f: {  	[tilespmem:s17], [sflag:$0x1] =	stream.indirect.gather [hbm4b:s5+s16], $0x80, s29, s16, $0xb8;
	[tilespmem:$0x1E480] =	vst v63  }
0x30: {  	_ =	swait.ge [sflag:s24], $0x4000  }
0x31: {  	[sflag:s24] =	ssyncset.done $0x0  }
0x32: {  	s29 =	simm.s32 $0x1480;
	[sflag:s24] =	ssyncadd.s32 $0xFFFFC000  }
0x33: {  	[spmem:s1] =	stream.indirect.scatter.add.f32 [tilespmem:s18], [sflag:$0x4], $0x80, s29, s16, $0xb8;
	[tilespmem:$0x1E480] =	vst v63  }
0x34: {  	_ =	swait.ge [sflag:s25], $0x4000  }
0x35: {  	[sflag:s25] =	ssyncset.done $0x0  }
0x36: {  	s28 =	simm.s32 $0x180;
	s2 =	simm.s32 $0x400;
	[sflag:s25] =	ssyncadd.s32 $0xFFFFC000  }
.LBB2_2:
0x37: {  	[tilespmem:s18], [sflag:$0x2] =	stream.indirect.gather [hbm4b:s5+s16], $0x80, s28, s16, $0xb8;
	[tilespmem:$0x1E480] =	vst v63  }
0x38: {  	s28 =	smov.u32 s2  }
0x39: {  	p1 =	sne.s32 s2, $0x4800;
	s2 =	sadd.s32 $0x400, s2;
	_ =	swait.ge [sflag:s22], $0x4000  }
0x3a: {  	s28 =	sshra.s32 s28, $0x2;
	[sflag:s22] =	ssyncset.done $0x0  }
0x3b: {  	s29 =	sadd.s32 $0x1400, s28;
	[sflag:s22] =	ssyncadd.s32 $0xFFFFC000  }
0x3c: {  	[spmem:s1] =	stream.indirect.scatter.add.f32 [tilespmem:s17], [sflag:$0x3], $0x80, s29, s16, $0xb8;
	[tilespmem:$0x1E480] =	vst v63  }
0x3d: {  	_ =	swait.ge [sflag:s23], $0x4000  }
0x3e: {  	[sflag:s23] =	ssyncset.done $0x0  }
0x3f: {  	s29 =	sadd.s32 $0x100, s28;
	[sflag:s23] =	ssyncadd.s32 $0xFFFFC000  }
0x40: {  	[tilespmem:s17], [sflag:$0x1] =	stream.indirect.gather [hbm4b:s5+s16], $0x80, s29, s16, $0xb8;
	[tilespmem:$0x1E480] =	vst v63  }
0x41: {  	_ =	swait.ge [sflag:s24], $0x4000  }
0x42: {  	[sflag:s24] =	ssyncset.done $0x0  }
.Ltmp0:
0x43: {  	s29 =	sadd.s32 $0x1480, s28;
	[sflag:s24] =	ssyncadd.s32 $0xFFFFC000;
	(pc) =	sbr.rel @p1 .LBB2_2-.Ltmp0, $4  }
0x44: {  	[spmem:s1] =	stream.indirect.scatter.add.f32 [tilespmem:s18], [sflag:$0x4], $0x80, s29, s16, $0xb8;
	[tilespmem:$0x1E480] =	vst v63  }
0x45: {  	_ =	swait.ge [sflag:s25], $0x4000  }
0x46: {  	[sflag:s25] =	ssyncset.done $0x0  }
0x47: {  	s28 =	sadd.s32 $0x180, s28;
	[sflag:s25] =	ssyncadd.s32 $0xFFFFC000  }
0x48: {  	[tilespmem:s18], [sflag:$0x2] =	stream.indirect.gather [hbm4b:s5+s16], $0x80, s28, s16, $0xb8;
	[tilespmem:$0x1E480] =	vst v63  }
0x49: {  	_ =	swait.ge [sflag:s22], $0x4000  }
0x4a: {  	[sflag:s22] =	ssyncset.done $0x0  }
0x4b: {  	[sflag:s22] =	ssyncadd.s32 $0xFFFFC000  }
0x4c: {  	[spmem:s1] =	stream.indirect.scatter.add.f32 [tilespmem:s17], [sflag:$0x3], $0x80, s26, s16, $0xb8;
	[tilespmem:$0x1E480] =	vst v63  }
0x4d: {  	_ =	swait.ge [sflag:s24], $0x4000  }
0x4e: {  	[sflag:s24] =	ssyncset.done $0x0  }
0x4f: {  	s2 =	simm.s32 $0x2780;
	[sflag:s24] =	ssyncadd.s32 $0xFFFFC000  }
0x50: {  	[spmem:s1] =	stream.indirect.scatter.add.f32 [tilespmem:s18], [sflag:$0x4], $0x80, s2, s16, $0xb8;
	[tilespmem:$0x1E480] =	vst v63  }
0x51: {  	_ =	swait.ge [sflag:s23], $0x4000  }
0x52: {  	[sflag:s23] =	ssyncset.done $0x0  }
0x53: {  	[sflag:s23] =	ssyncadd.s32 $0xFFFFC000  }
0x54: {  	_ =	swait.ge [sflag:s25], $0x4000  }
0x55: {  	[sflag:s25] =	ssyncset.done $0x0  }
0x56: {  	s29 =	simm.s32 $0x0;
	[sflag:s25] =	ssyncadd.s32 $0xFFFFC000  }
0x57: {  	[tilespmem:s29], [sflag:$0x5] =	stream.linear.gather [hbm4b:s10+s29], $0x1380, $0x38;
	[tilespmem:$0x1E480] =	vst v63  }
0x58: {  	_ =	swait.ge [sflag:s14], $0x1380  }
0x59: {  	[sflag:s14] =	ssyncset.done $0x0  }
0x5a: {  	[sflag:s14] =	ssyncadd.s32 $0xFFFFEC80  }
0x5b: {  	[tilespmem:s15], [sflag:$0x5] =	stream.linear.gather [hbm4b:s11+s29], $0x1380, $0x38;
	[tilespmem:$0x1E480] =	vst v63  }
0x5c: {  	_ =	swait.ge [sflag:s14], $0x1380  }
0x5d: {  	[sflag:s14] =	ssyncset.done $0x0  }
0x5e: {  	[sflag:s14] =	ssyncadd.s32 $0xFFFFEC80  }
0x5f: {  	[tilespmem:s17], [sflag:$0x1] =	stream.indirect.gather [hbm4b:s5+s16], $0x80, s29, s16, $0xb8;
	[tilespmem:$0x1E480] =	vst v63  }
0x60: {  	_ = 	snop  }
0x61: {  	[tilespmem:s18], [sflag:$0x2] =	stream.indirect.gather [hbm4b:s5+s16], $0x80, s16, s16, $0xb8;
	[tilespmem:$0x1E480] =	vst v63  }
0x62: {  	_ =	swait.ge [sflag:s22], $0x4000  }
0x63: {  	[sflag:s22] =	ssyncset.done $0x0  }
0x64: {  	s29 =	simm.s32 $0x1400;
	[sflag:s22] =	ssyncadd.s32 $0xFFFFC000  }
0x65: {  	[spmem:s1] =	stream.indirect.scatter.add.f32 [tilespmem:s17], [sflag:$0x3], $0x80, s29, s16, $0xb8;
	[tilespmem:$0x1E480] =	vst v63  }
0x66: {  	_ =	swait.ge [sflag:s23], $0x4000  }
0x67: {  	[sflag:s23] =	ssyncset.done $0x0  }
0x68: {  	s29 =	simm.s32 $0x100;
	[sflag:s23] =	ssyncadd.s32 $0xFFFFC000  }
0x69: {  	[tilespmem:s17], [sflag:$0x1] =	stream.indirect.gather [hbm4b:s5+s16], $0x80, s29, s16, $0xb8;
	[tilespmem:$0x1E480] =	vst v63  }
0x6a: {  	_ =	swait.ge [sflag:s24], $0x4000  }
0x6b: {  	[sflag:s24] =	ssyncset.done $0x0  }
0x6c: {  	s29 =	simm.s32 $0x1480;
	[sflag:s24] =	ssyncadd.s32 $0xFFFFC000  }
0x6d: {  	[spmem:s1] =	stream.indirect.scatter.add.f32 [tilespmem:s18], [sflag:$0x4], $0x80, s29, s16, $0xb8;
	[tilespmem:$0x1E480] =	vst v63  }
0x6e: {  	_ =	swait.ge [sflag:s25], $0x4000  }
0x6f: {  	[sflag:s25] =	ssyncset.done $0x0  }
0x70: {  	s28 =	simm.s32 $0x180;
	s2 =	simm.s32 $0x400;
	[sflag:s25] =	ssyncadd.s32 $0xFFFFC000  }
.LBB2_4:
0x71: {  	[tilespmem:s18], [sflag:$0x2] =	stream.indirect.gather [hbm4b:s5+s16], $0x80, s28, s16, $0xb8;
	[tilespmem:$0x1E480] =	vst v63  }
0x72: {  	s28 =	smov.u32 s2  }
0x73: {  	p1 =	sne.s32 s2, $0x4400;
	s2 =	sadd.s32 $0x400, s2;
	_ =	swait.ge [sflag:s22], $0x4000  }
0x74: {  	s28 =	sshra.s32 s28, $0x2;
	[sflag:s22] =	ssyncset.done $0x0  }
0x75: {  	s29 =	sadd.s32 $0x1400, s28;
	[sflag:s22] =	ssyncadd.s32 $0xFFFFC000  }
0x76: {  	[spmem:s1] =	stream.indirect.scatter.add.f32 [tilespmem:s17], [sflag:$0x3], $0x80, s29, s16, $0xb8;
	[tilespmem:$0x1E480] =	vst v63  }
0x77: {  	_ =	swait.ge [sflag:s23], $0x4000  }
0x78: {  	[sflag:s23] =	ssyncset.done $0x0  }
0x79: {  	s29 =	sadd.s32 $0x100, s28;
	[sflag:s23] =	ssyncadd.s32 $0xFFFFC000  }
0x7a: {  	[tilespmem:s17], [sflag:$0x1] =	stream.indirect.gather [hbm4b:s5+s16], $0x80, s29, s16, $0xb8;
	[tilespmem:$0x1E480] =	vst v63  }
0x7b: {  	_ =	swait.ge [sflag:s24], $0x4000  }
0x7c: {  	[sflag:s24] =	ssyncset.done $0x0  }
.Ltmp1:
0x7d: {  	s29 =	sadd.s32 $0x1480, s28;
	[sflag:s24] =	ssyncadd.s32 $0xFFFFC000;
	(pc) =	sbr.rel @p1 .LBB2_4-.Ltmp1, $4  }
0x7e: {  	[spmem:s1] =	stream.indirect.scatter.add.f32 [tilespmem:s18], [sflag:$0x4], $0x80, s29, s16, $0xb8;
	[tilespmem:$0x1E480] =	vst v63  }
0x7f: {  	_ =	swait.ge [sflag:s25], $0x4000  }
0x80: {  	[sflag:s25] =	ssyncset.done $0x0  }
0x81: {  	s28 =	sadd.s32 $0x180, s28;
	[sflag:s25] =	ssyncadd.s32 $0xFFFFC000  }
0x82: {  	[tilespmem:s18], [sflag:$0x2] =	stream.indirect.gather [hbm4b:s5+s16], $0x80, s28, s16, $0xb8;
	[tilespmem:$0x1E480] =	vst v63  }
0x83: {  	_ =	swait.ge [sflag:s22], $0x4000  }
0x84: {  	[sflag:s22] =	ssyncset.done $0x0  }
0x85: {  	s2 =	simm.s32 $0x2600;
	[sflag:s22] =	ssyncadd.s32 $0xFFFFC000  }
0x86: {  	[spmem:s1] =	stream.indirect.scatter.add.f32 [tilespmem:s17], [sflag:$0x3], $0x80, s2, s16, $0xb8;
	[tilespmem:$0x1E480] =	vst v63  }
0x87: {  	_ =	swait.ge [sflag:s24], $0x4000  }
0x88: {  	[sflag:s24] =	ssyncset.done $0x0  }
0x89: {  	[sflag:s24] =	ssyncadd.s32 $0xFFFFC000  }
0x8a: {  	[spmem:s1] =	stream.indirect.scatter.add.f32 [tilespmem:s18], [sflag:$0x4], $0x80, s30, s16, $0xb8;
	[tilespmem:$0x1E480] =	vst v63  }
0x8b: {  	_ =	swait.ge [sflag:s23], $0x4000  }
0x8c: {  	[sflag:s23] =	ssyncset.done $0x0  }
0x8d: {  	[sflag:s23] =	ssyncadd.s32 $0xFFFFC000  }
0x8e: {  	[tilespmem:s17], [sflag:$0x5] =	stream.indirect.gather [hbm4b:s5+s16], $0x80, s31, s16, $0xb8;
	[tilespmem:$0x1E480] =	vst v63  }
0x8f: {  	_ =	swait.ge [sflag:s14], $0x4000  }
0x90: {  	[sflag:s14] =	ssyncset.done $0x0  }
0x91: {  	[sflag:s14] =	ssyncadd.s32 $0xFFFFC000  }
0x92: {  	[spmem:s1] =	stream.indirect.scatter.add.f32 [tilespmem:s17], [sflag:$0x3], $0x80, s26, s16, $0xb8;
	[tilespmem:$0x1E480] =	vst v63  }
0x93: {  	_ =	swait.ge [sflag:s23], $0x4000  }
0x94: {  	[sflag:s23] =	ssyncset.done $0x0  }
0x95: {  	[sflag:s23] =	ssyncadd.s32 $0xFFFFC000  }
0x96: {  	_ =	swait.ge [sflag:s25], $0x4000  }
0x97: {  	[sflag:s25] =	ssyncset.done $0x0  }
0x98: {  	[sflag:s25] =	ssyncadd.s32 $0xFFFFC000  }
0x99: {  	s29 =	sadd.s32 s4, s12;
	[bflag:$0x0] =	sbarrier.arrive $0xFFFF  }
0x9a: {  	[hbm:s29], [sflag:s19] =	dma.local [spmem:s20], $0x2700  }
0x9b: {  	_ =	swait.ge [sflag:s14], $0x2700  }
0x9c: {  	s0 =	sadd.s32 $0x1, s0;
	[sflag:s14] =	ssyncset.done $0x0  }
0x9d: {  	p1 =	sne.s32 s0, s13;
	s2 =	sadd.s32 @!p0 $0x27000, s12;
	[sflag:s14] =	ssyncadd.s32 $0xFFFFD900  }
0x9e: {  	[hbm:s2], [sflag:s19] =	dma.local @!p0 [spmem:s21], $0x100  }
.Ltmp2:
0x9f: {  	_ = 	snop;
	(pc) =	sbr.rel @p1 .LBB2_1-.Ltmp2, $4  }
0xa0: {  	s2 =	simm.s32 @!p0 $0x5  }
0xa1: {  	_ =	swait.ge @!p0 [sflag:s2], $0x100  }
0xa2: {  	[sflag:s2] =	ssyncset.done @!p0 $0x0  }
0xa3: {  	[sflag:s2] =	ssyncadd.s32 @!p0 $0xFFFFFF00  }
0xa4: {  	_ =	sfence.sel $0x180000  }
0xa5: {  	[bflag:$0x0] =	sbarrier.arrive $0xFFFF  }
0xa6: {  	_ =	strace $0x90000050  }
0xa7: {  	s0 =	stileid.u32;
	[bflag:$0x2] =	sbarrier.arrive $0xFFFF  }
0xa8: {  	p0 =	sne.s32 s0, $0x0;
	s0 =	rddreg [dreg:$0x2]  }
0xa9: {  	s0 =	sadd.s32 @!p0 $0x100000, s0  }
0xaa: {  	[sflag:s0] =	ssyncadd.tile.s32 @!p0 $0x1;
	_ =	shalt  }
.Lfunc_end2:
_tile_overlayer_lowered:
.L_overlay_start_2:
0xab: {  	(tag) =	ssettag $0x2  }
0xac: {  	s0 =	rddreg [dreg:$0x0];
	s2 =	stileid.u32  }
0xad: {  	s1 =	rddreg [dreg:$0x1];
	p0 =	sne.s32 s2, $0x0  }
0xae: {  	s3 =	rddreg [dreg:$0x2];
	[bflag:$0x3] =	sbarrier.arrive $0xFFFF;
	s2 =	simm.s32 @!p0 $0x1C05  }
0xaf: {  	[timem:s3], [sflag:s2] =	dma.local @!p0 [hbm:s0], s1  }
0xb0: {  	s0 =	simm.s32 @!p0 $0x5  }
0xb1: {  	_ =	swait.ge @!p0 [sflag:s0], s1  }
0xb2: {  	s1 =	ssub.s32 @!p0 $0x0, s1;
	[sflag:s0] =	ssyncset.done @!p0 $0x0  }
0xb3: {  	[sflag:s0] =	ssyncadd.s32 @!p0 s1  }
0xb4: {  	[bflag:$0x3] =	sbarrier.arrive $0xFFFF  }
0xb5: {  	_ =	shalt  }

</sc_bundles>
